<compile_context>
chip_gen: v7x
topology: tpu7x:2x2x1
jax: 0.10.2.dev20260603
libtpu: 0.0.44.dev20260713+nightly
codegen_flags: <defaults>
</compile_context>

<pallas_src>
import functools

import jax
import jax.numpy as jnp
from jax import lax
from jax.experimental import pallas as pl
from jax.experimental.pallas import tpu as pltpu
from jax.experimental.pallas import tpu_sc as plsc

_LANES = 16
_CHUNK = 512
_K = 16


@functools.lru_cache(maxsize=None)
def _make_gather(V: int, B: int):
    info = plsc.get_sparse_core_info()
    nw = info.num_cores * info.num_subcores
    b_per_w = B // nw
    n_idx = b_per_w * _K
    n_chunks = n_idx // _CHUNK
    assert B % (8 * nw) == 0 and b_per_w == _CHUNK and n_chunks == _K
    mesh = plsc.VectorSubcoreMesh(core_axis_name="c", subcore_axis_name="s")

    @functools.partial(
        pl.kernel,
        mesh=mesh,
        compiler_params=pltpu.CompilerParams(use_tc_tiling_on_sc=False),
        out_type=jax.ShapeDtypeStruct((_K, B), jnp.float32),
        scratch_types=[
            pltpu.VMEM((b_per_w,), jnp.int32),
            pltpu.VMEM((n_idx,), jnp.int32),
            pltpu.VMEM((_K, b_per_w), jnp.float32),
            pltpu.SemaphoreType.DMA((_K,)),
            pltpu.SemaphoreType.DMA,
        ],
    )
    def gather_kernel(ids_hbm, table_hbm, out_hbm, idx_v, lst_v, rows_v, gsem,
                      ssem):
        wid = lax.axis_index("s") * info.num_cores + lax.axis_index("c")
        base = wid * b_per_w
        pltpu.sync_copy(ids_hbm.at[pl.ds(base, b_per_w)], idx_v)
        hi = jnp.full((_LANES,), V - 1, dtype=jnp.int32)
        lo = jnp.zeros((_LANES,), dtype=jnp.int32)
        for g in range(b_per_w // _LANES):
            sl = pl.ds(g * _LANES, _LANES)
            ids = jnp.minimum(jnp.maximum(idx_v[sl], lo), hi)
            for k in range(_K):
                lst_v[pl.ds(k * b_per_w + g * _LANES, _LANES)] = ids + k * V
        gathers = [
            pltpu.make_async_copy(
                table_hbm.at[lst_v.at[pl.ds(m * _CHUNK, _CHUNK)]],
                rows_v.at[m, pl.ds(0, _CHUNK)],
                gsem.at[m],
            )
            for m in range(n_chunks)
        ]
        for c in gathers:
            c.start()
        stores = [
            pltpu.make_async_copy(
                rows_v.at[m],
                out_hbm.at[m, pl.ds(base, b_per_w)],
                ssem,
            )
            for m in range(n_chunks)
        ]
        for m in range(n_chunks):
            gathers[m].wait()
            stores[m].start()
        for c in stores:
            c.wait()

    return gather_kernel


def kernel(camera_ids, base_poses):
    v = base_poses.shape[0]
    b = camera_ids.shape[0]
    table_t = jnp.transpose(base_poses, (1, 2, 0)).reshape(-1)
    out_t = _make_gather(v, b)(camera_ids.astype(jnp.int32), table_t)
    return jnp.transpose(out_t.reshape(4, 4, b), (2, 0, 1))

# --- scband reference (transcript-rebuilt; emitter-appended) ---
"""Pipeline reference for scband-pose-refinement-47536698032165 (READ-ONLY COPY).

The authoritative reference and input builder live on the scoring server;
editing this copy changes nothing except your own understanding.
"""

import jax, jax.numpy as jnp
import numpy as np

NUM_CAMERAS = 100000
BATCH = 16384


def setup_inputs(seed: int = 0) -> dict:
    key = jax.random.key(seed)
    k_ids, k_pose = jax.random.split(key)
    camera_ids = jax.random.randint(k_ids, (BATCH,), 0, NUM_CAMERAS, dtype=jnp.int64 if jax.config.jax_enable_x64 else jnp.int32)
    # base_poses buffer: identity poses (as in __init__), perturbed slightly to mimic set_base_poses
    eye = jnp.eye(4, dtype=jnp.float32)
    base_poses = jnp.broadcast_to(eye, (NUM_CAMERAS, 4, 4)) + 0.01 * jax.random.normal(k_pose, (NUM_CAMERAS, 4, 4), dtype=jnp.float32)
    return {"camera_ids": camera_ids, "base_poses": base_poses}


def reference(camera_ids, base_poses):
    # forward: clamp ids then gather refined (base) poses
    num_cameras = base_poses.shape[0]
    ids = jnp.clip(camera_ids, 0, num_cameras - 1)
    return jnp.take(base_poses, ids, axis=0)

if __name__ == "__main__":
    import jax
    _d = setup_inputs()
    print(jax.jit(kernel)(*tuple(_d.values())))

</pallas_src>

<mosaic_0001>
#map = affine_map<(d0, d1) -> (0)>
#map1 = affine_map<(d0, d1) -> (0, 0)>
module attributes {stable_mosaic.version = 14 : i64} {
  func.func @gather_kernel(%arg0: i32, %arg1: i32, %arg2: memref<16384xi32, #tpu.memory_space<hbm>>, %arg3: memref<1600000xf32, #tpu.memory_space<hbm>>, %arg4: memref<16x16384xf32, #tpu.memory_space<hbm>>, %arg5: memref<512xi32, #tpu.memory_space<vmem>>, %arg6: memref<8192xi32, #tpu.memory_space<vmem>>, %arg7: memref<16x512xf32, #tpu.memory_space<vmem>>, %arg8: memref<16x!tpu.dma_semaphore, #tpu.memory_space<semaphore_mem>>, %arg9: memref<!tpu.dma_semaphore, #tpu.memory_space<semaphore_mem>>) attributes {dimension_semantics = [#tpu.dimension_semantics<core_parallel>, #tpu.dimension_semantics<subcore_parallel>], iteration_bounds = array<i64: 2, 16>, scalar_prefetch = 0 : i64, scratch_operands = 5 : i64, tpu.core_type = #tpu.core_type<sc_vector_subcore>, window_params = [{transform_indices = #map}, {transform_indices = #map}, {transform_indices = #map1}]} {
    %mul3A = arith.constant 2 : i32
    %mul3A_0 = arith.muli %arg1, %mul3A : i32
    %add3A = arith.addi %mul3A_0, %arg0 : i32
    %mul3A_1 = arith.constant 512 : i32
    %mul3A_2 = arith.muli %add3A, %mul3A_1 : i32
    "tpu.region"() ({
      %run_scoped3A = tpu.sem_alloc : memref<!tpu.dma_semaphore, #tpu.memory_space<semaphore_mem>>
      %dma_start3A_4480 = tpu.memref_slice %arg2[%mul3A_2] : memref<16384xi32, #tpu.memory_space<hbm>> -> memref<512xi32, #tpu.memory_space<hbm>>
      %dma_start3A_4481 = tpu.memref_slice %arg2[%mul3A_2] : memref<16384xi32, #tpu.memory_space<hbm>> -> memref<512xi32, #tpu.memory_space<hbm>>
      tpu.enqueue_dma source(%dma_start3A_4481 : memref<512xi32, #tpu.memory_space<hbm>>) target(%arg5 : memref<512xi32, #tpu.memory_space<vmem>>) target_semaphore(%run_scoped3A : memref<!tpu.dma_semaphore, #tpu.memory_space<semaphore_mem>>)
      %dma_wait3A_4482 = tpu.memref_slice %arg2[%mul3A_2] : memref<16384xi32, #tpu.memory_space<hbm>> -> memref<512xi32, #tpu.memory_space<hbm>>
      %dma_wait3A_4483 = tpu.memref_slice %arg2[%mul3A_2] : memref<16384xi32, #tpu.memory_space<hbm>> -> memref<512xi32, #tpu.memory_space<hbm>>
      tpu.wait_dma2 semaphore(%run_scoped3A : memref<!tpu.dma_semaphore, #tpu.memory_space<semaphore_mem>>) src(%dma_wait3A_4483 : memref<512xi32, #tpu.memory_space<hbm>>) dst(%arg5 : memref<512xi32, #tpu.memory_space<vmem>>)
      tpu.yield
    }) : () -> ()
    %broadcast_in_dim3A = arith.constant 99999 : i32
    %broadcast_in_dim3A_3 = vector.broadcast %broadcast_in_dim3A : i32 to vector<16xi32>
    %broadcast_in_dim3A_4 = arith.constant 0 : i32
    %broadcast_in_dim3A_5 = vector.broadcast %broadcast_in_dim3A_4 : i32 to vector<16xi32>
    %get3A = arith.constant 0 : index
    %get3A_6 = tpu.vector_load %arg5[%get3A] {strides = array<i32>} : memref<512xi32, #tpu.memory_space<vmem>>, vector<16xi32>,
    %get3A_7 = vector.shape_cast %get3A_6 : vector<16xi32> to vector<16xi32>
    %max3A = arith.maxsi %get3A_7, %broadcast_in_dim3A_5 : vector<16xi32>
    %min3A = arith.minsi %max3A, %broadcast_in_dim3A_3 : vector<16xi32>
    %add3A_8 = arith.constant 0 : i32
    %add3A_9 = vector.broadcast %add3A_8 : i32 to vector<16xi32>
    %add3A_10 = arith.addi %min3A, %add3A_9 : vector<16xi32>
    %swap3A = arith.constant 0 : index
    %swap3A_11 = tpu.vector_load %arg6[%swap3A] {strides = array<i32>} : memref<8192xi32, #tpu.memory_space<vmem>>, vector<16xi32>,
    %swap3A_12 = vector.shape_cast %swap3A_11 : vector<16xi32> to vector<16xi32>
    %swap3A_13 = vector.shape_cast %add3A_10 : vector<16xi32> to vector<16xi32>
    tpu.vector_store %arg6[%swap3A], %swap3A_13 {strides = array<i32>} : memref<8192xi32, #tpu.memory_space<vmem>>, vector<16xi32>,
    %add3A_14 = arith.constant 100000 : i32
    %add3A_15 = vector.broadcast %add3A_14 : i32 to vector<16xi32>
    %add3A_16 = arith.addi %min3A, %add3A_15 : vector<16xi32>
    %swap3A_17 = arith.constant 512 : index
    %swap3A_18 = tpu.vector_load %arg6[%swap3A_17] {strides = array<i32>} : memref<8192xi32, #tpu.memory_space<vmem>>, vector<16xi32>,
    %swap3A_19 = vector.shape_cast %swap3A_18 : vector<16xi32> to vector<16xi32>
    %swap3A_20 = vector.shape_cast %add3A_16 : vector<16xi32> to vector<16xi32>
    tpu.vector_store %arg6[%swap3A_17], %swap3A_20 {strides = array<i32>} : memref<8192xi32, #tpu.memory_space<vmem>>, vector<16xi32>,
    %add3A_21 = arith.constant 200000 : i32
    %add3A_22 = vector.broadcast %add3A_21 : i32 to vector<16xi32>
    %add3A_23 = arith.addi %min3A, %add3A_22 : vector<16xi32>
    %swap3A_24 = arith.constant 1024 : index
    %swap3A_25 = tpu.vector_load %arg6[%swap3A_24] {strides = array<i32>} : memref<8192xi32, #tpu.memory_space<vmem>>, vector<16xi32>,
    %swap3A_26 = vector.shape_cast %swap3A_25 : vector<16xi32> to vector<16xi32>
    %swap3A_27 = vector.shape_cast %add3A_23 : vector<16xi32> to vector<16xi32>
    tpu.vector_store %arg6[%swap3A_24], %swap3A_27 {strides = array<i32>} : memref<8192xi32, #tpu.memory_space<vmem>>, vector<16xi32>,
    %add3A_28 = arith.constant 300000 : i32
    %add3A_29 = vector.broadcast %add3A_28 : i32 to vector<16xi32>
    %add3A_30 = arith.addi %min3A, %add3A_29 : vector<16xi32>
    %swap3A_31 = arith.constant 1536 : index
    %swap3A_32 = tpu.vector_load %arg6[%swap3A_31] {strides = array<i32>} : memref<8192xi32, #tpu.memory_space<vmem>>, vector<16xi32>,
    %swap3A_33 = vector.shape_cast %swap3A_32 : vector<16xi32> to vector<16xi32>
    %swap3A_34 = vector.shape_cast %add3A_30 : vector<16xi32> to vector<16xi32>
    tpu.vector_store %arg6[%swap3A_31], %swap3A_34 {strides = array<i32>} : memref<8192xi32, #tpu.memory_space<vmem>>, vector<16xi32>,
    %add3A_35 = arith.constant 400000 : i32
    %add3A_36 = vector.broadcast %add3A_35 : i32 to vector<16xi32>
    %add3A_37 = arith.addi %min3A, %add3A_36 : vector<16xi32>
    %swap3A_38 = arith.constant 2048 : index
    %swap3A_39 = tpu.vector_load %arg6[%swap3A_38] {strides = array<i32>} : memref<8192xi32, #tpu.memory_space<vmem>>, vector<16xi32>,
    %swap3A_40 = vector.shape_cast %swap3A_39 : vector<16xi32> to vector<16xi32>
    %swap3A_41 = vector.shape_cast %add3A_37 : vector<16xi32> to vector<16xi32>
    tpu.vector_store %arg6[%swap3A_38], %swap3A_41 {strides = array<i32>} : memref<8192xi32, #tpu.memory_space<vmem>>, vector<16xi32>,
    %add3A_42 = arith.constant 500000 : i32
    %add3A_43 = vector.broadcast %add3A_42 : i32 to vector<16xi32>
    %add3A_44 = arith.addi %min3A, %add3A_43 : vector<16xi32>
    %swap3A_45 = arith.constant 2560 : index
    %swap3A_46 = tpu.vector_load %arg6[%swap3A_45] {strides = array<i32>} : memref<8192xi32, #tpu.memory_space<vmem>>, vector<16xi32>,
    %swap3A_47 = vector.shape_cast %swap3A_46 : vector<16xi32> to vector<16xi32>
    %swap3A_48 = vector.shape_cast %add3A_44 : vector<16xi32> to vector<16xi32>
    tpu.vector_store %arg6[%swap3A_45], %swap3A_48 {strides = array<i32>} : memref<8192xi32, #tpu.memory_space<vmem>>, vector<16xi32>,
    %add3A_49 = arith.constant 600000 : i32
    %add3A_50 = vector.broadcast %add3A_49 : i32 to vector<16xi32>
    %add3A_51 = arith.addi %min3A, %add3A_50 : vector<16xi32>
    %swap3A_52 = arith.constant 3072 : index
    %swap3A_53 = tpu.vector_load %arg6[%swap3A_52] {strides = array<i32>} : memref<8192xi32, #tpu.memory_space<vmem>>, vector<16xi32>,
    %swap3A_54 = vector.shape_cast %swap3A_53 : vector<16xi32> to vector<16xi32>
    %swap3A_55 = vector.shape_cast %add3A_51 : vector<16xi32> to vector<16xi32>
    tpu.vector_store %arg6[%swap3A_52], %swap3A_55 {strides = array<i32>} : memref<8192xi32, #tpu.memory_space<vmem>>, vector<16xi32>,
    %add3A_56 = arith.constant 700000 : i32
    %add3A_57 = vector.broadcast %add3A_56 : i32 to vector<16xi32>
    %add3A_58 = arith.addi %min3A, %add3A_57 : vector<16xi32>
    %swap3A_59 = arith.constant 3584 : index
    %swap3A_60 = tpu.vector_load %arg6[%swap3A_59] {strides = array<i32>} : memref<8192xi32, #tpu.memory_space<vmem>>, vector<16xi32>,
    %swap3A_61 = vector.shape_cast %swap3A_60 : vector<16xi32> to vector<16xi32>
    %swap3A_62 = vector.shape_cast %add3A_58 : vector<16xi32> to vector<16xi32>
    tpu.vector_store %arg6[%swap3A_59], %swap3A_62 {strides = array<i32>} : memref<8192xi32, #tpu.memory_space<vmem>>, vector<16xi32>,
    %add3A_63 = arith.constant 800000 : i32
    %add3A_64 = vector.broadcast %add3A_63 : i32 to vector<16xi32>
    %add3A_65 = arith.addi %min3A, %add3A_64 : vector<16xi32>
    %swap3A_66 = arith.constant 4096 : index
    %swap3A_67 = tpu.vector_load %arg6[%swap3A_66] {strides = array<i32>} : memref<8192xi32, #tpu.memory_space<vmem>>, vector<16xi32>,
    %swap3A_68 = vector.shape_cast %swap3A_67 : vector<16xi32> to vector<16xi32>
    %swap3A_69 = vector.shape_cast %add3A_65 : vector<16xi32> to vector<16xi32>
    tpu.vector_store %arg6[%swap3A_66], %swap3A_69 {strides = array<i32>} : memref<8192xi32, #tpu.memory_space<vmem>>, vector<16xi32>,
    %add3A_70 = arith.constant 900000 : i32
    %add3A_71 = vector.broadcast %add3A_70 : i32 to vector<16xi32>
    %add3A_72 = arith.addi %min3A, %add3A_71 : vector<16xi32>
    %swap3A_73 = arith.constant 4608 : index
    %swap3A_74 = tpu.vector_load %arg6[%swap3A_73] {strides = array<i32>} : memref<8192xi32, #tpu.memory_space<vmem>>, vector<16xi32>,
    %swap3A_75 = vector.shape_cast %swap3A_74 : vector<16xi32> to vector<16xi32>
    %swap3A_76 = vector.shape_cast %add3A_72 : vector<16xi32> to vector<16xi32>
    tpu.vector_store %arg6[%swap3A_73], %swap3A_76 {strides = array<i32>} : memref<8192xi32, #tpu.memory_space<vmem>>, vector<16xi32>,
    %add3A_77 = arith.constant 1000000 : i32
    %add3A_78 = vector.broadcast %add3A_77 : i32 to vector<16xi32>
    %add3A_79 = arith.addi %min3A, %add3A_78 : vector<16xi32>
    %swap3A_80 = arith.constant 5120 : index
    %swap3A_81 = tpu.vector_load %arg6[%swap3A_80] {strides = array<i32>} : memref<8192xi32, #tpu.memory_space<vmem>>, vector<16xi32>,
    %swap3A_82 = vector.shape_cast %swap3A_81 : vector<16xi32> to vector<16xi32>
    %swap3A_83 = vector.shape_cast %add3A_79 : vector<16xi32> to vector<16xi32>
    tpu.vector_store %arg6[%swap3A_80], %swap3A_83 {strides = array<i32>} : memref<8192xi32, #tpu.memory_space<vmem>>, vector<16xi32>,
    %add3A_84 = arith.constant 1100000 : i32
    %add3A_85 = vector.broadcast %add3A_84 : i32 to vector<16xi32>
    %add3A_86 = arith.addi %min3A, %add3A_85 : vector<16xi32>
    %swap3A_87 = arith.constant 5632 : index
    %swap3A_88 = tpu.vector_load %arg6[%swap3A_87] {strides = array<i32>} : memref<8192xi32, #tpu.memory_space<vmem>>, vector<16xi32>,
    %swap3A_89 = vector.shape_cast %swap3A_88 : vector<16xi32> to vector<16xi32>
    %swap3A_90 = vector.shape_cast %add3A_86 : vector<16xi32> to vector<16xi32>
    tpu.vector_store %arg6[%swap3A_87], %swap3A_90 {strides = array<i32>} : memref<8192xi32, #tpu.memory_space<vmem>>, vector<16xi32>,
    %add3A_91 = arith.constant 1200000 : i32
    %add3A_92 = vector.broadcast %add3A_91 : i32 to vector<16xi32>
    %add3A_93 = arith.addi %min3A, %add3A_92 : vector<16xi32>
    %swap3A_94 = arith.constant 6144 : index
    %swap3A_95 = tpu.vector_load %arg6[%swap3A_94] {strides = array<i32>} : memref<8192xi32, #tpu.memory_space<vmem>>, vector<16xi32>,
    %swap3A_96 = vector.shape_cast %swap3A_95 : vector<16xi32> to vector<16xi32>
    %swap3A_97 = vector.shape_cast %add3A_93 : vector<16xi32> to vector<16xi32>
    tpu.vector_store %arg6[%swap3A_94], %swap3A_97 {strides = array<i32>} : memref<8192xi32, #tpu.memory_space<vmem>>, vector<16xi32>,
    %add3A_98 = arith.constant 1300000 : i32
    %add3A_99 = vector.broadcast %add3A_98 : i32 to vector<16xi32>
    %add3A_100 = arith.addi %min3A, %add3A_99 : vector<16xi32>
    %swap3A_101 = arith.constant 6656 : index
    %swap3A_102 = tpu.vector_load %arg6[%swap3A_101] {strides = array<i32>} : memref<8192xi32, #tpu.memory_space<vmem>>, vector<16xi32>,
    %swap3A_103 = vector.shape_cast %swap3A_102 : vector<16xi32> to vector<16xi32>
    %swap3A_104 = vector.shape_cast %add3A_100 : vector<16xi32> to vector<16xi32>
    tpu.vector_store %arg6[%swap3A_101], %swap3A_104 {strides = array<i32>} : memref<8192xi32, #tpu.memory_space<vmem>>, vector<16xi32>,
    %add3A_105 = arith.constant 1400000 : i32
    %add3A_106 = vector.broadcast %add3A_105 : i32 to vector<16xi32>
    %add3A_107 = arith.addi %min3A, %add3A_106 : vector<16xi32>
    %swap3A_108 = arith.constant 7168 : index
    %swap3A_109 = tpu.vector_load %arg6[%swap3A_108] {strides = array<i32>} : memref<8192xi32, #tpu.memory_space<vmem>>, vector<16xi32>,
    %swap3A_110 = vector.shape_cast %swap3A_109 : vector<16xi32> to vector<16xi32>
    %swap3A_111 = vector.shape_cast %add3A_107 : vector<16xi32> to vector<16xi32>
    tpu.vector_store %arg6[%swap3A_108], %swap3A_111 {strides = array<i32>} : memref<8192xi32, #tpu.memory_space<vmem>>, vector<16xi32>,
    %add3A_112 = arith.constant 1500000 : i32
    %add3A_113 = vector.broadcast %add3A_112 : i32 to vector<16xi32>
    %add3A_114 = arith.addi %min3A, %add3A_113 : vector<16xi32>
    %swap3A_115 = arith.constant 7680 : index
    %swap3A_116 = tpu.vector_load %arg6[%swap3A_115] {strides = array<i32>} : memref<8192xi32, #tpu.memory_space<vmem>>, vector<16xi32>,
    %swap3A_117 = vector.shape_cast %swap3A_116 : vector<16xi32> to vector<16xi32>
    %swap3A_118 = vector.shape_cast %add3A_114 : vector<16xi32> to vector<16xi32>
    tpu.vector_store %arg6[%swap3A_115], %swap3A_118 {strides = array<i32>} : memref<8192xi32, #tpu.memory_space<vmem>>, vector<16xi32>,
    %get3A_119 = arith.constant 16 : index
    %get3A_120 = tpu.vector_load %arg5[%get3A_119] {strides = array<i32>} : memref<512xi32, #tpu.memory_space<vmem>>, vector<16xi32>,
    %get3A_121 = vector.shape_cast %get3A_120 : vector<16xi32> to vector<16xi32>
    %max3A_122 = arith.maxsi %get3A_121, %broadcast_in_dim3A_5 : vector<16xi32>
    %min3A_123 = arith.minsi %max3A_122, %broadcast_in_dim3A_3 : vector<16xi32>
    %add3A_124 = arith.constant 0 : i32
    %add3A_125 = vector.broadcast %add3A_124 : i32 to vector<16xi32>
    %add3A_126 = arith.addi %min3A_123, %add3A_125 : vector<16xi32>
    %swap3A_127 = arith.constant 16 : index
    %swap3A_128 = tpu.vector_load %arg6[%swap3A_127] {strides = array<i32>} : memref<8192xi32, #tpu.memory_space<vmem>>, vector<16xi32>,
    %swap3A_129 = vector.shape_cast %swap3A_128 : vector<16xi32> to vector<16xi32>
    %swap3A_130 = vector.shape_cast %add3A_126 : vector<16xi32> to vector<16xi32>
    tpu.vector_store %arg6[%swap3A_127], %swap3A_130 {strides = array<i32>} : memref<8192xi32, #tpu.memory_space<vmem>>, vector<16xi32>,
    %add3A_131 = arith.constant 100000 : i32
    %add3A_132 = vector.broadcast %add3A_131 : i32 to vector<16xi32>
    %add3A_133 = arith.addi %min3A_123, %add3A_132 : vector<16xi32>
    %swap3A_134 = arith.constant 528 : index
    %swap3A_135 = tpu.vector_load %arg6[%swap3A_134] {strides = array<i32>} : memref<8192xi32, #tpu.memory_space<vmem>>, vector<16xi32>,
    %swap3A_136 = vector.shape_cast %swap3A_135 : vector<16xi32> to vector<16xi32>
    %swap3A_137 = vector.shape_cast %add3A_133 : vector<16xi32> to vector<16xi32>
    tpu.vector_store %arg6[%swap3A_134], %swap3A_137 {strides = array<i32>} : memref<8192xi32, #tpu.memory_space<vmem>>, vector<16xi32>,
    %add3A_138 = arith.constant 200000 : i32
    %add3A_139 = vector.broadcast %add3A_138 : i32 to vector<16xi32>
    %add3A_140 = arith.addi %min3A_123, %add3A_139 : vector<16xi32>
    %swap3A_141 = arith.constant 1040 : index
    %swap3A_142 = tpu.vector_load %arg6[%swap3A_141] {strides = array<i32>} : memref<8192xi32, #tpu.memory_space<vmem>>, vector<16xi32>,
    %swap3A_143 = vector.shape_cast %swap3A_142 : vector<16xi32> to vector<16xi32>
    %swap3A_144 = vector.shape_cast %add3A_140 : vector<16xi32> to vector<16xi32>
    tpu.vector_store %arg6[%swap3A_141], %swap3A_144 {strides = array<i32>} : memref<8192xi32, #tpu.memory_space<vmem>>, vector<16xi32>,
    %add3A_145 = arith.constant 300000 : i32
    %add3A_146 = vector.broadcast %add3A_145 : i32 to vector<16xi32>
    %add3A_147 = arith.addi %min3A_123, %add3A_146 : vector<16xi32>
    %swap3A_148 = arith.constant 1552 : index
    %swap3A_149 = tpu.vector_load %arg6[%swap3A_148] {strides = array<i32>} : memref<8192xi32, #tpu.memory_space<vmem>>, vector<16xi32>,
    %swap3A_150 = vector.shape_cast %swap3A_149 : vector<16xi32> to vector<16xi32>
    %swap3A_151 = vector.shape_cast %add3A_147 : vector<16xi32> to vector<16xi32>
    tpu.vector_store %arg6[%swap3A_148], %swap3A_151 {strides = array<i32>} : memref<8192xi32, #tpu.memory_space<vmem>>, vector<16xi32>,
    %add3A_152 = arith.constant 400000 : i32
    %add3A_153 = vector.broadcast %add3A_152 : i32 to vector<16xi32>
    %add3A_154 = arith.addi %min3A_123, %add3A_153 : vector<16xi32>
    %swap3A_155 = arith.constant 2064 : index
    %swap3A_156 = tpu.vector_load %arg6[%swap3A_155] {strides = array<i32>} : memref<8192xi32, #tpu.memory_space<vmem>>, vector<16xi32>,
    %swap3A_157 = vector.shape_cast %swap3A_156 : vector<16xi32> to vector<16xi32>
    %swap3A_158 = vector.shape_cast %add3A_154 : vector<16xi32> to vector<16xi32>
    tpu.vector_store %arg6[%swap3A_155], %swap3A_158 {strides = array<i32>} : memref<8192xi32, #tpu.memory_space<vmem>>, vector<16xi32>,
    %add3A_159 = arith.constant 500000 : i32
    %add3A_160 = vector.broadcast %add3A_159 : i32 to vector<16xi32>
    %add3A_161 = arith.addi %min3A_123, %add3A_160 : vector<16xi32>
    %swap3A_162 = arith.constant 2576 : index
    %swap3A_163 = tpu.vector_load %arg6[%swap3A_162] {strides = array<i32>} : memref<8192xi32, #tpu.memory_space<vmem>>, vector<16xi32>,
    %swap3A_164 = vector.shape_cast %swap3A_163 : vector<16xi32> to vector<16xi32>
    %swap3A_165 = vector.shape_cast %add3A_161 : vector<16xi32> to vector<16xi32>
    tpu.vector_store %arg6[%swap3A_162], %swap3A_165 {strides = array<i32>} : memref<8192xi32, #tpu.memory_space<vmem>>, vector<16xi32>,
    %add3A_166 = arith.constant 600000 : i32
    %add3A_167 = vector.broadcast %add3A_166 : i32 to vector<16xi32>
    %add3A_168 = arith.addi %min3A_123, %add3A_167 : vector<16xi32>
    %swap3A_169 = arith.constant 3088 : index
    %swap3A_170 = tpu.vector_load %arg6[%swap3A_169] {strides = array<i32>} : memref<8192xi32, #tpu.memory_space<vmem>>, vector<16xi32>,
    %swap3A_171 = vector.shape_cast %swap3A_170 : vector<16xi32> to vector<16xi32>
    %swap3A_172 = vector.shape_cast %add3A_168 : vector<16xi32> to vector<16xi32>
    tpu.vector_store %arg6[%swap3A_169], %swap3A_172 {strides = array<i32>} : memref<8192xi32, #tpu.memory_space<vmem>>, vector<16xi32>,
    %add3A_173 = arith.constant 700000 : i32
    %add3A_174 = vector.broadcast %add3A_173 : i32 to vector<16xi32>
    %add3A_175 = arith.addi %min3A_123, %add3A_174 : vector<16xi32>
    %swap3A_176 = arith.constant 3600 : index
    %swap3A_177 = tpu.vector_load %arg6[%swap3A_176] {strides = array<i32>} : memref<8192xi32, #tpu.memory_space<vmem>>, vector<16xi32>,
    %swap3A_178 = vector.shape_cast %swap3A_177 : vector<16xi32> to vector<16xi32>
    %swap3A_179 = vector.shape_cast %add3A_175 : vector<16xi32> to vector<16xi32>
    tpu.vector_store %arg6[%swap3A_176], %swap3A_179 {strides = array<i32>} : memref<8192xi32, #tpu.memory_space<vmem>>, vector<16xi32>,
    %add3A_180 = arith.constant 800000 : i32
    %add3A_181 = vector.broadcast %add3A_180 : i32 to vector<16xi32>
    %add3A_182 = arith.addi %min3A_123, %add3A_181 : vector<16xi32>
    %swap3A_183 = arith.constant 4112 : index
    %swap3A_184 = tpu.vector_load %arg6[%swap3A_183] {strides = array<i32>} : memref<8192xi32, #tpu.memory_space<vmem>>, vector<16xi32>,
    %swap3A_185 = vector.shape_cast %swap3A_184 : vector<16xi32> to vector<16xi32>
    %swap3A_186 = vector.shape_cast %add3A_182 : vector<16xi32> to vector<16xi32>
    tpu.vector_store %arg6[%swap3A_183], %swap3A_186 {strides = array<i32>} : memref<8192xi32, #tpu.memory_space<vmem>>, vector<16xi32>,
    %add3A_187 = arith.constant 900000 : i32
    %add3A_188 = vector.broadcast %add3A_187 : i32 to vector<16xi32>
    %add3A_189 = arith.addi %min3A_123, %add3A_188 : vector<16xi32>
    %swap3A_190 = arith.constant 4624 : index
    %swap3A_191 = tpu.vector_load %arg6[%swap3A_190] {strides = array<i32>} : memref<8192xi32, #tpu.memory_space<vmem>>, vector<16xi32>,
    %swap3A_192 = vector.shape_cast %swap3A_191 : vector<16xi32> to vector<16xi32>
    %swap3A_193 = vector.shape_cast %add3A_189 : vector<16xi32> to vector<16xi32>
    tpu.vector_store %arg6[%swap3A_190], %swap3A_193 {strides = array<i32>} : memref<8192xi32, #tpu.memory_space<vmem>>, vector<16xi32>,
    %add3A_194 = arith.constant 1000000 : i32
    %add3A_195 = vector.broadcast %add3A_194 : i32 to vector<16xi32>
    %add3A_196 = arith.addi %min3A_123, %add3A_195 : vector<16xi32>
    %swap3A_197 = arith.constant 5136 : index
    %swap3A_198 = tpu.vector_load %arg6[%swap3A_197] {strides = array<i32>} : memref<8192xi32, #tpu.memory_space<vmem>>, vector<16xi32>,
    %swap3A_199 = vector.shape_cast %swap3A_198 : vector<16xi32> to vector<16xi32>
    %swap3A_200 = vector.shape_cast %add3A_196 : vector<16xi32> to vector<16xi32>
    tpu.vector_store %arg6[%swap3A_197], %swap3A_200 {strides = array<i32>} : memref<8192xi32, #tpu.memory_space<vmem>>, vector<16xi32>,
    %add3A_201 = arith.constant 1100000 : i32
    %add3A_202 = vector.broadcast %add3A_201 : i32 to vector<16xi32>
    %add3A_203 = arith.addi %min3A_123, %add3A_202 : vector<16xi32>
    %swap3A_204 = arith.constant 5648 : index
    %swap3A_205 = tpu.vector_load %arg6[%swap3A_204] {strides = array<i32>} : memref<8192xi32, #tpu.memory_space<vmem>>, vector<16xi32>,
    %swap3A_206 = vector.shape_cast %swap3A_205 : vector<16xi32> to vector<16xi32>
    %swap3A_207 = vector.shape_cast %add3A_203 : vector<16xi32> to vector<16xi32>
    tpu.vector_store %arg6[%swap3A_204], %swap3A_207 {strides = array<i32>} : memref<8192xi32, #tpu.memory_space<vmem>>, vector<16xi32>,
    %add3A_208 = arith.constant 1200000 : i32
    %add3A_209 = vector.broadcast %add3A_208 : i32 to vector<16xi32>
    %add3A_210 = arith.addi %min3A_123, %add3A_209 : vector<16xi32>
    %swap3A_211 = arith.constant 6160 : index
    %swap3A_212 = tpu.vector_load %arg6[%swap3A_211] {strides = array<i32>} : memref<8192xi32, #tpu.memory_space<vmem>>, vector<16xi32>,
    %swap3A_213 = vector.shape_cast %swap3A_212 : vector<16xi32> to vector<16xi32>
    %swap3A_214 = vector.shape_cast %add3A_210 : vector<16xi32> to vector<16xi32>
    tpu.vector_store %arg6[%swap3A_211], %swap3A_214 {strides = array<i32>} : memref<8192xi32, #tpu.memory_space<vmem>>, vector<16xi32>,
    %add3A_215 = arith.constant 1300000 : i32
    %add3A_216 = vector.broadcast %add3A_215 : i32 to vector<16xi32>
    %add3A_217 = arith.addi %min3A_123, %add3A_216 : vector<16xi32>
    %swap3A_218 = arith.constant 6672 : index
    %swap3A_219 = tpu.vector_load %arg6[%swap3A_218] {strides = array<i32>} : memref<8192xi32, #tpu.memory_space<vmem>>, vector<16xi32>,
    %swap3A_220 = vector.shape_cast %swap3A_219 : vector<16xi32> to vector<16xi32>
    %swap3A_221 = vector.shape_cast %add3A_217 : vector<16xi32> to vector<16xi32>
    tpu.vector_store %arg6[%swap3A_218], %swap3A_221 {strides = array<i32>} : memref<8192xi32, #tpu.memory_space<vmem>>, vector<16xi32>,
    %add3A_222 = arith.constant 1400000 : i32
    %add3A_223 = vector.broadcast %add3A_222 : i32 to vector<16xi32>
    %add3A_224 = arith.addi %min3A_123, %add3A_223 : vector<16xi32>
    %swap3A_225 = arith.constant 7184 : index
    %swap3A_226 = tpu.vector_load %arg6[%swap3A_225] {strides = array<i32>} : memref<8192xi32, #tpu.memory_space<vmem>>, vector<16xi32>,
    %swap3A_227 = vector.shape_cast %swap3A_226 : vector<16xi32> to vector<16xi32>
    %swap3A_228 = vector.shape_cast %add3A_224 : vector<16xi32> to vector<16xi32>
    tpu.vector_store %arg6[%swap3A_225], %swap3A_228 {strides = array<i32>} : memref<8192xi32, #tpu.memory_space<vmem>>, vector<16xi32>,
    %add3A_229 = arith.constant 1500000 : i32
    %add3A_230 = vector.broadcast %add3A_229 : i32 to vector<16xi32>
    %add3A_231 = arith.addi %min3A_123, %add3A_230 : vector<16xi32>
    %swap3A_232 = arith.constant 7696 : index
    %swap3A_233 = tpu.vector_load %arg6[%swap3A_232] {strides = array<i32>} : memref<8192xi32, #tpu.memory_space<vmem>>, vector<16xi32>,
    %swap3A_234 = vector.shape_cast %swap3A_233 : vector<16xi32> to vector<16xi32>
    %swap3A_235 = vector.shape_cast %add3A_231 : vector<16xi32> to vector<16xi32>
    tpu.vector_store %arg6[%swap3A_232], %swap3A_235 {strides = array<i32>} : memref<8192xi32, #tpu.memory_space<vmem>>, vector<16xi32>,
    %get3A_236 = arith.constant 32 : index
    %get3A_237 = tpu.vector_load %arg5[%get3A_236] {strides = array<i32>} : memref<512xi32, #tpu.memory_space<vmem>>, vector<16xi32>,
    %get3A_238 = vector.shape_cast %get3A_237 : vector<16xi32> to vector<16xi32>
    %max3A_239 = arith.maxsi %get3A_238, %broadcast_in_dim3A_5 : vector<16xi32>
    %min3A_240 = arith.minsi %max3A_239, %broadcast_in_dim3A_3 : vector<16xi32>
    %add3A_241 = arith.constant 0 : i32
    %add3A_242 = vector.broadcast %add3A_241 : i32 to vector<16xi32>
    %add3A_243 = arith.addi %min3A_240, %add3A_242 : vector<16xi32>
    %swap3A_244 = arith.constant 32 : index
    %swap3A_245 = tpu.vector_load %arg6[%swap3A_244] {strides = array<i32>} : memref<8192xi32, #tpu.memory_space<vmem>>, vector<16xi32>,
    %swap3A_246 = vector.shape_cast %swap3A_245 : vector<16xi32> to vector<16xi32>
    %swap3A_247 = vector.shape_cast %add3A_243 : vector<16xi32> to vector<16xi32>
    tpu.vector_store %arg6[%swap3A_244], %swap3A_247 {strides = array<i32>} : memref<8192xi32, #tpu.memory_space<vmem>>, vector<16xi32>,
    %add3A_248 = arith.constant 100000 : i32
    %add3A_249 = vector.broadcast %add3A_248 : i32 to vector<16xi32>
    %add3A_250 = arith.addi %min3A_240, %add3A_249 : vector<16xi32>
    %swap3A_251 = arith.constant 544 : index
    %swap3A_252 = tpu.vector_load %arg6[%swap3A_251] {strides = array<i32>} : memref<8192xi32, #tpu.memory_space<vmem>>, vector<16xi32>,
    %swap3A_253 = vector.shape_cast %swap3A_252 : vector<16xi32> to vector<16xi32>
    %swap3A_254 = vector.shape_cast %add3A_250 : vector<16xi32> to vector<16xi32>
    tpu.vector_store %arg6[%swap3A_251], %swap3A_254 {strides = array<i32>} : memref<8192xi32, #tpu.memory_space<vmem>>, vector<16xi32>,
    %add3A_255 = arith.constant 200000 : i32
    %add3A_256 = vector.broadcast %add3A_255 : i32 to vector<16xi32>
    %add3A_257 = arith.addi %min3A_240, %add3A_256 : vector<16xi32>
    %swap3A_258 = arith.constant 1056 : index
    %swap3A_259 = tpu.vector_load %arg6[%swap3A_258] {strides = array<i32>} : memref<8192xi32, #tpu.memory_space<vmem>>, vector<16xi32>,
    %swap3A_260 = vector.shape_cast %swap3A_259 : vector<16xi32> to vector<16xi32>
    %swap3A_261 = vector.shape_cast %add3A_257 : vector<16xi32> to vector<16xi32>
    tpu.vector_store %arg6[%swap3A_258], %swap3A_261 {strides = array<i32>} : memref<8192xi32, #tpu.memory_space<vmem>>, vector<16xi32>,
    %add3A_262 = arith.constant 300000 : i32
    %add3A_263 = vector.broadcast %add3A_262 : i32 to vector<16xi32>
    %add3A_264 = arith.addi %min3A_240, %add3A_263 : vector<16xi32>
    %swap3A_265 = arith.constant 1568 : index
    %swap3A_266 = tpu.vector_load %arg6[%swap3A_265] {strides = array<i32>} : memref<8192xi32, #tpu.memory_space<vmem>>, vector<16xi32>,
    %swap3A_267 = vector.shape_cast %swap3A_266 : vector<16xi32> to vector<16xi32>
    %swap3A_268 = vector.shape_cast %add3A_264 : vector<16xi32> to vector<16xi32>
    tpu.vector_store %arg6[%swap3A_265], %swap3A_268 {strides = array<i32>} : memref<8192xi32, #tpu.memory_space<vmem>>, vector<16xi32>,
    %add3A_269 = arith.constant 400000 : i32
    %add3A_270 = vector.broadcast %add3A_269 : i32 to vector<16xi32>
    %add3A_271 = arith.addi %min3A_240, %add3A_270 : vector<16xi32>
    %swap3A_272 = arith.constant 2080 : index
    %swap3A_273 = tpu.vector_load %arg6[%swap3A_272] {strides = array<i32>} : memref<8192xi32, #tpu.memory_space<vmem>>, vector<16xi32>,
    %swap3A_274 = vector.shape_cast %swap3A_273 : vector<16xi32> to vector<16xi32>
    %swap3A_275 = vector.shape_cast %add3A_271 : vector<16xi32> to vector<16xi32>
    tpu.vector_store %arg6[%swap3A_272], %swap3A_275 {strides = array<i32>} : memref<8192xi32, #tpu.memory_space<vmem>>, vector<16xi32>,
    %add3A_276 = arith.constant 500000 : i32
    %add3A_277 = vector.broadcast %add3A_276 : i32 to vector<16xi32>
    %add3A_278 = arith.addi %min3A_240, %add3A_277 : vector<16xi32>
    %swap3A_279 = arith.constant 2592 : index
    %swap3A_280 = tpu.vector_load %arg6[%swap3A_279] {strides = array<i32>} : memref<8192xi32, #tpu.memory_space<vmem>>, vector<16xi32>,
    %swap3A_281 = vector.shape_cast %swap3A_280 : vector<16xi32> to vector<16xi32>
    %swap3A_282 = vector.shape_cast %add3A_278 : vector<16xi32> to vector<16xi32>
    tpu.vector_store %arg6[%swap3A_279], %swap3A_282 {strides = array<i32>} : memref<8192xi32, #tpu.memory_space<vmem>>, vector<16xi32>,
    %add3A_283 = arith.constant 600000 : i32
    %add3A_284 = vector.broadcast %add3A_283 : i32 to vector<16xi32>
    %add3A_285 = arith.addi %min3A_240, %add3A_284 : vector<16xi32>
    %swap3A_286 = arith.constant 3104 : index
    %swap3A_287 = tpu.vector_load %arg6[%swap3A_286] {strides = array<i32>} : memref<8192xi32, #tpu.memory_space<vmem>>, vector<16xi32>,
    %swap3A_288 = vector.shape_cast %swap3A_287 : vector<16xi32> to vector<16xi32>
    %swap3A_289 = vector.shape_cast %add3A_285 : vector<16xi32> to vector<16xi32>
    tpu.vector_store %arg6[%swap3A_286], %swap3A_289 {strides = array<i32>} : memref<8192xi32, #tpu.memory_space<vmem>>, vector<16xi32>,
    %add3A_290 = arith.constant 700000 : i32
    %add3A_291 = vector.broadcast %add3A_290 : i32 to vector<16xi32>
    %add3A_292 = arith.addi %min3A_240, %add3A_291 : vector<16xi32>
    %swap3A_293 = arith.constant 3616 : index
    %swap3A_294 = tpu.vector_load %arg6[%swap3A_293] {strides = array<i32>} : memref<8192xi32, #tpu.memory_space<vmem>>, vector<16xi32>,
    %swap3A_295 = vector.shape_cast %swap3A_294 : vector<16xi32> to vector<16xi32>
    %swap3A_296 = vector.shape_cast %add3A_292 : vector<16xi32> to vector<16xi32>
    tpu.vector_store %arg6[%swap3A_293], %swap3A_296 {strides = array<i32>} : memref<8192xi32, #tpu.memory_space<vmem>>, vector<16xi32>,
    %add3A_297 = arith.constant 800000 : i32
    %add3A_298 = vector.broadcast %add3A_297 : i32 to vector<16xi32>
    %add3A_299 = arith.addi %min3A_240, %add3A_298 : vector<16xi32>
    %swap3A_300 = arith.constant 4128 : index
    %swap3A_301 = tpu.vector_load %arg6[%swap3A_300] {strides = array<i32>} : memref<8192xi32, #tpu.memory_space<vmem>>, vector<16xi32>,
    %swap3A_302 = vector.shape_cast %swap3A_301 : vector<16xi32> to vector<16xi32>
    %swap3A_303 = vector.shape_cast %add3A_299 : vector<16xi32> to vector<16xi32>
    tpu.vector_store %arg6[%swap3A_300], %swap3A_303 {strides = array<i32>} : memref<8192xi32, #tpu.memory_space<vmem>>, vector<16xi32>,
    %add3A_304 = arith.constant 900000 : i32
    %add3A_305 = vector.broadcast %add3A_304 : i32 to vector<16xi32>
    %add3A_306 = arith.addi %min3A_240, %add3A_305 : vector<16xi32>
    %swap3A_307 = arith.constant 4640 : index
    %swap3A_308 = tpu.vector_load %arg6[%swap3A_307] {strides = array<i32>} : memref<8192xi32, #tpu.memory_space<vmem>>, vector<16xi32>,
    %swap3A_309 = vector.shape_cast %swap3A_308 : vector<16xi32> to vector<16xi32>
    %swap3A_310 = vector.shape_cast %add3A_306 : vector<16xi32> to vector<16xi32>
    tpu.vector_store %arg6[%swap3A_307], %swap3A_310 {strides = array<i32>} : memref<8192xi32, #tpu.memory_space<vmem>>, vector<16xi32>,
    %add3A_311 = arith.constant 1000000 : i32
    %add3A_312 = vector.broadcast %add3A_311 : i32 to vector<16xi32>
    %add3A_313 = arith.addi %min3A_240, %add3A_312 : vector<16xi32>
    %swap3A_314 = arith.constant 5152 : index
    %swap3A_315 = tpu.vector_load %arg6[%swap3A_314] {strides = array<i32>} : memref<8192xi32, #tpu.memory_space<vmem>>, vector<16xi32>,
    %swap3A_316 = vector.shape_cast %swap3A_315 : vector<16xi32> to vector<16xi32>
    %swap3A_317 = vector.shape_cast %add3A_313 : vector<16xi32> to vector<16xi32>
    tpu.vector_store %arg6[%swap3A_314], %swap3A_317 {strides = array<i32>} : memref<8192xi32, #tpu.memory_space<vmem>>, vector<16xi32>,
    %add3A_318 = arith.constant 1100000 : i32
    %add3A_319 = vector.broadcast %add3A_318 : i32 to vector<16xi32>
    %add3A_320 = arith.addi %min3A_240, %add3A_319 : vector<16xi32>
    %swap3A_321 = arith.constant 5664 : index
    %swap3A_322 = tpu.vector_load %arg6[%swap3A_321] {strides = array<i32>} : memref<8192xi32, #tpu.memory_space<vmem>>, vector<16xi32>,
    %swap3A_323 = vector.shape_cast %swap3A_322 : vector<16xi32> to vector<16xi32>
    %swap3A_324 = vector.shape_cast %add3A_320 : vector<16xi32> to vector<16xi32>
    tpu.vector_store %arg6[%swap3A_321], %swap3A_324 {strides = array<i32>} : memref<8192xi32, #tpu.memory_space<vmem>>, vector<16xi32>,
    %add3A_325 = arith.constant 1200000 : i32
    %add3A_326 = vector.broadcast %add3A_325 : i32 to vector<16xi32>
    %add3A_327 = arith.addi %min3A_240, %add3A_326 : vector<16xi32>
    %swap3A_328 = arith.constant 6176 : index
    %swap3A_329 = tpu.vector_load %arg6[%swap3A_328] {strides = array<i32>} : memref<8192xi32, #tpu.memory_space<vmem>>, vector<16xi32>,
    %swap3A_330 = vector.shape_cast %swap3A_329 : vector<16xi32> to vector<16xi32>
    %swap3A_331 = vector.shape_cast %add3A_327 : vector<16xi32> to vector<16xi32>
    tpu.vector_store %arg6[%swap3A_328], %swap3A_331 {strides = array<i32>} : memref<8192xi32, #tpu.memory_space<vmem>>, vector<16xi32>,
    %add3A_332 = arith.constant 1300000 : i32
    %add3A_333 = vector.broadcast %add3A_332 : i32 to vector<16xi32>
    %add3A_334 = arith.addi %min3A_240, %add3A_333 : vector<16xi32>
    %swap3A_335 = arith.constant 6688 : index
    %swap3A_336 = tpu.vector_load %arg6[%swap3A_335] {strides = array<i32>} : memref<8192xi32, #tpu.memory_space<vmem>>, vector<16xi32>,
    %swap3A_337 = vector.shape_cast %swap3A_336 : vector<16xi32> to vector<16xi32>
    %swap3A_338 = vector.shape_cast %add3A_334 : vector<16xi32> to vector<16xi32>
    tpu.vector_store %arg6[%swap3A_335], %swap3A_338 {strides = array<i32>} : memref<8192xi32, #tpu.memory_space<vmem>>, vector<16xi32>,
    %add3A_339 = arith.constant 1400000 : i32
    %add3A_340 = vector.broadcast %add3A_339 : i32 to vector<16xi32>
    %add3A_341 = arith.addi %min3A_240, %add3A_340 : vector<16xi32>
    %swap3A_342 = arith.constant 7200 : index
    %swap3A_343 = tpu.vector_load %arg6[%swap3A_342] {strides = array<i32>} : memref<8192xi32, #tpu.memory_space<vmem>>, vector<16xi32>,
    %swap3A_344 = vector.shape_cast %swap3A_343 : vector<16xi32> to vector<16xi32>
    %swap3A_345 = vector.shape_cast %add3A_341 : vector<16xi32> to vector<16xi32>
    tpu.vector_store %arg6[%swap3A_342], %swap3A_345 {strides = array<i32>} : memref<8192xi32, #tpu.memory_space<vmem>>, vector<16xi32>,
    %add3A_346 = arith.constant 1500000 : i32
    %add3A_347 = vector.broadcast %add3A_346 : i32 to vector<16xi32>
    %add3A_348 = arith.addi %min3A_240, %add3A_347 : vector<16xi32>
    %swap3A_349 = arith.constant 7712 : index
    %swap3A_350 = tpu.vector_load %arg6[%swap3A_349] {strides = array<i32>} : memref<8192xi32, #tpu.memory_space<vmem>>, vector<16xi32>,
    %swap3A_351 = vector.shape_cast %swap3A_350 : vector<16xi32> to vector<16xi32>
    %swap3A_352 = vector.shape_cast %add3A_348 : vector<16xi32> to vector<16xi32>
    tpu.vector_store %arg6[%swap3A_349], %swap3A_352 {strides = array<i32>} : memref<8192xi32, #tpu.memory_space<vmem>>, vector<16xi32>,
    %get3A_353 = arith.constant 48 : index
    %get3A_354 = tpu.vector_load %arg5[%get3A_353] {strides = array<i32>} : memref<512xi32, #tpu.memory_space<vmem>>, vector<16xi32>,
    %get3A_355 = vector.shape_cast %get3A_354 : vector<16xi32> to vector<16xi32>
    %max3A_356 = arith.maxsi %get3A_355, %broadcast_in_dim3A_5 : vector<16xi32>
    %min3A_357 = arith.minsi %max3A_356, %broadcast_in_dim3A_3 : vector<16xi32>
    %add3A_358 = arith.constant 0 : i32
    %add3A_359 = vector.broadcast %add3A_358 : i32 to vector<16xi32>
    %add3A_360 = arith.addi %min3A_357, %add3A_359 : vector<16xi32>
    %swap3A_361 = arith.constant 48 : index
    %swap3A_362 = tpu.vector_load %arg6[%swap3A_361] {strides = array<i32>} : memref<8192xi32, #tpu.memory_space<vmem>>, vector<16xi32>,
    %swap3A_363 = vector.shape_cast %swap3A_362 : vector<16xi32> to vector<16xi32>
    %swap3A_364 = vector.shape_cast %add3A_360 : vector<16xi32> to vector<16xi32>
    tpu.vector_store %arg6[%swap3A_361], %swap3A_364 {strides = array<i32>} : memref<8192xi32, #tpu.memory_space<vmem>>, vector<16xi32>,
    %add3A_365 = arith.constant 100000 : i32
    %add3A_366 = vector.broadcast %add3A_365 : i32 to vector<16xi32>
    %add3A_367 = arith.addi %min3A_357, %add3A_366 : vector<16xi32>
    %swap3A_368 = arith.constant 560 : index
    %swap3A_369 = tpu.vector_load %arg6[%swap3A_368] {strides = array<i32>} : memref<8192xi32, #tpu.memory_space<vmem>>, vector<16xi32>,
    %swap3A_370 = vector.shape_cast %swap3A_369 : vector<16xi32> to vector<16xi32>
    %swap3A_371 = vector.shape_cast %add3A_367 : vector<16xi32> to vector<16xi32>
    tpu.vector_store %arg6[%swap3A_368], %swap3A_371 {strides = array<i32>} : memref<8192xi32, #tpu.memory_space<vmem>>, vector<16xi32>,
    %add3A_372 = arith.constant 200000 : i32
    %add3A_373 = vector.broadcast %add3A_372 : i32 to vector<16xi32>
    %add3A_374 = arith.addi %min3A_357, %add3A_373 : vector<16xi32>
    %swap3A_375 = arith.constant 1072 : index
    %swap3A_376 = tpu.vector_load %arg6[%swap3A_375] {strides = array<i32>} : memref<8192xi32, #tpu.memory_space<vmem>>, vector<16xi32>,
    %swap3A_377 = vector.shape_cast %swap3A_376 : vector<16xi32> to vector<16xi32>
    %swap3A_378 = vector.shape_cast %add3A_374 : vector<16xi32> to vector<16xi32>
    tpu.vector_store %arg6[%swap3A_375], %swap3A_378 {strides = array<i32>} : memref<8192xi32, #tpu.memory_space<vmem>>, vector<16xi32>,
    %add3A_379 = arith.constant 300000 : i32
    %add3A_380 = vector.broadcast %add3A_379 : i32 to vector<16xi32>
    %add3A_381 = arith.addi %min3A_357, %add3A_380 : vector<16xi32>
    %swap3A_382 = arith.constant 1584 : index
    %swap3A_383 = tpu.vector_load %arg6[%swap3A_382] {strides = array<i32>} : memref<8192xi32, #tpu.memory_space<vmem>>, vector<16xi32>,
    %swap3A_384 = vector.shape_cast %swap3A_383 : vector<16xi32> to vector<16xi32>
    %swap3A_385 = vector.shape_cast %add3A_381 : vector<16xi32> to vector<16xi32>
    tpu.vector_store %arg6[%swap3A_382], %swap3A_385 {strides = array<i32>} : memref<8192xi32, #tpu.memory_space<vmem>>, vector<16xi32>,
    %add3A_386 = arith.constant 400000 : i32
    %add3A_387 = vector.broadcast %add3A_386 : i32 to vector<16xi32>
    %add3A_388 = arith.addi %min3A_357, %add3A_387 : vector<16xi32>
    %swap3A_389 = arith.constant 2096 : index
    %swap3A_390 = tpu.vector_load %arg6[%swap3A_389] {strides = array<i32>} : memref<8192xi32, #tpu.memory_space<vmem>>, vector<16xi32>,
    %swap3A_391 = vector.shape_cast %swap3A_390 : vector<16xi32> to vector<16xi32>
    %swap3A_392 = vector.shape_cast %add3A_388 : vector<16xi32> to vector<16xi32>
    tpu.vector_store %arg6[%swap3A_389], %swap3A_392 {strides = array<i32>} : memref<8192xi32, #tpu.memory_space<vmem>>, vector<16xi32>,
    %add3A_393 = arith.constant 500000 : i32
    %add3A_394 = vector.broadcast %add3A_393 : i32 to vector<16xi32>
    %add3A_395 = arith.addi %min3A_357, %add3A_394 : vector<16xi32>
    %swap3A_396 = arith.constant 2608 : index
    %swap3A_397 = tpu.vector_load %arg6[%swap3A_396] {strides = array<i32>} : memref<8192xi32, #tpu.memory_space<vmem>>, vector<16xi32>,
    %swap3A_398 = vector.shape_cast %swap3A_397 : vector<16xi32> to vector<16xi32>
    %swap3A_399 = vector.shape_cast %add3A_395 : vector<16xi32> to vector<16xi32>
    tpu.vector_store %arg6[%swap3A_396], %swap3A_399 {strides = array<i32>} : memref<8192xi32, #tpu.memory_space<vmem>>, vector<16xi32>,
    %add3A_400 = arith.constant 600000 : i32
    %add3A_401 = vector.broadcast %add3A_400 : i32 to vector<16xi32>
    %add3A_402 = arith.addi %min3A_357, %add3A_401 : vector<16xi32>
    %swap3A_403 = arith.constant 3120 : index
    %swap3A_404 = tpu.vector_load %arg6[%swap3A_403] {strides = array<i32>} : memref<8192xi32, #tpu.memory_space<vmem>>, vector<16xi32>,
    %swap3A_405 = vector.shape_cast %swap3A_404 : vector<16xi32> to vector<16xi32>
    %swap3A_406 = vector.shape_cast %add3A_402 : vector<16xi32> to vector<16xi32>
    tpu.vector_store %arg6[%swap3A_403], %swap3A_406 {strides = array<i32>} : memref<8192xi32, #tpu.memory_space<vmem>>, vector<16xi32>,
    %add3A_407 = arith.constant 700000 : i32
    %add3A_408 = vector.broadcast %add3A_407 : i32 to vector<16xi32>
    %add3A_409 = arith.addi %min3A_357, %add3A_408 : vector<16xi32>
    %swap3A_410 = arith.constant 3632 : index
    %swap3A_411 = tpu.vector_load %arg6[%swap3A_410] {strides = array<i32>} : memref<8192xi32, #tpu.memory_space<vmem>>, vector<16xi32>,
    %swap3A_412 = vector.shape_cast %swap3A_411 : vector<16xi32> to vector<16xi32>
    %swap3A_413 = vector.shape_cast %add3A_409 : vector<16xi32> to vector<16xi32>
    tpu.vector_store %arg6[%swap3A_410], %swap3A_413 {strides = array<i32>} : memref<8192xi32, #tpu.memory_space<vmem>>, vector<16xi32>,
    %add3A_414 = arith.constant 800000 : i32
    %add3A_415 = vector.broadcast %add3A_414 : i32 to vector<16xi32>
    %add3A_416 = arith.addi %min3A_357, %add3A_415 : vector<16xi32>
    %swap3A_417 = arith.constant 4144 : index
    %swap3A_418 = tpu.vector_load %arg6[%swap3A_417] {strides = array<i32>} : memref<8192xi32, #tpu.memory_space<vmem>>, vector<16xi32>,
    %swap3A_419 = vector.shape_cast %swap3A_418 : vector<16xi32> to vector<16xi32>
    %swap3A_420 = vector.shape_cast %add3A_416 : vector<16xi32> to vector<16xi32>
    tpu.vector_store %arg6[%swap3A_417], %swap3A_420 {strides = array<i32>} : memref<8192xi32, #tpu.memory_space<vmem>>, vector<16xi32>,
    %add3A_421 = arith.constant 900000 : i32
    %add3A_422 = vector.broadcast %add3A_421 : i32 to vector<16xi32>
    %add3A_423 = arith.addi %min3A_357, %add3A_422 : vector<16xi32>
    %swap3A_424 = arith.constant 4656 : index
    %swap3A_425 = tpu.vector_load %arg6[%swap3A_424] {strides = array<i32>} : memref<8192xi32, #tpu.memory_space<vmem>>, vector<16xi32>,
    %swap3A_426 = vector.shape_cast %swap3A_425 : vector<16xi32> to vector<16xi32>
    %swap3A_427 = vector.shape_cast %add3A_423 : vector<16xi32> to vector<16xi32>
    tpu.vector_store %arg6[%swap3A_424], %swap3A_427 {strides = array<i32>} : memref<8192xi32, #tpu.memory_space<vmem>>, vector<16xi32>,
    %add3A_428 = arith.constant 1000000 : i32
    %add3A_429 = vector.broadcast %add3A_428 : i32 to vector<16xi32>
    %add3A_430 = arith.addi %min3A_357, %add3A_429 : vector<16xi32>
    %swap3A_431 = arith.constant 5168 : index
    %swap3A_432 = tpu.vector_load %arg6[%swap3A_431] {strides = array<i32>} : memref<8192xi32, #tpu.memory_space<vmem>>, vector<16xi32>,
    %swap3A_433 = vector.shape_cast %swap3A_432 : vector<16xi32> to vector<16xi32>
    %swap3A_434 = vector.shape_cast %add3A_430 : vector<16xi32> to vector<16xi32>
    tpu.vector_store %arg6[%swap3A_431], %swap3A_434 {strides = array<i32>} : memref<8192xi32, #tpu.memory_space<vmem>>, vector<16xi32>,
    %add3A_435 = arith.constant 1100000 : i32
    %add3A_436 = vector.broadcast %add3A_435 : i32 to vector<16xi32>
    %add3A_437 = arith.addi %min3A_357, %add3A_436 : vector<16xi32>
    %swap3A_438 = arith.constant 5680 : index
    %swap3A_439 = tpu.vector_load %arg6[%swap3A_438] {strides = array<i32>} : memref<8192xi32, #tpu.memory_space<vmem>>, vector<16xi32>,
    %swap3A_440 = vector.shape_cast %swap3A_439 : vector<16xi32> to vector<16xi32>
    %swap3A_441 = vector.shape_cast %add3A_437 : vector<16xi32> to vector<16xi32>
    tpu.vector_store %arg6[%swap3A_438], %swap3A_441 {strides = array<i32>} : memref<8192xi32, #tpu.memory_space<vmem>>, vector<16xi32>,
    %add3A_442 = arith.constant 1200000 : i32
    %add3A_443 = vector.broadcast %add3A_442 : i32 to vector<16xi32>
    %add3A_444 = arith.addi %min3A_357, %add3A_443 : vector<16xi32>
    %swap3A_445 = arith.constant 6192 : index
    %swap3A_446 = tpu.vector_load %arg6[%swap3A_445] {strides = array<i32>} : memref<8192xi32, #tpu.memory_space<vmem>>, vector<16xi32>,
    %swap3A_447 = vector.shape_cast %swap3A_446 : vector<16xi32> to vector<16xi32>
    %swap3A_448 = vector.shape_cast %add3A_444 : vector<16xi32> to vector<16xi32>
    tpu.vector_store %arg6[%swap3A_445], %swap3A_448 {strides = array<i32>} : memref<8192xi32, #tpu.memory_space<vmem>>, vector<16xi32>,
    %add3A_449 = arith.constant 1300000 : i32
    %add3A_450 = vector.broadcast %add3A_449 : i32 to vector<16xi32>
    %add3A_451 = arith.addi %min3A_357, %add3A_450 : vector<16xi32>
    %swap3A_452 = arith.constant 6704 : index
    %swap3A_453 = tpu.vector_load %arg6[%swap3A_452] {strides = array<i32>} : memref<8192xi32, #tpu.memory_space<vmem>>, vector<16xi32>,
    %swap3A_454 = vector.shape_cast %swap3A_453 : vector<16xi32> to vector<16xi32>
    %swap3A_455 = vector.shape_cast %add3A_451 : vector<16xi32> to vector<16xi32>
    tpu.vector_store %arg6[%swap3A_452], %swap3A_455 {strides = array<i32>} : memref<8192xi32, #tpu.memory_space<vmem>>, vector<16xi32>,
    %add3A_456 = arith.constant 1400000 : i32
    %add3A_457 = vector.broadcast %add3A_456 : i32 to vector<16xi32>
    %add3A_458 = arith.addi %min3A_357, %add3A_457 : vector<16xi32>
    %swap3A_459 = arith.constant 7216 : index
    %swap3A_460 = tpu.vector_load %arg6[%swap3A_459] {strides = array<i32>} : memref<8192xi32, #tpu.memory_space<vmem>>, vector<16xi32>,
    %swap3A_461 = vector.shape_cast %swap3A_460 : vector<16xi32> to vector<16xi32>
    %swap3A_462 = vector.shape_cast %add3A_458 : vector<16xi32> to vector<16xi32>
    tpu.vector_store %arg6[%swap3A_459], %swap3A_462 {strides = array<i32>} : memref<8192xi32, #tpu.memory_space<vmem>>, vector<16xi32>,
    %add3A_463 = arith.constant 1500000 : i32
    %add3A_464 = vector.broadcast %add3A_463 : i32 to vector<16xi32>
    %add3A_465 = arith.addi %min3A_357, %add3A_464 : vector<16xi32>
    %swap3A_466 = arith.constant 7728 : index
    %swap3A_467 = tpu.vector_load %arg6[%swap3A_466] {strides = array<i32>} : memref<8192xi32, #tpu.memory_space<vmem>>, vector<16xi32>,
    %swap3A_468 = vector.shape_cast %swap3A_467 : vector<16xi32> to vector<16xi32>
    %swap3A_469 = vector.shape_cast %add3A_465 : vector<16xi32> to vector<16xi32>
    tpu.vector_store %arg6[%swap3A_466], %swap3A_469 {strides = array<i32>} : memref<8192xi32, #tpu.memory_space<vmem>>, vector<16xi32>,
    %get3A_470 = arith.constant 64 : index
    %get3A_471 = tpu.vector_load %arg5[%get3A_470] {strides = array<i32>} : memref<512xi32, #tpu.memory_space<vmem>>, vector<16xi32>,
    %get3A_472 = vector.shape_cast %get3A_471 : vector<16xi32> to vector<16xi32>
    %max3A_473 = arith.maxsi %get3A_472, %broadcast_in_dim3A_5 : vector<16xi32>
    %min3A_474 = arith.minsi %max3A_473, %broadcast_in_dim3A_3 : vector<16xi32>
    %add3A_475 = arith.constant 0 : i32
    %add3A_476 = vector.broadcast %add3A_475 : i32 to vector<16xi32>
    %add3A_477 = arith.addi %min3A_474, %add3A_476 : vector<16xi32>
    %swap3A_478 = arith.constant 64 : index
    %swap3A_479 = tpu.vector_load %arg6[%swap3A_478] {strides = array<i32>} : memref<8192xi32, #tpu.memory_space<vmem>>, vector<16xi32>,
    %swap3A_480 = vector.shape_cast %swap3A_479 : vector<16xi32> to vector<16xi32>
    %swap3A_481 = vector.shape_cast %add3A_477 : vector<16xi32> to vector<16xi32>
    tpu.vector_store %arg6[%swap3A_478], %swap3A_481 {strides = array<i32>} : memref<8192xi32, #tpu.memory_space<vmem>>, vector<16xi32>,
    %add3A_482 = arith.constant 100000 : i32
    %add3A_483 = vector.broadcast %add3A_482 : i32 to vector<16xi32>
    %add3A_484 = arith.addi %min3A_474, %add3A_483 : vector<16xi32>
    %swap3A_485 = arith.constant 576 : index
    %swap3A_486 = tpu.vector_load %arg6[%swap3A_485] {strides = array<i32>} : memref<8192xi32, #tpu.memory_space<vmem>>, vector<16xi32>,
    %swap3A_487 = vector.shape_cast %swap3A_486 : vector<16xi32> to vector<16xi32>
    %swap3A_488 = vector.shape_cast %add3A_484 : vector<16xi32> to vector<16xi32>
    tpu.vector_store %arg6[%swap3A_485], %swap3A_488 {strides = array<i32>} : memref<8192xi32, #tpu.memory_space<vmem>>, vector<16xi32>,
    %add3A_489 = arith.constant 200000 : i32
    %add3A_490 = vector.broadcast %add3A_489 : i32 to vector<16xi32>
    %add3A_491 = arith.addi %min3A_474, %add3A_490 : vector<16xi32>
    %swap3A_492 = arith.constant 1088 : index
    %swap3A_493 = tpu.vector_load %arg6[%swap3A_492] {strides = array<i32>} : memref<8192xi32, #tpu.memory_space<vmem>>, vector<16xi32>,
    %swap3A_494 = vector.shape_cast %swap3A_493 : vector<16xi32> to vector<16xi32>
    %swap3A_495 = vector.shape_cast %add3A_491 : vector<16xi32> to vector<16xi32>
    tpu.vector_store %arg6[%swap3A_492], %swap3A_495 {strides = array<i32>} : memref<8192xi32, #tpu.memory_space<vmem>>, vector<16xi32>,
    %add3A_496 = arith.constant 300000 : i32
    %add3A_497 = vector.broadcast %add3A_496 : i32 to vector<16xi32>
    %add3A_498 = arith.addi %min3A_474, %add3A_497 : vector<16xi32>
    %swap3A_499 = arith.constant 1600 : index
    %swap3A_500 = tpu.vector_load %arg6[%swap3A_499] {strides = array<i32>} : memref<8192xi32, #tpu.memory_space<vmem>>, vector<16xi32>,
    %swap3A_501 = vector.shape_cast %swap3A_500 : vector<16xi32> to vector<16xi32>
    %swap3A_502 = vector.shape_cast %add3A_498 : vector<16xi32> to vector<16xi32>
    tpu.vector_store %arg6[%swap3A_499], %swap3A_502 {strides = array<i32>} : memref<8192xi32, #tpu.memory_space<vmem>>, vector<16xi32>,
    %add3A_503 = arith.constant 400000 : i32
    %add3A_504 = vector.broadcast %add3A_503 : i32 to vector<16xi32>
    %add3A_505 = arith.addi %min3A_474, %add3A_504 : vector<16xi32>
    %swap3A_506 = arith.constant 2112 : index
    %swap3A_507 = tpu.vector_load %arg6[%swap3A_506] {strides = array<i32>} : memref<8192xi32, #tpu.memory_space<vmem>>, vector<16xi32>,
    %swap3A_508 = vector.shape_cast %swap3A_507 : vector<16xi32> to vector<16xi32>
    %swap3A_509 = vector.shape_cast %add3A_505 : vector<16xi32> to vector<16xi32>
    tpu.vector_store %arg6[%swap3A_506], %swap3A_509 {strides = array<i32>} : memref<8192xi32, #tpu.memory_space<vmem>>, vector<16xi32>,
    %add3A_510 = arith.constant 500000 : i32
    %add3A_511 = vector.broadcast %add3A_510 : i32 to vector<16xi32>
    %add3A_512 = arith.addi %min3A_474, %add3A_511 : vector<16xi32>
    %swap3A_513 = arith.constant 2624 : index
    %swap3A_514 = tpu.vector_load %arg6[%swap3A_513] {strides = array<i32>} : memref<8192xi32, #tpu.memory_space<vmem>>, vector<16xi32>,
    %swap3A_515 = vector.shape_cast %swap3A_514 : vector<16xi32> to vector<16xi32>
    %swap3A_516 = vector.shape_cast %add3A_512 : vector<16xi32> to vector<16xi32>
    tpu.vector_store %arg6[%swap3A_513], %swap3A_516 {strides = array<i32>} : memref<8192xi32, #tpu.memory_space<vmem>>, vector<16xi32>,
    %add3A_517 = arith.constant 600000 : i32
    %add3A_518 = vector.broadcast %add3A_517 : i32 to vector<16xi32>
    %add3A_519 = arith.addi %min3A_474, %add3A_518 : vector<16xi32>
    %swap3A_520 = arith.constant 3136 : index
    %swap3A_521 = tpu.vector_load %arg6[%swap3A_520] {strides = array<i32>} : memref<8192xi32, #tpu.memory_space<vmem>>, vector<16xi32>,
    %swap3A_522 = vector.shape_cast %swap3A_521 : vector<16xi32> to vector<16xi32>
    %swap3A_523 = vector.shape_cast %add3A_519 : vector<16xi32> to vector<16xi32>
    tpu.vector_store %arg6[%swap3A_520], %swap3A_523 {strides = array<i32>} : memref<8192xi32, #tpu.memory_space<vmem>>, vector<16xi32>,
    %add3A_524 = arith.constant 700000 : i32
    %add3A_525 = vector.broadcast %add3A_524 : i32 to vector<16xi32>
    %add3A_526 = arith.addi %min3A_474, %add3A_525 : vector<16xi32>
    %swap3A_527 = arith.constant 3648 : index
    %swap3A_528 = tpu.vector_load %arg6[%swap3A_527] {strides = array<i32>} : memref<8192xi32, #tpu.memory_space<vmem>>, vector<16xi32>,
    %swap3A_529 = vector.shape_cast %swap3A_528 : vector<16xi32> to vector<16xi32>
    %swap3A_530 = vector.shape_cast %add3A_526 : vector<16xi32> to vector<16xi32>
    tpu.vector_store %arg6[%swap3A_527], %swap3A_530 {strides = array<i32>} : memref<8192xi32, #tpu.memory_space<vmem>>, vector<16xi32>,
    %add3A_531 = arith.constant 800000 : i32
    %add3A_532 = vector.broadcast %add3A_531 : i32 to vector<16xi32>
    %add3A_533 = arith.addi %min3A_474, %add3A_532 : vector<16xi32>
    %swap3A_534 = arith.constant 4160 : index
    %swap3A_535 = tpu.vector_load %arg6[%swap3A_534] {strides = array<i32>} : memref<8192xi32, #tpu.memory_space<vmem>>, vector<16xi32>,
    %swap3A_536 = vector.shape_cast %swap3A_535 : vector<16xi32> to vector<16xi32>
    %swap3A_537 = vector.shape_cast %add3A_533 : vector<16xi32> to vector<16xi32>
    tpu.vector_store %arg6[%swap3A_534], %swap3A_537 {strides = array<i32>} : memref<8192xi32, #tpu.memory_space<vmem>>, vector<16xi32>,
    %add3A_538 = arith.constant 900000 : i32
    %add3A_539 = vector.broadcast %add3A_538 : i32 to vector<16xi32>
    %add3A_540 = arith.addi %min3A_474, %add3A_539 : vector<16xi32>
    %swap3A_541 = arith.constant 4672 : index
    %swap3A_542 = tpu.vector_load %arg6[%swap3A_541] {strides = array<i32>} : memref<8192xi32, #tpu.memory_space<vmem>>, vector<16xi32>,
    %swap3A_543 = vector.shape_cast %swap3A_542 : vector<16xi32> to vector<16xi32>
    %swap3A_544 = vector.shape_cast %add3A_540 : vector<16xi32> to vector<16xi32>
    tpu.vector_store %arg6[%swap3A_541], %swap3A_544 {strides = array<i32>} : memref<8192xi32, #tpu.memory_space<vmem>>, vector<16xi32>,
    %add3A_545 = arith.constant 1000000 : i32
    %add3A_546 = vector.broadcast %add3A_545 : i32 to vector<16xi32>
    %add3A_547 = arith.addi %min3A_474, %add3A_546 : vector<16xi32>
    %swap3A_548 = arith.constant 5184 : index
    %swap3A_549 = tpu.vector_load %arg6[%swap3A_548] {strides = array<i32>} : memref<8192xi32, #tpu.memory_space<vmem>>, vector<16xi32>,
    %swap3A_550 = vector.shape_cast %swap3A_549 : vector<16xi32> to vector<16xi32>
    %swap3A_551 = vector.shape_cast %add3A_547 : vector<16xi32> to vector<16xi32>
    tpu.vector_store %arg6[%swap3A_548], %swap3A_551 {strides = array<i32>} : memref<8192xi32, #tpu.memory_space<vmem>>, vector<16xi32>,
    %add3A_552 = arith.constant 1100000 : i32
    %add3A_553 = vector.broadcast %add3A_552 : i32 to vector<16xi32>
    %add3A_554 = arith.addi %min3A_474, %add3A_553 : vector<16xi32>
    %swap3A_555 = arith.constant 5696 : index
    %swap3A_556 = tpu.vector_load %arg6[%swap3A_555] {strides = array<i32>} : memref<8192xi32, #tpu.memory_space<vmem>>, vector<16xi32>,
    %swap3A_557 = vector.shape_cast %swap3A_556 : vector<16xi32> to vector<16xi32>
    %swap3A_558 = vector.shape_cast %add3A_554 : vector<16xi32> to vector<16xi32>
    tpu.vector_store %arg6[%swap3A_555], %swap3A_558 {strides = array<i32>} : memref<8192xi32, #tpu.memory_space<vmem>>, vector<16xi32>,
    %add3A_559 = arith.constant 1200000 : i32
    %add3A_560 = vector.broadcast %add3A_559 : i32 to vector<16xi32>
    %add3A_561 = arith.addi %min3A_474, %add3A_560 : vector<16xi32>
    %swap3A_562 = arith.constant 6208 : index
    %swap3A_563 = tpu.vector_load %arg6[%swap3A_562] {strides = array<i32>} : memref<8192xi32, #tpu.memory_space<vmem>>, vector<16xi32>,
    %swap3A_564 = vector.shape_cast %swap3A_563 : vector<16xi32> to vector<16xi32>
    %swap3A_565 = vector.shape_cast %add3A_561 : vector<16xi32> to vector<16xi32>
    tpu.vector_store %arg6[%swap3A_562], %swap3A_565 {strides = array<i32>} : memref<8192xi32, #tpu.memory_space<vmem>>, vector<16xi32>,
    %add3A_566 = arith.constant 1300000 : i32
    %add3A_567 = vector.broadcast %add3A_566 : i32 to vector<16xi32>
    %add3A_568 = arith.addi %min3A_474, %add3A_567 : vector<16xi32>
    %swap3A_569 = arith.constant 6720 : index
    %swap3A_570 = tpu.vector_load %arg6[%swap3A_569] {strides = array<i32>} : memref<8192xi32, #tpu.memory_space<vmem>>, vector<16xi32>,
    %swap3A_571 = vector.shape_cast %swap3A_570 : vector<16xi32> to vector<16xi32>
    %swap3A_572 = vector.shape_cast %add3A_568 : vector<16xi32> to vector<16xi32>
    tpu.vector_store %arg6[%swap3A_569], %swap3A_572 {strides = array<i32>} : memref<8192xi32, #tpu.memory_space<vmem>>, vector<16xi32>,
    %add3A_573 = arith.constant 1400000 : i32
    %add3A_574 = vector.broadcast %add3A_573 : i32 to vector<16xi32>
    %add3A_575 = arith.addi %min3A_474, %add3A_574 : vector<16xi32>
    %swap3A_576 = arith.constant 7232 : index
    %swap3A_577 = tpu.vector_load %arg6[%swap3A_576] {strides = array<i32>} : memref<8192xi32, #tpu.memory_space<vmem>>, vector<16xi32>,
    %swap3A_578 = vector.shape_cast %swap3A_577 : vector<16xi32> to vector<16xi32>
    %swap3A_579 = vector.shape_cast %add3A_575 : vector<16xi32> to vector<16xi32>
    tpu.vector_store %arg6[%swap3A_576], %swap3A_579 {strides = array<i32>} : memref<8192xi32, #tpu.memory_space<vmem>>, vector<16xi32>,
    %add3A_580 = arith.constant 1500000 : i32
    %add3A_581 = vector.broadcast %add3A_580 : i32 to vector<16xi32>
    %add3A_582 = arith.addi %min3A_474, %add3A_581 : vector<16xi32>
    %swap3A_583 = arith.constant 7744 : index
    %swap3A_584 = tpu.vector_load %arg6[%swap3A_583] {strides = array<i32>} : memref<8192xi32, #tpu.memory_space<vmem>>, vector<16xi32>,
    %swap3A_585 = vector.shape_cast %swap3A_584 : vector<16xi32> to vector<16xi32>
    %swap3A_586 = vector.shape_cast %add3A_582 : vector<16xi32> to vector<16xi32>
    tpu.vector_store %arg6[%swap3A_583], %swap3A_586 {strides = array<i32>} : memref<8192xi32, #tpu.memory_space<vmem>>, vector<16xi32>,
    %get3A_587 = arith.constant 80 : index
    %get3A_588 = tpu.vector_load %arg5[%get3A_587] {strides = array<i32>} : memref<512xi32, #tpu.memory_space<vmem>>, vector<16xi32>,
    %get3A_589 = vector.shape_cast %get3A_588 : vector<16xi32> to vector<16xi32>
    %max3A_590 = arith.maxsi %get3A_589, %broadcast_in_dim3A_5 : vector<16xi32>
    %min3A_591 = arith.minsi %max3A_590, %broadcast_in_dim3A_3 : vector<16xi32>
    %add3A_592 = arith.constant 0 : i32
    %add3A_593 = vector.broadcast %add3A_592 : i32 to vector<16xi32>
    %add3A_594 = arith.addi %min3A_591, %add3A_593 : vector<16xi32>
    %swap3A_595 = arith.constant 80 : index
    %swap3A_596 = tpu.vector_load %arg6[%swap3A_595] {strides = array<i32>} : memref<8192xi32, #tpu.memory_space<vmem>>, vector<16xi32>,
    %swap3A_597 = vector.shape_cast %swap3A_596 : vector<16xi32> to vector<16xi32>
    %swap3A_598 = vector.shape_cast %add3A_594 : vector<16xi32> to vector<16xi32>
    tpu.vector_store %arg6[%swap3A_595], %swap3A_598 {strides = array<i32>} : memref<8192xi32, #tpu.memory_space<vmem>>, vector<16xi32>,
    %add3A_599 = arith.constant 100000 : i32
    %add3A_600 = vector.broadcast %add3A_599 : i32 to vector<16xi32>
    %add3A_601 = arith.addi %min3A_591, %add3A_600 : vector<16xi32>
    %swap3A_602 = arith.constant 592 : index
    %swap3A_603 = tpu.vector_load %arg6[%swap3A_602] {strides = array<i32>} : memref<8192xi32, #tpu.memory_space<vmem>>, vector<16xi32>,
    %swap3A_604 = vector.shape_cast %swap3A_603 : vector<16xi32> to vector<16xi32>
    %swap3A_605 = vector.shape_cast %add3A_601 : vector<16xi32> to vector<16xi32>
    tpu.vector_store %arg6[%swap3A_602], %swap3A_605 {strides = array<i32>} : memref<8192xi32, #tpu.memory_space<vmem>>, vector<16xi32>,
    %add3A_606 = arith.constant 200000 : i32
    %add3A_607 = vector.broadcast %add3A_606 : i32 to vector<16xi32>
    %add3A_608 = arith.addi %min3A_591, %add3A_607 : vector<16xi32>
    %swap3A_609 = arith.constant 1104 : index
    %swap3A_610 = tpu.vector_load %arg6[%swap3A_609] {strides = array<i32>} : memref<8192xi32, #tpu.memory_space<vmem>>, vector<16xi32>,
    %swap3A_611 = vector.shape_cast %swap3A_610 : vector<16xi32> to vector<16xi32>
    %swap3A_612 = vector.shape_cast %add3A_608 : vector<16xi32> to vector<16xi32>
    tpu.vector_store %arg6[%swap3A_609], %swap3A_612 {strides = array<i32>} : memref<8192xi32, #tpu.memory_space<vmem>>, vector<16xi32>,
    %add3A_613 = arith.constant 300000 : i32
    %add3A_614 = vector.broadcast %add3A_613 : i32 to vector<16xi32>
    %add3A_615 = arith.addi %min3A_591, %add3A_614 : vector<16xi32>
    %swap3A_616 = arith.constant 1616 : index
    %swap3A_617 = tpu.vector_load %arg6[%swap3A_616] {strides = array<i32>} : memref<8192xi32, #tpu.memory_space<vmem>>, vector<16xi32>,
    %swap3A_618 = vector.shape_cast %swap3A_617 : vector<16xi32> to vector<16xi32>
    %swap3A_619 = vector.shape_cast %add3A_615 : vector<16xi32> to vector<16xi32>
    tpu.vector_store %arg6[%swap3A_616], %swap3A_619 {strides = array<i32>} : memref<8192xi32, #tpu.memory_space<vmem>>, vector<16xi32>,
    %add3A_620 = arith.constant 400000 : i32
    %add3A_621 = vector.broadcast %add3A_620 : i32 to vector<16xi32>
    %add3A_622 = arith.addi %min3A_591, %add3A_621 : vector<16xi32>
    %swap3A_623 = arith.constant 2128 : index
    %swap3A_624 = tpu.vector_load %arg6[%swap3A_623] {strides = array<i32>} : memref<8192xi32, #tpu.memory_space<vmem>>, vector<16xi32>,
    %swap3A_625 = vector.shape_cast %swap3A_624 : vector<16xi32> to vector<16xi32>
    %swap3A_626 = vector.shape_cast %add3A_622 : vector<16xi32> to vector<16xi32>
    tpu.vector_store %arg6[%swap3A_623], %swap3A_626 {strides = array<i32>} : memref<8192xi32, #tpu.memory_space<vmem>>, vector<16xi32>,
    %add3A_627 = arith.constant 500000 : i32
    %add3A_628 = vector.broadcast %add3A_627 : i32 to vector<16xi32>
    %add3A_629 = arith.addi %min3A_591, %add3A_628 : vector<16xi32>
    %swap3A_630 = arith.constant 2640 : index
    %swap3A_631 = tpu.vector_load %arg6[%swap3A_630] {strides = array<i32>} : memref<8192xi32, #tpu.memory_space<vmem>>, vector<16xi32>,
    %swap3A_632 = vector.shape_cast %swap3A_631 : vector<16xi32> to vector<16xi32>
    %swap3A_633 = vector.shape_cast %add3A_629 : vector<16xi32> to vector<16xi32>
    tpu.vector_store %arg6[%swap3A_630], %swap3A_633 {strides = array<i32>} : memref<8192xi32, #tpu.memory_space<vmem>>, vector<16xi32>,
    %add3A_634 = arith.constant 600000 : i32
    %add3A_635 = vector.broadcast %add3A_634 : i32 to vector<16xi32>
    %add3A_636 = arith.addi %min3A_591, %add3A_635 : vector<16xi32>
    %swap3A_637 = arith.constant 3152 : index
    %swap3A_638 = tpu.vector_load %arg6[%swap3A_637] {strides = array<i32>} : memref<8192xi32, #tpu.memory_space<vmem>>, vector<16xi32>,
    %swap3A_639 = vector.shape_cast %swap3A_638 : vector<16xi32> to vector<16xi32>
    %swap3A_640 = vector.shape_cast %add3A_636 : vector<16xi32> to vector<16xi32>
    tpu.vector_store %arg6[%swap3A_637], %swap3A_640 {strides = array<i32>} : memref<8192xi32, #tpu.memory_space<vmem>>, vector<16xi32>,
    %add3A_641 = arith.constant 700000 : i32
    %add3A_642 = vector.broadcast %add3A_641 : i32 to vector<16xi32>
    %add3A_643 = arith.addi %min3A_591, %add3A_642 : vector<16xi32>
    %swap3A_644 = arith.constant 3664 : index
    %swap3A_645 = tpu.vector_load %arg6[%swap3A_644] {strides = array<i32>} : memref<8192xi32, #tpu.memory_space<vmem>>, vector<16xi32>,
    %swap3A_646 = vector.shape_cast %swap3A_645 : vector<16xi32> to vector<16xi32>
    %swap3A_647 = vector.shape_cast %add3A_643 : vector<16xi32> to vector<16xi32>
    tpu.vector_store %arg6[%swap3A_644], %swap3A_647 {strides = array<i32>} : memref<8192xi32, #tpu.memory_space<vmem>>, vector<16xi32>,
    %add3A_648 = arith.constant 800000 : i32
    %add3A_649 = vector.broadcast %add3A_648 : i32 to vector<16xi32>
    %add3A_650 = arith.addi %min3A_591, %add3A_649 : vector<16xi32>
    %swap3A_651 = arith.constant 4176 : index
    %swap3A_652 = tpu.vector_load %arg6[%swap3A_651] {strides = array<i32>} : memref<8192xi32, #tpu.memory_space<vmem>>, vector<16xi32>,
    %swap3A_653 = vector.shape_cast %swap3A_652 : vector<16xi32> to vector<16xi32>
    %swap3A_654 = vector.shape_cast %add3A_650 : vector<16xi32> to vector<16xi32>
    tpu.vector_store %arg6[%swap3A_651], %swap3A_654 {strides = array<i32>} : memref<8192xi32, #tpu.memory_space<vmem>>, vector<16xi32>,
    %add3A_655 = arith.constant 900000 : i32
    %add3A_656 = vector.broadcast %add3A_655 : i32 to vector<16xi32>
    %add3A_657 = arith.addi %min3A_591, %add3A_656 : vector<16xi32>
    %swap3A_658 = arith.constant 4688 : index
    %swap3A_659 = tpu.vector_load %arg6[%swap3A_658] {strides = array<i32>} : memref<8192xi32, #tpu.memory_space<vmem>>, vector<16xi32>,
    %swap3A_660 = vector.shape_cast %swap3A_659 : vector<16xi32> to vector<16xi32>
    %swap3A_661 = vector.shape_cast %add3A_657 : vector<16xi32> to vector<16xi32>
    tpu.vector_store %arg6[%swap3A_658], %swap3A_661 {strides = array<i32>} : memref<8192xi32, #tpu.memory_space<vmem>>, vector<16xi32>,
    %add3A_662 = arith.constant 1000000 : i32
    %add3A_663 = vector.broadcast %add3A_662 : i32 to vector<16xi32>
    %add3A_664 = arith.addi %min3A_591, %add3A_663 : vector<16xi32>
    %swap3A_665 = arith.constant 5200 : index
    %swap3A_666 = tpu.vector_load %arg6[%swap3A_665] {strides = array<i32>} : memref<8192xi32, #tpu.memory_space<vmem>>, vector<16xi32>,
    %swap3A_667 = vector.shape_cast %swap3A_666 : vector<16xi32> to vector<16xi32>
    %swap3A_668 = vector.shape_cast %add3A_664 : vector<16xi32> to vector<16xi32>
    tpu.vector_store %arg6[%swap3A_665], %swap3A_668 {strides = array<i32>} : memref<8192xi32, #tpu.memory_space<vmem>>, vector<16xi32>,
    %add3A_669 = arith.constant 1100000 : i32
    %add3A_670 = vector.broadcast %add3A_669 : i32 to vector<16xi32>
    %add3A_671 = arith.addi %min3A_591, %add3A_670 : vector<16xi32>
    %swap3A_672 = arith.constant 5712 : index
    %swap3A_673 = tpu.vector_load %arg6[%swap3A_672] {strides = array<i32>} : memref<8192xi32, #tpu.memory_space<vmem>>, vector<16xi32>,
    %swap3A_674 = vector.shape_cast %swap3A_673 : vector<16xi32> to vector<16xi32>
    %swap3A_675 = vector.shape_cast %add3A_671 : vector<16xi32> to vector<16xi32>
    tpu.vector_store %arg6[%swap3A_672], %swap3A_675 {strides = array<i32>} : memref<8192xi32, #tpu.memory_space<vmem>>, vector<16xi32>,
    %add3A_676 = arith.constant 1200000 : i32
    %add3A_677 = vector.broadcast %add3A_676 : i32 to vector<16xi32>
    %add3A_678 = arith.addi %min3A_591, %add3A_677 : vector<16xi32>
    %swap3A_679 = arith.constant 6224 : index
    %swap3A_680 = tpu.vector_load %arg6[%swap3A_679] {strides = array<i32>} : memref<8192xi32, #tpu.memory_space<vmem>>, vector<16xi32>,
    %swap3A_681 = vector.shape_cast %swap3A_680 : vector<16xi32> to vector<16xi32>
    %swap3A_682 = vector.shape_cast %add3A_678 : vector<16xi32> to vector<16xi32>
    tpu.vector_store %arg6[%swap3A_679], %swap3A_682 {strides = array<i32>} : memref<8192xi32, #tpu.memory_space<vmem>>, vector<16xi32>,
    %add3A_683 = arith.constant 1300000 : i32
    %add3A_684 = vector.broadcast %add3A_683 : i32 to vector<16xi32>
    %add3A_685 = arith.addi %min3A_591, %add3A_684 : vector<16xi32>
    %swap3A_686 = arith.constant 6736 : index
    %swap3A_687 = tpu.vector_load %arg6[%swap3A_686] {strides = array<i32>} : memref<8192xi32, #tpu.memory_space<vmem>>, vector<16xi32>,
    %swap3A_688 = vector.shape_cast %swap3A_687 : vector<16xi32> to vector<16xi32>
    %swap3A_689 = vector.shape_cast %add3A_685 : vector<16xi32> to vector<16xi32>
    tpu.vector_store %arg6[%swap3A_686], %swap3A_689 {strides = array<i32>} : memref<8192xi32, #tpu.memory_space<vmem>>, vector<16xi32>,
    %add3A_690 = arith.constant 1400000 : i32
    %add3A_691 = vector.broadcast %add3A_690 : i32 to vector<16xi32>
    %add3A_692 = arith.addi %min3A_591, %add3A_691 : vector<16xi32>
    %swap3A_693 = arith.constant 7248 : index
    %swap3A_694 = tpu.vector_load %arg6[%swap3A_693] {strides = array<i32>} : memref<8192xi32, #tpu.memory_space<vmem>>, vector<16xi32>,
    %swap3A_695 = vector.shape_cast %swap3A_694 : vector<16xi32> to vector<16xi32>
    %swap3A_696 = vector.shape_cast %add3A_692 : vector<16xi32> to vector<16xi32>
    tpu.vector_store %arg6[%swap3A_693], %swap3A_696 {strides = array<i32>} : memref<8192xi32, #tpu.memory_space<vmem>>, vector<16xi32>,
    %add3A_697 = arith.constant 1500000 : i32
    %add3A_698 = vector.broadcast %add3A_697 : i32 to vector<16xi32>
    %add3A_699 = arith.addi %min3A_591, %add3A_698 : vector<16xi32>
    %swap3A_700 = arith.constant 7760 : index
    %swap3A_701 = tpu.vector_load %arg6[%swap3A_700] {strides = array<i32>} : memref<8192xi32, #tpu.memory_space<vmem>>, vector<16xi32>,
    %swap3A_702 = vector.shape_cast %swap3A_701 : vector<16xi32> to vector<16xi32>
    %swap3A_703 = vector.shape_cast %add3A_699 : vector<16xi32> to vector<16xi32>
    tpu.vector_store %arg6[%swap3A_700], %swap3A_703 {strides = array<i32>} : memref<8192xi32, #tpu.memory_space<vmem>>, vector<16xi32>,
    %get3A_704 = arith.constant 96 : index
    %get3A_705 = tpu.vector_load %arg5[%get3A_704] {strides = array<i32>} : memref<512xi32, #tpu.memory_space<vmem>>, vector<16xi32>,
    %get3A_706 = vector.shape_cast %get3A_705 : vector<16xi32> to vector<16xi32>
    %max3A_707 = arith.maxsi %get3A_706, %broadcast_in_dim3A_5 : vector<16xi32>
    %min3A_708 = arith.minsi %max3A_707, %broadcast_in_dim3A_3 : vector<16xi32>
    %add3A_709 = arith.constant 0 : i32
    %add3A_710 = vector.broadcast %add3A_709 : i32 to vector<16xi32>
    %add3A_711 = arith.addi %min3A_708, %add3A_710 : vector<16xi32>
    %swap3A_712 = arith.constant 96 : index
    %swap3A_713 = tpu.vector_load %arg6[%swap3A_712] {strides = array<i32>} : memref<8192xi32, #tpu.memory_space<vmem>>, vector<16xi32>,
    %swap3A_714 = vector.shape_cast %swap3A_713 : vector<16xi32> to vector<16xi32>
    %swap3A_715 = vector.shape_cast %add3A_711 : vector<16xi32> to vector<16xi32>
    tpu.vector_store %arg6[%swap3A_712], %swap3A_715 {strides = array<i32>} : memref<8192xi32, #tpu.memory_space<vmem>>, vector<16xi32>,
    %add3A_716 = arith.constant 100000 : i32
    %add3A_717 = vector.broadcast %add3A_716 : i32 to vector<16xi32>
    %add3A_718 = arith.addi %min3A_708, %add3A_717 : vector<16xi32>
    %swap3A_719 = arith.constant 608 : index
    %swap3A_720 = tpu.vector_load %arg6[%swap3A_719] {strides = array<i32>} : memref<8192xi32, #tpu.memory_space<vmem>>, vector<16xi32>,
    %swap3A_721 = vector.shape_cast %swap3A_720 : vector<16xi32> to vector<16xi32>
    %swap3A_722 = vector.shape_cast %add3A_718 : vector<16xi32> to vector<16xi32>
    tpu.vector_store %arg6[%swap3A_719], %swap3A_722 {strides = array<i32>} : memref<8192xi32, #tpu.memory_space<vmem>>, vector<16xi32>,
    %add3A_723 = arith.constant 200000 : i32
    %add3A_724 = vector.broadcast %add3A_723 : i32 to vector<16xi32>
    %add3A_725 = arith.addi %min3A_708, %add3A_724 : vector<16xi32>
    %swap3A_726 = arith.constant 1120 : index
    %swap3A_727 = tpu.vector_load %arg6[%swap3A_726] {strides = array<i32>} : memref<8192xi32, #tpu.memory_space<vmem>>, vector<16xi32>,
    %swap3A_728 = vector.shape_cast %swap3A_727 : vector<16xi32> to vector<16xi32>
    %swap3A_729 = vector.shape_cast %add3A_725 : vector<16xi32> to vector<16xi32>
    tpu.vector_store %arg6[%swap3A_726], %swap3A_729 {strides = array<i32>} : memref<8192xi32, #tpu.memory_space<vmem>>, vector<16xi32>,
    %add3A_730 = arith.constant 300000 : i32
    %add3A_731 = vector.broadcast %add3A_730 : i32 to vector<16xi32>
    %add3A_732 = arith.addi %min3A_708, %add3A_731 : vector<16xi32>
    %swap3A_733 = arith.constant 1632 : index
    %swap3A_734 = tpu.vector_load %arg6[%swap3A_733] {strides = array<i32>} : memref<8192xi32, #tpu.memory_space<vmem>>, vector<16xi32>,
    %swap3A_735 = vector.shape_cast %swap3A_734 : vector<16xi32> to vector<16xi32>
    %swap3A_736 = vector.shape_cast %add3A_732 : vector<16xi32> to vector<16xi32>
    tpu.vector_store %arg6[%swap3A_733], %swap3A_736 {strides = array<i32>} : memref<8192xi32, #tpu.memory_space<vmem>>, vector<16xi32>,
    %add3A_737 = arith.constant 400000 : i32
    %add3A_738 = vector.broadcast %add3A_737 : i32 to vector<16xi32>
    %add3A_739 = arith.addi %min3A_708, %add3A_738 : vector<16xi32>
    %swap3A_740 = arith.constant 2144 : index
    %swap3A_741 = tpu.vector_load %arg6[%swap3A_740] {strides = array<i32>} : memref<8192xi32, #tpu.memory_space<vmem>>, vector<16xi32>,
    %swap3A_742 = vector.shape_cast %swap3A_741 : vector<16xi32> to vector<16xi32>
    %swap3A_743 = vector.shape_cast %add3A_739 : vector<16xi32> to vector<16xi32>
    tpu.vector_store %arg6[%swap3A_740], %swap3A_743 {strides = array<i32>} : memref<8192xi32, #tpu.memory_space<vmem>>, vector<16xi32>,
    %add3A_744 = arith.constant 500000 : i32
    %add3A_745 = vector.broadcast %add3A_744 : i32 to vector<16xi32>
    %add3A_746 = arith.addi %min3A_708, %add3A_745 : vector<16xi32>
    %swap3A_747 = arith.constant 2656 : index
    %swap3A_748 = tpu.vector_load %arg6[%swap3A_747] {strides = array<i32>} : memref<8192xi32, #tpu.memory_space<vmem>>, vector<16xi32>,
    %swap3A_749 = vector.shape_cast %swap3A_748 : vector<16xi32> to vector<16xi32>
    %swap3A_750 = vector.shape_cast %add3A_746 : vector<16xi32> to vector<16xi32>
    tpu.vector_store %arg6[%swap3A_747], %swap3A_750 {strides = array<i32>} : memref<8192xi32, #tpu.memory_space<vmem>>, vector<16xi32>,
    %add3A_751 = arith.constant 600000 : i32
    %add3A_752 = vector.broadcast %add3A_751 : i32 to vector<16xi32>
    %add3A_753 = arith.addi %min3A_708, %add3A_752 : vector<16xi32>
    %swap3A_754 = arith.constant 3168 : index
    %swap3A_755 = tpu.vector_load %arg6[%swap3A_754] {strides = array<i32>} : memref<8192xi32, #tpu.memory_space<vmem>>, vector<16xi32>,
    %swap3A_756 = vector.shape_cast %swap3A_755 : vector<16xi32> to vector<16xi32>
    %swap3A_757 = vector.shape_cast %add3A_753 : vector<16xi32> to vector<16xi32>
    tpu.vector_store %arg6[%swap3A_754], %swap3A_757 {strides = array<i32>} : memref<8192xi32, #tpu.memory_space<vmem>>, vector<16xi32>,
    %add3A_758 = arith.constant 700000 : i32
    %add3A_759 = vector.broadcast %add3A_758 : i32 to vector<16xi32>
    %add3A_760 = arith.addi %min3A_708, %add3A_759 : vector<16xi32>
    %swap3A_761 = arith.constant 3680 : index
    %swap3A_762 = tpu.vector_load %arg6[%swap3A_761] {strides = array<i32>} : memref<8192xi32, #tpu.memory_space<vmem>>, vector<16xi32>,
    %swap3A_763 = vector.shape_cast %swap3A_762 : vector<16xi32> to vector<16xi32>
    %swap3A_764 = vector.shape_cast %add3A_760 : vector<16xi32> to vector<16xi32>
    tpu.vector_store %arg6[%swap3A_761], %swap3A_764 {strides = array<i32>} : memref<8192xi32, #tpu.memory_space<vmem>>, vector<16xi32>,
    %add3A_765 = arith.constant 800000 : i32
    %add3A_766 = vector.broadcast %add3A_765 : i32 to vector<16xi32>
    %add3A_767 = arith.addi %min3A_708, %add3A_766 : vector<16xi32>
    %swap3A_768 = arith.constant 4192 : index
    %swap3A_769 = tpu.vector_load %arg6[%swap3A_768] {strides = array<i32>} : memref<8192xi32, #tpu.memory_space<vmem>>, vector<16xi32>,
    %swap3A_770 = vector.shape_cast %swap3A_769 : vector<16xi32> to vector<16xi32>
    %swap3A_771 = vector.shape_cast %add3A_767 : vector<16xi32> to vector<16xi32>
    tpu.vector_store %arg6[%swap3A_768], %swap3A_771 {strides = array<i32>} : memref<8192xi32, #tpu.memory_space<vmem>>, vector<16xi32>,
    %add3A_772 = arith.constant 900000 : i32
    %add3A_773 = vector.broadcast %add3A_772 : i32 to vector<16xi32>
    %add3A_774 = arith.addi %min3A_708, %add3A_773 : vector<16xi32>
    %swap3A_775 = arith.constant 4704 : index
    %swap3A_776 = tpu.vector_load %arg6[%swap3A_775] {strides = array<i32>} : memref<8192xi32, #tpu.memory_space<vmem>>, vector<16xi32>,
    %swap3A_777 = vector.shape_cast %swap3A_776 : vector<16xi32> to vector<16xi32>
    %swap3A_778 = vector.shape_cast %add3A_774 : vector<16xi32> to vector<16xi32>
    tpu.vector_store %arg6[%swap3A_775], %swap3A_778 {strides = array<i32>} : memref<8192xi32, #tpu.memory_space<vmem>>, vector<16xi32>,
    %add3A_779 = arith.constant 1000000 : i32
    %add3A_780 = vector.broadcast %add3A_779 : i32 to vector<16xi32>
    %add3A_781 = arith.addi %min3A_708, %add3A_780 : vector<16xi32>
    %swap3A_782 = arith.constant 5216 : index
    %swap3A_783 = tpu.vector_load %arg6[%swap3A_782] {strides = array<i32>} : memref<8192xi32, #tpu.memory_space<vmem>>, vector<16xi32>,
    %swap3A_784 = vector.shape_cast %swap3A_783 : vector<16xi32> to vector<16xi32>
    %swap3A_785 = vector.shape_cast %add3A_781 : vector<16xi32> to vector<16xi32>
    tpu.vector_store %arg6[%swap3A_782], %swap3A_785 {strides = array<i32>} : memref<8192xi32, #tpu.memory_space<vmem>>, vector<16xi32>,
    %add3A_786 = arith.constant 1100000 : i32
    %add3A_787 = vector.broadcast %add3A_786 : i32 to vector<16xi32>
    %add3A_788 = arith.addi %min3A_708, %add3A_787 : vector<16xi32>
    %swap3A_789 = arith.constant 5728 : index
    %swap3A_790 = tpu.vector_load %arg6[%swap3A_789] {strides = array<i32>} : memref<8192xi32, #tpu.memory_space<vmem>>, vector<16xi32>,
    %swap3A_791 = vector.shape_cast %swap3A_790 : vector<16xi32> to vector<16xi32>
    %swap3A_792 = vector.shape_cast %add3A_788 : vector<16xi32> to vector<16xi32>
    tpu.vector_store %arg6[%swap3A_789], %swap3A_792 {strides = array<i32>} : memref<8192xi32, #tpu.memory_space<vmem>>, vector<16xi32>,
    %add3A_793 = arith.constant 1200000 : i32
    %add3A_794 = vector.broadcast %add3A_793 : i32 to vector<16xi32>
    %add3A_795 = arith.addi %min3A_708, %add3A_794 : vector<16xi32>
    %swap3A_796 = arith.constant 6240 : index
    %swap3A_797 = tpu.vector_load %arg6[%swap3A_796] {strides = array<i32>} : memref<8192xi32, #tpu.memory_space<vmem>>, vector<16xi32>,
    %swap3A_798 = vector.shape_cast %swap3A_797 : vector<16xi32> to vector<16xi32>
    %swap3A_799 = vector.shape_cast %add3A_795 : vector<16xi32> to vector<16xi32>
    tpu.vector_store %arg6[%swap3A_796], %swap3A_799 {strides = array<i32>} : memref<8192xi32, #tpu.memory_space<vmem>>, vector<16xi32>,
    %add3A_800 = arith.constant 1300000 : i32
    %add3A_801 = vector.broadcast %add3A_800 : i32 to vector<16xi32>
    %add3A_802 = arith.addi %min3A_708, %add3A_801 : vector<16xi32>
    %swap3A_803 = arith.constant 6752 : index
    %swap3A_804 = tpu.vector_load %arg6[%swap3A_803] {strides = array<i32>} : memref<8192xi32, #tpu.memory_space<vmem>>, vector<16xi32>,
    %swap3A_805 = vector.shape_cast %swap3A_804 : vector<16xi32> to vector<16xi32>
    %swap3A_806 = vector.shape_cast %add3A_802 : vector<16xi32> to vector<16xi32>
    tpu.vector_store %arg6[%swap3A_803], %swap3A_806 {strides = array<i32>} : memref<8192xi32, #tpu.memory_space<vmem>>, vector<16xi32>,
    %add3A_807 = arith.constant 1400000 : i32
    %add3A_808 = vector.broadcast %add3A_807 : i32 to vector<16xi32>
    %add3A_809 = arith.addi %min3A_708, %add3A_808 : vector<16xi32>
    %swap3A_810 = arith.constant 7264 : index
    %swap3A_811 = tpu.vector_load %arg6[%swap3A_810] {strides = array<i32>} : memref<8192xi32, #tpu.memory_space<vmem>>, vector<16xi32>,
    %swap3A_812 = vector.shape_cast %swap3A_811 : vector<16xi32> to vector<16xi32>
    %swap3A_813 = vector.shape_cast %add3A_809 : vector<16xi32> to vector<16xi32>
    tpu.vector_store %arg6[%swap3A_810], %swap3A_813 {strides = array<i32>} : memref<8192xi32, #tpu.memory_space<vmem>>, vector<16xi32>,
    %add3A_814 = arith.constant 1500000 : i32
    %add3A_815 = vector.broadcast %add3A_814 : i32 to vector<16xi32>
    %add3A_816 = arith.addi %min3A_708, %add3A_815 : vector<16xi32>
    %swap3A_817 = arith.constant 7776 : index
    %swap3A_818 = tpu.vector_load %arg6[%swap3A_817] {strides = array<i32>} : memref<8192xi32, #tpu.memory_space<vmem>>, vector<16xi32>,
    %swap3A_819 = vector.shape_cast %swap3A_818 : vector<16xi32> to vector<16xi32>
    %swap3A_820 = vector.shape_cast %add3A_816 : vector<16xi32> to vector<16xi32>
    tpu.vector_store %arg6[%swap3A_817], %swap3A_820 {strides = array<i32>} : memref<8192xi32, #tpu.memory_space<vmem>>, vector<16xi32>,
    %get3A_821 = arith.constant 112 : index
    %get3A_822 = tpu.vector_load %arg5[%get3A_821] {strides = array<i32>} : memref<512xi32, #tpu.memory_space<vmem>>, vector<16xi32>,
    %get3A_823 = vector.shape_cast %get3A_822 : vector<16xi32> to vector<16xi32>
    %max3A_824 = arith.maxsi %get3A_823, %broadcast_in_dim3A_5 : vector<16xi32>
    %min3A_825 = arith.minsi %max3A_824, %broadcast_in_dim3A_3 : vector<16xi32>
    %add3A_826 = arith.constant 0 : i32
    %add3A_827 = vector.broadcast %add3A_826 : i32 to vector<16xi32>
    %add3A_828 = arith.addi %min3A_825, %add3A_827 : vector<16xi32>
    %swap3A_829 = arith.constant 112 : index
    %swap3A_830 = tpu.vector_load %arg6[%swap3A_829] {strides = array<i32>} : memref<8192xi32, #tpu.memory_space<vmem>>, vector<16xi32>,
    %swap3A_831 = vector.shape_cast %swap3A_830 : vector<16xi32> to vector<16xi32>
    %swap3A_832 = vector.shape_cast %add3A_828 : vector<16xi32> to vector<16xi32>
    tpu.vector_store %arg6[%swap3A_829], %swap3A_832 {strides = array<i32>} : memref<8192xi32, #tpu.memory_space<vmem>>, vector<16xi32>,
    %add3A_833 = arith.constant 100000 : i32
    %add3A_834 = vector.broadcast %add3A_833 : i32 to vector<16xi32>
    %add3A_835 = arith.addi %min3A_825, %add3A_834 : vector<16xi32>
    %swap3A_836 = arith.constant 624 : index
    %swap3A_837 = tpu.vector_load %arg6[%swap3A_836] {strides = array<i32>} : memref<8192xi32, #tpu.memory_space<vmem>>, vector<16xi32>,
    %swap3A_838 = vector.shape_cast %swap3A_837 : vector<16xi32> to vector<16xi32>
    %swap3A_839 = vector.shape_cast %add3A_835 : vector<16xi32> to vector<16xi32>
    tpu.vector_store %arg6[%swap3A_836], %swap3A_839 {strides = array<i32>} : memref<8192xi32, #tpu.memory_space<vmem>>, vector<16xi32>,
    %add3A_840 = arith.constant 200000 : i32
    %add3A_841 = vector.broadcast %add3A_840 : i32 to vector<16xi32>
    %add3A_842 = arith.addi %min3A_825, %add3A_841 : vector<16xi32>
    %swap3A_843 = arith.constant 1136 : index
    %swap3A_844 = tpu.vector_load %arg6[%swap3A_843] {strides = array<i32>} : memref<8192xi32, #tpu.memory_space<vmem>>, vector<16xi32>,
    %swap3A_845 = vector.shape_cast %swap3A_844 : vector<16xi32> to vector<16xi32>
    %swap3A_846 = vector.shape_cast %add3A_842 : vector<16xi32> to vector<16xi32>
    tpu.vector_store %arg6[%swap3A_843], %swap3A_846 {strides = array<i32>} : memref<8192xi32, #tpu.memory_space<vmem>>, vector<16xi32>,
    %add3A_847 = arith.constant 300000 : i32
    %add3A_848 = vector.broadcast %add3A_847 : i32 to vector<16xi32>
    %add3A_849 = arith.addi %min3A_825, %add3A_848 : vector<16xi32>
    %swap3A_850 = arith.constant 1648 : index
    %swap3A_851 = tpu.vector_load %arg6[%swap3A_850] {strides = array<i32>} : memref<8192xi32, #tpu.memory_space<vmem>>, vector<16xi32>,
    %swap3A_852 = vector.shape_cast %swap3A_851 : vector<16xi32> to vector<16xi32>
    %swap3A_853 = vector.shape_cast %add3A_849 : vector<16xi32> to vector<16xi32>
    tpu.vector_store %arg6[%swap3A_850], %swap3A_853 {strides = array<i32>} : memref<8192xi32, #tpu.memory_space<vmem>>, vector<16xi32>,
    %add3A_854 = arith.constant 400000 : i32
    %add3A_855 = vector.broadcast %add3A_854 : i32 to vector<16xi32>
    %add3A_856 = arith.addi %min3A_825, %add3A_855 : vector<16xi32>
    %swap3A_857 = arith.constant 2160 : index
    %swap3A_858 = tpu.vector_load %arg6[%swap3A_857] {strides = array<i32>} : memref<8192xi32, #tpu.memory_space<vmem>>, vector<16xi32>,
    %swap3A_859 = vector.shape_cast %swap3A_858 : vector<16xi32> to vector<16xi32>
    %swap3A_860 = vector.shape_cast %add3A_856 : vector<16xi32> to vector<16xi32>
    tpu.vector_store %arg6[%swap3A_857], %swap3A_860 {strides = array<i32>} : memref<8192xi32, #tpu.memory_space<vmem>>, vector<16xi32>,
    %add3A_861 = arith.constant 500000 : i32
    %add3A_862 = vector.broadcast %add3A_861 : i32 to vector<16xi32>
    %add3A_863 = arith.addi %min3A_825, %add3A_862 : vector<16xi32>
    %swap3A_864 = arith.constant 2672 : index
    %swap3A_865 = tpu.vector_load %arg6[%swap3A_864] {strides = array<i32>} : memref<8192xi32, #tpu.memory_space<vmem>>, vector<16xi32>,
    %swap3A_866 = vector.shape_cast %swap3A_865 : vector<16xi32> to vector<16xi32>
    %swap3A_867 = vector.shape_cast %add3A_863 : vector<16xi32> to vector<16xi32>
    tpu.vector_store %arg6[%swap3A_864], %swap3A_867 {strides = array<i32>} : memref<8192xi32, #tpu.memory_space<vmem>>, vector<16xi32>,
    %add3A_868 = arith.constant 600000 : i32
    %add3A_869 = vector.broadcast %add3A_868 : i32 to vector<16xi32>
    %add3A_870 = arith.addi %min3A_825, %add3A_869 : vector<16xi32>
    %swap3A_871 = arith.constant 3184 : index
    %swap3A_872 = tpu.vector_load %arg6[%swap3A_871] {strides = array<i32>} : memref<8192xi32, #tpu.memory_space<vmem>>, vector<16xi32>,
    %swap3A_873 = vector.shape_cast %swap3A_872 : vector<16xi32> to vector<16xi32>
    %swap3A_874 = vector.shape_cast %add3A_870 : vector<16xi32> to vector<16xi32>
    tpu.vector_store %arg6[%swap3A_871], %swap3A_874 {strides = array<i32>} : memref<8192xi32, #tpu.memory_space<vmem>>, vector<16xi32>,
    %add3A_875 = arith.constant 700000 : i32
    %add3A_876 = vector.broadcast %add3A_875 : i32 to vector<16xi32>
    %add3A_877 = arith.addi %min3A_825, %add3A_876 : vector<16xi32>
    %swap3A_878 = arith.constant 3696 : index
    %swap3A_879 = tpu.vector_load %arg6[%swap3A_878] {strides = array<i32>} : memref<8192xi32, #tpu.memory_space<vmem>>, vector<16xi32>,
    %swap3A_880 = vector.shape_cast %swap3A_879 : vector<16xi32> to vector<16xi32>
    %swap3A_881 = vector.shape_cast %add3A_877 : vector<16xi32> to vector<16xi32>
    tpu.vector_store %arg6[%swap3A_878], %swap3A_881 {strides = array<i32>} : memref<8192xi32, #tpu.memory_space<vmem>>, vector<16xi32>,
    %add3A_882 = arith.constant 800000 : i32
    %add3A_883 = vector.broadcast %add3A_882 : i32 to vector<16xi32>
    %add3A_884 = arith.addi %min3A_825, %add3A_883 : vector<16xi32>
    %swap3A_885 = arith.constant 4208 : index
    %swap3A_886 = tpu.vector_load %arg6[%swap3A_885] {strides = array<i32>} : memref<8192xi32, #tpu.memory_space<vmem>>, vector<16xi32>,
    %swap3A_887 = vector.shape_cast %swap3A_886 : vector<16xi32> to vector<16xi32>
    %swap3A_888 = vector.shape_cast %add3A_884 : vector<16xi32> to vector<16xi32>
    tpu.vector_store %arg6[%swap3A_885], %swap3A_888 {strides = array<i32>} : memref<8192xi32, #tpu.memory_space<vmem>>, vector<16xi32>,
    %add3A_889 = arith.constant 900000 : i32
    %add3A_890 = vector.broadcast %add3A_889 : i32 to vector<16xi32>
    %add3A_891 = arith.addi %min3A_825, %add3A_890 : vector<16xi32>
    %swap3A_892 = arith.constant 4720 : index
    %swap3A_893 = tpu.vector_load %arg6[%swap3A_892] {strides = array<i32>} : memref<8192xi32, #tpu.memory_space<vmem>>, vector<16xi32>,
    %swap3A_894 = vector.shape_cast %swap3A_893 : vector<16xi32> to vector<16xi32>
    %swap3A_895 = vector.shape_cast %add3A_891 : vector<16xi32> to vector<16xi32>
    tpu.vector_store %arg6[%swap3A_892], %swap3A_895 {strides = array<i32>} : memref<8192xi32, #tpu.memory_space<vmem>>, vector<16xi32>,
    %add3A_896 = arith.constant 1000000 : i32
    %add3A_897 = vector.broadcast %add3A_896 : i32 to vector<16xi32>
    %add3A_898 = arith.addi %min3A_825, %add3A_897 : vector<16xi32>
    %swap3A_899 = arith.constant 5232 : index
    %swap3A_900 = tpu.vector_load %arg6[%swap3A_899] {strides = array<i32>} : memref<8192xi32, #tpu.memory_space<vmem>>, vector<16xi32>,
    %swap3A_901 = vector.shape_cast %swap3A_900 : vector<16xi32> to vector<16xi32>
    %swap3A_902 = vector.shape_cast %add3A_898 : vector<16xi32> to vector<16xi32>
    tpu.vector_store %arg6[%swap3A_899], %swap3A_902 {strides = array<i32>} : memref<8192xi32, #tpu.memory_space<vmem>>, vector<16xi32>,
    %add3A_903 = arith.constant 1100000 : i32
    %add3A_904 = vector.broadcast %add3A_903 : i32 to vector<16xi32>
    %add3A_905 = arith.addi %min3A_825, %add3A_904 : vector<16xi32>
    %swap3A_906 = arith.constant 5744 : index
    %swap3A_907 = tpu.vector_load %arg6[%swap3A_906] {strides = array<i32>} : memref<8192xi32, #tpu.memory_space<vmem>>, vector<16xi32>,
    %swap3A_908 = vector.shape_cast %swap3A_907 : vector<16xi32> to vector<16xi32>
    %swap3A_909 = vector.shape_cast %add3A_905 : vector<16xi32> to vector<16xi32>
    tpu.vector_store %arg6[%swap3A_906], %swap3A_909 {strides = array<i32>} : memref<8192xi32, #tpu.memory_space<vmem>>, vector<16xi32>,
    %add3A_910 = arith.constant 1200000 : i32
    %add3A_911 = vector.broadcast %add3A_910 : i32 to vector<16xi32>
    %add3A_912 = arith.addi %min3A_825, %add3A_911 : vector<16xi32>
    %swap3A_913 = arith.constant 6256 : index
    %swap3A_914 = tpu.vector_load %arg6[%swap3A_913] {strides = array<i32>} : memref<8192xi32, #tpu.memory_space<vmem>>, vector<16xi32>,
    %swap3A_915 = vector.shape_cast %swap3A_914 : vector<16xi32> to vector<16xi32>
    %swap3A_916 = vector.shape_cast %add3A_912 : vector<16xi32> to vector<16xi32>
    tpu.vector_store %arg6[%swap3A_913], %swap3A_916 {strides = array<i32>} : memref<8192xi32, #tpu.memory_space<vmem>>, vector<16xi32>,
    %add3A_917 = arith.constant 1300000 : i32
    %add3A_918 = vector.broadcast %add3A_917 : i32 to vector<16xi32>
    %add3A_919 = arith.addi %min3A_825, %add3A_918 : vector<16xi32>
    %swap3A_920 = arith.constant 6768 : index
    %swap3A_921 = tpu.vector_load %arg6[%swap3A_920] {strides = array<i32>} : memref<8192xi32, #tpu.memory_space<vmem>>, vector<16xi32>,
    %swap3A_922 = vector.shape_cast %swap3A_921 : vector<16xi32> to vector<16xi32>
    %swap3A_923 = vector.shape_cast %add3A_919 : vector<16xi32> to vector<16xi32>
    tpu.vector_store %arg6[%swap3A_920], %swap3A_923 {strides = array<i32>} : memref<8192xi32, #tpu.memory_space<vmem>>, vector<16xi32>,
    %add3A_924 = arith.constant 1400000 : i32
    %add3A_925 = vector.broadcast %add3A_924 : i32 to vector<16xi32>
    %add3A_926 = arith.addi %min3A_825, %add3A_925 : vector<16xi32>
    %swap3A_927 = arith.constant 7280 : index
    %swap3A_928 = tpu.vector_load %arg6[%swap3A_927] {strides = array<i32>} : memref<8192xi32, #tpu.memory_space<vmem>>, vector<16xi32>,
    %swap3A_929 = vector.shape_cast %swap3A_928 : vector<16xi32> to vector<16xi32>
    %swap3A_930 = vector.shape_cast %add3A_926 : vector<16xi32> to vector<16xi32>
    tpu.vector_store %arg6[%swap3A_927], %swap3A_930 {strides = array<i32>} : memref<8192xi32, #tpu.memory_space<vmem>>, vector<16xi32>,
    %add3A_931 = arith.constant 1500000 : i32
    %add3A_932 = vector.broadcast %add3A_931 : i32 to vector<16xi32>
    %add3A_933 = arith.addi %min3A_825, %add3A_932 : vector<16xi32>
    %swap3A_934 = arith.constant 7792 : index
    %swap3A_935 = tpu.vector_load %arg6[%swap3A_934] {strides = array<i32>} : memref<8192xi32, #tpu.memory_space<vmem>>, vector<16xi32>,
    %swap3A_936 = vector.shape_cast %swap3A_935 : vector<16xi32> to vector<16xi32>
    %swap3A_937 = vector.shape_cast %add3A_933 : vector<16xi32> to vector<16xi32>
    tpu.vector_store %arg6[%swap3A_934], %swap3A_937 {strides = array<i32>} : memref<8192xi32, #tpu.memory_space<vmem>>, vector<16xi32>,
    %get3A_938 = arith.constant 128 : index
    %get3A_939 = tpu.vector_load %arg5[%get3A_938] {strides = array<i32>} : memref<512xi32, #tpu.memory_space<vmem>>, vector<16xi32>,
    %get3A_940 = vector.shape_cast %get3A_939 : vector<16xi32> to vector<16xi32>
    %max3A_941 = arith.maxsi %get3A_940, %broadcast_in_dim3A_5 : vector<16xi32>
    %min3A_942 = arith.minsi %max3A_941, %broadcast_in_dim3A_3 : vector<16xi32>
    %add3A_943 = arith.constant 0 : i32
    %add3A_944 = vector.broadcast %add3A_943 : i32 to vector<16xi32>
    %add3A_945 = arith.addi %min3A_942, %add3A_944 : vector<16xi32>
    %swap3A_946 = arith.constant 128 : index
    %swap3A_947 = tpu.vector_load %arg6[%swap3A_946] {strides = array<i32>} : memref<8192xi32, #tpu.memory_space<vmem>>, vector<16xi32>,
    %swap3A_948 = vector.shape_cast %swap3A_947 : vector<16xi32> to vector<16xi32>
    %swap3A_949 = vector.shape_cast %add3A_945 : vector<16xi32> to vector<16xi32>
    tpu.vector_store %arg6[%swap3A_946], %swap3A_949 {strides = array<i32>} : memref<8192xi32, #tpu.memory_space<vmem>>, vector<16xi32>,
    %add3A_950 = arith.constant 100000 : i32
    %add3A_951 = vector.broadcast %add3A_950 : i32 to vector<16xi32>
    %add3A_952 = arith.addi %min3A_942, %add3A_951 : vector<16xi32>
    %swap3A_953 = arith.constant 640 : index
    %swap3A_954 = tpu.vector_load %arg6[%swap3A_953] {strides = array<i32>} : memref<8192xi32, #tpu.memory_space<vmem>>, vector<16xi32>,
    %swap3A_955 = vector.shape_cast %swap3A_954 : vector<16xi32> to vector<16xi32>
    %swap3A_956 = vector.shape_cast %add3A_952 : vector<16xi32> to vector<16xi32>
    tpu.vector_store %arg6[%swap3A_953], %swap3A_956 {strides = array<i32>} : memref<8192xi32, #tpu.memory_space<vmem>>, vector<16xi32>,
    %add3A_957 = arith.constant 200000 : i32
    %add3A_958 = vector.broadcast %add3A_957 : i32 to vector<16xi32>
    %add3A_959 = arith.addi %min3A_942, %add3A_958 : vector<16xi32>
    %swap3A_960 = arith.constant 1152 : index
    %swap3A_961 = tpu.vector_load %arg6[%swap3A_960] {strides = array<i32>} : memref<8192xi32, #tpu.memory_space<vmem>>, vector<16xi32>,
    %swap3A_962 = vector.shape_cast %swap3A_961 : vector<16xi32> to vector<16xi32>
    %swap3A_963 = vector.shape_cast %add3A_959 : vector<16xi32> to vector<16xi32>
    tpu.vector_store %arg6[%swap3A_960], %swap3A_963 {strides = array<i32>} : memref<8192xi32, #tpu.memory_space<vmem>>, vector<16xi32>,
    %add3A_964 = arith.constant 300000 : i32
    %add3A_965 = vector.broadcast %add3A_964 : i32 to vector<16xi32>
    %add3A_966 = arith.addi %min3A_942, %add3A_965 : vector<16xi32>
    %swap3A_967 = arith.constant 1664 : index
    %swap3A_968 = tpu.vector_load %arg6[%swap3A_967] {strides = array<i32>} : memref<8192xi32, #tpu.memory_space<vmem>>, vector<16xi32>,
    %swap3A_969 = vector.shape_cast %swap3A_968 : vector<16xi32> to vector<16xi32>
    %swap3A_970 = vector.shape_cast %add3A_966 : vector<16xi32> to vector<16xi32>
    tpu.vector_store %arg6[%swap3A_967], %swap3A_970 {strides = array<i32>} : memref<8192xi32, #tpu.memory_space<vmem>>, vector<16xi32>,
    %add3A_971 = arith.constant 400000 : i32
    %add3A_972 = vector.broadcast %add3A_971 : i32 to vector<16xi32>
    %add3A_973 = arith.addi %min3A_942, %add3A_972 : vector<16xi32>
    %swap3A_974 = arith.constant 2176 : index
    %swap3A_975 = tpu.vector_load %arg6[%swap3A_974] {strides = array<i32>} : memref<8192xi32, #tpu.memory_space<vmem>>, vector<16xi32>,
    %swap3A_976 = vector.shape_cast %swap3A_975 : vector<16xi32> to vector<16xi32>
    %swap3A_977 = vector.shape_cast %add3A_973 : vector<16xi32> to vector<16xi32>
    tpu.vector_store %arg6[%swap3A_974], %swap3A_977 {strides = array<i32>} : memref<8192xi32, #tpu.memory_space<vmem>>, vector<16xi32>,
    %add3A_978 = arith.constant 500000 : i32
    %add3A_979 = vector.broadcast %add3A_978 : i32 to vector<16xi32>
    %add3A_980 = arith.addi %min3A_942, %add3A_979 : vector<16xi32>
    %swap3A_981 = arith.constant 2688 : index
    %swap3A_982 = tpu.vector_load %arg6[%swap3A_981] {strides = array<i32>} : memref<8192xi32, #tpu.memory_space<vmem>>, vector<16xi32>,
    %swap3A_983 = vector.shape_cast %swap3A_982 : vector<16xi32> to vector<16xi32>
    %swap3A_984 = vector.shape_cast %add3A_980 : vector<16xi32> to vector<16xi32>
    tpu.vector_store %arg6[%swap3A_981], %swap3A_984 {strides = array<i32>} : memref<8192xi32, #tpu.memory_space<vmem>>, vector<16xi32>,
    %add3A_985 = arith.constant 600000 : i32
    %add3A_986 = vector.broadcast %add3A_985 : i32 to vector<16xi32>
    %add3A_987 = arith.addi %min3A_942, %add3A_986 : vector<16xi32>
    %swap3A_988 = arith.constant 3200 : index
    %swap3A_989 = tpu.vector_load %arg6[%swap3A_988] {strides = array<i32>} : memref<8192xi32, #tpu.memory_space<vmem>>, vector<16xi32>,
    %swap3A_990 = vector.shape_cast %swap3A_989 : vector<16xi32> to vector<16xi32>
    %swap3A_991 = vector.shape_cast %add3A_987 : vector<16xi32> to vector<16xi32>
    tpu.vector_store %arg6[%swap3A_988], %swap3A_991 {strides = array<i32>} : memref<8192xi32, #tpu.memory_space<vmem>>, vector<16xi32>,
    %add3A_992 = arith.constant 700000 : i32
    %add3A_993 = vector.broadcast %add3A_992 : i32 to vector<16xi32>
    %add3A_994 = arith.addi %min3A_942, %add3A_993 : vector<16xi32>
    %swap3A_995 = arith.constant 3712 : index
    %swap3A_996 = tpu.vector_load %arg6[%swap3A_995] {strides = array<i32>} : memref<8192xi32, #tpu.memory_space<vmem>>, vector<16xi32>,
    %swap3A_997 = vector.shape_cast %swap3A_996 : vector<16xi32> to vector<16xi32>
    %swap3A_998 = vector.shape_cast %add3A_994 : vector<16xi32> to vector<16xi32>
    tpu.vector_store %arg6[%swap3A_995], %swap3A_998 {strides = array<i32>} : memref<8192xi32, #tpu.memory_space<vmem>>, vector<16xi32>,
    %add3A_999 = arith.constant 800000 : i32
    %add3A_1000 = vector.broadcast %add3A_999 : i32 to vector<16xi32>
    %add3A_1001 = arith.addi %min3A_942, %add3A_1000 : vector<16xi32>
    %swap3A_1002 = arith.constant 4224 : index
    %swap3A_1003 = tpu.vector_load %arg6[%swap3A_1002] {strides = array<i32>} : memref<8192xi32, #tpu.memory_space<vmem>>, vector<16xi32>,
    %swap3A_1004 = vector.shape_cast %swap3A_1003 : vector<16xi32> to vector<16xi32>
    %swap3A_1005 = vector.shape_cast %add3A_1001 : vector<16xi32> to vector<16xi32>
    tpu.vector_store %arg6[%swap3A_1002], %swap3A_1005 {strides = array<i32>} : memref<8192xi32, #tpu.memory_space<vmem>>, vector<16xi32>,
    %add3A_1006 = arith.constant 900000 : i32
    %add3A_1007 = vector.broadcast %add3A_1006 : i32 to vector<16xi32>
    %add3A_1008 = arith.addi %min3A_942, %add3A_1007 : vector<16xi32>
    %swap3A_1009 = arith.constant 4736 : index
    %swap3A_1010 = tpu.vector_load %arg6[%swap3A_1009] {strides = array<i32>} : memref<8192xi32, #tpu.memory_space<vmem>>, vector<16xi32>,
    %swap3A_1011 = vector.shape_cast %swap3A_1010 : vector<16xi32> to vector<16xi32>
    %swap3A_1012 = vector.shape_cast %add3A_1008 : vector<16xi32> to vector<16xi32>
    tpu.vector_store %arg6[%swap3A_1009], %swap3A_1012 {strides = array<i32>} : memref<8192xi32, #tpu.memory_space<vmem>>, vector<16xi32>,
    %add3A_1013 = arith.constant 1000000 : i32
    %add3A_1014 = vector.broadcast %add3A_1013 : i32 to vector<16xi32>
    %add3A_1015 = arith.addi %min3A_942, %add3A_1014 : vector<16xi32>
    %swap3A_1016 = arith.constant 5248 : index
    %swap3A_1017 = tpu.vector_load %arg6[%swap3A_1016] {strides = array<i32>} : memref<8192xi32, #tpu.memory_space<vmem>>, vector<16xi32>,
    %swap3A_1018 = vector.shape_cast %swap3A_1017 : vector<16xi32> to vector<16xi32>
    %swap3A_1019 = vector.shape_cast %add3A_1015 : vector<16xi32> to vector<16xi32>
    tpu.vector_store %arg6[%swap3A_1016], %swap3A_1019 {strides = array<i32>} : memref<8192xi32, #tpu.memory_space<vmem>>, vector<16xi32>,
    %add3A_1020 = arith.constant 1100000 : i32
    %add3A_1021 = vector.broadcast %add3A_1020 : i32 to vector<16xi32>
    %add3A_1022 = arith.addi %min3A_942, %add3A_1021 : vector<16xi32>
    %swap3A_1023 = arith.constant 5760 : index
    %swap3A_1024 = tpu.vector_load %arg6[%swap3A_1023] {strides = array<i32>} : memref<8192xi32, #tpu.memory_space<vmem>>, vector<16xi32>,
    %swap3A_1025 = vector.shape_cast %swap3A_1024 : vector<16xi32> to vector<16xi32>
    %swap3A_1026 = vector.shape_cast %add3A_1022 : vector<16xi32> to vector<16xi32>
    tpu.vector_store %arg6[%swap3A_1023], %swap3A_1026 {strides = array<i32>} : memref<8192xi32, #tpu.memory_space<vmem>>, vector<16xi32>,
    %add3A_1027 = arith.constant 1200000 : i32
    %add3A_1028 = vector.broadcast %add3A_1027 : i32 to vector<16xi32>
    %add3A_1029 = arith.addi %min3A_942, %add3A_1028 : vector<16xi32>
    %swap3A_1030 = arith.constant 6272 : index
    %swap3A_1031 = tpu.vector_load %arg6[%swap3A_1030] {strides = array<i32>} : memref<8192xi32, #tpu.memory_space<vmem>>, vector<16xi32>,
    %swap3A_1032 = vector.shape_cast %swap3A_1031 : vector<16xi32> to vector<16xi32>
    %swap3A_1033 = vector.shape_cast %add3A_1029 : vector<16xi32> to vector<16xi32>
    tpu.vector_store %arg6[%swap3A_1030], %swap3A_1033 {strides = array<i32>} : memref<8192xi32, #tpu.memory_space<vmem>>, vector<16xi32>,
    %add3A_1034 = arith.constant 1300000 : i32
    %add3A_1035 = vector.broadcast %add3A_1034 : i32 to vector<16xi32>
    %add3A_1036 = arith.addi %min3A_942, %add3A_1035 : vector<16xi32>
    %swap3A_1037 = arith.constant 6784 : index
    %swap3A_1038 = tpu.vector_load %arg6[%swap3A_1037] {strides = array<i32>} : memref<8192xi32, #tpu.memory_space<vmem>>, vector<16xi32>,
    %swap3A_1039 = vector.shape_cast %swap3A_1038 : vector<16xi32> to vector<16xi32>
    %swap3A_1040 = vector.shape_cast %add3A_1036 : vector<16xi32> to vector<16xi32>
    tpu.vector_store %arg6[%swap3A_1037], %swap3A_1040 {strides = array<i32>} : memref<8192xi32, #tpu.memory_space<vmem>>, vector<16xi32>,
    %add3A_1041 = arith.constant 1400000 : i32
    %add3A_1042 = vector.broadcast %add3A_1041 : i32 to vector<16xi32>
    %add3A_1043 = arith.addi %min3A_942, %add3A_1042 : vector<16xi32>
    %swap3A_1044 = arith.constant 7296 : index
    %swap3A_1045 = tpu.vector_load %arg6[%swap3A_1044] {strides = array<i32>} : memref<8192xi32, #tpu.memory_space<vmem>>, vector<16xi32>,
    %swap3A_1046 = vector.shape_cast %swap3A_1045 : vector<16xi32> to vector<16xi32>
    %swap3A_1047 = vector.shape_cast %add3A_1043 : vector<16xi32> to vector<16xi32>
    tpu.vector_store %arg6[%swap3A_1044], %swap3A_1047 {strides = array<i32>} : memref<8192xi32, #tpu.memory_space<vmem>>, vector<16xi32>,
    %add3A_1048 = arith.constant 1500000 : i32
    %add3A_1049 = vector.broadcast %add3A_1048 : i32 to vector<16xi32>
    %add3A_1050 = arith.addi %min3A_942, %add3A_1049 : vector<16xi32>
    %swap3A_1051 = arith.constant 7808 : index
    %swap3A_1052 = tpu.vector_load %arg6[%swap3A_1051] {strides = array<i32>} : memref<8192xi32, #tpu.memory_space<vmem>>, vector<16xi32>,
    %swap3A_1053 = vector.shape_cast %swap3A_1052 : vector<16xi32> to vector<16xi32>
    %swap3A_1054 = vector.shape_cast %add3A_1050 : vector<16xi32> to vector<16xi32>
    tpu.vector_store %arg6[%swap3A_1051], %swap3A_1054 {strides = array<i32>} : memref<8192xi32, #tpu.memory_space<vmem>>, vector<16xi32>,
    %get3A_1055 = arith.constant 144 : index
    %get3A_1056 = tpu.vector_load %arg5[%get3A_1055] {strides = array<i32>} : memref<512xi32, #tpu.memory_space<vmem>>, vector<16xi32>,
    %get3A_1057 = vector.shape_cast %get3A_1056 : vector<16xi32> to vector<16xi32>
    %max3A_1058 = arith.maxsi %get3A_1057, %broadcast_in_dim3A_5 : vector<16xi32>
    %min3A_1059 = arith.minsi %max3A_1058, %broadcast_in_dim3A_3 : vector<16xi32>
    %add3A_1060 = arith.constant 0 : i32
    %add3A_1061 = vector.broadcast %add3A_1060 : i32 to vector<16xi32>
    %add3A_1062 = arith.addi %min3A_1059, %add3A_1061 : vector<16xi32>
    %swap3A_1063 = arith.constant 144 : index
    %swap3A_1064 = tpu.vector_load %arg6[%swap3A_1063] {strides = array<i32>} : memref<8192xi32, #tpu.memory_space<vmem>>, vector<16xi32>,
    %swap3A_1065 = vector.shape_cast %swap3A_1064 : vector<16xi32> to vector<16xi32>
    %swap3A_1066 = vector.shape_cast %add3A_1062 : vector<16xi32> to vector<16xi32>
    tpu.vector_store %arg6[%swap3A_1063], %swap3A_1066 {strides = array<i32>} : memref<8192xi32, #tpu.memory_space<vmem>>, vector<16xi32>,
    %add3A_1067 = arith.constant 100000 : i32
    %add3A_1068 = vector.broadcast %add3A_1067 : i32 to vector<16xi32>
    %add3A_1069 = arith.addi %min3A_1059, %add3A_1068 : vector<16xi32>
    %swap3A_1070 = arith.constant 656 : index
    %swap3A_1071 = tpu.vector_load %arg6[%swap3A_1070] {strides = array<i32>} : memref<8192xi32, #tpu.memory_space<vmem>>, vector<16xi32>,
    %swap3A_1072 = vector.shape_cast %swap3A_1071 : vector<16xi32> to vector<16xi32>
    %swap3A_1073 = vector.shape_cast %add3A_1069 : vector<16xi32> to vector<16xi32>
    tpu.vector_store %arg6[%swap3A_1070], %swap3A_1073 {strides = array<i32>} : memref<8192xi32, #tpu.memory_space<vmem>>, vector<16xi32>,
    %add3A_1074 = arith.constant 200000 : i32
    %add3A_1075 = vector.broadcast %add3A_1074 : i32 to vector<16xi32>
    %add3A_1076 = arith.addi %min3A_1059, %add3A_1075 : vector<16xi32>
    %swap3A_1077 = arith.constant 1168 : index
    %swap3A_1078 = tpu.vector_load %arg6[%swap3A_1077] {strides = array<i32>} : memref<8192xi32, #tpu.memory_space<vmem>>, vector<16xi32>,
    %swap3A_1079 = vector.shape_cast %swap3A_1078 : vector<16xi32> to vector<16xi32>
    %swap3A_1080 = vector.shape_cast %add3A_1076 : vector<16xi32> to vector<16xi32>
    tpu.vector_store %arg6[%swap3A_1077], %swap3A_1080 {strides = array<i32>} : memref<8192xi32, #tpu.memory_space<vmem>>, vector<16xi32>,
    %add3A_1081 = arith.constant 300000 : i32
    %add3A_1082 = vector.broadcast %add3A_1081 : i32 to vector<16xi32>
    %add3A_1083 = arith.addi %min3A_1059, %add3A_1082 : vector<16xi32>
    %swap3A_1084 = arith.constant 1680 : index
    %swap3A_1085 = tpu.vector_load %arg6[%swap3A_1084] {strides = array<i32>} : memref<8192xi32, #tpu.memory_space<vmem>>, vector<16xi32>,
    %swap3A_1086 = vector.shape_cast %swap3A_1085 : vector<16xi32> to vector<16xi32>
    %swap3A_1087 = vector.shape_cast %add3A_1083 : vector<16xi32> to vector<16xi32>
    tpu.vector_store %arg6[%swap3A_1084], %swap3A_1087 {strides = array<i32>} : memref<8192xi32, #tpu.memory_space<vmem>>, vector<16xi32>,
    %add3A_1088 = arith.constant 400000 : i32
    %add3A_1089 = vector.broadcast %add3A_1088 : i32 to vector<16xi32>
    %add3A_1090 = arith.addi %min3A_1059, %add3A_1089 : vector<16xi32>
    %swap3A_1091 = arith.constant 2192 : index
    %swap3A_1092 = tpu.vector_load %arg6[%swap3A_1091] {strides = array<i32>} : memref<8192xi32, #tpu.memory_space<vmem>>, vector<16xi32>,
    %swap3A_1093 = vector.shape_cast %swap3A_1092 : vector<16xi32> to vector<16xi32>
    %swap3A_1094 = vector.shape_cast %add3A_1090 : vector<16xi32> to vector<16xi32>
    tpu.vector_store %arg6[%swap3A_1091], %swap3A_1094 {strides = array<i32>} : memref<8192xi32, #tpu.memory_space<vmem>>, vector<16xi32>,
    %add3A_1095 = arith.constant 500000 : i32
    %add3A_1096 = vector.broadcast %add3A_1095 : i32 to vector<16xi32>
    %add3A_1097 = arith.addi %min3A_1059, %add3A_1096 : vector<16xi32>
    %swap3A_1098 = arith.constant 2704 : index
    %swap3A_1099 = tpu.vector_load %arg6[%swap3A_1098] {strides = array<i32>} : memref<8192xi32, #tpu.memory_space<vmem>>, vector<16xi32>,
    %swap3A_1100 = vector.shape_cast %swap3A_1099 : vector<16xi32> to vector<16xi32>
    %swap3A_1101 = vector.shape_cast %add3A_1097 : vector<16xi32> to vector<16xi32>
    tpu.vector_store %arg6[%swap3A_1098], %swap3A_1101 {strides = array<i32>} : memref<8192xi32, #tpu.memory_space<vmem>>, vector<16xi32>,
    %add3A_1102 = arith.constant 600000 : i32
    %add3A_1103 = vector.broadcast %add3A_1102 : i32 to vector<16xi32>
    %add3A_1104 = arith.addi %min3A_1059, %add3A_1103 : vector<16xi32>
    %swap3A_1105 = arith.constant 3216 : index
    %swap3A_1106 = tpu.vector_load %arg6[%swap3A_1105] {strides = array<i32>} : memref<8192xi32, #tpu.memory_space<vmem>>, vector<16xi32>,
    %swap3A_1107 = vector.shape_cast %swap3A_1106 : vector<16xi32> to vector<16xi32>
    %swap3A_1108 = vector.shape_cast %add3A_1104 : vector<16xi32> to vector<16xi32>
    tpu.vector_store %arg6[%swap3A_1105], %swap3A_1108 {strides = array<i32>} : memref<8192xi32, #tpu.memory_space<vmem>>, vector<16xi32>,
    %add3A_1109 = arith.constant 700000 : i32
    %add3A_1110 = vector.broadcast %add3A_1109 : i32 to vector<16xi32>
    %add3A_1111 = arith.addi %min3A_1059, %add3A_1110 : vector<16xi32>
    %swap3A_1112 = arith.constant 3728 : index
    %swap3A_1113 = tpu.vector_load %arg6[%swap3A_1112] {strides = array<i32>} : memref<8192xi32, #tpu.memory_space<vmem>>, vector<16xi32>,
    %swap3A_1114 = vector.shape_cast %swap3A_1113 : vector<16xi32> to vector<16xi32>
    %swap3A_1115 = vector.shape_cast %add3A_1111 : vector<16xi32> to vector<16xi32>
    tpu.vector_store %arg6[%swap3A_1112], %swap3A_1115 {strides = array<i32>} : memref<8192xi32, #tpu.memory_space<vmem>>, vector<16xi32>,
    %add3A_1116 = arith.constant 800000 : i32
    %add3A_1117 = vector.broadcast %add3A_1116 : i32 to vector<16xi32>
    %add3A_1118 = arith.addi %min3A_1059, %add3A_1117 : vector<16xi32>
    %swap3A_1119 = arith.constant 4240 : index
    %swap3A_1120 = tpu.vector_load %arg6[%swap3A_1119] {strides = array<i32>} : memref<8192xi32, #tpu.memory_space<vmem>>, vector<16xi32>,
    %swap3A_1121 = vector.shape_cast %swap3A_1120 : vector<16xi32> to vector<16xi32>
    %swap3A_1122 = vector.shape_cast %add3A_1118 : vector<16xi32> to vector<16xi32>
    tpu.vector_store %arg6[%swap3A_1119], %swap3A_1122 {strides = array<i32>} : memref<8192xi32, #tpu.memory_space<vmem>>, vector<16xi32>,
    %add3A_1123 = arith.constant 900000 : i32
    %add3A_1124 = vector.broadcast %add3A_1123 : i32 to vector<16xi32>
    %add3A_1125 = arith.addi %min3A_1059, %add3A_1124 : vector<16xi32>
    %swap3A_1126 = arith.constant 4752 : index
    %swap3A_1127 = tpu.vector_load %arg6[%swap3A_1126] {strides = array<i32>} : memref<8192xi32, #tpu.memory_space<vmem>>, vector<16xi32>,
    %swap3A_1128 = vector.shape_cast %swap3A_1127 : vector<16xi32> to vector<16xi32>
    %swap3A_1129 = vector.shape_cast %add3A_1125 : vector<16xi32> to vector<16xi32>
    tpu.vector_store %arg6[%swap3A_1126], %swap3A_1129 {strides = array<i32>} : memref<8192xi32, #tpu.memory_space<vmem>>, vector<16xi32>,
    %add3A_1130 = arith.constant 1000000 : i32
    %add3A_1131 = vector.broadcast %add3A_1130 : i32 to vector<16xi32>
    %add3A_1132 = arith.addi %min3A_1059, %add3A_1131 : vector<16xi32>
    %swap3A_1133 = arith.constant 5264 : index
    %swap3A_1134 = tpu.vector_load %arg6[%swap3A_1133] {strides = array<i32>} : memref<8192xi32, #tpu.memory_space<vmem>>, vector<16xi32>,
    %swap3A_1135 = vector.shape_cast %swap3A_1134 : vector<16xi32> to vector<16xi32>
    %swap3A_1136 = vector.shape_cast %add3A_1132 : vector<16xi32> to vector<16xi32>
    tpu.vector_store %arg6[%swap3A_1133], %swap3A_1136 {strides = array<i32>} : memref<8192xi32, #tpu.memory_space<vmem>>, vector<16xi32>,
    %add3A_1137 = arith.constant 1100000 : i32
    %add3A_1138 = vector.broadcast %add3A_1137 : i32 to vector<16xi32>
    %add3A_1139 = arith.addi %min3A_1059, %add3A_1138 : vector<16xi32>
    %swap3A_1140 = arith.constant 5776 : index
    %swap3A_1141 = tpu.vector_load %arg6[%swap3A_1140] {strides = array<i32>} : memref<8192xi32, #tpu.memory_space<vmem>>, vector<16xi32>,
    %swap3A_1142 = vector.shape_cast %swap3A_1141 : vector<16xi32> to vector<16xi32>
    %swap3A_1143 = vector.shape_cast %add3A_1139 : vector<16xi32> to vector<16xi32>
    tpu.vector_store %arg6[%swap3A_1140], %swap3A_1143 {strides = array<i32>} : memref<8192xi32, #tpu.memory_space<vmem>>, vector<16xi32>,
    %add3A_1144 = arith.constant 1200000 : i32
    %add3A_1145 = vector.broadcast %add3A_1144 : i32 to vector<16xi32>
    %add3A_1146 = arith.addi %min3A_1059, %add3A_1145 : vector<16xi32>
    %swap3A_1147 = arith.constant 6288 : index
    %swap3A_1148 = tpu.vector_load %arg6[%swap3A_1147] {strides = array<i32>} : memref<8192xi32, #tpu.memory_space<vmem>>, vector<16xi32>,
    %swap3A_1149 = vector.shape_cast %swap3A_1148 : vector<16xi32> to vector<16xi32>
    %swap3A_1150 = vector.shape_cast %add3A_1146 : vector<16xi32> to vector<16xi32>
    tpu.vector_store %arg6[%swap3A_1147], %swap3A_1150 {strides = array<i32>} : memref<8192xi32, #tpu.memory_space<vmem>>, vector<16xi32>,
    %add3A_1151 = arith.constant 1300000 : i32
    %add3A_1152 = vector.broadcast %add3A_1151 : i32 to vector<16xi32>
    %add3A_1153 = arith.addi %min3A_1059, %add3A_1152 : vector<16xi32>
    %swap3A_1154 = arith.constant 6800 : index
    %swap3A_1155 = tpu.vector_load %arg6[%swap3A_1154] {strides = array<i32>} : memref<8192xi32, #tpu.memory_space<vmem>>, vector<16xi32>,
    %swap3A_1156 = vector.shape_cast %swap3A_1155 : vector<16xi32> to vector<16xi32>
    %swap3A_1157 = vector.shape_cast %add3A_1153 : vector<16xi32> to vector<16xi32>
    tpu.vector_store %arg6[%swap3A_1154], %swap3A_1157 {strides = array<i32>} : memref<8192xi32, #tpu.memory_space<vmem>>, vector<16xi32>,
    %add3A_1158 = arith.constant 1400000 : i32
    %add3A_1159 = vector.broadcast %add3A_1158 : i32 to vector<16xi32>
    %add3A_1160 = arith.addi %min3A_1059, %add3A_1159 : vector<16xi32>
    %swap3A_1161 = arith.constant 7312 : index
    %swap3A_1162 = tpu.vector_load %arg6[%swap3A_1161] {strides = array<i32>} : memref<8192xi32, #tpu.memory_space<vmem>>, vector<16xi32>,
    %swap3A_1163 = vector.shape_cast %swap3A_1162 : vector<16xi32> to vector<16xi32>
    %swap3A_1164 = vector.shape_cast %add3A_1160 : vector<16xi32> to vector<16xi32>
    tpu.vector_store %arg6[%swap3A_1161], %swap3A_1164 {strides = array<i32>} : memref<8192xi32, #tpu.memory_space<vmem>>, vector<16xi32>,
    %add3A_1165 = arith.constant 1500000 : i32
    %add3A_1166 = vector.broadcast %add3A_1165 : i32 to vector<16xi32>
    %add3A_1167 = arith.addi %min3A_1059, %add3A_1166 : vector<16xi32>
    %swap3A_1168 = arith.constant 7824 : index
    %swap3A_1169 = tpu.vector_load %arg6[%swap3A_1168] {strides = array<i32>} : memref<8192xi32, #tpu.memory_space<vmem>>, vector<16xi32>,
    %swap3A_1170 = vector.shape_cast %swap3A_1169 : vector<16xi32> to vector<16xi32>
    %swap3A_1171 = vector.shape_cast %add3A_1167 : vector<16xi32> to vector<16xi32>
    tpu.vector_store %arg6[%swap3A_1168], %swap3A_1171 {strides = array<i32>} : memref<8192xi32, #tpu.memory_space<vmem>>, vector<16xi32>,
    %get3A_1172 = arith.constant 160 : index
    %get3A_1173 = tpu.vector_load %arg5[%get3A_1172] {strides = array<i32>} : memref<512xi32, #tpu.memory_space<vmem>>, vector<16xi32>,
    %get3A_1174 = vector.shape_cast %get3A_1173 : vector<16xi32> to vector<16xi32>
    %max3A_1175 = arith.maxsi %get3A_1174, %broadcast_in_dim3A_5 : vector<16xi32>
    %min3A_1176 = arith.minsi %max3A_1175, %broadcast_in_dim3A_3 : vector<16xi32>
    %add3A_1177 = arith.constant 0 : i32
    %add3A_1178 = vector.broadcast %add3A_1177 : i32 to vector<16xi32>
    %add3A_1179 = arith.addi %min3A_1176, %add3A_1178 : vector<16xi32>
    %swap3A_1180 = arith.constant 160 : index
    %swap3A_1181 = tpu.vector_load %arg6[%swap3A_1180] {strides = array<i32>} : memref<8192xi32, #tpu.memory_space<vmem>>, vector<16xi32>,
    %swap3A_1182 = vector.shape_cast %swap3A_1181 : vector<16xi32> to vector<16xi32>
    %swap3A_1183 = vector.shape_cast %add3A_1179 : vector<16xi32> to vector<16xi32>
    tpu.vector_store %arg6[%swap3A_1180], %swap3A_1183 {strides = array<i32>} : memref<8192xi32, #tpu.memory_space<vmem>>, vector<16xi32>,
    %add3A_1184 = arith.constant 100000 : i32
    %add3A_1185 = vector.broadcast %add3A_1184 : i32 to vector<16xi32>
    %add3A_1186 = arith.addi %min3A_1176, %add3A_1185 : vector<16xi32>
    %swap3A_1187 = arith.constant 672 : index
    %swap3A_1188 = tpu.vector_load %arg6[%swap3A_1187] {strides = array<i32>} : memref<8192xi32, #tpu.memory_space<vmem>>, vector<16xi32>,
    %swap3A_1189 = vector.shape_cast %swap3A_1188 : vector<16xi32> to vector<16xi32>
    %swap3A_1190 = vector.shape_cast %add3A_1186 : vector<16xi32> to vector<16xi32>
    tpu.vector_store %arg6[%swap3A_1187], %swap3A_1190 {strides = array<i32>} : memref<8192xi32, #tpu.memory_space<vmem>>, vector<16xi32>,
    %add3A_1191 = arith.constant 200000 : i32
    %add3A_1192 = vector.broadcast %add3A_1191 : i32 to vector<16xi32>
    %add3A_1193 = arith.addi %min3A_1176, %add3A_1192 : vector<16xi32>
    %swap3A_1194 = arith.constant 1184 : index
    %swap3A_1195 = tpu.vector_load %arg6[%swap3A_1194] {strides = array<i32>} : memref<8192xi32, #tpu.memory_space<vmem>>, vector<16xi32>,
    %swap3A_1196 = vector.shape_cast %swap3A_1195 : vector<16xi32> to vector<16xi32>
    %swap3A_1197 = vector.shape_cast %add3A_1193 : vector<16xi32> to vector<16xi32>
    tpu.vector_store %arg6[%swap3A_1194], %swap3A_1197 {strides = array<i32>} : memref<8192xi32, #tpu.memory_space<vmem>>, vector<16xi32>,
    %add3A_1198 = arith.constant 300000 : i32
    %add3A_1199 = vector.broadcast %add3A_1198 : i32 to vector<16xi32>
    %add3A_1200 = arith.addi %min3A_1176, %add3A_1199 : vector<16xi32>
    %swap3A_1201 = arith.constant 1696 : index
    %swap3A_1202 = tpu.vector_load %arg6[%swap3A_1201] {strides = array<i32>} : memref<8192xi32, #tpu.memory_space<vmem>>, vector<16xi32>,
    %swap3A_1203 = vector.shape_cast %swap3A_1202 : vector<16xi32> to vector<16xi32>
    %swap3A_1204 = vector.shape_cast %add3A_1200 : vector<16xi32> to vector<16xi32>
    tpu.vector_store %arg6[%swap3A_1201], %swap3A_1204 {strides = array<i32>} : memref<8192xi32, #tpu.memory_space<vmem>>, vector<16xi32>,
    %add3A_1205 = arith.constant 400000 : i32
    %add3A_1206 = vector.broadcast %add3A_1205 : i32 to vector<16xi32>
    %add3A_1207 = arith.addi %min3A_1176, %add3A_1206 : vector<16xi32>
    %swap3A_1208 = arith.constant 2208 : index
    %swap3A_1209 = tpu.vector_load %arg6[%swap3A_1208] {strides = array<i32>} : memref<8192xi32, #tpu.memory_space<vmem>>, vector<16xi32>,
    %swap3A_1210 = vector.shape_cast %swap3A_1209 : vector<16xi32> to vector<16xi32>
    %swap3A_1211 = vector.shape_cast %add3A_1207 : vector<16xi32> to vector<16xi32>
    tpu.vector_store %arg6[%swap3A_1208], %swap3A_1211 {strides = array<i32>} : memref<8192xi32, #tpu.memory_space<vmem>>, vector<16xi32>,
    %add3A_1212 = arith.constant 500000 : i32
    %add3A_1213 = vector.broadcast %add3A_1212 : i32 to vector<16xi32>
    %add3A_1214 = arith.addi %min3A_1176, %add3A_1213 : vector<16xi32>
    %swap3A_1215 = arith.constant 2720 : index
    %swap3A_1216 = tpu.vector_load %arg6[%swap3A_1215] {strides = array<i32>} : memref<8192xi32, #tpu.memory_space<vmem>>, vector<16xi32>,
    %swap3A_1217 = vector.shape_cast %swap3A_1216 : vector<16xi32> to vector<16xi32>
    %swap3A_1218 = vector.shape_cast %add3A_1214 : vector<16xi32> to vector<16xi32>
    tpu.vector_store %arg6[%swap3A_1215], %swap3A_1218 {strides = array<i32>} : memref<8192xi32, #tpu.memory_space<vmem>>, vector<16xi32>,
    %add3A_1219 = arith.constant 600000 : i32
    %add3A_1220 = vector.broadcast %add3A_1219 : i32 to vector<16xi32>
    %add3A_1221 = arith.addi %min3A_1176, %add3A_1220 : vector<16xi32>
    %swap3A_1222 = arith.constant 3232 : index
    %swap3A_1223 = tpu.vector_load %arg6[%swap3A_1222] {strides = array<i32>} : memref<8192xi32, #tpu.memory_space<vmem>>, vector<16xi32>,
    %swap3A_1224 = vector.shape_cast %swap3A_1223 : vector<16xi32> to vector<16xi32>
    %swap3A_1225 = vector.shape_cast %add3A_1221 : vector<16xi32> to vector<16xi32>
    tpu.vector_store %arg6[%swap3A_1222], %swap3A_1225 {strides = array<i32>} : memref<8192xi32, #tpu.memory_space<vmem>>, vector<16xi32>,
    %add3A_1226 = arith.constant 700000 : i32
    %add3A_1227 = vector.broadcast %add3A_1226 : i32 to vector<16xi32>
    %add3A_1228 = arith.addi %min3A_1176, %add3A_1227 : vector<16xi32>
    %swap3A_1229 = arith.constant 3744 : index
    %swap3A_1230 = tpu.vector_load %arg6[%swap3A_1229] {strides = array<i32>} : memref<8192xi32, #tpu.memory_space<vmem>>, vector<16xi32>,
    %swap3A_1231 = vector.shape_cast %swap3A_1230 : vector<16xi32> to vector<16xi32>
    %swap3A_1232 = vector.shape_cast %add3A_1228 : vector<16xi32> to vector<16xi32>
    tpu.vector_store %arg6[%swap3A_1229], %swap3A_1232 {strides = array<i32>} : memref<8192xi32, #tpu.memory_space<vmem>>, vector<16xi32>,
    %add3A_1233 = arith.constant 800000 : i32
    %add3A_1234 = vector.broadcast %add3A_1233 : i32 to vector<16xi32>
    %add3A_1235 = arith.addi %min3A_1176, %add3A_1234 : vector<16xi32>
    %swap3A_1236 = arith.constant 4256 : index
    %swap3A_1237 = tpu.vector_load %arg6[%swap3A_1236] {strides = array<i32>} : memref<8192xi32, #tpu.memory_space<vmem>>, vector<16xi32>,
    %swap3A_1238 = vector.shape_cast %swap3A_1237 : vector<16xi32> to vector<16xi32>
    %swap3A_1239 = vector.shape_cast %add3A_1235 : vector<16xi32> to vector<16xi32>
    tpu.vector_store %arg6[%swap3A_1236], %swap3A_1239 {strides = array<i32>} : memref<8192xi32, #tpu.memory_space<vmem>>, vector<16xi32>,
    %add3A_1240 = arith.constant 900000 : i32
    %add3A_1241 = vector.broadcast %add3A_1240 : i32 to vector<16xi32>
    %add3A_1242 = arith.addi %min3A_1176, %add3A_1241 : vector<16xi32>
    %swap3A_1243 = arith.constant 4768 : index
    %swap3A_1244 = tpu.vector_load %arg6[%swap3A_1243] {strides = array<i32>} : memref<8192xi32, #tpu.memory_space<vmem>>, vector<16xi32>,
    %swap3A_1245 = vector.shape_cast %swap3A_1244 : vector<16xi32> to vector<16xi32>
    %swap3A_1246 = vector.shape_cast %add3A_1242 : vector<16xi32> to vector<16xi32>
    tpu.vector_store %arg6[%swap3A_1243], %swap3A_1246 {strides = array<i32>} : memref<8192xi32, #tpu.memory_space<vmem>>, vector<16xi32>,
    %add3A_1247 = arith.constant 1000000 : i32
    %add3A_1248 = vector.broadcast %add3A_1247 : i32 to vector<16xi32>
    %add3A_1249 = arith.addi %min3A_1176, %add3A_1248 : vector<16xi32>
    %swap3A_1250 = arith.constant 5280 : index
    %swap3A_1251 = tpu.vector_load %arg6[%swap3A_1250] {strides = array<i32>} : memref<8192xi32, #tpu.memory_space<vmem>>, vector<16xi32>,
    %swap3A_1252 = vector.shape_cast %swap3A_1251 : vector<16xi32> to vector<16xi32>
    %swap3A_1253 = vector.shape_cast %add3A_1249 : vector<16xi32> to vector<16xi32>
    tpu.vector_store %arg6[%swap3A_1250], %swap3A_1253 {strides = array<i32>} : memref<8192xi32, #tpu.memory_space<vmem>>, vector<16xi32>,
    %add3A_1254 = arith.constant 1100000 : i32
    %add3A_1255 = vector.broadcast %add3A_1254 : i32 to vector<16xi32>
    %add3A_1256 = arith.addi %min3A_1176, %add3A_1255 : vector<16xi32>
    %swap3A_1257 = arith.constant 5792 : index
    %swap3A_1258 = tpu.vector_load %arg6[%swap3A_1257] {strides = array<i32>} : memref<8192xi32, #tpu.memory_space<vmem>>, vector<16xi32>,
    %swap3A_1259 = vector.shape_cast %swap3A_1258 : vector<16xi32> to vector<16xi32>
    %swap3A_1260 = vector.shape_cast %add3A_1256 : vector<16xi32> to vector<16xi32>
    tpu.vector_store %arg6[%swap3A_1257], %swap3A_1260 {strides = array<i32>} : memref<8192xi32, #tpu.memory_space<vmem>>, vector<16xi32>,
    %add3A_1261 = arith.constant 1200000 : i32
    %add3A_1262 = vector.broadcast %add3A_1261 : i32 to vector<16xi32>
    %add3A_1263 = arith.addi %min3A_1176, %add3A_1262 : vector<16xi32>
    %swap3A_1264 = arith.constant 6304 : index
    %swap3A_1265 = tpu.vector_load %arg6[%swap3A_1264] {strides = array<i32>} : memref<8192xi32, #tpu.memory_space<vmem>>, vector<16xi32>,
    %swap3A_1266 = vector.shape_cast %swap3A_1265 : vector<16xi32> to vector<16xi32>
    %swap3A_1267 = vector.shape_cast %add3A_1263 : vector<16xi32> to vector<16xi32>
    tpu.vector_store %arg6[%swap3A_1264], %swap3A_1267 {strides = array<i32>} : memref<8192xi32, #tpu.memory_space<vmem>>, vector<16xi32>,
    %add3A_1268 = arith.constant 1300000 : i32
    %add3A_1269 = vector.broadcast %add3A_1268 : i32 to vector<16xi32>
    %add3A_1270 = arith.addi %min3A_1176, %add3A_1269 : vector<16xi32>
    %swap3A_1271 = arith.constant 6816 : index
    %swap3A_1272 = tpu.vector_load %arg6[%swap3A_1271] {strides = array<i32>} : memref<8192xi32, #tpu.memory_space<vmem>>, vector<16xi32>,
    %swap3A_1273 = vector.shape_cast %swap3A_1272 : vector<16xi32> to vector<16xi32>
    %swap3A_1274 = vector.shape_cast %add3A_1270 : vector<16xi32> to vector<16xi32>
    tpu.vector_store %arg6[%swap3A_1271], %swap3A_1274 {strides = array<i32>} : memref<8192xi32, #tpu.memory_space<vmem>>, vector<16xi32>,
    %add3A_1275 = arith.constant 1400000 : i32
    %add3A_1276 = vector.broadcast %add3A_1275 : i32 to vector<16xi32>
    %add3A_1277 = arith.addi %min3A_1176, %add3A_1276 : vector<16xi32>
    %swap3A_1278 = arith.constant 7328 : index
    %swap3A_1279 = tpu.vector_load %arg6[%swap3A_1278] {strides = array<i32>} : memref<8192xi32, #tpu.memory_space<vmem>>, vector<16xi32>,
    %swap3A_1280 = vector.shape_cast %swap3A_1279 : vector<16xi32> to vector<16xi32>
    %swap3A_1281 = vector.shape_cast %add3A_1277 : vector<16xi32> to vector<16xi32>
    tpu.vector_store %arg6[%swap3A_1278], %swap3A_1281 {strides = array<i32>} : memref<8192xi32, #tpu.memory_space<vmem>>, vector<16xi32>,
    %add3A_1282 = arith.constant 1500000 : i32
    %add3A_1283 = vector.broadcast %add3A_1282 : i32 to vector<16xi32>
    %add3A_1284 = arith.addi %min3A_1176, %add3A_1283 : vector<16xi32>
    %swap3A_1285 = arith.constant 7840 : index
    %swap3A_1286 = tpu.vector_load %arg6[%swap3A_1285] {strides = array<i32>} : memref<8192xi32, #tpu.memory_space<vmem>>, vector<16xi32>,
    %swap3A_1287 = vector.shape_cast %swap3A_1286 : vector<16xi32> to vector<16xi32>
    %swap3A_1288 = vector.shape_cast %add3A_1284 : vector<16xi32> to vector<16xi32>
    tpu.vector_store %arg6[%swap3A_1285], %swap3A_1288 {strides = array<i32>} : memref<8192xi32, #tpu.memory_space<vmem>>, vector<16xi32>,
    %get3A_1289 = arith.constant 176 : index
    %get3A_1290 = tpu.vector_load %arg5[%get3A_1289] {strides = array<i32>} : memref<512xi32, #tpu.memory_space<vmem>>, vector<16xi32>,
    %get3A_1291 = vector.shape_cast %get3A_1290 : vector<16xi32> to vector<16xi32>
    %max3A_1292 = arith.maxsi %get3A_1291, %broadcast_in_dim3A_5 : vector<16xi32>
    %min3A_1293 = arith.minsi %max3A_1292, %broadcast_in_dim3A_3 : vector<16xi32>
    %add3A_1294 = arith.constant 0 : i32
    %add3A_1295 = vector.broadcast %add3A_1294 : i32 to vector<16xi32>
    %add3A_1296 = arith.addi %min3A_1293, %add3A_1295 : vector<16xi32>
    %swap3A_1297 = arith.constant 176 : index
    %swap3A_1298 = tpu.vector_load %arg6[%swap3A_1297] {strides = array<i32>} : memref<8192xi32, #tpu.memory_space<vmem>>, vector<16xi32>,
    %swap3A_1299 = vector.shape_cast %swap3A_1298 : vector<16xi32> to vector<16xi32>
    %swap3A_1300 = vector.shape_cast %add3A_1296 : vector<16xi32> to vector<16xi32>
    tpu.vector_store %arg6[%swap3A_1297], %swap3A_1300 {strides = array<i32>} : memref<8192xi32, #tpu.memory_space<vmem>>, vector<16xi32>,
    %add3A_1301 = arith.constant 100000 : i32
    %add3A_1302 = vector.broadcast %add3A_1301 : i32 to vector<16xi32>
    %add3A_1303 = arith.addi %min3A_1293, %add3A_1302 : vector<16xi32>
    %swap3A_1304 = arith.constant 688 : index
    %swap3A_1305 = tpu.vector_load %arg6[%swap3A_1304] {strides = array<i32>} : memref<8192xi32, #tpu.memory_space<vmem>>, vector<16xi32>,
    %swap3A_1306 = vector.shape_cast %swap3A_1305 : vector<16xi32> to vector<16xi32>
    %swap3A_1307 = vector.shape_cast %add3A_1303 : vector<16xi32> to vector<16xi32>
    tpu.vector_store %arg6[%swap3A_1304], %swap3A_1307 {strides = array<i32>} : memref<8192xi32, #tpu.memory_space<vmem>>, vector<16xi32>,
    %add3A_1308 = arith.constant 200000 : i32
    %add3A_1309 = vector.broadcast %add3A_1308 : i32 to vector<16xi32>
    %add3A_1310 = arith.addi %min3A_1293, %add3A_1309 : vector<16xi32>
    %swap3A_1311 = arith.constant 1200 : index
    %swap3A_1312 = tpu.vector_load %arg6[%swap3A_1311] {strides = array<i32>} : memref<8192xi32, #tpu.memory_space<vmem>>, vector<16xi32>,
    %swap3A_1313 = vector.shape_cast %swap3A_1312 : vector<16xi32> to vector<16xi32>
    %swap3A_1314 = vector.shape_cast %add3A_1310 : vector<16xi32> to vector<16xi32>
    tpu.vector_store %arg6[%swap3A_1311], %swap3A_1314 {strides = array<i32>} : memref<8192xi32, #tpu.memory_space<vmem>>, vector<16xi32>,
    %add3A_1315 = arith.constant 300000 : i32
    %add3A_1316 = vector.broadcast %add3A_1315 : i32 to vector<16xi32>
    %add3A_1317 = arith.addi %min3A_1293, %add3A_1316 : vector<16xi32>
    %swap3A_1318 = arith.constant 1712 : index
    %swap3A_1319 = tpu.vector_load %arg6[%swap3A_1318] {strides = array<i32>} : memref<8192xi32, #tpu.memory_space<vmem>>, vector<16xi32>,
    %swap3A_1320 = vector.shape_cast %swap3A_1319 : vector<16xi32> to vector<16xi32>
    %swap3A_1321 = vector.shape_cast %add3A_1317 : vector<16xi32> to vector<16xi32>
    tpu.vector_store %arg6[%swap3A_1318], %swap3A_1321 {strides = array<i32>} : memref<8192xi32, #tpu.memory_space<vmem>>, vector<16xi32>,
    %add3A_1322 = arith.constant 400000 : i32
    %add3A_1323 = vector.broadcast %add3A_1322 : i32 to vector<16xi32>
    %add3A_1324 = arith.addi %min3A_1293, %add3A_1323 : vector<16xi32>
    %swap3A_1325 = arith.constant 2224 : index
    %swap3A_1326 = tpu.vector_load %arg6[%swap3A_1325] {strides = array<i32>} : memref<8192xi32, #tpu.memory_space<vmem>>, vector<16xi32>,
    %swap3A_1327 = vector.shape_cast %swap3A_1326 : vector<16xi32> to vector<16xi32>
    %swap3A_1328 = vector.shape_cast %add3A_1324 : vector<16xi32> to vector<16xi32>
    tpu.vector_store %arg6[%swap3A_1325], %swap3A_1328 {strides = array<i32>} : memref<8192xi32, #tpu.memory_space<vmem>>, vector<16xi32>,
    %add3A_1329 = arith.constant 500000 : i32
    %add3A_1330 = vector.broadcast %add3A_1329 : i32 to vector<16xi32>
    %add3A_1331 = arith.addi %min3A_1293, %add3A_1330 : vector<16xi32>
    %swap3A_1332 = arith.constant 2736 : index
    %swap3A_1333 = tpu.vector_load %arg6[%swap3A_1332] {strides = array<i32>} : memref<8192xi32, #tpu.memory_space<vmem>>, vector<16xi32>,
    %swap3A_1334 = vector.shape_cast %swap3A_1333 : vector<16xi32> to vector<16xi32>
    %swap3A_1335 = vector.shape_cast %add3A_1331 : vector<16xi32> to vector<16xi32>
    tpu.vector_store %arg6[%swap3A_1332], %swap3A_1335 {strides = array<i32>} : memref<8192xi32, #tpu.memory_space<vmem>>, vector<16xi32>,
    %add3A_1336 = arith.constant 600000 : i32
    %add3A_1337 = vector.broadcast %add3A_1336 : i32 to vector<16xi32>
    %add3A_1338 = arith.addi %min3A_1293, %add3A_1337 : vector<16xi32>
    %swap3A_1339 = arith.constant 3248 : index
    %swap3A_1340 = tpu.vector_load %arg6[%swap3A_1339] {strides = array<i32>} : memref<8192xi32, #tpu.memory_space<vmem>>, vector<16xi32>,
    %swap3A_1341 = vector.shape_cast %swap3A_1340 : vector<16xi32> to vector<16xi32>
    %swap3A_1342 = vector.shape_cast %add3A_1338 : vector<16xi32> to vector<16xi32>
    tpu.vector_store %arg6[%swap3A_1339], %swap3A_1342 {strides = array<i32>} : memref<8192xi32, #tpu.memory_space<vmem>>, vector<16xi32>,
    %add3A_1343 = arith.constant 700000 : i32
    %add3A_1344 = vector.broadcast %add3A_1343 : i32 to vector<16xi32>
    %add3A_1345 = arith.addi %min3A_1293, %add3A_1344 : vector<16xi32>
    %swap3A_1346 = arith.constant 3760 : index
    %swap3A_1347 = tpu.vector_load %arg6[%swap3A_1346] {strides = array<i32>} : memref<8192xi32, #tpu.memory_space<vmem>>, vector<16xi32>,
    %swap3A_1348 = vector.shape_cast %swap3A_1347 : vector<16xi32> to vector<16xi32>
    %swap3A_1349 = vector.shape_cast %add3A_1345 : vector<16xi32> to vector<16xi32>
    tpu.vector_store %arg6[%swap3A_1346], %swap3A_1349 {strides = array<i32>} : memref<8192xi32, #tpu.memory_space<vmem>>, vector<16xi32>,
    %add3A_1350 = arith.constant 800000 : i32
    %add3A_1351 = vector.broadcast %add3A_1350 : i32 to vector<16xi32>
    %add3A_1352 = arith.addi %min3A_1293, %add3A_1351 : vector<16xi32>
    %swap3A_1353 = arith.constant 4272 : index
    %swap3A_1354 = tpu.vector_load %arg6[%swap3A_1353] {strides = array<i32>} : memref<8192xi32, #tpu.memory_space<vmem>>, vector<16xi32>,
    %swap3A_1355 = vector.shape_cast %swap3A_1354 : vector<16xi32> to vector<16xi32>
    %swap3A_1356 = vector.shape_cast %add3A_1352 : vector<16xi32> to vector<16xi32>
    tpu.vector_store %arg6[%swap3A_1353], %swap3A_1356 {strides = array<i32>} : memref<8192xi32, #tpu.memory_space<vmem>>, vector<16xi32>,
    %add3A_1357 = arith.constant 900000 : i32
    %add3A_1358 = vector.broadcast %add3A_1357 : i32 to vector<16xi32>
    %add3A_1359 = arith.addi %min3A_1293, %add3A_1358 : vector<16xi32>
    %swap3A_1360 = arith.constant 4784 : index
    %swap3A_1361 = tpu.vector_load %arg6[%swap3A_1360] {strides = array<i32>} : memref<8192xi32, #tpu.memory_space<vmem>>, vector<16xi32>,
    %swap3A_1362 = vector.shape_cast %swap3A_1361 : vector<16xi32> to vector<16xi32>
    %swap3A_1363 = vector.shape_cast %add3A_1359 : vector<16xi32> to vector<16xi32>
    tpu.vector_store %arg6[%swap3A_1360], %swap3A_1363 {strides = array<i32>} : memref<8192xi32, #tpu.memory_space<vmem>>, vector<16xi32>,
    %add3A_1364 = arith.constant 1000000 : i32
    %add3A_1365 = vector.broadcast %add3A_1364 : i32 to vector<16xi32>
    %add3A_1366 = arith.addi %min3A_1293, %add3A_1365 : vector<16xi32>
    %swap3A_1367 = arith.constant 5296 : index
    %swap3A_1368 = tpu.vector_load %arg6[%swap3A_1367] {strides = array<i32>} : memref<8192xi32, #tpu.memory_space<vmem>>, vector<16xi32>,
    %swap3A_1369 = vector.shape_cast %swap3A_1368 : vector<16xi32> to vector<16xi32>
    %swap3A_1370 = vector.shape_cast %add3A_1366 : vector<16xi32> to vector<16xi32>
    tpu.vector_store %arg6[%swap3A_1367], %swap3A_1370 {strides = array<i32>} : memref<8192xi32, #tpu.memory_space<vmem>>, vector<16xi32>,
    %add3A_1371 = arith.constant 1100000 : i32
    %add3A_1372 = vector.broadcast %add3A_1371 : i32 to vector<16xi32>
    %add3A_1373 = arith.addi %min3A_1293, %add3A_1372 : vector<16xi32>
    %swap3A_1374 = arith.constant 5808 : index
    %swap3A_1375 = tpu.vector_load %arg6[%swap3A_1374] {strides = array<i32>} : memref<8192xi32, #tpu.memory_space<vmem>>, vector<16xi32>,
    %swap3A_1376 = vector.shape_cast %swap3A_1375 : vector<16xi32> to vector<16xi32>
    %swap3A_1377 = vector.shape_cast %add3A_1373 : vector<16xi32> to vector<16xi32>
    tpu.vector_store %arg6[%swap3A_1374], %swap3A_1377 {strides = array<i32>} : memref<8192xi32, #tpu.memory_space<vmem>>, vector<16xi32>,
    %add3A_1378 = arith.constant 1200000 : i32
    %add3A_1379 = vector.broadcast %add3A_1378 : i32 to vector<16xi32>
    %add3A_1380 = arith.addi %min3A_1293, %add3A_1379 : vector<16xi32>
    %swap3A_1381 = arith.constant 6320 : index
    %swap3A_1382 = tpu.vector_load %arg6[%swap3A_1381] {strides = array<i32>} : memref<8192xi32, #tpu.memory_space<vmem>>, vector<16xi32>,
    %swap3A_1383 = vector.shape_cast %swap3A_1382 : vector<16xi32> to vector<16xi32>
    %swap3A_1384 = vector.shape_cast %add3A_1380 : vector<16xi32> to vector<16xi32>
    tpu.vector_store %arg6[%swap3A_1381], %swap3A_1384 {strides = array<i32>} : memref<8192xi32, #tpu.memory_space<vmem>>, vector<16xi32>,
    %add3A_1385 = arith.constant 1300000 : i32
    %add3A_1386 = vector.broadcast %add3A_1385 : i32 to vector<16xi32>
    %add3A_1387 = arith.addi %min3A_1293, %add3A_1386 : vector<16xi32>
    %swap3A_1388 = arith.constant 6832 : index
    %swap3A_1389 = tpu.vector_load %arg6[%swap3A_1388] {strides = array<i32>} : memref<8192xi32, #tpu.memory_space<vmem>>, vector<16xi32>,
    %swap3A_1390 = vector.shape_cast %swap3A_1389 : vector<16xi32> to vector<16xi32>
    %swap3A_1391 = vector.shape_cast %add3A_1387 : vector<16xi32> to vector<16xi32>
    tpu.vector_store %arg6[%swap3A_1388], %swap3A_1391 {strides = array<i32>} : memref<8192xi32, #tpu.memory_space<vmem>>, vector<16xi32>,
    %add3A_1392 = arith.constant 1400000 : i32
    %add3A_1393 = vector.broadcast %add3A_1392 : i32 to vector<16xi32>
    %add3A_1394 = arith.addi %min3A_1293, %add3A_1393 : vector<16xi32>
    %swap3A_1395 = arith.constant 7344 : index
    %swap3A_1396 = tpu.vector_load %arg6[%swap3A_1395] {strides = array<i32>} : memref<8192xi32, #tpu.memory_space<vmem>>, vector<16xi32>,
    %swap3A_1397 = vector.shape_cast %swap3A_1396 : vector<16xi32> to vector<16xi32>
    %swap3A_1398 = vector.shape_cast %add3A_1394 : vector<16xi32> to vector<16xi32>
    tpu.vector_store %arg6[%swap3A_1395], %swap3A_1398 {strides = array<i32>} : memref<8192xi32, #tpu.memory_space<vmem>>, vector<16xi32>,
    %add3A_1399 = arith.constant 1500000 : i32
    %add3A_1400 = vector.broadcast %add3A_1399 : i32 to vector<16xi32>
    %add3A_1401 = arith.addi %min3A_1293, %add3A_1400 : vector<16xi32>
    %swap3A_1402 = arith.constant 7856 : index
    %swap3A_1403 = tpu.vector_load %arg6[%swap3A_1402] {strides = array<i32>} : memref<8192xi32, #tpu.memory_space<vmem>>, vector<16xi32>,
    %swap3A_1404 = vector.shape_cast %swap3A_1403 : vector<16xi32> to vector<16xi32>
    %swap3A_1405 = vector.shape_cast %add3A_1401 : vector<16xi32> to vector<16xi32>
    tpu.vector_store %arg6[%swap3A_1402], %swap3A_1405 {strides = array<i32>} : memref<8192xi32, #tpu.memory_space<vmem>>, vector<16xi32>,
    %get3A_1406 = arith.constant 192 : index
    %get3A_1407 = tpu.vector_load %arg5[%get3A_1406] {strides = array<i32>} : memref<512xi32, #tpu.memory_space<vmem>>, vector<16xi32>,
    %get3A_1408 = vector.shape_cast %get3A_1407 : vector<16xi32> to vector<16xi32>
    %max3A_1409 = arith.maxsi %get3A_1408, %broadcast_in_dim3A_5 : vector<16xi32>
    %min3A_1410 = arith.minsi %max3A_1409, %broadcast_in_dim3A_3 : vector<16xi32>
    %add3A_1411 = arith.constant 0 : i32
    %add3A_1412 = vector.broadcast %add3A_1411 : i32 to vector<16xi32>
    %add3A_1413 = arith.addi %min3A_1410, %add3A_1412 : vector<16xi32>
    %swap3A_1414 = arith.constant 192 : index
    %swap3A_1415 = tpu.vector_load %arg6[%swap3A_1414] {strides = array<i32>} : memref<8192xi32, #tpu.memory_space<vmem>>, vector<16xi32>,
    %swap3A_1416 = vector.shape_cast %swap3A_1415 : vector<16xi32> to vector<16xi32>
    %swap3A_1417 = vector.shape_cast %add3A_1413 : vector<16xi32> to vector<16xi32>
    tpu.vector_store %arg6[%swap3A_1414], %swap3A_1417 {strides = array<i32>} : memref<8192xi32, #tpu.memory_space<vmem>>, vector<16xi32>,
    %add3A_1418 = arith.constant 100000 : i32
    %add3A_1419 = vector.broadcast %add3A_1418 : i32 to vector<16xi32>
    %add3A_1420 = arith.addi %min3A_1410, %add3A_1419 : vector<16xi32>
    %swap3A_1421 = arith.constant 704 : index
    %swap3A_1422 = tpu.vector_load %arg6[%swap3A_1421] {strides = array<i32>} : memref<8192xi32, #tpu.memory_space<vmem>>, vector<16xi32>,
    %swap3A_1423 = vector.shape_cast %swap3A_1422 : vector<16xi32> to vector<16xi32>
    %swap3A_1424 = vector.shape_cast %add3A_1420 : vector<16xi32> to vector<16xi32>
    tpu.vector_store %arg6[%swap3A_1421], %swap3A_1424 {strides = array<i32>} : memref<8192xi32, #tpu.memory_space<vmem>>, vector<16xi32>,
    %add3A_1425 = arith.constant 200000 : i32
    %add3A_1426 = vector.broadcast %add3A_1425 : i32 to vector<16xi32>
    %add3A_1427 = arith.addi %min3A_1410, %add3A_1426 : vector<16xi32>
    %swap3A_1428 = arith.constant 1216 : index
    %swap3A_1429 = tpu.vector_load %arg6[%swap3A_1428] {strides = array<i32>} : memref<8192xi32, #tpu.memory_space<vmem>>, vector<16xi32>,
    %swap3A_1430 = vector.shape_cast %swap3A_1429 : vector<16xi32> to vector<16xi32>
    %swap3A_1431 = vector.shape_cast %add3A_1427 : vector<16xi32> to vector<16xi32>
    tpu.vector_store %arg6[%swap3A_1428], %swap3A_1431 {strides = array<i32>} : memref<8192xi32, #tpu.memory_space<vmem>>, vector<16xi32>,
    %add3A_1432 = arith.constant 300000 : i32
    %add3A_1433 = vector.broadcast %add3A_1432 : i32 to vector<16xi32>
    %add3A_1434 = arith.addi %min3A_1410, %add3A_1433 : vector<16xi32>
    %swap3A_1435 = arith.constant 1728 : index
    %swap3A_1436 = tpu.vector_load %arg6[%swap3A_1435] {strides = array<i32>} : memref<8192xi32, #tpu.memory_space<vmem>>, vector<16xi32>,
    %swap3A_1437 = vector.shape_cast %swap3A_1436 : vector<16xi32> to vector<16xi32>
    %swap3A_1438 = vector.shape_cast %add3A_1434 : vector<16xi32> to vector<16xi32>
    tpu.vector_store %arg6[%swap3A_1435], %swap3A_1438 {strides = array<i32>} : memref<8192xi32, #tpu.memory_space<vmem>>, vector<16xi32>,
    %add3A_1439 = arith.constant 400000 : i32
    %add3A_1440 = vector.broadcast %add3A_1439 : i32 to vector<16xi32>
    %add3A_1441 = arith.addi %min3A_1410, %add3A_1440 : vector<16xi32>
    %swap3A_1442 = arith.constant 2240 : index
    %swap3A_1443 = tpu.vector_load %arg6[%swap3A_1442] {strides = array<i32>} : memref<8192xi32, #tpu.memory_space<vmem>>, vector<16xi32>,
    %swap3A_1444 = vector.shape_cast %swap3A_1443 : vector<16xi32> to vector<16xi32>
    %swap3A_1445 = vector.shape_cast %add3A_1441 : vector<16xi32> to vector<16xi32>
    tpu.vector_store %arg6[%swap3A_1442], %swap3A_1445 {strides = array<i32>} : memref<8192xi32, #tpu.memory_space<vmem>>, vector<16xi32>,
    %add3A_1446 = arith.constant 500000 : i32
    %add3A_1447 = vector.broadcast %add3A_1446 : i32 to vector<16xi32>
    %add3A_1448 = arith.addi %min3A_1410, %add3A_1447 : vector<16xi32>
    %swap3A_1449 = arith.constant 2752 : index
    %swap3A_1450 = tpu.vector_load %arg6[%swap3A_1449] {strides = array<i32>} : memref<8192xi32, #tpu.memory_space<vmem>>, vector<16xi32>,
    %swap3A_1451 = vector.shape_cast %swap3A_1450 : vector<16xi32> to vector<16xi32>
    %swap3A_1452 = vector.shape_cast %add3A_1448 : vector<16xi32> to vector<16xi32>
    tpu.vector_store %arg6[%swap3A_1449], %swap3A_1452 {strides = array<i32>} : memref<8192xi32, #tpu.memory_space<vmem>>, vector<16xi32>,
    %add3A_1453 = arith.constant 600000 : i32
    %add3A_1454 = vector.broadcast %add3A_1453 : i32 to vector<16xi32>
    %add3A_1455 = arith.addi %min3A_1410, %add3A_1454 : vector<16xi32>
    %swap3A_1456 = arith.constant 3264 : index
    %swap3A_1457 = tpu.vector_load %arg6[%swap3A_1456] {strides = array<i32>} : memref<8192xi32, #tpu.memory_space<vmem>>, vector<16xi32>,
    %swap3A_1458 = vector.shape_cast %swap3A_1457 : vector<16xi32> to vector<16xi32>
    %swap3A_1459 = vector.shape_cast %add3A_1455 : vector<16xi32> to vector<16xi32>
    tpu.vector_store %arg6[%swap3A_1456], %swap3A_1459 {strides = array<i32>} : memref<8192xi32, #tpu.memory_space<vmem>>, vector<16xi32>,
    %add3A_1460 = arith.constant 700000 : i32
    %add3A_1461 = vector.broadcast %add3A_1460 : i32 to vector<16xi32>
    %add3A_1462 = arith.addi %min3A_1410, %add3A_1461 : vector<16xi32>
    %swap3A_1463 = arith.constant 3776 : index
    %swap3A_1464 = tpu.vector_load %arg6[%swap3A_1463] {strides = array<i32>} : memref<8192xi32, #tpu.memory_space<vmem>>, vector<16xi32>,
    %swap3A_1465 = vector.shape_cast %swap3A_1464 : vector<16xi32> to vector<16xi32>
    %swap3A_1466 = vector.shape_cast %add3A_1462 : vector<16xi32> to vector<16xi32>
    tpu.vector_store %arg6[%swap3A_1463], %swap3A_1466 {strides = array<i32>} : memref<8192xi32, #tpu.memory_space<vmem>>, vector<16xi32>,
    %add3A_1467 = arith.constant 800000 : i32
    %add3A_1468 = vector.broadcast %add3A_1467 : i32 to vector<16xi32>
    %add3A_1469 = arith.addi %min3A_1410, %add3A_1468 : vector<16xi32>
    %swap3A_1470 = arith.constant 4288 : index
    %swap3A_1471 = tpu.vector_load %arg6[%swap3A_1470] {strides = array<i32>} : memref<8192xi32, #tpu.memory_space<vmem>>, vector<16xi32>,
    %swap3A_1472 = vector.shape_cast %swap3A_1471 : vector<16xi32> to vector<16xi32>
    %swap3A_1473 = vector.shape_cast %add3A_1469 : vector<16xi32> to vector<16xi32>
    tpu.vector_store %arg6[%swap3A_1470], %swap3A_1473 {strides = array<i32>} : memref<8192xi32, #tpu.memory_space<vmem>>, vector<16xi32>,
    %add3A_1474 = arith.constant 900000 : i32
    %add3A_1475 = vector.broadcast %add3A_1474 : i32 to vector<16xi32>
    %add3A_1476 = arith.addi %min3A_1410, %add3A_1475 : vector<16xi32>
    %swap3A_1477 = arith.constant 4800 : index
    %swap3A_1478 = tpu.vector_load %arg6[%swap3A_1477] {strides = array<i32>} : memref<8192xi32, #tpu.memory_space<vmem>>, vector<16xi32>,
    %swap3A_1479 = vector.shape_cast %swap3A_1478 : vector<16xi32> to vector<16xi32>
    %swap3A_1480 = vector.shape_cast %add3A_1476 : vector<16xi32> to vector<16xi32>
    tpu.vector_store %arg6[%swap3A_1477], %swap3A_1480 {strides = array<i32>} : memref<8192xi32, #tpu.memory_space<vmem>>, vector<16xi32>,
    %add3A_1481 = arith.constant 1000000 : i32
    %add3A_1482 = vector.broadcast %add3A_1481 : i32 to vector<16xi32>
    %add3A_1483 = arith.addi %min3A_1410, %add3A_1482 : vector<16xi32>
    %swap3A_1484 = arith.constant 5312 : index
    %swap3A_1485 = tpu.vector_load %arg6[%swap3A_1484] {strides = array<i32>} : memref<8192xi32, #tpu.memory_space<vmem>>, vector<16xi32>,
    %swap3A_1486 = vector.shape_cast %swap3A_1485 : vector<16xi32> to vector<16xi32>
    %swap3A_1487 = vector.shape_cast %add3A_1483 : vector<16xi32> to vector<16xi32>
    tpu.vector_store %arg6[%swap3A_1484], %swap3A_1487 {strides = array<i32>} : memref<8192xi32, #tpu.memory_space<vmem>>, vector<16xi32>,
    %add3A_1488 = arith.constant 1100000 : i32
    %add3A_1489 = vector.broadcast %add3A_1488 : i32 to vector<16xi32>
    %add3A_1490 = arith.addi %min3A_1410, %add3A_1489 : vector<16xi32>
    %swap3A_1491 = arith.constant 5824 : index
    %swap3A_1492 = tpu.vector_load %arg6[%swap3A_1491] {strides = array<i32>} : memref<8192xi32, #tpu.memory_space<vmem>>, vector<16xi32>,
    %swap3A_1493 = vector.shape_cast %swap3A_1492 : vector<16xi32> to vector<16xi32>
    %swap3A_1494 = vector.shape_cast %add3A_1490 : vector<16xi32> to vector<16xi32>
    tpu.vector_store %arg6[%swap3A_1491], %swap3A_1494 {strides = array<i32>} : memref<8192xi32, #tpu.memory_space<vmem>>, vector<16xi32>,
    %add3A_1495 = arith.constant 1200000 : i32
    %add3A_1496 = vector.broadcast %add3A_1495 : i32 to vector<16xi32>
    %add3A_1497 = arith.addi %min3A_1410, %add3A_1496 : vector<16xi32>
    %swap3A_1498 = arith.constant 6336 : index
    %swap3A_1499 = tpu.vector_load %arg6[%swap3A_1498] {strides = array<i32>} : memref<8192xi32, #tpu.memory_space<vmem>>, vector<16xi32>,
    %swap3A_1500 = vector.shape_cast %swap3A_1499 : vector<16xi32> to vector<16xi32>
    %swap3A_1501 = vector.shape_cast %add3A_1497 : vector<16xi32> to vector<16xi32>
    tpu.vector_store %arg6[%swap3A_1498], %swap3A_1501 {strides = array<i32>} : memref<8192xi32, #tpu.memory_space<vmem>>, vector<16xi32>,
    %add3A_1502 = arith.constant 1300000 : i32
    %add3A_1503 = vector.broadcast %add3A_1502 : i32 to vector<16xi32>
    %add3A_1504 = arith.addi %min3A_1410, %add3A_1503 : vector<16xi32>
    %swap3A_1505 = arith.constant 6848 : index
    %swap3A_1506 = tpu.vector_load %arg6[%swap3A_1505] {strides = array<i32>} : memref<8192xi32, #tpu.memory_space<vmem>>, vector<16xi32>,
    %swap3A_1507 = vector.shape_cast %swap3A_1506 : vector<16xi32> to vector<16xi32>
    %swap3A_1508 = vector.shape_cast %add3A_1504 : vector<16xi32> to vector<16xi32>
    tpu.vector_store %arg6[%swap3A_1505], %swap3A_1508 {strides = array<i32>} : memref<8192xi32, #tpu.memory_space<vmem>>, vector<16xi32>,
    %add3A_1509 = arith.constant 1400000 : i32
    %add3A_1510 = vector.broadcast %add3A_1509 : i32 to vector<16xi32>
    %add3A_1511 = arith.addi %min3A_1410, %add3A_1510 : vector<16xi32>
    %swap3A_1512 = arith.constant 7360 : index
    %swap3A_1513 = tpu.vector_load %arg6[%swap3A_1512] {strides = array<i32>} : memref<8192xi32, #tpu.memory_space<vmem>>, vector<16xi32>,
    %swap3A_1514 = vector.shape_cast %swap3A_1513 : vector<16xi32> to vector<16xi32>
    %swap3A_1515 = vector.shape_cast %add3A_1511 : vector<16xi32> to vector<16xi32>
    tpu.vector_store %arg6[%swap3A_1512], %swap3A_1515 {strides = array<i32>} : memref<8192xi32, #tpu.memory_space<vmem>>, vector<16xi32>,
    %add3A_1516 = arith.constant 1500000 : i32
    %add3A_1517 = vector.broadcast %add3A_1516 : i32 to vector<16xi32>
    %add3A_1518 = arith.addi %min3A_1410, %add3A_1517 : vector<16xi32>
    %swap3A_1519 = arith.constant 7872 : index
    %swap3A_1520 = tpu.vector_load %arg6[%swap3A_1519] {strides = array<i32>} : memref<8192xi32, #tpu.memory_space<vmem>>, vector<16xi32>,
    %swap3A_1521 = vector.shape_cast %swap3A_1520 : vector<16xi32> to vector<16xi32>
    %swap3A_1522 = vector.shape_cast %add3A_1518 : vector<16xi32> to vector<16xi32>
    tpu.vector_store %arg6[%swap3A_1519], %swap3A_1522 {strides = array<i32>} : memref<8192xi32, #tpu.memory_space<vmem>>, vector<16xi32>,
    %get3A_1523 = arith.constant 208 : index
    %get3A_1524 = tpu.vector_load %arg5[%get3A_1523] {strides = array<i32>} : memref<512xi32, #tpu.memory_space<vmem>>, vector<16xi32>,
    %get3A_1525 = vector.shape_cast %get3A_1524 : vector<16xi32> to vector<16xi32>
    %max3A_1526 = arith.maxsi %get3A_1525, %broadcast_in_dim3A_5 : vector<16xi32>
    %min3A_1527 = arith.minsi %max3A_1526, %broadcast_in_dim3A_3 : vector<16xi32>
    %add3A_1528 = arith.constant 0 : i32
    %add3A_1529 = vector.broadcast %add3A_1528 : i32 to vector<16xi32>
    %add3A_1530 = arith.addi %min3A_1527, %add3A_1529 : vector<16xi32>
    %swap3A_1531 = arith.constant 208 : index
    %swap3A_1532 = tpu.vector_load %arg6[%swap3A_1531] {strides = array<i32>} : memref<8192xi32, #tpu.memory_space<vmem>>, vector<16xi32>,
    %swap3A_1533 = vector.shape_cast %swap3A_1532 : vector<16xi32> to vector<16xi32>
    %swap3A_1534 = vector.shape_cast %add3A_1530 : vector<16xi32> to vector<16xi32>
    tpu.vector_store %arg6[%swap3A_1531], %swap3A_1534 {strides = array<i32>} : memref<8192xi32, #tpu.memory_space<vmem>>, vector<16xi32>,
    %add3A_1535 = arith.constant 100000 : i32
    %add3A_1536 = vector.broadcast %add3A_1535 : i32 to vector<16xi32>
    %add3A_1537 = arith.addi %min3A_1527, %add3A_1536 : vector<16xi32>
    %swap3A_1538 = arith.constant 720 : index
    %swap3A_1539 = tpu.vector_load %arg6[%swap3A_1538] {strides = array<i32>} : memref<8192xi32, #tpu.memory_space<vmem>>, vector<16xi32>,
    %swap3A_1540 = vector.shape_cast %swap3A_1539 : vector<16xi32> to vector<16xi32>
    %swap3A_1541 = vector.shape_cast %add3A_1537 : vector<16xi32> to vector<16xi32>
    tpu.vector_store %arg6[%swap3A_1538], %swap3A_1541 {strides = array<i32>} : memref<8192xi32, #tpu.memory_space<vmem>>, vector<16xi32>,
    %add3A_1542 = arith.constant 200000 : i32
    %add3A_1543 = vector.broadcast %add3A_1542 : i32 to vector<16xi32>
    %add3A_1544 = arith.addi %min3A_1527, %add3A_1543 : vector<16xi32>
    %swap3A_1545 = arith.constant 1232 : index
    %swap3A_1546 = tpu.vector_load %arg6[%swap3A_1545] {strides = array<i32>} : memref<8192xi32, #tpu.memory_space<vmem>>, vector<16xi32>,
    %swap3A_1547 = vector.shape_cast %swap3A_1546 : vector<16xi32> to vector<16xi32>
    %swap3A_1548 = vector.shape_cast %add3A_1544 : vector<16xi32> to vector<16xi32>
    tpu.vector_store %arg6[%swap3A_1545], %swap3A_1548 {strides = array<i32>} : memref<8192xi32, #tpu.memory_space<vmem>>, vector<16xi32>,
    %add3A_1549 = arith.constant 300000 : i32
    %add3A_1550 = vector.broadcast %add3A_1549 : i32 to vector<16xi32>
    %add3A_1551 = arith.addi %min3A_1527, %add3A_1550 : vector<16xi32>
    %swap3A_1552 = arith.constant 1744 : index
    %swap3A_1553 = tpu.vector_load %arg6[%swap3A_1552] {strides = array<i32>} : memref<8192xi32, #tpu.memory_space<vmem>>, vector<16xi32>,
    %swap3A_1554 = vector.shape_cast %swap3A_1553 : vector<16xi32> to vector<16xi32>
    %swap3A_1555 = vector.shape_cast %add3A_1551 : vector<16xi32> to vector<16xi32>
    tpu.vector_store %arg6[%swap3A_1552], %swap3A_1555 {strides = array<i32>} : memref<8192xi32, #tpu.memory_space<vmem>>, vector<16xi32>,
    %add3A_1556 = arith.constant 400000 : i32
    %add3A_1557 = vector.broadcast %add3A_1556 : i32 to vector<16xi32>
    %add3A_1558 = arith.addi %min3A_1527, %add3A_1557 : vector<16xi32>
    %swap3A_1559 = arith.constant 2256 : index
    %swap3A_1560 = tpu.vector_load %arg6[%swap3A_1559] {strides = array<i32>} : memref<8192xi32, #tpu.memory_space<vmem>>, vector<16xi32>,
    %swap3A_1561 = vector.shape_cast %swap3A_1560 : vector<16xi32> to vector<16xi32>
    %swap3A_1562 = vector.shape_cast %add3A_1558 : vector<16xi32> to vector<16xi32>
    tpu.vector_store %arg6[%swap3A_1559], %swap3A_1562 {strides = array<i32>} : memref<8192xi32, #tpu.memory_space<vmem>>, vector<16xi32>,
    %add3A_1563 = arith.constant 500000 : i32
    %add3A_1564 = vector.broadcast %add3A_1563 : i32 to vector<16xi32>
    %add3A_1565 = arith.addi %min3A_1527, %add3A_1564 : vector<16xi32>
    %swap3A_1566 = arith.constant 2768 : index
    %swap3A_1567 = tpu.vector_load %arg6[%swap3A_1566] {strides = array<i32>} : memref<8192xi32, #tpu.memory_space<vmem>>, vector<16xi32>,
    %swap3A_1568 = vector.shape_cast %swap3A_1567 : vector<16xi32> to vector<16xi32>
    %swap3A_1569 = vector.shape_cast %add3A_1565 : vector<16xi32> to vector<16xi32>
    tpu.vector_store %arg6[%swap3A_1566], %swap3A_1569 {strides = array<i32>} : memref<8192xi32, #tpu.memory_space<vmem>>, vector<16xi32>,
    %add3A_1570 = arith.constant 600000 : i32
    %add3A_1571 = vector.broadcast %add3A_1570 : i32 to vector<16xi32>
    %add3A_1572 = arith.addi %min3A_1527, %add3A_1571 : vector<16xi32>
    %swap3A_1573 = arith.constant 3280 : index
    %swap3A_1574 = tpu.vector_load %arg6[%swap3A_1573] {strides = array<i32>} : memref<8192xi32, #tpu.memory_space<vmem>>, vector<16xi32>,
    %swap3A_1575 = vector.shape_cast %swap3A_1574 : vector<16xi32> to vector<16xi32>
    %swap3A_1576 = vector.shape_cast %add3A_1572 : vector<16xi32> to vector<16xi32>
    tpu.vector_store %arg6[%swap3A_1573], %swap3A_1576 {strides = array<i32>} : memref<8192xi32, #tpu.memory_space<vmem>>, vector<16xi32>,
    %add3A_1577 = arith.constant 700000 : i32
    %add3A_1578 = vector.broadcast %add3A_1577 : i32 to vector<16xi32>
    %add3A_1579 = arith.addi %min3A_1527, %add3A_1578 : vector<16xi32>
    %swap3A_1580 = arith.constant 3792 : index
    %swap3A_1581 = tpu.vector_load %arg6[%swap3A_1580] {strides = array<i32>} : memref<8192xi32, #tpu.memory_space<vmem>>, vector<16xi32>,
    %swap3A_1582 = vector.shape_cast %swap3A_1581 : vector<16xi32> to vector<16xi32>
    %swap3A_1583 = vector.shape_cast %add3A_1579 : vector<16xi32> to vector<16xi32>
    tpu.vector_store %arg6[%swap3A_1580], %swap3A_1583 {strides = array<i32>} : memref<8192xi32, #tpu.memory_space<vmem>>, vector<16xi32>,
    %add3A_1584 = arith.constant 800000 : i32
    %add3A_1585 = vector.broadcast %add3A_1584 : i32 to vector<16xi32>
    %add3A_1586 = arith.addi %min3A_1527, %add3A_1585 : vector<16xi32>
    %swap3A_1587 = arith.constant 4304 : index
    %swap3A_1588 = tpu.vector_load %arg6[%swap3A_1587] {strides = array<i32>} : memref<8192xi32, #tpu.memory_space<vmem>>, vector<16xi32>,
    %swap3A_1589 = vector.shape_cast %swap3A_1588 : vector<16xi32> to vector<16xi32>
    %swap3A_1590 = vector.shape_cast %add3A_1586 : vector<16xi32> to vector<16xi32>
    tpu.vector_store %arg6[%swap3A_1587], %swap3A_1590 {strides = array<i32>} : memref<8192xi32, #tpu.memory_space<vmem>>, vector<16xi32>,
    %add3A_1591 = arith.constant 900000 : i32
    %add3A_1592 = vector.broadcast %add3A_1591 : i32 to vector<16xi32>
    %add3A_1593 = arith.addi %min3A_1527, %add3A_1592 : vector<16xi32>
    %swap3A_1594 = arith.constant 4816 : index
    %swap3A_1595 = tpu.vector_load %arg6[%swap3A_1594] {strides = array<i32>} : memref<8192xi32, #tpu.memory_space<vmem>>, vector<16xi32>,
    %swap3A_1596 = vector.shape_cast %swap3A_1595 : vector<16xi32> to vector<16xi32>
    %swap3A_1597 = vector.shape_cast %add3A_1593 : vector<16xi32> to vector<16xi32>
    tpu.vector_store %arg6[%swap3A_1594], %swap3A_1597 {strides = array<i32>} : memref<8192xi32, #tpu.memory_space<vmem>>, vector<16xi32>,
    %add3A_1598 = arith.constant 1000000 : i32
    %add3A_1599 = vector.broadcast %add3A_1598 : i32 to vector<16xi32>
    %add3A_1600 = arith.addi %min3A_1527, %add3A_1599 : vector<16xi32>
    %swap3A_1601 = arith.constant 5328 : index
    %swap3A_1602 = tpu.vector_load %arg6[%swap3A_1601] {strides = array<i32>} : memref<8192xi32, #tpu.memory_space<vmem>>, vector<16xi32>,
    %swap3A_1603 = vector.shape_cast %swap3A_1602 : vector<16xi32> to vector<16xi32>
    %swap3A_1604 = vector.shape_cast %add3A_1600 : vector<16xi32> to vector<16xi32>
    tpu.vector_store %arg6[%swap3A_1601], %swap3A_1604 {strides = array<i32>} : memref<8192xi32, #tpu.memory_space<vmem>>, vector<16xi32>,
    %add3A_1605 = arith.constant 1100000 : i32
    %add3A_1606 = vector.broadcast %add3A_1605 : i32 to vector<16xi32>
    %add3A_1607 = arith.addi %min3A_1527, %add3A_1606 : vector<16xi32>
    %swap3A_1608 = arith.constant 5840 : index
    %swap3A_1609 = tpu.vector_load %arg6[%swap3A_1608] {strides = array<i32>} : memref<8192xi32, #tpu.memory_space<vmem>>, vector<16xi32>,
    %swap3A_1610 = vector.shape_cast %swap3A_1609 : vector<16xi32> to vector<16xi32>
    %swap3A_1611 = vector.shape_cast %add3A_1607 : vector<16xi32> to vector<16xi32>
    tpu.vector_store %arg6[%swap3A_1608], %swap3A_1611 {strides = array<i32>} : memref<8192xi32, #tpu.memory_space<vmem>>, vector<16xi32>,
    %add3A_1612 = arith.constant 1200000 : i32
    %add3A_1613 = vector.broadcast %add3A_1612 : i32 to vector<16xi32>
    %add3A_1614 = arith.addi %min3A_1527, %add3A_1613 : vector<16xi32>
    %swap3A_1615 = arith.constant 6352 : index
    %swap3A_1616 = tpu.vector_load %arg6[%swap3A_1615] {strides = array<i32>} : memref<8192xi32, #tpu.memory_space<vmem>>, vector<16xi32>,
    %swap3A_1617 = vector.shape_cast %swap3A_1616 : vector<16xi32> to vector<16xi32>
    %swap3A_1618 = vector.shape_cast %add3A_1614 : vector<16xi32> to vector<16xi32>
    tpu.vector_store %arg6[%swap3A_1615], %swap3A_1618 {strides = array<i32>} : memref<8192xi32, #tpu.memory_space<vmem>>, vector<16xi32>,
    %add3A_1619 = arith.constant 1300000 : i32
    %add3A_1620 = vector.broadcast %add3A_1619 : i32 to vector<16xi32>
    %add3A_1621 = arith.addi %min3A_1527, %add3A_1620 : vector<16xi32>
    %swap3A_1622 = arith.constant 6864 : index
    %swap3A_1623 = tpu.vector_load %arg6[%swap3A_1622] {strides = array<i32>} : memref<8192xi32, #tpu.memory_space<vmem>>, vector<16xi32>,
    %swap3A_1624 = vector.shape_cast %swap3A_1623 : vector<16xi32> to vector<16xi32>
    %swap3A_1625 = vector.shape_cast %add3A_1621 : vector<16xi32> to vector<16xi32>
    tpu.vector_store %arg6[%swap3A_1622], %swap3A_1625 {strides = array<i32>} : memref<8192xi32, #tpu.memory_space<vmem>>, vector<16xi32>,
    %add3A_1626 = arith.constant 1400000 : i32
    %add3A_1627 = vector.broadcast %add3A_1626 : i32 to vector<16xi32>
    %add3A_1628 = arith.addi %min3A_1527, %add3A_1627 : vector<16xi32>
    %swap3A_1629 = arith.constant 7376 : index
    %swap3A_1630 = tpu.vector_load %arg6[%swap3A_1629] {strides = array<i32>} : memref<8192xi32, #tpu.memory_space<vmem>>, vector<16xi32>,
    %swap3A_1631 = vector.shape_cast %swap3A_1630 : vector<16xi32> to vector<16xi32>
    %swap3A_1632 = vector.shape_cast %add3A_1628 : vector<16xi32> to vector<16xi32>
    tpu.vector_store %arg6[%swap3A_1629], %swap3A_1632 {strides = array<i32>} : memref<8192xi32, #tpu.memory_space<vmem>>, vector<16xi32>,
    %add3A_1633 = arith.constant 1500000 : i32
    %add3A_1634 = vector.broadcast %add3A_1633 : i32 to vector<16xi32>
    %add3A_1635 = arith.addi %min3A_1527, %add3A_1634 : vector<16xi32>
    %swap3A_1636 = arith.constant 7888 : index
    %swap3A_1637 = tpu.vector_load %arg6[%swap3A_1636] {strides = array<i32>} : memref<8192xi32, #tpu.memory_space<vmem>>, vector<16xi32>,
    %swap3A_1638 = vector.shape_cast %swap3A_1637 : vector<16xi32> to vector<16xi32>
    %swap3A_1639 = vector.shape_cast %add3A_1635 : vector<16xi32> to vector<16xi32>
    tpu.vector_store %arg6[%swap3A_1636], %swap3A_1639 {strides = array<i32>} : memref<8192xi32, #tpu.memory_space<vmem>>, vector<16xi32>,
    %get3A_1640 = arith.constant 224 : index
    %get3A_1641 = tpu.vector_load %arg5[%get3A_1640] {strides = array<i32>} : memref<512xi32, #tpu.memory_space<vmem>>, vector<16xi32>,
    %get3A_1642 = vector.shape_cast %get3A_1641 : vector<16xi32> to vector<16xi32>
    %max3A_1643 = arith.maxsi %get3A_1642, %broadcast_in_dim3A_5 : vector<16xi32>
    %min3A_1644 = arith.minsi %max3A_1643, %broadcast_in_dim3A_3 : vector<16xi32>
    %add3A_1645 = arith.constant 0 : i32
    %add3A_1646 = vector.broadcast %add3A_1645 : i32 to vector<16xi32>
    %add3A_1647 = arith.addi %min3A_1644, %add3A_1646 : vector<16xi32>
    %swap3A_1648 = arith.constant 224 : index
    %swap3A_1649 = tpu.vector_load %arg6[%swap3A_1648] {strides = array<i32>} : memref<8192xi32, #tpu.memory_space<vmem>>, vector<16xi32>,
    %swap3A_1650 = vector.shape_cast %swap3A_1649 : vector<16xi32> to vector<16xi32>
    %swap3A_1651 = vector.shape_cast %add3A_1647 : vector<16xi32> to vector<16xi32>
    tpu.vector_store %arg6[%swap3A_1648], %swap3A_1651 {strides = array<i32>} : memref<8192xi32, #tpu.memory_space<vmem>>, vector<16xi32>,
    %add3A_1652 = arith.constant 100000 : i32
    %add3A_1653 = vector.broadcast %add3A_1652 : i32 to vector<16xi32>
    %add3A_1654 = arith.addi %min3A_1644, %add3A_1653 : vector<16xi32>
    %swap3A_1655 = arith.constant 736 : index
    %swap3A_1656 = tpu.vector_load %arg6[%swap3A_1655] {strides = array<i32>} : memref<8192xi32, #tpu.memory_space<vmem>>, vector<16xi32>,
    %swap3A_1657 = vector.shape_cast %swap3A_1656 : vector<16xi32> to vector<16xi32>
    %swap3A_1658 = vector.shape_cast %add3A_1654 : vector<16xi32> to vector<16xi32>
    tpu.vector_store %arg6[%swap3A_1655], %swap3A_1658 {strides = array<i32>} : memref<8192xi32, #tpu.memory_space<vmem>>, vector<16xi32>,
    %add3A_1659 = arith.constant 200000 : i32
    %add3A_1660 = vector.broadcast %add3A_1659 : i32 to vector<16xi32>
    %add3A_1661 = arith.addi %min3A_1644, %add3A_1660 : vector<16xi32>
    %swap3A_1662 = arith.constant 1248 : index
    %swap3A_1663 = tpu.vector_load %arg6[%swap3A_1662] {strides = array<i32>} : memref<8192xi32, #tpu.memory_space<vmem>>, vector<16xi32>,
    %swap3A_1664 = vector.shape_cast %swap3A_1663 : vector<16xi32> to vector<16xi32>
    %swap3A_1665 = vector.shape_cast %add3A_1661 : vector<16xi32> to vector<16xi32>
    tpu.vector_store %arg6[%swap3A_1662], %swap3A_1665 {strides = array<i32>} : memref<8192xi32, #tpu.memory_space<vmem>>, vector<16xi32>,
    %add3A_1666 = arith.constant 300000 : i32
    %add3A_1667 = vector.broadcast %add3A_1666 : i32 to vector<16xi32>
    %add3A_1668 = arith.addi %min3A_1644, %add3A_1667 : vector<16xi32>
    %swap3A_1669 = arith.constant 1760 : index
    %swap3A_1670 = tpu.vector_load %arg6[%swap3A_1669] {strides = array<i32>} : memref<8192xi32, #tpu.memory_space<vmem>>, vector<16xi32>,
    %swap3A_1671 = vector.shape_cast %swap3A_1670 : vector<16xi32> to vector<16xi32>
    %swap3A_1672 = vector.shape_cast %add3A_1668 : vector<16xi32> to vector<16xi32>
    tpu.vector_store %arg6[%swap3A_1669], %swap3A_1672 {strides = array<i32>} : memref<8192xi32, #tpu.memory_space<vmem>>, vector<16xi32>,
    %add3A_1673 = arith.constant 400000 : i32
    %add3A_1674 = vector.broadcast %add3A_1673 : i32 to vector<16xi32>
    %add3A_1675 = arith.addi %min3A_1644, %add3A_1674 : vector<16xi32>
    %swap3A_1676 = arith.constant 2272 : index
    %swap3A_1677 = tpu.vector_load %arg6[%swap3A_1676] {strides = array<i32>} : memref<8192xi32, #tpu.memory_space<vmem>>, vector<16xi32>,
    %swap3A_1678 = vector.shape_cast %swap3A_1677 : vector<16xi32> to vector<16xi32>
    %swap3A_1679 = vector.shape_cast %add3A_1675 : vector<16xi32> to vector<16xi32>
    tpu.vector_store %arg6[%swap3A_1676], %swap3A_1679 {strides = array<i32>} : memref<8192xi32, #tpu.memory_space<vmem>>, vector<16xi32>,
    %add3A_1680 = arith.constant 500000 : i32
    %add3A_1681 = vector.broadcast %add3A_1680 : i32 to vector<16xi32>
    %add3A_1682 = arith.addi %min3A_1644, %add3A_1681 : vector<16xi32>
    %swap3A_1683 = arith.constant 2784 : index
    %swap3A_1684 = tpu.vector_load %arg6[%swap3A_1683] {strides = array<i32>} : memref<8192xi32, #tpu.memory_space<vmem>>, vector<16xi32>,
    %swap3A_1685 = vector.shape_cast %swap3A_1684 : vector<16xi32> to vector<16xi32>
    %swap3A_1686 = vector.shape_cast %add3A_1682 : vector<16xi32> to vector<16xi32>
    tpu.vector_store %arg6[%swap3A_1683], %swap3A_1686 {strides = array<i32>} : memref<8192xi32, #tpu.memory_space<vmem>>, vector<16xi32>,
    %add3A_1687 = arith.constant 600000 : i32
    %add3A_1688 = vector.broadcast %add3A_1687 : i32 to vector<16xi32>
    %add3A_1689 = arith.addi %min3A_1644, %add3A_1688 : vector<16xi32>
    %swap3A_1690 = arith.constant 3296 : index
    %swap3A_1691 = tpu.vector_load %arg6[%swap3A_1690] {strides = array<i32>} : memref<8192xi32, #tpu.memory_space<vmem>>, vector<16xi32>,
    %swap3A_1692 = vector.shape_cast %swap3A_1691 : vector<16xi32> to vector<16xi32>
    %swap3A_1693 = vector.shape_cast %add3A_1689 : vector<16xi32> to vector<16xi32>
    tpu.vector_store %arg6[%swap3A_1690], %swap3A_1693 {strides = array<i32>} : memref<8192xi32, #tpu.memory_space<vmem>>, vector<16xi32>,
    %add3A_1694 = arith.constant 700000 : i32
    %add3A_1695 = vector.broadcast %add3A_1694 : i32 to vector<16xi32>
    %add3A_1696 = arith.addi %min3A_1644, %add3A_1695 : vector<16xi32>
    %swap3A_1697 = arith.constant 3808 : index
    %swap3A_1698 = tpu.vector_load %arg6[%swap3A_1697] {strides = array<i32>} : memref<8192xi32, #tpu.memory_space<vmem>>, vector<16xi32>,
    %swap3A_1699 = vector.shape_cast %swap3A_1698 : vector<16xi32> to vector<16xi32>
    %swap3A_1700 = vector.shape_cast %add3A_1696 : vector<16xi32> to vector<16xi32>
    tpu.vector_store %arg6[%swap3A_1697], %swap3A_1700 {strides = array<i32>} : memref<8192xi32, #tpu.memory_space<vmem>>, vector<16xi32>,
    %add3A_1701 = arith.constant 800000 : i32
    %add3A_1702 = vector.broadcast %add3A_1701 : i32 to vector<16xi32>
    %add3A_1703 = arith.addi %min3A_1644, %add3A_1702 : vector<16xi32>
    %swap3A_1704 = arith.constant 4320 : index
    %swap3A_1705 = tpu.vector_load %arg6[%swap3A_1704] {strides = array<i32>} : memref<8192xi32, #tpu.memory_space<vmem>>, vector<16xi32>,
    %swap3A_1706 = vector.shape_cast %swap3A_1705 : vector<16xi32> to vector<16xi32>
    %swap3A_1707 = vector.shape_cast %add3A_1703 : vector<16xi32> to vector<16xi32>
    tpu.vector_store %arg6[%swap3A_1704], %swap3A_1707 {strides = array<i32>} : memref<8192xi32, #tpu.memory_space<vmem>>, vector<16xi32>,
    %add3A_1708 = arith.constant 900000 : i32
    %add3A_1709 = vector.broadcast %add3A_1708 : i32 to vector<16xi32>
    %add3A_1710 = arith.addi %min3A_1644, %add3A_1709 : vector<16xi32>
    %swap3A_1711 = arith.constant 4832 : index
    %swap3A_1712 = tpu.vector_load %arg6[%swap3A_1711] {strides = array<i32>} : memref<8192xi32, #tpu.memory_space<vmem>>, vector<16xi32>,
    %swap3A_1713 = vector.shape_cast %swap3A_1712 : vector<16xi32> to vector<16xi32>
    %swap3A_1714 = vector.shape_cast %add3A_1710 : vector<16xi32> to vector<16xi32>
    tpu.vector_store %arg6[%swap3A_1711], %swap3A_1714 {strides = array<i32>} : memref<8192xi32, #tpu.memory_space<vmem>>, vector<16xi32>,
    %add3A_1715 = arith.constant 1000000 : i32
    %add3A_1716 = vector.broadcast %add3A_1715 : i32 to vector<16xi32>
    %add3A_1717 = arith.addi %min3A_1644, %add3A_1716 : vector<16xi32>
    %swap3A_1718 = arith.constant 5344 : index
    %swap3A_1719 = tpu.vector_load %arg6[%swap3A_1718] {strides = array<i32>} : memref<8192xi32, #tpu.memory_space<vmem>>, vector<16xi32>,
    %swap3A_1720 = vector.shape_cast %swap3A_1719 : vector<16xi32> to vector<16xi32>
    %swap3A_1721 = vector.shape_cast %add3A_1717 : vector<16xi32> to vector<16xi32>
    tpu.vector_store %arg6[%swap3A_1718], %swap3A_1721 {strides = array<i32>} : memref<8192xi32, #tpu.memory_space<vmem>>, vector<16xi32>,
    %add3A_1722 = arith.constant 1100000 : i32
    %add3A_1723 = vector.broadcast %add3A_1722 : i32 to vector<16xi32>
    %add3A_1724 = arith.addi %min3A_1644, %add3A_1723 : vector<16xi32>
    %swap3A_1725 = arith.constant 5856 : index
    %swap3A_1726 = tpu.vector_load %arg6[%swap3A_1725] {strides = array<i32>} : memref<8192xi32, #tpu.memory_space<vmem>>, vector<16xi32>,
    %swap3A_1727 = vector.shape_cast %swap3A_1726 : vector<16xi32> to vector<16xi32>
    %swap3A_1728 = vector.shape_cast %add3A_1724 : vector<16xi32> to vector<16xi32>
    tpu.vector_store %arg6[%swap3A_1725], %swap3A_1728 {strides = array<i32>} : memref<8192xi32, #tpu.memory_space<vmem>>, vector<16xi32>,
    %add3A_1729 = arith.constant 1200000 : i32
    %add3A_1730 = vector.broadcast %add3A_1729 : i32 to vector<16xi32>
    %add3A_1731 = arith.addi %min3A_1644, %add3A_1730 : vector<16xi32>
    %swap3A_1732 = arith.constant 6368 : index
    %swap3A_1733 = tpu.vector_load %arg6[%swap3A_1732] {strides = array<i32>} : memref<8192xi32, #tpu.memory_space<vmem>>, vector<16xi32>,
    %swap3A_1734 = vector.shape_cast %swap3A_1733 : vector<16xi32> to vector<16xi32>
    %swap3A_1735 = vector.shape_cast %add3A_1731 : vector<16xi32> to vector<16xi32>
    tpu.vector_store %arg6[%swap3A_1732], %swap3A_1735 {strides = array<i32>} : memref<8192xi32, #tpu.memory_space<vmem>>, vector<16xi32>,
    %add3A_1736 = arith.constant 1300000 : i32
    %add3A_1737 = vector.broadcast %add3A_1736 : i32 to vector<16xi32>
    %add3A_1738 = arith.addi %min3A_1644, %add3A_1737 : vector<16xi32>
    %swap3A_1739 = arith.constant 6880 : index
    %swap3A_1740 = tpu.vector_load %arg6[%swap3A_1739] {strides = array<i32>} : memref<8192xi32, #tpu.memory_space<vmem>>, vector<16xi32>,
    %swap3A_1741 = vector.shape_cast %swap3A_1740 : vector<16xi32> to vector<16xi32>
    %swap3A_1742 = vector.shape_cast %add3A_1738 : vector<16xi32> to vector<16xi32>
    tpu.vector_store %arg6[%swap3A_1739], %swap3A_1742 {strides = array<i32>} : memref<8192xi32, #tpu.memory_space<vmem>>, vector<16xi32>,
    %add3A_1743 = arith.constant 1400000 : i32
    %add3A_1744 = vector.broadcast %add3A_1743 : i32 to vector<16xi32>
    %add3A_1745 = arith.addi %min3A_1644, %add3A_1744 : vector<16xi32>
    %swap3A_1746 = arith.constant 7392 : index
    %swap3A_1747 = tpu.vector_load %arg6[%swap3A_1746] {strides = array<i32>} : memref<8192xi32, #tpu.memory_space<vmem>>, vector<16xi32>,
    %swap3A_1748 = vector.shape_cast %swap3A_1747 : vector<16xi32> to vector<16xi32>
    %swap3A_1749 = vector.shape_cast %add3A_1745 : vector<16xi32> to vector<16xi32>
    tpu.vector_store %arg6[%swap3A_1746], %swap3A_1749 {strides = array<i32>} : memref<8192xi32, #tpu.memory_space<vmem>>, vector<16xi32>,
    %add3A_1750 = arith.constant 1500000 : i32
    %add3A_1751 = vector.broadcast %add3A_1750 : i32 to vector<16xi32>
    %add3A_1752 = arith.addi %min3A_1644, %add3A_1751 : vector<16xi32>
    %swap3A_1753 = arith.constant 7904 : index
    %swap3A_1754 = tpu.vector_load %arg6[%swap3A_1753] {strides = array<i32>} : memref<8192xi32, #tpu.memory_space<vmem>>, vector<16xi32>,
    %swap3A_1755 = vector.shape_cast %swap3A_1754 : vector<16xi32> to vector<16xi32>
    %swap3A_1756 = vector.shape_cast %add3A_1752 : vector<16xi32> to vector<16xi32>
    tpu.vector_store %arg6[%swap3A_1753], %swap3A_1756 {strides = array<i32>} : memref<8192xi32, #tpu.memory_space<vmem>>, vector<16xi32>,
    %get3A_1757 = arith.constant 240 : index
    %get3A_1758 = tpu.vector_load %arg5[%get3A_1757] {strides = array<i32>} : memref<512xi32, #tpu.memory_space<vmem>>, vector<16xi32>,
    %get3A_1759 = vector.shape_cast %get3A_1758 : vector<16xi32> to vector<16xi32>
    %max3A_1760 = arith.maxsi %get3A_1759, %broadcast_in_dim3A_5 : vector<16xi32>
    %min3A_1761 = arith.minsi %max3A_1760, %broadcast_in_dim3A_3 : vector<16xi32>
    %add3A_1762 = arith.constant 0 : i32
    %add3A_1763 = vector.broadcast %add3A_1762 : i32 to vector<16xi32>
    %add3A_1764 = arith.addi %min3A_1761, %add3A_1763 : vector<16xi32>
    %swap3A_1765 = arith.constant 240 : index
    %swap3A_1766 = tpu.vector_load %arg6[%swap3A_1765] {strides = array<i32>} : memref<8192xi32, #tpu.memory_space<vmem>>, vector<16xi32>,
    %swap3A_1767 = vector.shape_cast %swap3A_1766 : vector<16xi32> to vector<16xi32>
    %swap3A_1768 = vector.shape_cast %add3A_1764 : vector<16xi32> to vector<16xi32>
    tpu.vector_store %arg6[%swap3A_1765], %swap3A_1768 {strides = array<i32>} : memref<8192xi32, #tpu.memory_space<vmem>>, vector<16xi32>,
    %add3A_1769 = arith.constant 100000 : i32
    %add3A_1770 = vector.broadcast %add3A_1769 : i32 to vector<16xi32>
    %add3A_1771 = arith.addi %min3A_1761, %add3A_1770 : vector<16xi32>
    %swap3A_1772 = arith.constant 752 : index
    %swap3A_1773 = tpu.vector_load %arg6[%swap3A_1772] {strides = array<i32>} : memref<8192xi32, #tpu.memory_space<vmem>>, vector<16xi32>,
    %swap3A_1774 = vector.shape_cast %swap3A_1773 : vector<16xi32> to vector<16xi32>
    %swap3A_1775 = vector.shape_cast %add3A_1771 : vector<16xi32> to vector<16xi32>
    tpu.vector_store %arg6[%swap3A_1772], %swap3A_1775 {strides = array<i32>} : memref<8192xi32, #tpu.memory_space<vmem>>, vector<16xi32>,
    %add3A_1776 = arith.constant 200000 : i32
    %add3A_1777 = vector.broadcast %add3A_1776 : i32 to vector<16xi32>
    %add3A_1778 = arith.addi %min3A_1761, %add3A_1777 : vector<16xi32>
    %swap3A_1779 = arith.constant 1264 : index
    %swap3A_1780 = tpu.vector_load %arg6[%swap3A_1779] {strides = array<i32>} : memref<8192xi32, #tpu.memory_space<vmem>>, vector<16xi32>,
    %swap3A_1781 = vector.shape_cast %swap3A_1780 : vector<16xi32> to vector<16xi32>
    %swap3A_1782 = vector.shape_cast %add3A_1778 : vector<16xi32> to vector<16xi32>
    tpu.vector_store %arg6[%swap3A_1779], %swap3A_1782 {strides = array<i32>} : memref<8192xi32, #tpu.memory_space<vmem>>, vector<16xi32>,
    %add3A_1783 = arith.constant 300000 : i32
    %add3A_1784 = vector.broadcast %add3A_1783 : i32 to vector<16xi32>
    %add3A_1785 = arith.addi %min3A_1761, %add3A_1784 : vector<16xi32>
    %swap3A_1786 = arith.constant 1776 : index
    %swap3A_1787 = tpu.vector_load %arg6[%swap3A_1786] {strides = array<i32>} : memref<8192xi32, #tpu.memory_space<vmem>>, vector<16xi32>,
    %swap3A_1788 = vector.shape_cast %swap3A_1787 : vector<16xi32> to vector<16xi32>
    %swap3A_1789 = vector.shape_cast %add3A_1785 : vector<16xi32> to vector<16xi32>
    tpu.vector_store %arg6[%swap3A_1786], %swap3A_1789 {strides = array<i32>} : memref<8192xi32, #tpu.memory_space<vmem>>, vector<16xi32>,
    %add3A_1790 = arith.constant 400000 : i32
    %add3A_1791 = vector.broadcast %add3A_1790 : i32 to vector<16xi32>
    %add3A_1792 = arith.addi %min3A_1761, %add3A_1791 : vector<16xi32>
    %swap3A_1793 = arith.constant 2288 : index
    %swap3A_1794 = tpu.vector_load %arg6[%swap3A_1793] {strides = array<i32>} : memref<8192xi32, #tpu.memory_space<vmem>>, vector<16xi32>,
    %swap3A_1795 = vector.shape_cast %swap3A_1794 : vector<16xi32> to vector<16xi32>
    %swap3A_1796 = vector.shape_cast %add3A_1792 : vector<16xi32> to vector<16xi32>
    tpu.vector_store %arg6[%swap3A_1793], %swap3A_1796 {strides = array<i32>} : memref<8192xi32, #tpu.memory_space<vmem>>, vector<16xi32>,
    %add3A_1797 = arith.constant 500000 : i32
    %add3A_1798 = vector.broadcast %add3A_1797 : i32 to vector<16xi32>
    %add3A_1799 = arith.addi %min3A_1761, %add3A_1798 : vector<16xi32>
    %swap3A_1800 = arith.constant 2800 : index
    %swap3A_1801 = tpu.vector_load %arg6[%swap3A_1800] {strides = array<i32>} : memref<8192xi32, #tpu.memory_space<vmem>>, vector<16xi32>,
    %swap3A_1802 = vector.shape_cast %swap3A_1801 : vector<16xi32> to vector<16xi32>
    %swap3A_1803 = vector.shape_cast %add3A_1799 : vector<16xi32> to vector<16xi32>
    tpu.vector_store %arg6[%swap3A_1800], %swap3A_1803 {strides = array<i32>} : memref<8192xi32, #tpu.memory_space<vmem>>, vector<16xi32>,
    %add3A_1804 = arith.constant 600000 : i32
    %add3A_1805 = vector.broadcast %add3A_1804 : i32 to vector<16xi32>
    %add3A_1806 = arith.addi %min3A_1761, %add3A_1805 : vector<16xi32>
    %swap3A_1807 = arith.constant 3312 : index
    %swap3A_1808 = tpu.vector_load %arg6[%swap3A_1807] {strides = array<i32>} : memref<8192xi32, #tpu.memory_space<vmem>>, vector<16xi32>,
    %swap3A_1809 = vector.shape_cast %swap3A_1808 : vector<16xi32> to vector<16xi32>
    %swap3A_1810 = vector.shape_cast %add3A_1806 : vector<16xi32> to vector<16xi32>
    tpu.vector_store %arg6[%swap3A_1807], %swap3A_1810 {strides = array<i32>} : memref<8192xi32, #tpu.memory_space<vmem>>, vector<16xi32>,
    %add3A_1811 = arith.constant 700000 : i32
    %add3A_1812 = vector.broadcast %add3A_1811 : i32 to vector<16xi32>
    %add3A_1813 = arith.addi %min3A_1761, %add3A_1812 : vector<16xi32>
    %swap3A_1814 = arith.constant 3824 : index
    %swap3A_1815 = tpu.vector_load %arg6[%swap3A_1814] {strides = array<i32>} : memref<8192xi32, #tpu.memory_space<vmem>>, vector<16xi32>,
    %swap3A_1816 = vector.shape_cast %swap3A_1815 : vector<16xi32> to vector<16xi32>
    %swap3A_1817 = vector.shape_cast %add3A_1813 : vector<16xi32> to vector<16xi32>
    tpu.vector_store %arg6[%swap3A_1814], %swap3A_1817 {strides = array<i32>} : memref<8192xi32, #tpu.memory_space<vmem>>, vector<16xi32>,
    %add3A_1818 = arith.constant 800000 : i32
    %add3A_1819 = vector.broadcast %add3A_1818 : i32 to vector<16xi32>
    %add3A_1820 = arith.addi %min3A_1761, %add3A_1819 : vector<16xi32>
    %swap3A_1821 = arith.constant 4336 : index
    %swap3A_1822 = tpu.vector_load %arg6[%swap3A_1821] {strides = array<i32>} : memref<8192xi32, #tpu.memory_space<vmem>>, vector<16xi32>,
    %swap3A_1823 = vector.shape_cast %swap3A_1822 : vector<16xi32> to vector<16xi32>
    %swap3A_1824 = vector.shape_cast %add3A_1820 : vector<16xi32> to vector<16xi32>
    tpu.vector_store %arg6[%swap3A_1821], %swap3A_1824 {strides = array<i32>} : memref<8192xi32, #tpu.memory_space<vmem>>, vector<16xi32>,
    %add3A_1825 = arith.constant 900000 : i32
    %add3A_1826 = vector.broadcast %add3A_1825 : i32 to vector<16xi32>
    %add3A_1827 = arith.addi %min3A_1761, %add3A_1826 : vector<16xi32>
    %swap3A_1828 = arith.constant 4848 : index
    %swap3A_1829 = tpu.vector_load %arg6[%swap3A_1828] {strides = array<i32>} : memref<8192xi32, #tpu.memory_space<vmem>>, vector<16xi32>,
    %swap3A_1830 = vector.shape_cast %swap3A_1829 : vector<16xi32> to vector<16xi32>
    %swap3A_1831 = vector.shape_cast %add3A_1827 : vector<16xi32> to vector<16xi32>
    tpu.vector_store %arg6[%swap3A_1828], %swap3A_1831 {strides = array<i32>} : memref<8192xi32, #tpu.memory_space<vmem>>, vector<16xi32>,
    %add3A_1832 = arith.constant 1000000 : i32
    %add3A_1833 = vector.broadcast %add3A_1832 : i32 to vector<16xi32>
    %add3A_1834 = arith.addi %min3A_1761, %add3A_1833 : vector<16xi32>
    %swap3A_1835 = arith.constant 5360 : index
    %swap3A_1836 = tpu.vector_load %arg6[%swap3A_1835] {strides = array<i32>} : memref<8192xi32, #tpu.memory_space<vmem>>, vector<16xi32>,
    %swap3A_1837 = vector.shape_cast %swap3A_1836 : vector<16xi32> to vector<16xi32>
    %swap3A_1838 = vector.shape_cast %add3A_1834 : vector<16xi32> to vector<16xi32>
    tpu.vector_store %arg6[%swap3A_1835], %swap3A_1838 {strides = array<i32>} : memref<8192xi32, #tpu.memory_space<vmem>>, vector<16xi32>,
    %add3A_1839 = arith.constant 1100000 : i32
    %add3A_1840 = vector.broadcast %add3A_1839 : i32 to vector<16xi32>
    %add3A_1841 = arith.addi %min3A_1761, %add3A_1840 : vector<16xi32>
    %swap3A_1842 = arith.constant 5872 : index
    %swap3A_1843 = tpu.vector_load %arg6[%swap3A_1842] {strides = array<i32>} : memref<8192xi32, #tpu.memory_space<vmem>>, vector<16xi32>,
    %swap3A_1844 = vector.shape_cast %swap3A_1843 : vector<16xi32> to vector<16xi32>
    %swap3A_1845 = vector.shape_cast %add3A_1841 : vector<16xi32> to vector<16xi32>
    tpu.vector_store %arg6[%swap3A_1842], %swap3A_1845 {strides = array<i32>} : memref<8192xi32, #tpu.memory_space<vmem>>, vector<16xi32>,
    %add3A_1846 = arith.constant 1200000 : i32
    %add3A_1847 = vector.broadcast %add3A_1846 : i32 to vector<16xi32>
    %add3A_1848 = arith.addi %min3A_1761, %add3A_1847 : vector<16xi32>
    %swap3A_1849 = arith.constant 6384 : index
    %swap3A_1850 = tpu.vector_load %arg6[%swap3A_1849] {strides = array<i32>} : memref<8192xi32, #tpu.memory_space<vmem>>, vector<16xi32>,
    %swap3A_1851 = vector.shape_cast %swap3A_1850 : vector<16xi32> to vector<16xi32>
    %swap3A_1852 = vector.shape_cast %add3A_1848 : vector<16xi32> to vector<16xi32>
    tpu.vector_store %arg6[%swap3A_1849], %swap3A_1852 {strides = array<i32>} : memref<8192xi32, #tpu.memory_space<vmem>>, vector<16xi32>,
    %add3A_1853 = arith.constant 1300000 : i32
    %add3A_1854 = vector.broadcast %add3A_1853 : i32 to vector<16xi32>
    %add3A_1855 = arith.addi %min3A_1761, %add3A_1854 : vector<16xi32>
    %swap3A_1856 = arith.constant 6896 : index
    %swap3A_1857 = tpu.vector_load %arg6[%swap3A_1856] {strides = array<i32>} : memref<8192xi32, #tpu.memory_space<vmem>>, vector<16xi32>,
    %swap3A_1858 = vector.shape_cast %swap3A_1857 : vector<16xi32> to vector<16xi32>
    %swap3A_1859 = vector.shape_cast %add3A_1855 : vector<16xi32> to vector<16xi32>
    tpu.vector_store %arg6[%swap3A_1856], %swap3A_1859 {strides = array<i32>} : memref<8192xi32, #tpu.memory_space<vmem>>, vector<16xi32>,
    %add3A_1860 = arith.constant 1400000 : i32
    %add3A_1861 = vector.broadcast %add3A_1860 : i32 to vector<16xi32>
    %add3A_1862 = arith.addi %min3A_1761, %add3A_1861 : vector<16xi32>
    %swap3A_1863 = arith.constant 7408 : index
    %swap3A_1864 = tpu.vector_load %arg6[%swap3A_1863] {strides = array<i32>} : memref<8192xi32, #tpu.memory_space<vmem>>, vector<16xi32>,
    %swap3A_1865 = vector.shape_cast %swap3A_1864 : vector<16xi32> to vector<16xi32>
    %swap3A_1866 = vector.shape_cast %add3A_1862 : vector<16xi32> to vector<16xi32>
    tpu.vector_store %arg6[%swap3A_1863], %swap3A_1866 {strides = array<i32>} : memref<8192xi32, #tpu.memory_space<vmem>>, vector<16xi32>,
    %add3A_1867 = arith.constant 1500000 : i32
    %add3A_1868 = vector.broadcast %add3A_1867 : i32 to vector<16xi32>
    %add3A_1869 = arith.addi %min3A_1761, %add3A_1868 : vector<16xi32>
    %swap3A_1870 = arith.constant 7920 : index
    %swap3A_1871 = tpu.vector_load %arg6[%swap3A_1870] {strides = array<i32>} : memref<8192xi32, #tpu.memory_space<vmem>>, vector<16xi32>,
    %swap3A_1872 = vector.shape_cast %swap3A_1871 : vector<16xi32> to vector<16xi32>
    %swap3A_1873 = vector.shape_cast %add3A_1869 : vector<16xi32> to vector<16xi32>
    tpu.vector_store %arg6[%swap3A_1870], %swap3A_1873 {strides = array<i32>} : memref<8192xi32, #tpu.memory_space<vmem>>, vector<16xi32>,
    %get3A_1874 = arith.constant 256 : index
    %get3A_1875 = tpu.vector_load %arg5[%get3A_1874] {strides = array<i32>} : memref<512xi32, #tpu.memory_space<vmem>>, vector<16xi32>,
    %get3A_1876 = vector.shape_cast %get3A_1875 : vector<16xi32> to vector<16xi32>
    %max3A_1877 = arith.maxsi %get3A_1876, %broadcast_in_dim3A_5 : vector<16xi32>
    %min3A_1878 = arith.minsi %max3A_1877, %broadcast_in_dim3A_3 : vector<16xi32>
    %add3A_1879 = arith.constant 0 : i32
    %add3A_1880 = vector.broadcast %add3A_1879 : i32 to vector<16xi32>
    %add3A_1881 = arith.addi %min3A_1878, %add3A_1880 : vector<16xi32>
    %swap3A_1882 = arith.constant 256 : index
    %swap3A_1883 = tpu.vector_load %arg6[%swap3A_1882] {strides = array<i32>} : memref<8192xi32, #tpu.memory_space<vmem>>, vector<16xi32>,
    %swap3A_1884 = vector.shape_cast %swap3A_1883 : vector<16xi32> to vector<16xi32>
    %swap3A_1885 = vector.shape_cast %add3A_1881 : vector<16xi32> to vector<16xi32>
    tpu.vector_store %arg6[%swap3A_1882], %swap3A_1885 {strides = array<i32>} : memref<8192xi32, #tpu.memory_space<vmem>>, vector<16xi32>,
    %add3A_1886 = arith.constant 100000 : i32
    %add3A_1887 = vector.broadcast %add3A_1886 : i32 to vector<16xi32>
    %add3A_1888 = arith.addi %min3A_1878, %add3A_1887 : vector<16xi32>
    %swap3A_1889 = arith.constant 768 : index
    %swap3A_1890 = tpu.vector_load %arg6[%swap3A_1889] {strides = array<i32>} : memref<8192xi32, #tpu.memory_space<vmem>>, vector<16xi32>,
    %swap3A_1891 = vector.shape_cast %swap3A_1890 : vector<16xi32> to vector<16xi32>
    %swap3A_1892 = vector.shape_cast %add3A_1888 : vector<16xi32> to vector<16xi32>
    tpu.vector_store %arg6[%swap3A_1889], %swap3A_1892 {strides = array<i32>} : memref<8192xi32, #tpu.memory_space<vmem>>, vector<16xi32>,
    %add3A_1893 = arith.constant 200000 : i32
    %add3A_1894 = vector.broadcast %add3A_1893 : i32 to vector<16xi32>
    %add3A_1895 = arith.addi %min3A_1878, %add3A_1894 : vector<16xi32>
    %swap3A_1896 = arith.constant 1280 : index
    %swap3A_1897 = tpu.vector_load %arg6[%swap3A_1896] {strides = array<i32>} : memref<8192xi32, #tpu.memory_space<vmem>>, vector<16xi32>,
    %swap3A_1898 = vector.shape_cast %swap3A_1897 : vector<16xi32> to vector<16xi32>
    %swap3A_1899 = vector.shape_cast %add3A_1895 : vector<16xi32> to vector<16xi32>
    tpu.vector_store %arg6[%swap3A_1896], %swap3A_1899 {strides = array<i32>} : memref<8192xi32, #tpu.memory_space<vmem>>, vector<16xi32>,
    %add3A_1900 = arith.constant 300000 : i32
    %add3A_1901 = vector.broadcast %add3A_1900 : i32 to vector<16xi32>
    %add3A_1902 = arith.addi %min3A_1878, %add3A_1901 : vector<16xi32>
    %swap3A_1903 = arith.constant 1792 : index
    %swap3A_1904 = tpu.vector_load %arg6[%swap3A_1903] {strides = array<i32>} : memref<8192xi32, #tpu.memory_space<vmem>>, vector<16xi32>,
    %swap3A_1905 = vector.shape_cast %swap3A_1904 : vector<16xi32> to vector<16xi32>
    %swap3A_1906 = vector.shape_cast %add3A_1902 : vector<16xi32> to vector<16xi32>
    tpu.vector_store %arg6[%swap3A_1903], %swap3A_1906 {strides = array<i32>} : memref<8192xi32, #tpu.memory_space<vmem>>, vector<16xi32>,
    %add3A_1907 = arith.constant 400000 : i32
    %add3A_1908 = vector.broadcast %add3A_1907 : i32 to vector<16xi32>
    %add3A_1909 = arith.addi %min3A_1878, %add3A_1908 : vector<16xi32>
    %swap3A_1910 = arith.constant 2304 : index
    %swap3A_1911 = tpu.vector_load %arg6[%swap3A_1910] {strides = array<i32>} : memref<8192xi32, #tpu.memory_space<vmem>>, vector<16xi32>,
    %swap3A_1912 = vector.shape_cast %swap3A_1911 : vector<16xi32> to vector<16xi32>
    %swap3A_1913 = vector.shape_cast %add3A_1909 : vector<16xi32> to vector<16xi32>
    tpu.vector_store %arg6[%swap3A_1910], %swap3A_1913 {strides = array<i32>} : memref<8192xi32, #tpu.memory_space<vmem>>, vector<16xi32>,
    %add3A_1914 = arith.constant 500000 : i32
    %add3A_1915 = vector.broadcast %add3A_1914 : i32 to vector<16xi32>
    %add3A_1916 = arith.addi %min3A_1878, %add3A_1915 : vector<16xi32>
    %swap3A_1917 = arith.constant 2816 : index
    %swap3A_1918 = tpu.vector_load %arg6[%swap3A_1917] {strides = array<i32>} : memref<8192xi32, #tpu.memory_space<vmem>>, vector<16xi32>,
    %swap3A_1919 = vector.shape_cast %swap3A_1918 : vector<16xi32> to vector<16xi32>
    %swap3A_1920 = vector.shape_cast %add3A_1916 : vector<16xi32> to vector<16xi32>
    tpu.vector_store %arg6[%swap3A_1917], %swap3A_1920 {strides = array<i32>} : memref<8192xi32, #tpu.memory_space<vmem>>, vector<16xi32>,
    %add3A_1921 = arith.constant 600000 : i32
    %add3A_1922 = vector.broadcast %add3A_1921 : i32 to vector<16xi32>
    %add3A_1923 = arith.addi %min3A_1878, %add3A_1922 : vector<16xi32>
    %swap3A_1924 = arith.constant 3328 : index
    %swap3A_1925 = tpu.vector_load %arg6[%swap3A_1924] {strides = array<i32>} : memref<8192xi32, #tpu.memory_space<vmem>>, vector<16xi32>,
    %swap3A_1926 = vector.shape_cast %swap3A_1925 : vector<16xi32> to vector<16xi32>
    %swap3A_1927 = vector.shape_cast %add3A_1923 : vector<16xi32> to vector<16xi32>
    tpu.vector_store %arg6[%swap3A_1924], %swap3A_1927 {strides = array<i32>} : memref<8192xi32, #tpu.memory_space<vmem>>, vector<16xi32>,
    %add3A_1928 = arith.constant 700000 : i32
    %add3A_1929 = vector.broadcast %add3A_1928 : i32 to vector<16xi32>
    %add3A_1930 = arith.addi %min3A_1878, %add3A_1929 : vector<16xi32>
    %swap3A_1931 = arith.constant 3840 : index
    %swap3A_1932 = tpu.vector_load %arg6[%swap3A_1931] {strides = array<i32>} : memref<8192xi32, #tpu.memory_space<vmem>>, vector<16xi32>,
    %swap3A_1933 = vector.shape_cast %swap3A_1932 : vector<16xi32> to vector<16xi32>
    %swap3A_1934 = vector.shape_cast %add3A_1930 : vector<16xi32> to vector<16xi32>
    tpu.vector_store %arg6[%swap3A_1931], %swap3A_1934 {strides = array<i32>} : memref<8192xi32, #tpu.memory_space<vmem>>, vector<16xi32>,
    %add3A_1935 = arith.constant 800000 : i32
    %add3A_1936 = vector.broadcast %add3A_1935 : i32 to vector<16xi32>
    %add3A_1937 = arith.addi %min3A_1878, %add3A_1936 : vector<16xi32>
    %swap3A_1938 = arith.constant 4352 : index
    %swap3A_1939 = tpu.vector_load %arg6[%swap3A_1938] {strides = array<i32>} : memref<8192xi32, #tpu.memory_space<vmem>>, vector<16xi32>,
    %swap3A_1940 = vector.shape_cast %swap3A_1939 : vector<16xi32> to vector<16xi32>
    %swap3A_1941 = vector.shape_cast %add3A_1937 : vector<16xi32> to vector<16xi32>
    tpu.vector_store %arg6[%swap3A_1938], %swap3A_1941 {strides = array<i32>} : memref<8192xi32, #tpu.memory_space<vmem>>, vector<16xi32>,
    %add3A_1942 = arith.constant 900000 : i32
    %add3A_1943 = vector.broadcast %add3A_1942 : i32 to vector<16xi32>
    %add3A_1944 = arith.addi %min3A_1878, %add3A_1943 : vector<16xi32>
    %swap3A_1945 = arith.constant 4864 : index
    %swap3A_1946 = tpu.vector_load %arg6[%swap3A_1945] {strides = array<i32>} : memref<8192xi32, #tpu.memory_space<vmem>>, vector<16xi32>,
    %swap3A_1947 = vector.shape_cast %swap3A_1946 : vector<16xi32> to vector<16xi32>
    %swap3A_1948 = vector.shape_cast %add3A_1944 : vector<16xi32> to vector<16xi32>
    tpu.vector_store %arg6[%swap3A_1945], %swap3A_1948 {strides = array<i32>} : memref<8192xi32, #tpu.memory_space<vmem>>, vector<16xi32>,
    %add3A_1949 = arith.constant 1000000 : i32
    %add3A_1950 = vector.broadcast %add3A_1949 : i32 to vector<16xi32>
    %add3A_1951 = arith.addi %min3A_1878, %add3A_1950 : vector<16xi32>
    %swap3A_1952 = arith.constant 5376 : index
    %swap3A_1953 = tpu.vector_load %arg6[%swap3A_1952] {strides = array<i32>} : memref<8192xi32, #tpu.memory_space<vmem>>, vector<16xi32>,
    %swap3A_1954 = vector.shape_cast %swap3A_1953 : vector<16xi32> to vector<16xi32>
    %swap3A_1955 = vector.shape_cast %add3A_1951 : vector<16xi32> to vector<16xi32>
    tpu.vector_store %arg6[%swap3A_1952], %swap3A_1955 {strides = array<i32>} : memref<8192xi32, #tpu.memory_space<vmem>>, vector<16xi32>,
    %add3A_1956 = arith.constant 1100000 : i32
    %add3A_1957 = vector.broadcast %add3A_1956 : i32 to vector<16xi32>
    %add3A_1958 = arith.addi %min3A_1878, %add3A_1957 : vector<16xi32>
    %swap3A_1959 = arith.constant 5888 : index
    %swap3A_1960 = tpu.vector_load %arg6[%swap3A_1959] {strides = array<i32>} : memref<8192xi32, #tpu.memory_space<vmem>>, vector<16xi32>,
    %swap3A_1961 = vector.shape_cast %swap3A_1960 : vector<16xi32> to vector<16xi32>
    %swap3A_1962 = vector.shape_cast %add3A_1958 : vector<16xi32> to vector<16xi32>
    tpu.vector_store %arg6[%swap3A_1959], %swap3A_1962 {strides = array<i32>} : memref<8192xi32, #tpu.memory_space<vmem>>, vector<16xi32>,
    %add3A_1963 = arith.constant 1200000 : i32
    %add3A_1964 = vector.broadcast %add3A_1963 : i32 to vector<16xi32>
    %add3A_1965 = arith.addi %min3A_1878, %add3A_1964 : vector<16xi32>
    %swap3A_1966 = arith.constant 6400 : index
    %swap3A_1967 = tpu.vector_load %arg6[%swap3A_1966] {strides = array<i32>} : memref<8192xi32, #tpu.memory_space<vmem>>, vector<16xi32>,
    %swap3A_1968 = vector.shape_cast %swap3A_1967 : vector<16xi32> to vector<16xi32>
    %swap3A_1969 = vector.shape_cast %add3A_1965 : vector<16xi32> to vector<16xi32>
    tpu.vector_store %arg6[%swap3A_1966], %swap3A_1969 {strides = array<i32>} : memref<8192xi32, #tpu.memory_space<vmem>>, vector<16xi32>,
    %add3A_1970 = arith.constant 1300000 : i32
    %add3A_1971 = vector.broadcast %add3A_1970 : i32 to vector<16xi32>
    %add3A_1972 = arith.addi %min3A_1878, %add3A_1971 : vector<16xi32>
    %swap3A_1973 = arith.constant 6912 : index
    %swap3A_1974 = tpu.vector_load %arg6[%swap3A_1973] {strides = array<i32>} : memref<8192xi32, #tpu.memory_space<vmem>>, vector<16xi32>,
    %swap3A_1975 = vector.shape_cast %swap3A_1974 : vector<16xi32> to vector<16xi32>
    %swap3A_1976 = vector.shape_cast %add3A_1972 : vector<16xi32> to vector<16xi32>
    tpu.vector_store %arg6[%swap3A_1973], %swap3A_1976 {strides = array<i32>} : memref<8192xi32, #tpu.memory_space<vmem>>, vector<16xi32>,
    %add3A_1977 = arith.constant 1400000 : i32
    %add3A_1978 = vector.broadcast %add3A_1977 : i32 to vector<16xi32>
    %add3A_1979 = arith.addi %min3A_1878, %add3A_1978 : vector<16xi32>
    %swap3A_1980 = arith.constant 7424 : index
    %swap3A_1981 = tpu.vector_load %arg6[%swap3A_1980] {strides = array<i32>} : memref<8192xi32, #tpu.memory_space<vmem>>, vector<16xi32>,
    %swap3A_1982 = vector.shape_cast %swap3A_1981 : vector<16xi32> to vector<16xi32>
    %swap3A_1983 = vector.shape_cast %add3A_1979 : vector<16xi32> to vector<16xi32>
    tpu.vector_store %arg6[%swap3A_1980], %swap3A_1983 {strides = array<i32>} : memref<8192xi32, #tpu.memory_space<vmem>>, vector<16xi32>,
    %add3A_1984 = arith.constant 1500000 : i32
    %add3A_1985 = vector.broadcast %add3A_1984 : i32 to vector<16xi32>
    %add3A_1986 = arith.addi %min3A_1878, %add3A_1985 : vector<16xi32>
    %swap3A_1987 = arith.constant 7936 : index
    %swap3A_1988 = tpu.vector_load %arg6[%swap3A_1987] {strides = array<i32>} : memref<8192xi32, #tpu.memory_space<vmem>>, vector<16xi32>,
    %swap3A_1989 = vector.shape_cast %swap3A_1988 : vector<16xi32> to vector<16xi32>
    %swap3A_1990 = vector.shape_cast %add3A_1986 : vector<16xi32> to vector<16xi32>
    tpu.vector_store %arg6[%swap3A_1987], %swap3A_1990 {strides = array<i32>} : memref<8192xi32, #tpu.memory_space<vmem>>, vector<16xi32>,
    %get3A_1991 = arith.constant 272 : index
    %get3A_1992 = tpu.vector_load %arg5[%get3A_1991] {strides = array<i32>} : memref<512xi32, #tpu.memory_space<vmem>>, vector<16xi32>,
    %get3A_1993 = vector.shape_cast %get3A_1992 : vector<16xi32> to vector<16xi32>
    %max3A_1994 = arith.maxsi %get3A_1993, %broadcast_in_dim3A_5 : vector<16xi32>
    %min3A_1995 = arith.minsi %max3A_1994, %broadcast_in_dim3A_3 : vector<16xi32>
    %add3A_1996 = arith.constant 0 : i32
    %add3A_1997 = vector.broadcast %add3A_1996 : i32 to vector<16xi32>
    %add3A_1998 = arith.addi %min3A_1995, %add3A_1997 : vector<16xi32>
    %swap3A_1999 = arith.constant 272 : index
    %swap3A_2000 = tpu.vector_load %arg6[%swap3A_1999] {strides = array<i32>} : memref<8192xi32, #tpu.memory_space<vmem>>, vector<16xi32>,
    %swap3A_2001 = vector.shape_cast %swap3A_2000 : vector<16xi32> to vector<16xi32>
    %swap3A_2002 = vector.shape_cast %add3A_1998 : vector<16xi32> to vector<16xi32>
    tpu.vector_store %arg6[%swap3A_1999], %swap3A_2002 {strides = array<i32>} : memref<8192xi32, #tpu.memory_space<vmem>>, vector<16xi32>,
    %add3A_2003 = arith.constant 100000 : i32
    %add3A_2004 = vector.broadcast %add3A_2003 : i32 to vector<16xi32>
    %add3A_2005 = arith.addi %min3A_1995, %add3A_2004 : vector<16xi32>
    %swap3A_2006 = arith.constant 784 : index
    %swap3A_2007 = tpu.vector_load %arg6[%swap3A_2006] {strides = array<i32>} : memref<8192xi32, #tpu.memory_space<vmem>>, vector<16xi32>,
    %swap3A_2008 = vector.shape_cast %swap3A_2007 : vector<16xi32> to vector<16xi32>
    %swap3A_2009 = vector.shape_cast %add3A_2005 : vector<16xi32> to vector<16xi32>
    tpu.vector_store %arg6[%swap3A_2006], %swap3A_2009 {strides = array<i32>} : memref<8192xi32, #tpu.memory_space<vmem>>, vector<16xi32>,
    %add3A_2010 = arith.constant 200000 : i32
    %add3A_2011 = vector.broadcast %add3A_2010 : i32 to vector<16xi32>
    %add3A_2012 = arith.addi %min3A_1995, %add3A_2011 : vector<16xi32>
    %swap3A_2013 = arith.constant 1296 : index
    %swap3A_2014 = tpu.vector_load %arg6[%swap3A_2013] {strides = array<i32>} : memref<8192xi32, #tpu.memory_space<vmem>>, vector<16xi32>,
    %swap3A_2015 = vector.shape_cast %swap3A_2014 : vector<16xi32> to vector<16xi32>
    %swap3A_2016 = vector.shape_cast %add3A_2012 : vector<16xi32> to vector<16xi32>
    tpu.vector_store %arg6[%swap3A_2013], %swap3A_2016 {strides = array<i32>} : memref<8192xi32, #tpu.memory_space<vmem>>, vector<16xi32>,
    %add3A_2017 = arith.constant 300000 : i32
    %add3A_2018 = vector.broadcast %add3A_2017 : i32 to vector<16xi32>
    %add3A_2019 = arith.addi %min3A_1995, %add3A_2018 : vector<16xi32>
    %swap3A_2020 = arith.constant 1808 : index
    %swap3A_2021 = tpu.vector_load %arg6[%swap3A_2020] {strides = array<i32>} : memref<8192xi32, #tpu.memory_space<vmem>>, vector<16xi32>,
    %swap3A_2022 = vector.shape_cast %swap3A_2021 : vector<16xi32> to vector<16xi32>
    %swap3A_2023 = vector.shape_cast %add3A_2019 : vector<16xi32> to vector<16xi32>
    tpu.vector_store %arg6[%swap3A_2020], %swap3A_2023 {strides = array<i32>} : memref<8192xi32, #tpu.memory_space<vmem>>, vector<16xi32>,
    %add3A_2024 = arith.constant 400000 : i32
    %add3A_2025 = vector.broadcast %add3A_2024 : i32 to vector<16xi32>
    %add3A_2026 = arith.addi %min3A_1995, %add3A_2025 : vector<16xi32>
    %swap3A_2027 = arith.constant 2320 : index
    %swap3A_2028 = tpu.vector_load %arg6[%swap3A_2027] {strides = array<i32>} : memref<8192xi32, #tpu.memory_space<vmem>>, vector<16xi32>,
    %swap3A_2029 = vector.shape_cast %swap3A_2028 : vector<16xi32> to vector<16xi32>
    %swap3A_2030 = vector.shape_cast %add3A_2026 : vector<16xi32> to vector<16xi32>
    tpu.vector_store %arg6[%swap3A_2027], %swap3A_2030 {strides = array<i32>} : memref<8192xi32, #tpu.memory_space<vmem>>, vector<16xi32>,
    %add3A_2031 = arith.constant 500000 : i32
    %add3A_2032 = vector.broadcast %add3A_2031 : i32 to vector<16xi32>
    %add3A_2033 = arith.addi %min3A_1995, %add3A_2032 : vector<16xi32>
    %swap3A_2034 = arith.constant 2832 : index
    %swap3A_2035 = tpu.vector_load %arg6[%swap3A_2034] {strides = array<i32>} : memref<8192xi32, #tpu.memory_space<vmem>>, vector<16xi32>,
    %swap3A_2036 = vector.shape_cast %swap3A_2035 : vector<16xi32> to vector<16xi32>
    %swap3A_2037 = vector.shape_cast %add3A_2033 : vector<16xi32> to vector<16xi32>
    tpu.vector_store %arg6[%swap3A_2034], %swap3A_2037 {strides = array<i32>} : memref<8192xi32, #tpu.memory_space<vmem>>, vector<16xi32>,
    %add3A_2038 = arith.constant 600000 : i32
    %add3A_2039 = vector.broadcast %add3A_2038 : i32 to vector<16xi32>
    %add3A_2040 = arith.addi %min3A_1995, %add3A_2039 : vector<16xi32>
    %swap3A_2041 = arith.constant 3344 : index
    %swap3A_2042 = tpu.vector_load %arg6[%swap3A_2041] {strides = array<i32>} : memref<8192xi32, #tpu.memory_space<vmem>>, vector<16xi32>,
    %swap3A_2043 = vector.shape_cast %swap3A_2042 : vector<16xi32> to vector<16xi32>
    %swap3A_2044 = vector.shape_cast %add3A_2040 : vector<16xi32> to vector<16xi32>
    tpu.vector_store %arg6[%swap3A_2041], %swap3A_2044 {strides = array<i32>} : memref<8192xi32, #tpu.memory_space<vmem>>, vector<16xi32>,
    %add3A_2045 = arith.constant 700000 : i32
    %add3A_2046 = vector.broadcast %add3A_2045 : i32 to vector<16xi32>
    %add3A_2047 = arith.addi %min3A_1995, %add3A_2046 : vector<16xi32>
    %swap3A_2048 = arith.constant 3856 : index
    %swap3A_2049 = tpu.vector_load %arg6[%swap3A_2048] {strides = array<i32>} : memref<8192xi32, #tpu.memory_space<vmem>>, vector<16xi32>,
    %swap3A_2050 = vector.shape_cast %swap3A_2049 : vector<16xi32> to vector<16xi32>
    %swap3A_2051 = vector.shape_cast %add3A_2047 : vector<16xi32> to vector<16xi32>
    tpu.vector_store %arg6[%swap3A_2048], %swap3A_2051 {strides = array<i32>} : memref<8192xi32, #tpu.memory_space<vmem>>, vector<16xi32>,
    %add3A_2052 = arith.constant 800000 : i32
    %add3A_2053 = vector.broadcast %add3A_2052 : i32 to vector<16xi32>
    %add3A_2054 = arith.addi %min3A_1995, %add3A_2053 : vector<16xi32>
    %swap3A_2055 = arith.constant 4368 : index
    %swap3A_2056 = tpu.vector_load %arg6[%swap3A_2055] {strides = array<i32>} : memref<8192xi32, #tpu.memory_space<vmem>>, vector<16xi32>,
    %swap3A_2057 = vector.shape_cast %swap3A_2056 : vector<16xi32> to vector<16xi32>
    %swap3A_2058 = vector.shape_cast %add3A_2054 : vector<16xi32> to vector<16xi32>
    tpu.vector_store %arg6[%swap3A_2055], %swap3A_2058 {strides = array<i32>} : memref<8192xi32, #tpu.memory_space<vmem>>, vector<16xi32>,
    %add3A_2059 = arith.constant 900000 : i32
    %add3A_2060 = vector.broadcast %add3A_2059 : i32 to vector<16xi32>
    %add3A_2061 = arith.addi %min3A_1995, %add3A_2060 : vector<16xi32>
    %swap3A_2062 = arith.constant 4880 : index
    %swap3A_2063 = tpu.vector_load %arg6[%swap3A_2062] {strides = array<i32>} : memref<8192xi32, #tpu.memory_space<vmem>>, vector<16xi32>,
    %swap3A_2064 = vector.shape_cast %swap3A_2063 : vector<16xi32> to vector<16xi32>
    %swap3A_2065 = vector.shape_cast %add3A_2061 : vector<16xi32> to vector<16xi32>
    tpu.vector_store %arg6[%swap3A_2062], %swap3A_2065 {strides = array<i32>} : memref<8192xi32, #tpu.memory_space<vmem>>, vector<16xi32>,
    %add3A_2066 = arith.constant 1000000 : i32
    %add3A_2067 = vector.broadcast %add3A_2066 : i32 to vector<16xi32>
    %add3A_2068 = arith.addi %min3A_1995, %add3A_2067 : vector<16xi32>
    %swap3A_2069 = arith.constant 5392 : index
    %swap3A_2070 = tpu.vector_load %arg6[%swap3A_2069] {strides = array<i32>} : memref<8192xi32, #tpu.memory_space<vmem>>, vector<16xi32>,
    %swap3A_2071 = vector.shape_cast %swap3A_2070 : vector<16xi32> to vector<16xi32>
    %swap3A_2072 = vector.shape_cast %add3A_2068 : vector<16xi32> to vector<16xi32>
    tpu.vector_store %arg6[%swap3A_2069], %swap3A_2072 {strides = array<i32>} : memref<8192xi32, #tpu.memory_space<vmem>>, vector<16xi32>,
    %add3A_2073 = arith.constant 1100000 : i32
    %add3A_2074 = vector.broadcast %add3A_2073 : i32 to vector<16xi32>
    %add3A_2075 = arith.addi %min3A_1995, %add3A_2074 : vector<16xi32>
    %swap3A_2076 = arith.constant 5904 : index
    %swap3A_2077 = tpu.vector_load %arg6[%swap3A_2076] {strides = array<i32>} : memref<8192xi32, #tpu.memory_space<vmem>>, vector<16xi32>,
    %swap3A_2078 = vector.shape_cast %swap3A_2077 : vector<16xi32> to vector<16xi32>
    %swap3A_2079 = vector.shape_cast %add3A_2075 : vector<16xi32> to vector<16xi32>
    tpu.vector_store %arg6[%swap3A_2076], %swap3A_2079 {strides = array<i32>} : memref<8192xi32, #tpu.memory_space<vmem>>, vector<16xi32>,
    %add3A_2080 = arith.constant 1200000 : i32
    %add3A_2081 = vector.broadcast %add3A_2080 : i32 to vector<16xi32>
    %add3A_2082 = arith.addi %min3A_1995, %add3A_2081 : vector<16xi32>
    %swap3A_2083 = arith.constant 6416 : index
    %swap3A_2084 = tpu.vector_load %arg6[%swap3A_2083] {strides = array<i32>} : memref<8192xi32, #tpu.memory_space<vmem>>, vector<16xi32>,
    %swap3A_2085 = vector.shape_cast %swap3A_2084 : vector<16xi32> to vector<16xi32>
    %swap3A_2086 = vector.shape_cast %add3A_2082 : vector<16xi32> to vector<16xi32>
    tpu.vector_store %arg6[%swap3A_2083], %swap3A_2086 {strides = array<i32>} : memref<8192xi32, #tpu.memory_space<vmem>>, vector<16xi32>,
    %add3A_2087 = arith.constant 1300000 : i32
    %add3A_2088 = vector.broadcast %add3A_2087 : i32 to vector<16xi32>
    %add3A_2089 = arith.addi %min3A_1995, %add3A_2088 : vector<16xi32>
    %swap3A_2090 = arith.constant 6928 : index
    %swap3A_2091 = tpu.vector_load %arg6[%swap3A_2090] {strides = array<i32>} : memref<8192xi32, #tpu.memory_space<vmem>>, vector<16xi32>,
    %swap3A_2092 = vector.shape_cast %swap3A_2091 : vector<16xi32> to vector<16xi32>
    %swap3A_2093 = vector.shape_cast %add3A_2089 : vector<16xi32> to vector<16xi32>
    tpu.vector_store %arg6[%swap3A_2090], %swap3A_2093 {strides = array<i32>} : memref<8192xi32, #tpu.memory_space<vmem>>, vector<16xi32>,
    %add3A_2094 = arith.constant 1400000 : i32
    %add3A_2095 = vector.broadcast %add3A_2094 : i32 to vector<16xi32>
    %add3A_2096 = arith.addi %min3A_1995, %add3A_2095 : vector<16xi32>
    %swap3A_2097 = arith.constant 7440 : index
    %swap3A_2098 = tpu.vector_load %arg6[%swap3A_2097] {strides = array<i32>} : memref<8192xi32, #tpu.memory_space<vmem>>, vector<16xi32>,
    %swap3A_2099 = vector.shape_cast %swap3A_2098 : vector<16xi32> to vector<16xi32>
    %swap3A_2100 = vector.shape_cast %add3A_2096 : vector<16xi32> to vector<16xi32>
    tpu.vector_store %arg6[%swap3A_2097], %swap3A_2100 {strides = array<i32>} : memref<8192xi32, #tpu.memory_space<vmem>>, vector<16xi32>,
    %add3A_2101 = arith.constant 1500000 : i32
    %add3A_2102 = vector.broadcast %add3A_2101 : i32 to vector<16xi32>
    %add3A_2103 = arith.addi %min3A_1995, %add3A_2102 : vector<16xi32>
    %swap3A_2104 = arith.constant 7952 : index
    %swap3A_2105 = tpu.vector_load %arg6[%swap3A_2104] {strides = array<i32>} : memref<8192xi32, #tpu.memory_space<vmem>>, vector<16xi32>,
    %swap3A_2106 = vector.shape_cast %swap3A_2105 : vector<16xi32> to vector<16xi32>
    %swap3A_2107 = vector.shape_cast %add3A_2103 : vector<16xi32> to vector<16xi32>
    tpu.vector_store %arg6[%swap3A_2104], %swap3A_2107 {strides = array<i32>} : memref<8192xi32, #tpu.memory_space<vmem>>, vector<16xi32>,
    %get3A_2108 = arith.constant 288 : index
    %get3A_2109 = tpu.vector_load %arg5[%get3A_2108] {strides = array<i32>} : memref<512xi32, #tpu.memory_space<vmem>>, vector<16xi32>,
    %get3A_2110 = vector.shape_cast %get3A_2109 : vector<16xi32> to vector<16xi32>
    %max3A_2111 = arith.maxsi %get3A_2110, %broadcast_in_dim3A_5 : vector<16xi32>
    %min3A_2112 = arith.minsi %max3A_2111, %broadcast_in_dim3A_3 : vector<16xi32>
    %add3A_2113 = arith.constant 0 : i32
    %add3A_2114 = vector.broadcast %add3A_2113 : i32 to vector<16xi32>
    %add3A_2115 = arith.addi %min3A_2112, %add3A_2114 : vector<16xi32>
    %swap3A_2116 = arith.constant 288 : index
    %swap3A_2117 = tpu.vector_load %arg6[%swap3A_2116] {strides = array<i32>} : memref<8192xi32, #tpu.memory_space<vmem>>, vector<16xi32>,
    %swap3A_2118 = vector.shape_cast %swap3A_2117 : vector<16xi32> to vector<16xi32>
    %swap3A_2119 = vector.shape_cast %add3A_2115 : vector<16xi32> to vector<16xi32>
    tpu.vector_store %arg6[%swap3A_2116], %swap3A_2119 {strides = array<i32>} : memref<8192xi32, #tpu.memory_space<vmem>>, vector<16xi32>,
    %add3A_2120 = arith.constant 100000 : i32
    %add3A_2121 = vector.broadcast %add3A_2120 : i32 to vector<16xi32>
    %add3A_2122 = arith.addi %min3A_2112, %add3A_2121 : vector<16xi32>
    %swap3A_2123 = arith.constant 800 : index
    %swap3A_2124 = tpu.vector_load %arg6[%swap3A_2123] {strides = array<i32>} : memref<8192xi32, #tpu.memory_space<vmem>>, vector<16xi32>,
    %swap3A_2125 = vector.shape_cast %swap3A_2124 : vector<16xi32> to vector<16xi32>
    %swap3A_2126 = vector.shape_cast %add3A_2122 : vector<16xi32> to vector<16xi32>
    tpu.vector_store %arg6[%swap3A_2123], %swap3A_2126 {strides = array<i32>} : memref<8192xi32, #tpu.memory_space<vmem>>, vector<16xi32>,
    %add3A_2127 = arith.constant 200000 : i32
    %add3A_2128 = vector.broadcast %add3A_2127 : i32 to vector<16xi32>
    %add3A_2129 = arith.addi %min3A_2112, %add3A_2128 : vector<16xi32>
    %swap3A_2130 = arith.constant 1312 : index
    %swap3A_2131 = tpu.vector_load %arg6[%swap3A_2130] {strides = array<i32>} : memref<8192xi32, #tpu.memory_space<vmem>>, vector<16xi32>,
    %swap3A_2132 = vector.shape_cast %swap3A_2131 : vector<16xi32> to vector<16xi32>
    %swap3A_2133 = vector.shape_cast %add3A_2129 : vector<16xi32> to vector<16xi32>
    tpu.vector_store %arg6[%swap3A_2130], %swap3A_2133 {strides = array<i32>} : memref<8192xi32, #tpu.memory_space<vmem>>, vector<16xi32>,
    %add3A_2134 = arith.constant 300000 : i32
    %add3A_2135 = vector.broadcast %add3A_2134 : i32 to vector<16xi32>
    %add3A_2136 = arith.addi %min3A_2112, %add3A_2135 : vector<16xi32>
    %swap3A_2137 = arith.constant 1824 : index
    %swap3A_2138 = tpu.vector_load %arg6[%swap3A_2137] {strides = array<i32>} : memref<8192xi32, #tpu.memory_space<vmem>>, vector<16xi32>,
    %swap3A_2139 = vector.shape_cast %swap3A_2138 : vector<16xi32> to vector<16xi32>
    %swap3A_2140 = vector.shape_cast %add3A_2136 : vector<16xi32> to vector<16xi32>
    tpu.vector_store %arg6[%swap3A_2137], %swap3A_2140 {strides = array<i32>} : memref<8192xi32, #tpu.memory_space<vmem>>, vector<16xi32>,
    %add3A_2141 = arith.constant 400000 : i32
    %add3A_2142 = vector.broadcast %add3A_2141 : i32 to vector<16xi32>
    %add3A_2143 = arith.addi %min3A_2112, %add3A_2142 : vector<16xi32>
    %swap3A_2144 = arith.constant 2336 : index
    %swap3A_2145 = tpu.vector_load %arg6[%swap3A_2144] {strides = array<i32>} : memref<8192xi32, #tpu.memory_space<vmem>>, vector<16xi32>,
    %swap3A_2146 = vector.shape_cast %swap3A_2145 : vector<16xi32> to vector<16xi32>
    %swap3A_2147 = vector.shape_cast %add3A_2143 : vector<16xi32> to vector<16xi32>
    tpu.vector_store %arg6[%swap3A_2144], %swap3A_2147 {strides = array<i32>} : memref<8192xi32, #tpu.memory_space<vmem>>, vector<16xi32>,
    %add3A_2148 = arith.constant 500000 : i32
    %add3A_2149 = vector.broadcast %add3A_2148 : i32 to vector<16xi32>
    %add3A_2150 = arith.addi %min3A_2112, %add3A_2149 : vector<16xi32>
    %swap3A_2151 = arith.constant 2848 : index
    %swap3A_2152 = tpu.vector_load %arg6[%swap3A_2151] {strides = array<i32>} : memref<8192xi32, #tpu.memory_space<vmem>>, vector<16xi32>,
    %swap3A_2153 = vector.shape_cast %swap3A_2152 : vector<16xi32> to vector<16xi32>
    %swap3A_2154 = vector.shape_cast %add3A_2150 : vector<16xi32> to vector<16xi32>
    tpu.vector_store %arg6[%swap3A_2151], %swap3A_2154 {strides = array<i32>} : memref<8192xi32, #tpu.memory_space<vmem>>, vector<16xi32>,
    %add3A_2155 = arith.constant 600000 : i32
    %add3A_2156 = vector.broadcast %add3A_2155 : i32 to vector<16xi32>
    %add3A_2157 = arith.addi %min3A_2112, %add3A_2156 : vector<16xi32>
    %swap3A_2158 = arith.constant 3360 : index
    %swap3A_2159 = tpu.vector_load %arg6[%swap3A_2158] {strides = array<i32>} : memref<8192xi32, #tpu.memory_space<vmem>>, vector<16xi32>,
    %swap3A_2160 = vector.shape_cast %swap3A_2159 : vector<16xi32> to vector<16xi32>
    %swap3A_2161 = vector.shape_cast %add3A_2157 : vector<16xi32> to vector<16xi32>
    tpu.vector_store %arg6[%swap3A_2158], %swap3A_2161 {strides = array<i32>} : memref<8192xi32, #tpu.memory_space<vmem>>, vector<16xi32>,
    %add3A_2162 = arith.constant 700000 : i32
    %add3A_2163 = vector.broadcast %add3A_2162 : i32 to vector<16xi32>
    %add3A_2164 = arith.addi %min3A_2112, %add3A_2163 : vector<16xi32>
    %swap3A_2165 = arith.constant 3872 : index
    %swap3A_2166 = tpu.vector_load %arg6[%swap3A_2165] {strides = array<i32>} : memref<8192xi32, #tpu.memory_space<vmem>>, vector<16xi32>,
    %swap3A_2167 = vector.shape_cast %swap3A_2166 : vector<16xi32> to vector<16xi32>
    %swap3A_2168 = vector.shape_cast %add3A_2164 : vector<16xi32> to vector<16xi32>
    tpu.vector_store %arg6[%swap3A_2165], %swap3A_2168 {strides = array<i32>} : memref<8192xi32, #tpu.memory_space<vmem>>, vector<16xi32>,
    %add3A_2169 = arith.constant 800000 : i32
    %add3A_2170 = vector.broadcast %add3A_2169 : i32 to vector<16xi32>
    %add3A_2171 = arith.addi %min3A_2112, %add3A_2170 : vector<16xi32>
    %swap3A_2172 = arith.constant 4384 : index
    %swap3A_2173 = tpu.vector_load %arg6[%swap3A_2172] {strides = array<i32>} : memref<8192xi32, #tpu.memory_space<vmem>>, vector<16xi32>,
    %swap3A_2174 = vector.shape_cast %swap3A_2173 : vector<16xi32> to vector<16xi32>
    %swap3A_2175 = vector.shape_cast %add3A_2171 : vector<16xi32> to vector<16xi32>
    tpu.vector_store %arg6[%swap3A_2172], %swap3A_2175 {strides = array<i32>} : memref<8192xi32, #tpu.memory_space<vmem>>, vector<16xi32>,
    %add3A_2176 = arith.constant 900000 : i32
    %add3A_2177 = vector.broadcast %add3A_2176 : i32 to vector<16xi32>
    %add3A_2178 = arith.addi %min3A_2112, %add3A_2177 : vector<16xi32>
    %swap3A_2179 = arith.constant 4896 : index
    %swap3A_2180 = tpu.vector_load %arg6[%swap3A_2179] {strides = array<i32>} : memref<8192xi32, #tpu.memory_space<vmem>>, vector<16xi32>,
    %swap3A_2181 = vector.shape_cast %swap3A_2180 : vector<16xi32> to vector<16xi32>
    %swap3A_2182 = vector.shape_cast %add3A_2178 : vector<16xi32> to vector<16xi32>
    tpu.vector_store %arg6[%swap3A_2179], %swap3A_2182 {strides = array<i32>} : memref<8192xi32, #tpu.memory_space<vmem>>, vector<16xi32>,
    %add3A_2183 = arith.constant 1000000 : i32
    %add3A_2184 = vector.broadcast %add3A_2183 : i32 to vector<16xi32>
    %add3A_2185 = arith.addi %min3A_2112, %add3A_2184 : vector<16xi32>
    %swap3A_2186 = arith.constant 5408 : index
    %swap3A_2187 = tpu.vector_load %arg6[%swap3A_2186] {strides = array<i32>} : memref<8192xi32, #tpu.memory_space<vmem>>, vector<16xi32>,
    %swap3A_2188 = vector.shape_cast %swap3A_2187 : vector<16xi32> to vector<16xi32>
    %swap3A_2189 = vector.shape_cast %add3A_2185 : vector<16xi32> to vector<16xi32>
    tpu.vector_store %arg6[%swap3A_2186], %swap3A_2189 {strides = array<i32>} : memref<8192xi32, #tpu.memory_space<vmem>>, vector<16xi32>,
    %add3A_2190 = arith.constant 1100000 : i32
    %add3A_2191 = vector.broadcast %add3A_2190 : i32 to vector<16xi32>
    %add3A_2192 = arith.addi %min3A_2112, %add3A_2191 : vector<16xi32>
    %swap3A_2193 = arith.constant 5920 : index
    %swap3A_2194 = tpu.vector_load %arg6[%swap3A_2193] {strides = array<i32>} : memref<8192xi32, #tpu.memory_space<vmem>>, vector<16xi32>,
    %swap3A_2195 = vector.shape_cast %swap3A_2194 : vector<16xi32> to vector<16xi32>
    %swap3A_2196 = vector.shape_cast %add3A_2192 : vector<16xi32> to vector<16xi32>
    tpu.vector_store %arg6[%swap3A_2193], %swap3A_2196 {strides = array<i32>} : memref<8192xi32, #tpu.memory_space<vmem>>, vector<16xi32>,
    %add3A_2197 = arith.constant 1200000 : i32
    %add3A_2198 = vector.broadcast %add3A_2197 : i32 to vector<16xi32>
    %add3A_2199 = arith.addi %min3A_2112, %add3A_2198 : vector<16xi32>
    %swap3A_2200 = arith.constant 6432 : index
    %swap3A_2201 = tpu.vector_load %arg6[%swap3A_2200] {strides = array<i32>} : memref<8192xi32, #tpu.memory_space<vmem>>, vector<16xi32>,
    %swap3A_2202 = vector.shape_cast %swap3A_2201 : vector<16xi32> to vector<16xi32>
    %swap3A_2203 = vector.shape_cast %add3A_2199 : vector<16xi32> to vector<16xi32>
    tpu.vector_store %arg6[%swap3A_2200], %swap3A_2203 {strides = array<i32>} : memref<8192xi32, #tpu.memory_space<vmem>>, vector<16xi32>,
    %add3A_2204 = arith.constant 1300000 : i32
    %add3A_2205 = vector.broadcast %add3A_2204 : i32 to vector<16xi32>
    %add3A_2206 = arith.addi %min3A_2112, %add3A_2205 : vector<16xi32>
    %swap3A_2207 = arith.constant 6944 : index
    %swap3A_2208 = tpu.vector_load %arg6[%swap3A_2207] {strides = array<i32>} : memref<8192xi32, #tpu.memory_space<vmem>>, vector<16xi32>,
    %swap3A_2209 = vector.shape_cast %swap3A_2208 : vector<16xi32> to vector<16xi32>
    %swap3A_2210 = vector.shape_cast %add3A_2206 : vector<16xi32> to vector<16xi32>
    tpu.vector_store %arg6[%swap3A_2207], %swap3A_2210 {strides = array<i32>} : memref<8192xi32, #tpu.memory_space<vmem>>, vector<16xi32>,
    %add3A_2211 = arith.constant 1400000 : i32
    %add3A_2212 = vector.broadcast %add3A_2211 : i32 to vector<16xi32>
    %add3A_2213 = arith.addi %min3A_2112, %add3A_2212 : vector<16xi32>
    %swap3A_2214 = arith.constant 7456 : index
    %swap3A_2215 = tpu.vector_load %arg6[%swap3A_2214] {strides = array<i32>} : memref<8192xi32, #tpu.memory_space<vmem>>, vector<16xi32>,
    %swap3A_2216 = vector.shape_cast %swap3A_2215 : vector<16xi32> to vector<16xi32>
    %swap3A_2217 = vector.shape_cast %add3A_2213 : vector<16xi32> to vector<16xi32>
    tpu.vector_store %arg6[%swap3A_2214], %swap3A_2217 {strides = array<i32>} : memref<8192xi32, #tpu.memory_space<vmem>>, vector<16xi32>,
    %add3A_2218 = arith.constant 1500000 : i32
    %add3A_2219 = vector.broadcast %add3A_2218 : i32 to vector<16xi32>
    %add3A_2220 = arith.addi %min3A_2112, %add3A_2219 : vector<16xi32>
    %swap3A_2221 = arith.constant 7968 : index
    %swap3A_2222 = tpu.vector_load %arg6[%swap3A_2221] {strides = array<i32>} : memref<8192xi32, #tpu.memory_space<vmem>>, vector<16xi32>,
    %swap3A_2223 = vector.shape_cast %swap3A_2222 : vector<16xi32> to vector<16xi32>
    %swap3A_2224 = vector.shape_cast %add3A_2220 : vector<16xi32> to vector<16xi32>
    tpu.vector_store %arg6[%swap3A_2221], %swap3A_2224 {strides = array<i32>} : memref<8192xi32, #tpu.memory_space<vmem>>, vector<16xi32>,
    %get3A_2225 = arith.constant 304 : index
    %get3A_2226 = tpu.vector_load %arg5[%get3A_2225] {strides = array<i32>} : memref<512xi32, #tpu.memory_space<vmem>>, vector<16xi32>,
    %get3A_2227 = vector.shape_cast %get3A_2226 : vector<16xi32> to vector<16xi32>
    %max3A_2228 = arith.maxsi %get3A_2227, %broadcast_in_dim3A_5 : vector<16xi32>
    %min3A_2229 = arith.minsi %max3A_2228, %broadcast_in_dim3A_3 : vector<16xi32>
    %add3A_2230 = arith.constant 0 : i32
    %add3A_2231 = vector.broadcast %add3A_2230 : i32 to vector<16xi32>
    %add3A_2232 = arith.addi %min3A_2229, %add3A_2231 : vector<16xi32>
    %swap3A_2233 = arith.constant 304 : index
    %swap3A_2234 = tpu.vector_load %arg6[%swap3A_2233] {strides = array<i32>} : memref<8192xi32, #tpu.memory_space<vmem>>, vector<16xi32>,
    %swap3A_2235 = vector.shape_cast %swap3A_2234 : vector<16xi32> to vector<16xi32>
    %swap3A_2236 = vector.shape_cast %add3A_2232 : vector<16xi32> to vector<16xi32>
    tpu.vector_store %arg6[%swap3A_2233], %swap3A_2236 {strides = array<i32>} : memref<8192xi32, #tpu.memory_space<vmem>>, vector<16xi32>,
    %add3A_2237 = arith.constant 100000 : i32
    %add3A_2238 = vector.broadcast %add3A_2237 : i32 to vector<16xi32>
    %add3A_2239 = arith.addi %min3A_2229, %add3A_2238 : vector<16xi32>
    %swap3A_2240 = arith.constant 816 : index
    %swap3A_2241 = tpu.vector_load %arg6[%swap3A_2240] {strides = array<i32>} : memref<8192xi32, #tpu.memory_space<vmem>>, vector<16xi32>,
    %swap3A_2242 = vector.shape_cast %swap3A_2241 : vector<16xi32> to vector<16xi32>
    %swap3A_2243 = vector.shape_cast %add3A_2239 : vector<16xi32> to vector<16xi32>
    tpu.vector_store %arg6[%swap3A_2240], %swap3A_2243 {strides = array<i32>} : memref<8192xi32, #tpu.memory_space<vmem>>, vector<16xi32>,
    %add3A_2244 = arith.constant 200000 : i32
    %add3A_2245 = vector.broadcast %add3A_2244 : i32 to vector<16xi32>
    %add3A_2246 = arith.addi %min3A_2229, %add3A_2245 : vector<16xi32>
    %swap3A_2247 = arith.constant 1328 : index
    %swap3A_2248 = tpu.vector_load %arg6[%swap3A_2247] {strides = array<i32>} : memref<8192xi32, #tpu.memory_space<vmem>>, vector<16xi32>,
    %swap3A_2249 = vector.shape_cast %swap3A_2248 : vector<16xi32> to vector<16xi32>
    %swap3A_2250 = vector.shape_cast %add3A_2246 : vector<16xi32> to vector<16xi32>
    tpu.vector_store %arg6[%swap3A_2247], %swap3A_2250 {strides = array<i32>} : memref<8192xi32, #tpu.memory_space<vmem>>, vector<16xi32>,
    %add3A_2251 = arith.constant 300000 : i32
    %add3A_2252 = vector.broadcast %add3A_2251 : i32 to vector<16xi32>
    %add3A_2253 = arith.addi %min3A_2229, %add3A_2252 : vector<16xi32>
    %swap3A_2254 = arith.constant 1840 : index
    %swap3A_2255 = tpu.vector_load %arg6[%swap3A_2254] {strides = array<i32>} : memref<8192xi32, #tpu.memory_space<vmem>>, vector<16xi32>,
    %swap3A_2256 = vector.shape_cast %swap3A_2255 : vector<16xi32> to vector<16xi32>
    %swap3A_2257 = vector.shape_cast %add3A_2253 : vector<16xi32> to vector<16xi32>
    tpu.vector_store %arg6[%swap3A_2254], %swap3A_2257 {strides = array<i32>} : memref<8192xi32, #tpu.memory_space<vmem>>, vector<16xi32>,
    %add3A_2258 = arith.constant 400000 : i32
    %add3A_2259 = vector.broadcast %add3A_2258 : i32 to vector<16xi32>
    %add3A_2260 = arith.addi %min3A_2229, %add3A_2259 : vector<16xi32>
    %swap3A_2261 = arith.constant 2352 : index
    %swap3A_2262 = tpu.vector_load %arg6[%swap3A_2261] {strides = array<i32>} : memref<8192xi32, #tpu.memory_space<vmem>>, vector<16xi32>,
    %swap3A_2263 = vector.shape_cast %swap3A_2262 : vector<16xi32> to vector<16xi32>
    %swap3A_2264 = vector.shape_cast %add3A_2260 : vector<16xi32> to vector<16xi32>
    tpu.vector_store %arg6[%swap3A_2261], %swap3A_2264 {strides = array<i32>} : memref<8192xi32, #tpu.memory_space<vmem>>, vector<16xi32>,
    %add3A_2265 = arith.constant 500000 : i32
    %add3A_2266 = vector.broadcast %add3A_2265 : i32 to vector<16xi32>
    %add3A_2267 = arith.addi %min3A_2229, %add3A_2266 : vector<16xi32>
    %swap3A_2268 = arith.constant 2864 : index
    %swap3A_2269 = tpu.vector_load %arg6[%swap3A_2268] {strides = array<i32>} : memref<8192xi32, #tpu.memory_space<vmem>>, vector<16xi32>,
    %swap3A_2270 = vector.shape_cast %swap3A_2269 : vector<16xi32> to vector<16xi32>
    %swap3A_2271 = vector.shape_cast %add3A_2267 : vector<16xi32> to vector<16xi32>
    tpu.vector_store %arg6[%swap3A_2268], %swap3A_2271 {strides = array<i32>} : memref<8192xi32, #tpu.memory_space<vmem>>, vector<16xi32>,
    %add3A_2272 = arith.constant 600000 : i32
    %add3A_2273 = vector.broadcast %add3A_2272 : i32 to vector<16xi32>
    %add3A_2274 = arith.addi %min3A_2229, %add3A_2273 : vector<16xi32>
    %swap3A_2275 = arith.constant 3376 : index
    %swap3A_2276 = tpu.vector_load %arg6[%swap3A_2275] {strides = array<i32>} : memref<8192xi32, #tpu.memory_space<vmem>>, vector<16xi32>,
    %swap3A_2277 = vector.shape_cast %swap3A_2276 : vector<16xi32> to vector<16xi32>
    %swap3A_2278 = vector.shape_cast %add3A_2274 : vector<16xi32> to vector<16xi32>
    tpu.vector_store %arg6[%swap3A_2275], %swap3A_2278 {strides = array<i32>} : memref<8192xi32, #tpu.memory_space<vmem>>, vector<16xi32>,
    %add3A_2279 = arith.constant 700000 : i32
    %add3A_2280 = vector.broadcast %add3A_2279 : i32 to vector<16xi32>
    %add3A_2281 = arith.addi %min3A_2229, %add3A_2280 : vector<16xi32>
    %swap3A_2282 = arith.constant 3888 : index
    %swap3A_2283 = tpu.vector_load %arg6[%swap3A_2282] {strides = array<i32>} : memref<8192xi32, #tpu.memory_space<vmem>>, vector<16xi32>,
    %swap3A_2284 = vector.shape_cast %swap3A_2283 : vector<16xi32> to vector<16xi32>
    %swap3A_2285 = vector.shape_cast %add3A_2281 : vector<16xi32> to vector<16xi32>
    tpu.vector_store %arg6[%swap3A_2282], %swap3A_2285 {strides = array<i32>} : memref<8192xi32, #tpu.memory_space<vmem>>, vector<16xi32>,
    %add3A_2286 = arith.constant 800000 : i32
    %add3A_2287 = vector.broadcast %add3A_2286 : i32 to vector<16xi32>
    %add3A_2288 = arith.addi %min3A_2229, %add3A_2287 : vector<16xi32>
    %swap3A_2289 = arith.constant 4400 : index
    %swap3A_2290 = tpu.vector_load %arg6[%swap3A_2289] {strides = array<i32>} : memref<8192xi32, #tpu.memory_space<vmem>>, vector<16xi32>,
    %swap3A_2291 = vector.shape_cast %swap3A_2290 : vector<16xi32> to vector<16xi32>
    %swap3A_2292 = vector.shape_cast %add3A_2288 : vector<16xi32> to vector<16xi32>
    tpu.vector_store %arg6[%swap3A_2289], %swap3A_2292 {strides = array<i32>} : memref<8192xi32, #tpu.memory_space<vmem>>, vector<16xi32>,
    %add3A_2293 = arith.constant 900000 : i32
    %add3A_2294 = vector.broadcast %add3A_2293 : i32 to vector<16xi32>
    %add3A_2295 = arith.addi %min3A_2229, %add3A_2294 : vector<16xi32>
    %swap3A_2296 = arith.constant 4912 : index
    %swap3A_2297 = tpu.vector_load %arg6[%swap3A_2296] {strides = array<i32>} : memref<8192xi32, #tpu.memory_space<vmem>>, vector<16xi32>,
    %swap3A_2298 = vector.shape_cast %swap3A_2297 : vector<16xi32> to vector<16xi32>
    %swap3A_2299 = vector.shape_cast %add3A_2295 : vector<16xi32> to vector<16xi32>
    tpu.vector_store %arg6[%swap3A_2296], %swap3A_2299 {strides = array<i32>} : memref<8192xi32, #tpu.memory_space<vmem>>, vector<16xi32>,
    %add3A_2300 = arith.constant 1000000 : i32
    %add3A_2301 = vector.broadcast %add3A_2300 : i32 to vector<16xi32>
    %add3A_2302 = arith.addi %min3A_2229, %add3A_2301 : vector<16xi32>
    %swap3A_2303 = arith.constant 5424 : index
    %swap3A_2304 = tpu.vector_load %arg6[%swap3A_2303] {strides = array<i32>} : memref<8192xi32, #tpu.memory_space<vmem>>, vector<16xi32>,
    %swap3A_2305 = vector.shape_cast %swap3A_2304 : vector<16xi32> to vector<16xi32>
    %swap3A_2306 = vector.shape_cast %add3A_2302 : vector<16xi32> to vector<16xi32>
    tpu.vector_store %arg6[%swap3A_2303], %swap3A_2306 {strides = array<i32>} : memref<8192xi32, #tpu.memory_space<vmem>>, vector<16xi32>,
    %add3A_2307 = arith.constant 1100000 : i32
    %add3A_2308 = vector.broadcast %add3A_2307 : i32 to vector<16xi32>
    %add3A_2309 = arith.addi %min3A_2229, %add3A_2308 : vector<16xi32>
    %swap3A_2310 = arith.constant 5936 : index
    %swap3A_2311 = tpu.vector_load %arg6[%swap3A_2310] {strides = array<i32>} : memref<8192xi32, #tpu.memory_space<vmem>>, vector<16xi32>,
    %swap3A_2312 = vector.shape_cast %swap3A_2311 : vector<16xi32> to vector<16xi32>
    %swap3A_2313 = vector.shape_cast %add3A_2309 : vector<16xi32> to vector<16xi32>
    tpu.vector_store %arg6[%swap3A_2310], %swap3A_2313 {strides = array<i32>} : memref<8192xi32, #tpu.memory_space<vmem>>, vector<16xi32>,
    %add3A_2314 = arith.constant 1200000 : i32
    %add3A_2315 = vector.broadcast %add3A_2314 : i32 to vector<16xi32>
    %add3A_2316 = arith.addi %min3A_2229, %add3A_2315 : vector<16xi32>
    %swap3A_2317 = arith.constant 6448 : index
    %swap3A_2318 = tpu.vector_load %arg6[%swap3A_2317] {strides = array<i32>} : memref<8192xi32, #tpu.memory_space<vmem>>, vector<16xi32>,
    %swap3A_2319 = vector.shape_cast %swap3A_2318 : vector<16xi32> to vector<16xi32>
    %swap3A_2320 = vector.shape_cast %add3A_2316 : vector<16xi32> to vector<16xi32>
    tpu.vector_store %arg6[%swap3A_2317], %swap3A_2320 {strides = array<i32>} : memref<8192xi32, #tpu.memory_space<vmem>>, vector<16xi32>,
    %add3A_2321 = arith.constant 1300000 : i32
    %add3A_2322 = vector.broadcast %add3A_2321 : i32 to vector<16xi32>
    %add3A_2323 = arith.addi %min3A_2229, %add3A_2322 : vector<16xi32>
    %swap3A_2324 = arith.constant 6960 : index
    %swap3A_2325 = tpu.vector_load %arg6[%swap3A_2324] {strides = array<i32>} : memref<8192xi32, #tpu.memory_space<vmem>>, vector<16xi32>,
    %swap3A_2326 = vector.shape_cast %swap3A_2325 : vector<16xi32> to vector<16xi32>
    %swap3A_2327 = vector.shape_cast %add3A_2323 : vector<16xi32> to vector<16xi32>
    tpu.vector_store %arg6[%swap3A_2324], %swap3A_2327 {strides = array<i32>} : memref<8192xi32, #tpu.memory_space<vmem>>, vector<16xi32>,
    %add3A_2328 = arith.constant 1400000 : i32
    %add3A_2329 = vector.broadcast %add3A_2328 : i32 to vector<16xi32>
    %add3A_2330 = arith.addi %min3A_2229, %add3A_2329 : vector<16xi32>
    %swap3A_2331 = arith.constant 7472 : index
    %swap3A_2332 = tpu.vector_load %arg6[%swap3A_2331] {strides = array<i32>} : memref<8192xi32, #tpu.memory_space<vmem>>, vector<16xi32>,
    %swap3A_2333 = vector.shape_cast %swap3A_2332 : vector<16xi32> to vector<16xi32>
    %swap3A_2334 = vector.shape_cast %add3A_2330 : vector<16xi32> to vector<16xi32>
    tpu.vector_store %arg6[%swap3A_2331], %swap3A_2334 {strides = array<i32>} : memref<8192xi32, #tpu.memory_space<vmem>>, vector<16xi32>,
    %add3A_2335 = arith.constant 1500000 : i32
    %add3A_2336 = vector.broadcast %add3A_2335 : i32 to vector<16xi32>
    %add3A_2337 = arith.addi %min3A_2229, %add3A_2336 : vector<16xi32>
    %swap3A_2338 = arith.constant 7984 : index
    %swap3A_2339 = tpu.vector_load %arg6[%swap3A_2338] {strides = array<i32>} : memref<8192xi32, #tpu.memory_space<vmem>>, vector<16xi32>,
    %swap3A_2340 = vector.shape_cast %swap3A_2339 : vector<16xi32> to vector<16xi32>
    %swap3A_2341 = vector.shape_cast %add3A_2337 : vector<16xi32> to vector<16xi32>
    tpu.vector_store %arg6[%swap3A_2338], %swap3A_2341 {strides = array<i32>} : memref<8192xi32, #tpu.memory_space<vmem>>, vector<16xi32>,
    %get3A_2342 = arith.constant 320 : index
    %get3A_2343 = tpu.vector_load %arg5[%get3A_2342] {strides = array<i32>} : memref<512xi32, #tpu.memory_space<vmem>>, vector<16xi32>,
    %get3A_2344 = vector.shape_cast %get3A_2343 : vector<16xi32> to vector<16xi32>
    %max3A_2345 = arith.maxsi %get3A_2344, %broadcast_in_dim3A_5 : vector<16xi32>
    %min3A_2346 = arith.minsi %max3A_2345, %broadcast_in_dim3A_3 : vector<16xi32>
    %add3A_2347 = arith.constant 0 : i32
    %add3A_2348 = vector.broadcast %add3A_2347 : i32 to vector<16xi32>
    %add3A_2349 = arith.addi %min3A_2346, %add3A_2348 : vector<16xi32>
    %swap3A_2350 = arith.constant 320 : index
    %swap3A_2351 = tpu.vector_load %arg6[%swap3A_2350] {strides = array<i32>} : memref<8192xi32, #tpu.memory_space<vmem>>, vector<16xi32>,
    %swap3A_2352 = vector.shape_cast %swap3A_2351 : vector<16xi32> to vector<16xi32>
    %swap3A_2353 = vector.shape_cast %add3A_2349 : vector<16xi32> to vector<16xi32>
    tpu.vector_store %arg6[%swap3A_2350], %swap3A_2353 {strides = array<i32>} : memref<8192xi32, #tpu.memory_space<vmem>>, vector<16xi32>,
    %add3A_2354 = arith.constant 100000 : i32
    %add3A_2355 = vector.broadcast %add3A_2354 : i32 to vector<16xi32>
    %add3A_2356 = arith.addi %min3A_2346, %add3A_2355 : vector<16xi32>
    %swap3A_2357 = arith.constant 832 : index
    %swap3A_2358 = tpu.vector_load %arg6[%swap3A_2357] {strides = array<i32>} : memref<8192xi32, #tpu.memory_space<vmem>>, vector<16xi32>,
    %swap3A_2359 = vector.shape_cast %swap3A_2358 : vector<16xi32> to vector<16xi32>
    %swap3A_2360 = vector.shape_cast %add3A_2356 : vector<16xi32> to vector<16xi32>
    tpu.vector_store %arg6[%swap3A_2357], %swap3A_2360 {strides = array<i32>} : memref<8192xi32, #tpu.memory_space<vmem>>, vector<16xi32>,
    %add3A_2361 = arith.constant 200000 : i32
    %add3A_2362 = vector.broadcast %add3A_2361 : i32 to vector<16xi32>
    %add3A_2363 = arith.addi %min3A_2346, %add3A_2362 : vector<16xi32>
    %swap3A_2364 = arith.constant 1344 : index
    %swap3A_2365 = tpu.vector_load %arg6[%swap3A_2364] {strides = array<i32>} : memref<8192xi32, #tpu.memory_space<vmem>>, vector<16xi32>,
    %swap3A_2366 = vector.shape_cast %swap3A_2365 : vector<16xi32> to vector<16xi32>
    %swap3A_2367 = vector.shape_cast %add3A_2363 : vector<16xi32> to vector<16xi32>
    tpu.vector_store %arg6[%swap3A_2364], %swap3A_2367 {strides = array<i32>} : memref<8192xi32, #tpu.memory_space<vmem>>, vector<16xi32>,
    %add3A_2368 = arith.constant 300000 : i32
    %add3A_2369 = vector.broadcast %add3A_2368 : i32 to vector<16xi32>
    %add3A_2370 = arith.addi %min3A_2346, %add3A_2369 : vector<16xi32>
    %swap3A_2371 = arith.constant 1856 : index
    %swap3A_2372 = tpu.vector_load %arg6[%swap3A_2371] {strides = array<i32>} : memref<8192xi32, #tpu.memory_space<vmem>>, vector<16xi32>,
    %swap3A_2373 = vector.shape_cast %swap3A_2372 : vector<16xi32> to vector<16xi32>
    %swap3A_2374 = vector.shape_cast %add3A_2370 : vector<16xi32> to vector<16xi32>
    tpu.vector_store %arg6[%swap3A_2371], %swap3A_2374 {strides = array<i32>} : memref<8192xi32, #tpu.memory_space<vmem>>, vector<16xi32>,
    %add3A_2375 = arith.constant 400000 : i32
    %add3A_2376 = vector.broadcast %add3A_2375 : i32 to vector<16xi32>
    %add3A_2377 = arith.addi %min3A_2346, %add3A_2376 : vector<16xi32>
    %swap3A_2378 = arith.constant 2368 : index
    %swap3A_2379 = tpu.vector_load %arg6[%swap3A_2378] {strides = array<i32>} : memref<8192xi32, #tpu.memory_space<vmem>>, vector<16xi32>,
    %swap3A_2380 = vector.shape_cast %swap3A_2379 : vector<16xi32> to vector<16xi32>
    %swap3A_2381 = vector.shape_cast %add3A_2377 : vector<16xi32> to vector<16xi32>
    tpu.vector_store %arg6[%swap3A_2378], %swap3A_2381 {strides = array<i32>} : memref<8192xi32, #tpu.memory_space<vmem>>, vector<16xi32>,
    %add3A_2382 = arith.constant 500000 : i32
    %add3A_2383 = vector.broadcast %add3A_2382 : i32 to vector<16xi32>
    %add3A_2384 = arith.addi %min3A_2346, %add3A_2383 : vector<16xi32>
    %swap3A_2385 = arith.constant 2880 : index
    %swap3A_2386 = tpu.vector_load %arg6[%swap3A_2385] {strides = array<i32>} : memref<8192xi32, #tpu.memory_space<vmem>>, vector<16xi32>,
    %swap3A_2387 = vector.shape_cast %swap3A_2386 : vector<16xi32> to vector<16xi32>
    %swap3A_2388 = vector.shape_cast %add3A_2384 : vector<16xi32> to vector<16xi32>
    tpu.vector_store %arg6[%swap3A_2385], %swap3A_2388 {strides = array<i32>} : memref<8192xi32, #tpu.memory_space<vmem>>, vector<16xi32>,
    %add3A_2389 = arith.constant 600000 : i32
    %add3A_2390 = vector.broadcast %add3A_2389 : i32 to vector<16xi32>
    %add3A_2391 = arith.addi %min3A_2346, %add3A_2390 : vector<16xi32>
    %swap3A_2392 = arith.constant 3392 : index
    %swap3A_2393 = tpu.vector_load %arg6[%swap3A_2392] {strides = array<i32>} : memref<8192xi32, #tpu.memory_space<vmem>>, vector<16xi32>,
    %swap3A_2394 = vector.shape_cast %swap3A_2393 : vector<16xi32> to vector<16xi32>
    %swap3A_2395 = vector.shape_cast %add3A_2391 : vector<16xi32> to vector<16xi32>
    tpu.vector_store %arg6[%swap3A_2392], %swap3A_2395 {strides = array<i32>} : memref<8192xi32, #tpu.memory_space<vmem>>, vector<16xi32>,
    %add3A_2396 = arith.constant 700000 : i32
    %add3A_2397 = vector.broadcast %add3A_2396 : i32 to vector<16xi32>
    %add3A_2398 = arith.addi %min3A_2346, %add3A_2397 : vector<16xi32>
    %swap3A_2399 = arith.constant 3904 : index
    %swap3A_2400 = tpu.vector_load %arg6[%swap3A_2399] {strides = array<i32>} : memref<8192xi32, #tpu.memory_space<vmem>>, vector<16xi32>,
    %swap3A_2401 = vector.shape_cast %swap3A_2400 : vector<16xi32> to vector<16xi32>
    %swap3A_2402 = vector.shape_cast %add3A_2398 : vector<16xi32> to vector<16xi32>
    tpu.vector_store %arg6[%swap3A_2399], %swap3A_2402 {strides = array<i32>} : memref<8192xi32, #tpu.memory_space<vmem>>, vector<16xi32>,
    %add3A_2403 = arith.constant 800000 : i32
    %add3A_2404 = vector.broadcast %add3A_2403 : i32 to vector<16xi32>
    %add3A_2405 = arith.addi %min3A_2346, %add3A_2404 : vector<16xi32>
    %swap3A_2406 = arith.constant 4416 : index
    %swap3A_2407 = tpu.vector_load %arg6[%swap3A_2406] {strides = array<i32>} : memref<8192xi32, #tpu.memory_space<vmem>>, vector<16xi32>,
    %swap3A_2408 = vector.shape_cast %swap3A_2407 : vector<16xi32> to vector<16xi32>
    %swap3A_2409 = vector.shape_cast %add3A_2405 : vector<16xi32> to vector<16xi32>
    tpu.vector_store %arg6[%swap3A_2406], %swap3A_2409 {strides = array<i32>} : memref<8192xi32, #tpu.memory_space<vmem>>, vector<16xi32>,
    %add3A_2410 = arith.constant 900000 : i32
    %add3A_2411 = vector.broadcast %add3A_2410 : i32 to vector<16xi32>
    %add3A_2412 = arith.addi %min3A_2346, %add3A_2411 : vector<16xi32>
    %swap3A_2413 = arith.constant 4928 : index
    %swap3A_2414 = tpu.vector_load %arg6[%swap3A_2413] {strides = array<i32>} : memref<8192xi32, #tpu.memory_space<vmem>>, vector<16xi32>,
    %swap3A_2415 = vector.shape_cast %swap3A_2414 : vector<16xi32> to vector<16xi32>
    %swap3A_2416 = vector.shape_cast %add3A_2412 : vector<16xi32> to vector<16xi32>
    tpu.vector_store %arg6[%swap3A_2413], %swap3A_2416 {strides = array<i32>} : memref<8192xi32, #tpu.memory_space<vmem>>, vector<16xi32>,
    %add3A_2417 = arith.constant 1000000 : i32
    %add3A_2418 = vector.broadcast %add3A_2417 : i32 to vector<16xi32>
    %add3A_2419 = arith.addi %min3A_2346, %add3A_2418 : vector<16xi32>
    %swap3A_2420 = arith.constant 5440 : index
    %swap3A_2421 = tpu.vector_load %arg6[%swap3A_2420] {strides = array<i32>} : memref<8192xi32, #tpu.memory_space<vmem>>, vector<16xi32>,
    %swap3A_2422 = vector.shape_cast %swap3A_2421 : vector<16xi32> to vector<16xi32>
    %swap3A_2423 = vector.shape_cast %add3A_2419 : vector<16xi32> to vector<16xi32>
    tpu.vector_store %arg6[%swap3A_2420], %swap3A_2423 {strides = array<i32>} : memref<8192xi32, #tpu.memory_space<vmem>>, vector<16xi32>,
    %add3A_2424 = arith.constant 1100000 : i32
    %add3A_2425 = vector.broadcast %add3A_2424 : i32 to vector<16xi32>
    %add3A_2426 = arith.addi %min3A_2346, %add3A_2425 : vector<16xi32>
    %swap3A_2427 = arith.constant 5952 : index
    %swap3A_2428 = tpu.vector_load %arg6[%swap3A_2427] {strides = array<i32>} : memref<8192xi32, #tpu.memory_space<vmem>>, vector<16xi32>,
    %swap3A_2429 = vector.shape_cast %swap3A_2428 : vector<16xi32> to vector<16xi32>
    %swap3A_2430 = vector.shape_cast %add3A_2426 : vector<16xi32> to vector<16xi32>
    tpu.vector_store %arg6[%swap3A_2427], %swap3A_2430 {strides = array<i32>} : memref<8192xi32, #tpu.memory_space<vmem>>, vector<16xi32>,
    %add3A_2431 = arith.constant 1200000 : i32
    %add3A_2432 = vector.broadcast %add3A_2431 : i32 to vector<16xi32>
    %add3A_2433 = arith.addi %min3A_2346, %add3A_2432 : vector<16xi32>
    %swap3A_2434 = arith.constant 6464 : index
    %swap3A_2435 = tpu.vector_load %arg6[%swap3A_2434] {strides = array<i32>} : memref<8192xi32, #tpu.memory_space<vmem>>, vector<16xi32>,
    %swap3A_2436 = vector.shape_cast %swap3A_2435 : vector<16xi32> to vector<16xi32>
    %swap3A_2437 = vector.shape_cast %add3A_2433 : vector<16xi32> to vector<16xi32>
    tpu.vector_store %arg6[%swap3A_2434], %swap3A_2437 {strides = array<i32>} : memref<8192xi32, #tpu.memory_space<vmem>>, vector<16xi32>,
    %add3A_2438 = arith.constant 1300000 : i32
    %add3A_2439 = vector.broadcast %add3A_2438 : i32 to vector<16xi32>
    %add3A_2440 = arith.addi %min3A_2346, %add3A_2439 : vector<16xi32>
    %swap3A_2441 = arith.constant 6976 : index
    %swap3A_2442 = tpu.vector_load %arg6[%swap3A_2441] {strides = array<i32>} : memref<8192xi32, #tpu.memory_space<vmem>>, vector<16xi32>,
    %swap3A_2443 = vector.shape_cast %swap3A_2442 : vector<16xi32> to vector<16xi32>
    %swap3A_2444 = vector.shape_cast %add3A_2440 : vector<16xi32> to vector<16xi32>
    tpu.vector_store %arg6[%swap3A_2441], %swap3A_2444 {strides = array<i32>} : memref<8192xi32, #tpu.memory_space<vmem>>, vector<16xi32>,
    %add3A_2445 = arith.constant 1400000 : i32
    %add3A_2446 = vector.broadcast %add3A_2445 : i32 to vector<16xi32>
    %add3A_2447 = arith.addi %min3A_2346, %add3A_2446 : vector<16xi32>
    %swap3A_2448 = arith.constant 7488 : index
    %swap3A_2449 = tpu.vector_load %arg6[%swap3A_2448] {strides = array<i32>} : memref<8192xi32, #tpu.memory_space<vmem>>, vector<16xi32>,
    %swap3A_2450 = vector.shape_cast %swap3A_2449 : vector<16xi32> to vector<16xi32>
    %swap3A_2451 = vector.shape_cast %add3A_2447 : vector<16xi32> to vector<16xi32>
    tpu.vector_store %arg6[%swap3A_2448], %swap3A_2451 {strides = array<i32>} : memref<8192xi32, #tpu.memory_space<vmem>>, vector<16xi32>,
    %add3A_2452 = arith.constant 1500000 : i32
    %add3A_2453 = vector.broadcast %add3A_2452 : i32 to vector<16xi32>
    %add3A_2454 = arith.addi %min3A_2346, %add3A_2453 : vector<16xi32>
    %swap3A_2455 = arith.constant 8000 : index
    %swap3A_2456 = tpu.vector_load %arg6[%swap3A_2455] {strides = array<i32>} : memref<8192xi32, #tpu.memory_space<vmem>>, vector<16xi32>,
    %swap3A_2457 = vector.shape_cast %swap3A_2456 : vector<16xi32> to vector<16xi32>
    %swap3A_2458 = vector.shape_cast %add3A_2454 : vector<16xi32> to vector<16xi32>
    tpu.vector_store %arg6[%swap3A_2455], %swap3A_2458 {strides = array<i32>} : memref<8192xi32, #tpu.memory_space<vmem>>, vector<16xi32>,
    %get3A_2459 = arith.constant 336 : index
    %get3A_2460 = tpu.vector_load %arg5[%get3A_2459] {strides = array<i32>} : memref<512xi32, #tpu.memory_space<vmem>>, vector<16xi32>,
    %get3A_2461 = vector.shape_cast %get3A_2460 : vector<16xi32> to vector<16xi32>
    %max3A_2462 = arith.maxsi %get3A_2461, %broadcast_in_dim3A_5 : vector<16xi32>
    %min3A_2463 = arith.minsi %max3A_2462, %broadcast_in_dim3A_3 : vector<16xi32>
    %add3A_2464 = arith.constant 0 : i32
    %add3A_2465 = vector.broadcast %add3A_2464 : i32 to vector<16xi32>
    %add3A_2466 = arith.addi %min3A_2463, %add3A_2465 : vector<16xi32>
    %swap3A_2467 = arith.constant 336 : index
    %swap3A_2468 = tpu.vector_load %arg6[%swap3A_2467] {strides = array<i32>} : memref<8192xi32, #tpu.memory_space<vmem>>, vector<16xi32>,
    %swap3A_2469 = vector.shape_cast %swap3A_2468 : vector<16xi32> to vector<16xi32>
    %swap3A_2470 = vector.shape_cast %add3A_2466 : vector<16xi32> to vector<16xi32>
    tpu.vector_store %arg6[%swap3A_2467], %swap3A_2470 {strides = array<i32>} : memref<8192xi32, #tpu.memory_space<vmem>>, vector<16xi32>,
    %add3A_2471 = arith.constant 100000 : i32
    %add3A_2472 = vector.broadcast %add3A_2471 : i32 to vector<16xi32>
    %add3A_2473 = arith.addi %min3A_2463, %add3A_2472 : vector<16xi32>
    %swap3A_2474 = arith.constant 848 : index
    %swap3A_2475 = tpu.vector_load %arg6[%swap3A_2474] {strides = array<i32>} : memref<8192xi32, #tpu.memory_space<vmem>>, vector<16xi32>,
    %swap3A_2476 = vector.shape_cast %swap3A_2475 : vector<16xi32> to vector<16xi32>
    %swap3A_2477 = vector.shape_cast %add3A_2473 : vector<16xi32> to vector<16xi32>
    tpu.vector_store %arg6[%swap3A_2474], %swap3A_2477 {strides = array<i32>} : memref<8192xi32, #tpu.memory_space<vmem>>, vector<16xi32>,
    %add3A_2478 = arith.constant 200000 : i32
    %add3A_2479 = vector.broadcast %add3A_2478 : i32 to vector<16xi32>
    %add3A_2480 = arith.addi %min3A_2463, %add3A_2479 : vector<16xi32>
    %swap3A_2481 = arith.constant 1360 : index
    %swap3A_2482 = tpu.vector_load %arg6[%swap3A_2481] {strides = array<i32>} : memref<8192xi32, #tpu.memory_space<vmem>>, vector<16xi32>,
    %swap3A_2483 = vector.shape_cast %swap3A_2482 : vector<16xi32> to vector<16xi32>
    %swap3A_2484 = vector.shape_cast %add3A_2480 : vector<16xi32> to vector<16xi32>
    tpu.vector_store %arg6[%swap3A_2481], %swap3A_2484 {strides = array<i32>} : memref<8192xi32, #tpu.memory_space<vmem>>, vector<16xi32>,
    %add3A_2485 = arith.constant 300000 : i32
    %add3A_2486 = vector.broadcast %add3A_2485 : i32 to vector<16xi32>
    %add3A_2487 = arith.addi %min3A_2463, %add3A_2486 : vector<16xi32>
    %swap3A_2488 = arith.constant 1872 : index
    %swap3A_2489 = tpu.vector_load %arg6[%swap3A_2488] {strides = array<i32>} : memref<8192xi32, #tpu.memory_space<vmem>>, vector<16xi32>,
    %swap3A_2490 = vector.shape_cast %swap3A_2489 : vector<16xi32> to vector<16xi32>
    %swap3A_2491 = vector.shape_cast %add3A_2487 : vector<16xi32> to vector<16xi32>
    tpu.vector_store %arg6[%swap3A_2488], %swap3A_2491 {strides = array<i32>} : memref<8192xi32, #tpu.memory_space<vmem>>, vector<16xi32>,
    %add3A_2492 = arith.constant 400000 : i32
    %add3A_2493 = vector.broadcast %add3A_2492 : i32 to vector<16xi32>
    %add3A_2494 = arith.addi %min3A_2463, %add3A_2493 : vector<16xi32>
    %swap3A_2495 = arith.constant 2384 : index
    %swap3A_2496 = tpu.vector_load %arg6[%swap3A_2495] {strides = array<i32>} : memref<8192xi32, #tpu.memory_space<vmem>>, vector<16xi32>,
    %swap3A_2497 = vector.shape_cast %swap3A_2496 : vector<16xi32> to vector<16xi32>
    %swap3A_2498 = vector.shape_cast %add3A_2494 : vector<16xi32> to vector<16xi32>
    tpu.vector_store %arg6[%swap3A_2495], %swap3A_2498 {strides = array<i32>} : memref<8192xi32, #tpu.memory_space<vmem>>, vector<16xi32>,
    %add3A_2499 = arith.constant 500000 : i32
    %add3A_2500 = vector.broadcast %add3A_2499 : i32 to vector<16xi32>
    %add3A_2501 = arith.addi %min3A_2463, %add3A_2500 : vector<16xi32>
    %swap3A_2502 = arith.constant 2896 : index
    %swap3A_2503 = tpu.vector_load %arg6[%swap3A_2502] {strides = array<i32>} : memref<8192xi32, #tpu.memory_space<vmem>>, vector<16xi32>,
    %swap3A_2504 = vector.shape_cast %swap3A_2503 : vector<16xi32> to vector<16xi32>
    %swap3A_2505 = vector.shape_cast %add3A_2501 : vector<16xi32> to vector<16xi32>
    tpu.vector_store %arg6[%swap3A_2502], %swap3A_2505 {strides = array<i32>} : memref<8192xi32, #tpu.memory_space<vmem>>, vector<16xi32>,
    %add3A_2506 = arith.constant 600000 : i32
    %add3A_2507 = vector.broadcast %add3A_2506 : i32 to vector<16xi32>
    %add3A_2508 = arith.addi %min3A_2463, %add3A_2507 : vector<16xi32>
    %swap3A_2509 = arith.constant 3408 : index
    %swap3A_2510 = tpu.vector_load %arg6[%swap3A_2509] {strides = array<i32>} : memref<8192xi32, #tpu.memory_space<vmem>>, vector<16xi32>,
    %swap3A_2511 = vector.shape_cast %swap3A_2510 : vector<16xi32> to vector<16xi32>
    %swap3A_2512 = vector.shape_cast %add3A_2508 : vector<16xi32> to vector<16xi32>
    tpu.vector_store %arg6[%swap3A_2509], %swap3A_2512 {strides = array<i32>} : memref<8192xi32, #tpu.memory_space<vmem>>, vector<16xi32>,
    %add3A_2513 = arith.constant 700000 : i32
    %add3A_2514 = vector.broadcast %add3A_2513 : i32 to vector<16xi32>
    %add3A_2515 = arith.addi %min3A_2463, %add3A_2514 : vector<16xi32>
    %swap3A_2516 = arith.constant 3920 : index
    %swap3A_2517 = tpu.vector_load %arg6[%swap3A_2516] {strides = array<i32>} : memref<8192xi32, #tpu.memory_space<vmem>>, vector<16xi32>,
    %swap3A_2518 = vector.shape_cast %swap3A_2517 : vector<16xi32> to vector<16xi32>
    %swap3A_2519 = vector.shape_cast %add3A_2515 : vector<16xi32> to vector<16xi32>
    tpu.vector_store %arg6[%swap3A_2516], %swap3A_2519 {strides = array<i32>} : memref<8192xi32, #tpu.memory_space<vmem>>, vector<16xi32>,
    %add3A_2520 = arith.constant 800000 : i32
    %add3A_2521 = vector.broadcast %add3A_2520 : i32 to vector<16xi32>
    %add3A_2522 = arith.addi %min3A_2463, %add3A_2521 : vector<16xi32>
    %swap3A_2523 = arith.constant 4432 : index
    %swap3A_2524 = tpu.vector_load %arg6[%swap3A_2523] {strides = array<i32>} : memref<8192xi32, #tpu.memory_space<vmem>>, vector<16xi32>,
    %swap3A_2525 = vector.shape_cast %swap3A_2524 : vector<16xi32> to vector<16xi32>
    %swap3A_2526 = vector.shape_cast %add3A_2522 : vector<16xi32> to vector<16xi32>
    tpu.vector_store %arg6[%swap3A_2523], %swap3A_2526 {strides = array<i32>} : memref<8192xi32, #tpu.memory_space<vmem>>, vector<16xi32>,
    %add3A_2527 = arith.constant 900000 : i32
    %add3A_2528 = vector.broadcast %add3A_2527 : i32 to vector<16xi32>
    %add3A_2529 = arith.addi %min3A_2463, %add3A_2528 : vector<16xi32>
    %swap3A_2530 = arith.constant 4944 : index
    %swap3A_2531 = tpu.vector_load %arg6[%swap3A_2530] {strides = array<i32>} : memref<8192xi32, #tpu.memory_space<vmem>>, vector<16xi32>,
    %swap3A_2532 = vector.shape_cast %swap3A_2531 : vector<16xi32> to vector<16xi32>
    %swap3A_2533 = vector.shape_cast %add3A_2529 : vector<16xi32> to vector<16xi32>
    tpu.vector_store %arg6[%swap3A_2530], %swap3A_2533 {strides = array<i32>} : memref<8192xi32, #tpu.memory_space<vmem>>, vector<16xi32>,
    %add3A_2534 = arith.constant 1000000 : i32
    %add3A_2535 = vector.broadcast %add3A_2534 : i32 to vector<16xi32>
    %add3A_2536 = arith.addi %min3A_2463, %add3A_2535 : vector<16xi32>
    %swap3A_2537 = arith.constant 5456 : index
    %swap3A_2538 = tpu.vector_load %arg6[%swap3A_2537] {strides = array<i32>} : memref<8192xi32, #tpu.memory_space<vmem>>, vector<16xi32>,
    %swap3A_2539 = vector.shape_cast %swap3A_2538 : vector<16xi32> to vector<16xi32>
    %swap3A_2540 = vector.shape_cast %add3A_2536 : vector<16xi32> to vector<16xi32>
    tpu.vector_store %arg6[%swap3A_2537], %swap3A_2540 {strides = array<i32>} : memref<8192xi32, #tpu.memory_space<vmem>>, vector<16xi32>,
    %add3A_2541 = arith.constant 1100000 : i32
    %add3A_2542 = vector.broadcast %add3A_2541 : i32 to vector<16xi32>
    %add3A_2543 = arith.addi %min3A_2463, %add3A_2542 : vector<16xi32>
    %swap3A_2544 = arith.constant 5968 : index
    %swap3A_2545 = tpu.vector_load %arg6[%swap3A_2544] {strides = array<i32>} : memref<8192xi32, #tpu.memory_space<vmem>>, vector<16xi32>,
    %swap3A_2546 = vector.shape_cast %swap3A_2545 : vector<16xi32> to vector<16xi32>
    %swap3A_2547 = vector.shape_cast %add3A_2543 : vector<16xi32> to vector<16xi32>
    tpu.vector_store %arg6[%swap3A_2544], %swap3A_2547 {strides = array<i32>} : memref<8192xi32, #tpu.memory_space<vmem>>, vector<16xi32>,
    %add3A_2548 = arith.constant 1200000 : i32
    %add3A_2549 = vector.broadcast %add3A_2548 : i32 to vector<16xi32>
    %add3A_2550 = arith.addi %min3A_2463, %add3A_2549 : vector<16xi32>
    %swap3A_2551 = arith.constant 6480 : index
    %swap3A_2552 = tpu.vector_load %arg6[%swap3A_2551] {strides = array<i32>} : memref<8192xi32, #tpu.memory_space<vmem>>, vector<16xi32>,
    %swap3A_2553 = vector.shape_cast %swap3A_2552 : vector<16xi32> to vector<16xi32>
    %swap3A_2554 = vector.shape_cast %add3A_2550 : vector<16xi32> to vector<16xi32>
    tpu.vector_store %arg6[%swap3A_2551], %swap3A_2554 {strides = array<i32>} : memref<8192xi32, #tpu.memory_space<vmem>>, vector<16xi32>,
    %add3A_2555 = arith.constant 1300000 : i32
    %add3A_2556 = vector.broadcast %add3A_2555 : i32 to vector<16xi32>
    %add3A_2557 = arith.addi %min3A_2463, %add3A_2556 : vector<16xi32>
    %swap3A_2558 = arith.constant 6992 : index
    %swap3A_2559 = tpu.vector_load %arg6[%swap3A_2558] {strides = array<i32>} : memref<8192xi32, #tpu.memory_space<vmem>>, vector<16xi32>,
    %swap3A_2560 = vector.shape_cast %swap3A_2559 : vector<16xi32> to vector<16xi32>
    %swap3A_2561 = vector.shape_cast %add3A_2557 : vector<16xi32> to vector<16xi32>
    tpu.vector_store %arg6[%swap3A_2558], %swap3A_2561 {strides = array<i32>} : memref<8192xi32, #tpu.memory_space<vmem>>, vector<16xi32>,
    %add3A_2562 = arith.constant 1400000 : i32
    %add3A_2563 = vector.broadcast %add3A_2562 : i32 to vector<16xi32>
    %add3A_2564 = arith.addi %min3A_2463, %add3A_2563 : vector<16xi32>
    %swap3A_2565 = arith.constant 7504 : index
    %swap3A_2566 = tpu.vector_load %arg6[%swap3A_2565] {strides = array<i32>} : memref<8192xi32, #tpu.memory_space<vmem>>, vector<16xi32>,
    %swap3A_2567 = vector.shape_cast %swap3A_2566 : vector<16xi32> to vector<16xi32>
    %swap3A_2568 = vector.shape_cast %add3A_2564 : vector<16xi32> to vector<16xi32>
    tpu.vector_store %arg6[%swap3A_2565], %swap3A_2568 {strides = array<i32>} : memref<8192xi32, #tpu.memory_space<vmem>>, vector<16xi32>,
    %add3A_2569 = arith.constant 1500000 : i32
    %add3A_2570 = vector.broadcast %add3A_2569 : i32 to vector<16xi32>
    %add3A_2571 = arith.addi %min3A_2463, %add3A_2570 : vector<16xi32>
    %swap3A_2572 = arith.constant 8016 : index
    %swap3A_2573 = tpu.vector_load %arg6[%swap3A_2572] {strides = array<i32>} : memref<8192xi32, #tpu.memory_space<vmem>>, vector<16xi32>,
    %swap3A_2574 = vector.shape_cast %swap3A_2573 : vector<16xi32> to vector<16xi32>
    %swap3A_2575 = vector.shape_cast %add3A_2571 : vector<16xi32> to vector<16xi32>
    tpu.vector_store %arg6[%swap3A_2572], %swap3A_2575 {strides = array<i32>} : memref<8192xi32, #tpu.memory_space<vmem>>, vector<16xi32>,
    %get3A_2576 = arith.constant 352 : index
    %get3A_2577 = tpu.vector_load %arg5[%get3A_2576] {strides = array<i32>} : memref<512xi32, #tpu.memory_space<vmem>>, vector<16xi32>,
    %get3A_2578 = vector.shape_cast %get3A_2577 : vector<16xi32> to vector<16xi32>
    %max3A_2579 = arith.maxsi %get3A_2578, %broadcast_in_dim3A_5 : vector<16xi32>
    %min3A_2580 = arith.minsi %max3A_2579, %broadcast_in_dim3A_3 : vector<16xi32>
    %add3A_2581 = arith.constant 0 : i32
    %add3A_2582 = vector.broadcast %add3A_2581 : i32 to vector<16xi32>
    %add3A_2583 = arith.addi %min3A_2580, %add3A_2582 : vector<16xi32>
    %swap3A_2584 = arith.constant 352 : index
    %swap3A_2585 = tpu.vector_load %arg6[%swap3A_2584] {strides = array<i32>} : memref<8192xi32, #tpu.memory_space<vmem>>, vector<16xi32>,
    %swap3A_2586 = vector.shape_cast %swap3A_2585 : vector<16xi32> to vector<16xi32>
    %swap3A_2587 = vector.shape_cast %add3A_2583 : vector<16xi32> to vector<16xi32>
    tpu.vector_store %arg6[%swap3A_2584], %swap3A_2587 {strides = array<i32>} : memref<8192xi32, #tpu.memory_space<vmem>>, vector<16xi32>,
    %add3A_2588 = arith.constant 100000 : i32
    %add3A_2589 = vector.broadcast %add3A_2588 : i32 to vector<16xi32>
    %add3A_2590 = arith.addi %min3A_2580, %add3A_2589 : vector<16xi32>
    %swap3A_2591 = arith.constant 864 : index
    %swap3A_2592 = tpu.vector_load %arg6[%swap3A_2591] {strides = array<i32>} : memref<8192xi32, #tpu.memory_space<vmem>>, vector<16xi32>,
    %swap3A_2593 = vector.shape_cast %swap3A_2592 : vector<16xi32> to vector<16xi32>
    %swap3A_2594 = vector.shape_cast %add3A_2590 : vector<16xi32> to vector<16xi32>
    tpu.vector_store %arg6[%swap3A_2591], %swap3A_2594 {strides = array<i32>} : memref<8192xi32, #tpu.memory_space<vmem>>, vector<16xi32>,
    %add3A_2595 = arith.constant 200000 : i32
    %add3A_2596 = vector.broadcast %add3A_2595 : i32 to vector<16xi32>
    %add3A_2597 = arith.addi %min3A_2580, %add3A_2596 : vector<16xi32>
    %swap3A_2598 = arith.constant 1376 : index
    %swap3A_2599 = tpu.vector_load %arg6[%swap3A_2598] {strides = array<i32>} : memref<8192xi32, #tpu.memory_space<vmem>>, vector<16xi32>,
    %swap3A_2600 = vector.shape_cast %swap3A_2599 : vector<16xi32> to vector<16xi32>
    %swap3A_2601 = vector.shape_cast %add3A_2597 : vector<16xi32> to vector<16xi32>
    tpu.vector_store %arg6[%swap3A_2598], %swap3A_2601 {strides = array<i32>} : memref<8192xi32, #tpu.memory_space<vmem>>, vector<16xi32>,
    %add3A_2602 = arith.constant 300000 : i32
    %add3A_2603 = vector.broadcast %add3A_2602 : i32 to vector<16xi32>
    %add3A_2604 = arith.addi %min3A_2580, %add3A_2603 : vector<16xi32>
    %swap3A_2605 = arith.constant 1888 : index
    %swap3A_2606 = tpu.vector_load %arg6[%swap3A_2605] {strides = array<i32>} : memref<8192xi32, #tpu.memory_space<vmem>>, vector<16xi32>,
    %swap3A_2607 = vector.shape_cast %swap3A_2606 : vector<16xi32> to vector<16xi32>
    %swap3A_2608 = vector.shape_cast %add3A_2604 : vector<16xi32> to vector<16xi32>
    tpu.vector_store %arg6[%swap3A_2605], %swap3A_2608 {strides = array<i32>} : memref<8192xi32, #tpu.memory_space<vmem>>, vector<16xi32>,
    %add3A_2609 = arith.constant 400000 : i32
    %add3A_2610 = vector.broadcast %add3A_2609 : i32 to vector<16xi32>
    %add3A_2611 = arith.addi %min3A_2580, %add3A_2610 : vector<16xi32>
    %swap3A_2612 = arith.constant 2400 : index
    %swap3A_2613 = tpu.vector_load %arg6[%swap3A_2612] {strides = array<i32>} : memref<8192xi32, #tpu.memory_space<vmem>>, vector<16xi32>,
    %swap3A_2614 = vector.shape_cast %swap3A_2613 : vector<16xi32> to vector<16xi32>
    %swap3A_2615 = vector.shape_cast %add3A_2611 : vector<16xi32> to vector<16xi32>
    tpu.vector_store %arg6[%swap3A_2612], %swap3A_2615 {strides = array<i32>} : memref<8192xi32, #tpu.memory_space<vmem>>, vector<16xi32>,
    %add3A_2616 = arith.constant 500000 : i32
    %add3A_2617 = vector.broadcast %add3A_2616 : i32 to vector<16xi32>
    %add3A_2618 = arith.addi %min3A_2580, %add3A_2617 : vector<16xi32>
    %swap3A_2619 = arith.constant 2912 : index
    %swap3A_2620 = tpu.vector_load %arg6[%swap3A_2619] {strides = array<i32>} : memref<8192xi32, #tpu.memory_space<vmem>>, vector<16xi32>,
    %swap3A_2621 = vector.shape_cast %swap3A_2620 : vector<16xi32> to vector<16xi32>
    %swap3A_2622 = vector.shape_cast %add3A_2618 : vector<16xi32> to vector<16xi32>
    tpu.vector_store %arg6[%swap3A_2619], %swap3A_2622 {strides = array<i32>} : memref<8192xi32, #tpu.memory_space<vmem>>, vector<16xi32>,
    %add3A_2623 = arith.constant 600000 : i32
    %add3A_2624 = vector.broadcast %add3A_2623 : i32 to vector<16xi32>
    %add3A_2625 = arith.addi %min3A_2580, %add3A_2624 : vector<16xi32>
    %swap3A_2626 = arith.constant 3424 : index
    %swap3A_2627 = tpu.vector_load %arg6[%swap3A_2626] {strides = array<i32>} : memref<8192xi32, #tpu.memory_space<vmem>>, vector<16xi32>,
    %swap3A_2628 = vector.shape_cast %swap3A_2627 : vector<16xi32> to vector<16xi32>
    %swap3A_2629 = vector.shape_cast %add3A_2625 : vector<16xi32> to vector<16xi32>
    tpu.vector_store %arg6[%swap3A_2626], %swap3A_2629 {strides = array<i32>} : memref<8192xi32, #tpu.memory_space<vmem>>, vector<16xi32>,
    %add3A_2630 = arith.constant 700000 : i32
    %add3A_2631 = vector.broadcast %add3A_2630 : i32 to vector<16xi32>
    %add3A_2632 = arith.addi %min3A_2580, %add3A_2631 : vector<16xi32>
    %swap3A_2633 = arith.constant 3936 : index
    %swap3A_2634 = tpu.vector_load %arg6[%swap3A_2633] {strides = array<i32>} : memref<8192xi32, #tpu.memory_space<vmem>>, vector<16xi32>,
    %swap3A_2635 = vector.shape_cast %swap3A_2634 : vector<16xi32> to vector<16xi32>
    %swap3A_2636 = vector.shape_cast %add3A_2632 : vector<16xi32> to vector<16xi32>
    tpu.vector_store %arg6[%swap3A_2633], %swap3A_2636 {strides = array<i32>} : memref<8192xi32, #tpu.memory_space<vmem>>, vector<16xi32>,
    %add3A_2637 = arith.constant 800000 : i32
    %add3A_2638 = vector.broadcast %add3A_2637 : i32 to vector<16xi32>
    %add3A_2639 = arith.addi %min3A_2580, %add3A_2638 : vector<16xi32>
    %swap3A_2640 = arith.constant 4448 : index
    %swap3A_2641 = tpu.vector_load %arg6[%swap3A_2640] {strides = array<i32>} : memref<8192xi32, #tpu.memory_space<vmem>>, vector<16xi32>,
    %swap3A_2642 = vector.shape_cast %swap3A_2641 : vector<16xi32> to vector<16xi32>
    %swap3A_2643 = vector.shape_cast %add3A_2639 : vector<16xi32> to vector<16xi32>
    tpu.vector_store %arg6[%swap3A_2640], %swap3A_2643 {strides = array<i32>} : memref<8192xi32, #tpu.memory_space<vmem>>, vector<16xi32>,
    %add3A_2644 = arith.constant 900000 : i32
    %add3A_2645 = vector.broadcast %add3A_2644 : i32 to vector<16xi32>
    %add3A_2646 = arith.addi %min3A_2580, %add3A_2645 : vector<16xi32>
    %swap3A_2647 = arith.constant 4960 : index
    %swap3A_2648 = tpu.vector_load %arg6[%swap3A_2647] {strides = array<i32>} : memref<8192xi32, #tpu.memory_space<vmem>>, vector<16xi32>,
    %swap3A_2649 = vector.shape_cast %swap3A_2648 : vector<16xi32> to vector<16xi32>
    %swap3A_2650 = vector.shape_cast %add3A_2646 : vector<16xi32> to vector<16xi32>
    tpu.vector_store %arg6[%swap3A_2647], %swap3A_2650 {strides = array<i32>} : memref<8192xi32, #tpu.memory_space<vmem>>, vector<16xi32>,
    %add3A_2651 = arith.constant 1000000 : i32
    %add3A_2652 = vector.broadcast %add3A_2651 : i32 to vector<16xi32>
    %add3A_2653 = arith.addi %min3A_2580, %add3A_2652 : vector<16xi32>
    %swap3A_2654 = arith.constant 5472 : index
    %swap3A_2655 = tpu.vector_load %arg6[%swap3A_2654] {strides = array<i32>} : memref<8192xi32, #tpu.memory_space<vmem>>, vector<16xi32>,
    %swap3A_2656 = vector.shape_cast %swap3A_2655 : vector<16xi32> to vector<16xi32>
    %swap3A_2657 = vector.shape_cast %add3A_2653 : vector<16xi32> to vector<16xi32>
    tpu.vector_store %arg6[%swap3A_2654], %swap3A_2657 {strides = array<i32>} : memref<8192xi32, #tpu.memory_space<vmem>>, vector<16xi32>,
    %add3A_2658 = arith.constant 1100000 : i32
    %add3A_2659 = vector.broadcast %add3A_2658 : i32 to vector<16xi32>
    %add3A_2660 = arith.addi %min3A_2580, %add3A_2659 : vector<16xi32>
    %swap3A_2661 = arith.constant 5984 : index
    %swap3A_2662 = tpu.vector_load %arg6[%swap3A_2661] {strides = array<i32>} : memref<8192xi32, #tpu.memory_space<vmem>>, vector<16xi32>,
    %swap3A_2663 = vector.shape_cast %swap3A_2662 : vector<16xi32> to vector<16xi32>
    %swap3A_2664 = vector.shape_cast %add3A_2660 : vector<16xi32> to vector<16xi32>
    tpu.vector_store %arg6[%swap3A_2661], %swap3A_2664 {strides = array<i32>} : memref<8192xi32, #tpu.memory_space<vmem>>, vector<16xi32>,
    %add3A_2665 = arith.constant 1200000 : i32
    %add3A_2666 = vector.broadcast %add3A_2665 : i32 to vector<16xi32>
    %add3A_2667 = arith.addi %min3A_2580, %add3A_2666 : vector<16xi32>
    %swap3A_2668 = arith.constant 6496 : index
    %swap3A_2669 = tpu.vector_load %arg6[%swap3A_2668] {strides = array<i32>} : memref<8192xi32, #tpu.memory_space<vmem>>, vector<16xi32>,
    %swap3A_2670 = vector.shape_cast %swap3A_2669 : vector<16xi32> to vector<16xi32>
    %swap3A_2671 = vector.shape_cast %add3A_2667 : vector<16xi32> to vector<16xi32>
    tpu.vector_store %arg6[%swap3A_2668], %swap3A_2671 {strides = array<i32>} : memref<8192xi32, #tpu.memory_space<vmem>>, vector<16xi32>,
    %add3A_2672 = arith.constant 1300000 : i32
    %add3A_2673 = vector.broadcast %add3A_2672 : i32 to vector<16xi32>
    %add3A_2674 = arith.addi %min3A_2580, %add3A_2673 : vector<16xi32>
    %swap3A_2675 = arith.constant 7008 : index
    %swap3A_2676 = tpu.vector_load %arg6[%swap3A_2675] {strides = array<i32>} : memref<8192xi32, #tpu.memory_space<vmem>>, vector<16xi32>,
    %swap3A_2677 = vector.shape_cast %swap3A_2676 : vector<16xi32> to vector<16xi32>
    %swap3A_2678 = vector.shape_cast %add3A_2674 : vector<16xi32> to vector<16xi32>
    tpu.vector_store %arg6[%swap3A_2675], %swap3A_2678 {strides = array<i32>} : memref<8192xi32, #tpu.memory_space<vmem>>, vector<16xi32>,
    %add3A_2679 = arith.constant 1400000 : i32
    %add3A_2680 = vector.broadcast %add3A_2679 : i32 to vector<16xi32>
    %add3A_2681 = arith.addi %min3A_2580, %add3A_2680 : vector<16xi32>
    %swap3A_2682 = arith.constant 7520 : index
    %swap3A_2683 = tpu.vector_load %arg6[%swap3A_2682] {strides = array<i32>} : memref<8192xi32, #tpu.memory_space<vmem>>, vector<16xi32>,
    %swap3A_2684 = vector.shape_cast %swap3A_2683 : vector<16xi32> to vector<16xi32>
    %swap3A_2685 = vector.shape_cast %add3A_2681 : vector<16xi32> to vector<16xi32>
    tpu.vector_store %arg6[%swap3A_2682], %swap3A_2685 {strides = array<i32>} : memref<8192xi32, #tpu.memory_space<vmem>>, vector<16xi32>,
    %add3A_2686 = arith.constant 1500000 : i32
    %add3A_2687 = vector.broadcast %add3A_2686 : i32 to vector<16xi32>
    %add3A_2688 = arith.addi %min3A_2580, %add3A_2687 : vector<16xi32>
    %swap3A_2689 = arith.constant 8032 : index
    %swap3A_2690 = tpu.vector_load %arg6[%swap3A_2689] {strides = array<i32>} : memref<8192xi32, #tpu.memory_space<vmem>>, vector<16xi32>,
    %swap3A_2691 = vector.shape_cast %swap3A_2690 : vector<16xi32> to vector<16xi32>
    %swap3A_2692 = vector.shape_cast %add3A_2688 : vector<16xi32> to vector<16xi32>
    tpu.vector_store %arg6[%swap3A_2689], %swap3A_2692 {strides = array<i32>} : memref<8192xi32, #tpu.memory_space<vmem>>, vector<16xi32>,
    %get3A_2693 = arith.constant 368 : index
    %get3A_2694 = tpu.vector_load %arg5[%get3A_2693] {strides = array<i32>} : memref<512xi32, #tpu.memory_space<vmem>>, vector<16xi32>,
    %get3A_2695 = vector.shape_cast %get3A_2694 : vector<16xi32> to vector<16xi32>
    %max3A_2696 = arith.maxsi %get3A_2695, %broadcast_in_dim3A_5 : vector<16xi32>
    %min3A_2697 = arith.minsi %max3A_2696, %broadcast_in_dim3A_3 : vector<16xi32>
    %add3A_2698 = arith.constant 0 : i32
    %add3A_2699 = vector.broadcast %add3A_2698 : i32 to vector<16xi32>
    %add3A_2700 = arith.addi %min3A_2697, %add3A_2699 : vector<16xi32>
    %swap3A_2701 = arith.constant 368 : index
    %swap3A_2702 = tpu.vector_load %arg6[%swap3A_2701] {strides = array<i32>} : memref<8192xi32, #tpu.memory_space<vmem>>, vector<16xi32>,
    %swap3A_2703 = vector.shape_cast %swap3A_2702 : vector<16xi32> to vector<16xi32>
    %swap3A_2704 = vector.shape_cast %add3A_2700 : vector<16xi32> to vector<16xi32>
    tpu.vector_store %arg6[%swap3A_2701], %swap3A_2704 {strides = array<i32>} : memref<8192xi32, #tpu.memory_space<vmem>>, vector<16xi32>,
    %add3A_2705 = arith.constant 100000 : i32
    %add3A_2706 = vector.broadcast %add3A_2705 : i32 to vector<16xi32>
    %add3A_2707 = arith.addi %min3A_2697, %add3A_2706 : vector<16xi32>
    %swap3A_2708 = arith.constant 880 : index
    %swap3A_2709 = tpu.vector_load %arg6[%swap3A_2708] {strides = array<i32>} : memref<8192xi32, #tpu.memory_space<vmem>>, vector<16xi32>,
    %swap3A_2710 = vector.shape_cast %swap3A_2709 : vector<16xi32> to vector<16xi32>
    %swap3A_2711 = vector.shape_cast %add3A_2707 : vector<16xi32> to vector<16xi32>
    tpu.vector_store %arg6[%swap3A_2708], %swap3A_2711 {strides = array<i32>} : memref<8192xi32, #tpu.memory_space<vmem>>, vector<16xi32>,
    %add3A_2712 = arith.constant 200000 : i32
    %add3A_2713 = vector.broadcast %add3A_2712 : i32 to vector<16xi32>
    %add3A_2714 = arith.addi %min3A_2697, %add3A_2713 : vector<16xi32>
    %swap3A_2715 = arith.constant 1392 : index
    %swap3A_2716 = tpu.vector_load %arg6[%swap3A_2715] {strides = array<i32>} : memref<8192xi32, #tpu.memory_space<vmem>>, vector<16xi32>,
    %swap3A_2717 = vector.shape_cast %swap3A_2716 : vector<16xi32> to vector<16xi32>
    %swap3A_2718 = vector.shape_cast %add3A_2714 : vector<16xi32> to vector<16xi32>
    tpu.vector_store %arg6[%swap3A_2715], %swap3A_2718 {strides = array<i32>} : memref<8192xi32, #tpu.memory_space<vmem>>, vector<16xi32>,
    %add3A_2719 = arith.constant 300000 : i32
    %add3A_2720 = vector.broadcast %add3A_2719 : i32 to vector<16xi32>
    %add3A_2721 = arith.addi %min3A_2697, %add3A_2720 : vector<16xi32>
    %swap3A_2722 = arith.constant 1904 : index
    %swap3A_2723 = tpu.vector_load %arg6[%swap3A_2722] {strides = array<i32>} : memref<8192xi32, #tpu.memory_space<vmem>>, vector<16xi32>,
    %swap3A_2724 = vector.shape_cast %swap3A_2723 : vector<16xi32> to vector<16xi32>
    %swap3A_2725 = vector.shape_cast %add3A_2721 : vector<16xi32> to vector<16xi32>
    tpu.vector_store %arg6[%swap3A_2722], %swap3A_2725 {strides = array<i32>} : memref<8192xi32, #tpu.memory_space<vmem>>, vector<16xi32>,
    %add3A_2726 = arith.constant 400000 : i32
    %add3A_2727 = vector.broadcast %add3A_2726 : i32 to vector<16xi32>
    %add3A_2728 = arith.addi %min3A_2697, %add3A_2727 : vector<16xi32>
    %swap3A_2729 = arith.constant 2416 : index
    %swap3A_2730 = tpu.vector_load %arg6[%swap3A_2729] {strides = array<i32>} : memref<8192xi32, #tpu.memory_space<vmem>>, vector<16xi32>,
    %swap3A_2731 = vector.shape_cast %swap3A_2730 : vector<16xi32> to vector<16xi32>
    %swap3A_2732 = vector.shape_cast %add3A_2728 : vector<16xi32> to vector<16xi32>
    tpu.vector_store %arg6[%swap3A_2729], %swap3A_2732 {strides = array<i32>} : memref<8192xi32, #tpu.memory_space<vmem>>, vector<16xi32>,
    %add3A_2733 = arith.constant 500000 : i32
    %add3A_2734 = vector.broadcast %add3A_2733 : i32 to vector<16xi32>
    %add3A_2735 = arith.addi %min3A_2697, %add3A_2734 : vector<16xi32>
    %swap3A_2736 = arith.constant 2928 : index
    %swap3A_2737 = tpu.vector_load %arg6[%swap3A_2736] {strides = array<i32>} : memref<8192xi32, #tpu.memory_space<vmem>>, vector<16xi32>,
    %swap3A_2738 = vector.shape_cast %swap3A_2737 : vector<16xi32> to vector<16xi32>
    %swap3A_2739 = vector.shape_cast %add3A_2735 : vector<16xi32> to vector<16xi32>
    tpu.vector_store %arg6[%swap3A_2736], %swap3A_2739 {strides = array<i32>} : memref<8192xi32, #tpu.memory_space<vmem>>, vector<16xi32>,
    %add3A_2740 = arith.constant 600000 : i32
    %add3A_2741 = vector.broadcast %add3A_2740 : i32 to vector<16xi32>
    %add3A_2742 = arith.addi %min3A_2697, %add3A_2741 : vector<16xi32>
    %swap3A_2743 = arith.constant 3440 : index
    %swap3A_2744 = tpu.vector_load %arg6[%swap3A_2743] {strides = array<i32>} : memref<8192xi32, #tpu.memory_space<vmem>>, vector<16xi32>,
    %swap3A_2745 = vector.shape_cast %swap3A_2744 : vector<16xi32> to vector<16xi32>
    %swap3A_2746 = vector.shape_cast %add3A_2742 : vector<16xi32> to vector<16xi32>
    tpu.vector_store %arg6[%swap3A_2743], %swap3A_2746 {strides = array<i32>} : memref<8192xi32, #tpu.memory_space<vmem>>, vector<16xi32>,
    %add3A_2747 = arith.constant 700000 : i32
    %add3A_2748 = vector.broadcast %add3A_2747 : i32 to vector<16xi32>
    %add3A_2749 = arith.addi %min3A_2697, %add3A_2748 : vector<16xi32>
    %swap3A_2750 = arith.constant 3952 : index
    %swap3A_2751 = tpu.vector_load %arg6[%swap3A_2750] {strides = array<i32>} : memref<8192xi32, #tpu.memory_space<vmem>>, vector<16xi32>,
    %swap3A_2752 = vector.shape_cast %swap3A_2751 : vector<16xi32> to vector<16xi32>
    %swap3A_2753 = vector.shape_cast %add3A_2749 : vector<16xi32> to vector<16xi32>
    tpu.vector_store %arg6[%swap3A_2750], %swap3A_2753 {strides = array<i32>} : memref<8192xi32, #tpu.memory_space<vmem>>, vector<16xi32>,
    %add3A_2754 = arith.constant 800000 : i32
    %add3A_2755 = vector.broadcast %add3A_2754 : i32 to vector<16xi32>
    %add3A_2756 = arith.addi %min3A_2697, %add3A_2755 : vector<16xi32>
    %swap3A_2757 = arith.constant 4464 : index
    %swap3A_2758 = tpu.vector_load %arg6[%swap3A_2757] {strides = array<i32>} : memref<8192xi32, #tpu.memory_space<vmem>>, vector<16xi32>,
    %swap3A_2759 = vector.shape_cast %swap3A_2758 : vector<16xi32> to vector<16xi32>
    %swap3A_2760 = vector.shape_cast %add3A_2756 : vector<16xi32> to vector<16xi32>
    tpu.vector_store %arg6[%swap3A_2757], %swap3A_2760 {strides = array<i32>} : memref<8192xi32, #tpu.memory_space<vmem>>, vector<16xi32>,
    %add3A_2761 = arith.constant 900000 : i32
    %add3A_2762 = vector.broadcast %add3A_2761 : i32 to vector<16xi32>
    %add3A_2763 = arith.addi %min3A_2697, %add3A_2762 : vector<16xi32>
    %swap3A_2764 = arith.constant 4976 : index
    %swap3A_2765 = tpu.vector_load %arg6[%swap3A_2764] {strides = array<i32>} : memref<8192xi32, #tpu.memory_space<vmem>>, vector<16xi32>,
    %swap3A_2766 = vector.shape_cast %swap3A_2765 : vector<16xi32> to vector<16xi32>
    %swap3A_2767 = vector.shape_cast %add3A_2763 : vector<16xi32> to vector<16xi32>
    tpu.vector_store %arg6[%swap3A_2764], %swap3A_2767 {strides = array<i32>} : memref<8192xi32, #tpu.memory_space<vmem>>, vector<16xi32>,
    %add3A_2768 = arith.constant 1000000 : i32
    %add3A_2769 = vector.broadcast %add3A_2768 : i32 to vector<16xi32>
    %add3A_2770 = arith.addi %min3A_2697, %add3A_2769 : vector<16xi32>
    %swap3A_2771 = arith.constant 5488 : index
    %swap3A_2772 = tpu.vector_load %arg6[%swap3A_2771] {strides = array<i32>} : memref<8192xi32, #tpu.memory_space<vmem>>, vector<16xi32>,
    %swap3A_2773 = vector.shape_cast %swap3A_2772 : vector<16xi32> to vector<16xi32>
    %swap3A_2774 = vector.shape_cast %add3A_2770 : vector<16xi32> to vector<16xi32>
    tpu.vector_store %arg6[%swap3A_2771], %swap3A_2774 {strides = array<i32>} : memref<8192xi32, #tpu.memory_space<vmem>>, vector<16xi32>,
    %add3A_2775 = arith.constant 1100000 : i32
    %add3A_2776 = vector.broadcast %add3A_2775 : i32 to vector<16xi32>
    %add3A_2777 = arith.addi %min3A_2697, %add3A_2776 : vector<16xi32>
    %swap3A_2778 = arith.constant 6000 : index
    %swap3A_2779 = tpu.vector_load %arg6[%swap3A_2778] {strides = array<i32>} : memref<8192xi32, #tpu.memory_space<vmem>>, vector<16xi32>,
    %swap3A_2780 = vector.shape_cast %swap3A_2779 : vector<16xi32> to vector<16xi32>
    %swap3A_2781 = vector.shape_cast %add3A_2777 : vector<16xi32> to vector<16xi32>
    tpu.vector_store %arg6[%swap3A_2778], %swap3A_2781 {strides = array<i32>} : memref<8192xi32, #tpu.memory_space<vmem>>, vector<16xi32>,
    %add3A_2782 = arith.constant 1200000 : i32
    %add3A_2783 = vector.broadcast %add3A_2782 : i32 to vector<16xi32>
    %add3A_2784 = arith.addi %min3A_2697, %add3A_2783 : vector<16xi32>
    %swap3A_2785 = arith.constant 6512 : index
    %swap3A_2786 = tpu.vector_load %arg6[%swap3A_2785] {strides = array<i32>} : memref<8192xi32, #tpu.memory_space<vmem>>, vector<16xi32>,
    %swap3A_2787 = vector.shape_cast %swap3A_2786 : vector<16xi32> to vector<16xi32>
    %swap3A_2788 = vector.shape_cast %add3A_2784 : vector<16xi32> to vector<16xi32>
    tpu.vector_store %arg6[%swap3A_2785], %swap3A_2788 {strides = array<i32>} : memref<8192xi32, #tpu.memory_space<vmem>>, vector<16xi32>,
    %add3A_2789 = arith.constant 1300000 : i32
    %add3A_2790 = vector.broadcast %add3A_2789 : i32 to vector<16xi32>
    %add3A_2791 = arith.addi %min3A_2697, %add3A_2790 : vector<16xi32>
    %swap3A_2792 = arith.constant 7024 : index
    %swap3A_2793 = tpu.vector_load %arg6[%swap3A_2792] {strides = array<i32>} : memref<8192xi32, #tpu.memory_space<vmem>>, vector<16xi32>,
    %swap3A_2794 = vector.shape_cast %swap3A_2793 : vector<16xi32> to vector<16xi32>
    %swap3A_2795 = vector.shape_cast %add3A_2791 : vector<16xi32> to vector<16xi32>
    tpu.vector_store %arg6[%swap3A_2792], %swap3A_2795 {strides = array<i32>} : memref<8192xi32, #tpu.memory_space<vmem>>, vector<16xi32>,
    %add3A_2796 = arith.constant 1400000 : i32
    %add3A_2797 = vector.broadcast %add3A_2796 : i32 to vector<16xi32>
    %add3A_2798 = arith.addi %min3A_2697, %add3A_2797 : vector<16xi32>
    %swap3A_2799 = arith.constant 7536 : index
    %swap3A_2800 = tpu.vector_load %arg6[%swap3A_2799] {strides = array<i32>} : memref<8192xi32, #tpu.memory_space<vmem>>, vector<16xi32>,
    %swap3A_2801 = vector.shape_cast %swap3A_2800 : vector<16xi32> to vector<16xi32>
    %swap3A_2802 = vector.shape_cast %add3A_2798 : vector<16xi32> to vector<16xi32>
    tpu.vector_store %arg6[%swap3A_2799], %swap3A_2802 {strides = array<i32>} : memref<8192xi32, #tpu.memory_space<vmem>>, vector<16xi32>,
    %add3A_2803 = arith.constant 1500000 : i32
    %add3A_2804 = vector.broadcast %add3A_2803 : i32 to vector<16xi32>
    %add3A_2805 = arith.addi %min3A_2697, %add3A_2804 : vector<16xi32>
    %swap3A_2806 = arith.constant 8048 : index
    %swap3A_2807 = tpu.vector_load %arg6[%swap3A_2806] {strides = array<i32>} : memref<8192xi32, #tpu.memory_space<vmem>>, vector<16xi32>,
    %swap3A_2808 = vector.shape_cast %swap3A_2807 : vector<16xi32> to vector<16xi32>
    %swap3A_2809 = vector.shape_cast %add3A_2805 : vector<16xi32> to vector<16xi32>
    tpu.vector_store %arg6[%swap3A_2806], %swap3A_2809 {strides = array<i32>} : memref<8192xi32, #tpu.memory_space<vmem>>, vector<16xi32>,
    %get3A_2810 = arith.constant 384 : index
    %get3A_2811 = tpu.vector_load %arg5[%get3A_2810] {strides = array<i32>} : memref<512xi32, #tpu.memory_space<vmem>>, vector<16xi32>,
    %get3A_2812 = vector.shape_cast %get3A_2811 : vector<16xi32> to vector<16xi32>
    %max3A_2813 = arith.maxsi %get3A_2812, %broadcast_in_dim3A_5 : vector<16xi32>
    %min3A_2814 = arith.minsi %max3A_2813, %broadcast_in_dim3A_3 : vector<16xi32>
    %add3A_2815 = arith.constant 0 : i32
    %add3A_2816 = vector.broadcast %add3A_2815 : i32 to vector<16xi32>
    %add3A_2817 = arith.addi %min3A_2814, %add3A_2816 : vector<16xi32>
    %swap3A_2818 = arith.constant 384 : index
    %swap3A_2819 = tpu.vector_load %arg6[%swap3A_2818] {strides = array<i32>} : memref<8192xi32, #tpu.memory_space<vmem>>, vector<16xi32>,
    %swap3A_2820 = vector.shape_cast %swap3A_2819 : vector<16xi32> to vector<16xi32>
    %swap3A_2821 = vector.shape_cast %add3A_2817 : vector<16xi32> to vector<16xi32>
    tpu.vector_store %arg6[%swap3A_2818], %swap3A_2821 {strides = array<i32>} : memref<8192xi32, #tpu.memory_space<vmem>>, vector<16xi32>,
    %add3A_2822 = arith.constant 100000 : i32
    %add3A_2823 = vector.broadcast %add3A_2822 : i32 to vector<16xi32>
    %add3A_2824 = arith.addi %min3A_2814, %add3A_2823 : vector<16xi32>
    %swap3A_2825 = arith.constant 896 : index
    %swap3A_2826 = tpu.vector_load %arg6[%swap3A_2825] {strides = array<i32>} : memref<8192xi32, #tpu.memory_space<vmem>>, vector<16xi32>,
    %swap3A_2827 = vector.shape_cast %swap3A_2826 : vector<16xi32> to vector<16xi32>
    %swap3A_2828 = vector.shape_cast %add3A_2824 : vector<16xi32> to vector<16xi32>
    tpu.vector_store %arg6[%swap3A_2825], %swap3A_2828 {strides = array<i32>} : memref<8192xi32, #tpu.memory_space<vmem>>, vector<16xi32>,
    %add3A_2829 = arith.constant 200000 : i32
    %add3A_2830 = vector.broadcast %add3A_2829 : i32 to vector<16xi32>
    %add3A_2831 = arith.addi %min3A_2814, %add3A_2830 : vector<16xi32>
    %swap3A_2832 = arith.constant 1408 : index
    %swap3A_2833 = tpu.vector_load %arg6[%swap3A_2832] {strides = array<i32>} : memref<8192xi32, #tpu.memory_space<vmem>>, vector<16xi32>,
    %swap3A_2834 = vector.shape_cast %swap3A_2833 : vector<16xi32> to vector<16xi32>
    %swap3A_2835 = vector.shape_cast %add3A_2831 : vector<16xi32> to vector<16xi32>
    tpu.vector_store %arg6[%swap3A_2832], %swap3A_2835 {strides = array<i32>} : memref<8192xi32, #tpu.memory_space<vmem>>, vector<16xi32>,
    %add3A_2836 = arith.constant 300000 : i32
    %add3A_2837 = vector.broadcast %add3A_2836 : i32 to vector<16xi32>
    %add3A_2838 = arith.addi %min3A_2814, %add3A_2837 : vector<16xi32>
    %swap3A_2839 = arith.constant 1920 : index
    %swap3A_2840 = tpu.vector_load %arg6[%swap3A_2839] {strides = array<i32>} : memref<8192xi32, #tpu.memory_space<vmem>>, vector<16xi32>,
    %swap3A_2841 = vector.shape_cast %swap3A_2840 : vector<16xi32> to vector<16xi32>
    %swap3A_2842 = vector.shape_cast %add3A_2838 : vector<16xi32> to vector<16xi32>
    tpu.vector_store %arg6[%swap3A_2839], %swap3A_2842 {strides = array<i32>} : memref<8192xi32, #tpu.memory_space<vmem>>, vector<16xi32>,
    %add3A_2843 = arith.constant 400000 : i32
    %add3A_2844 = vector.broadcast %add3A_2843 : i32 to vector<16xi32>
    %add3A_2845 = arith.addi %min3A_2814, %add3A_2844 : vector<16xi32>
    %swap3A_2846 = arith.constant 2432 : index
    %swap3A_2847 = tpu.vector_load %arg6[%swap3A_2846] {strides = array<i32>} : memref<8192xi32, #tpu.memory_space<vmem>>, vector<16xi32>,
    %swap3A_2848 = vector.shape_cast %swap3A_2847 : vector<16xi32> to vector<16xi32>
    %swap3A_2849 = vector.shape_cast %add3A_2845 : vector<16xi32> to vector<16xi32>
    tpu.vector_store %arg6[%swap3A_2846], %swap3A_2849 {strides = array<i32>} : memref<8192xi32, #tpu.memory_space<vmem>>, vector<16xi32>,
    %add3A_2850 = arith.constant 500000 : i32
    %add3A_2851 = vector.broadcast %add3A_2850 : i32 to vector<16xi32>
    %add3A_2852 = arith.addi %min3A_2814, %add3A_2851 : vector<16xi32>
    %swap3A_2853 = arith.constant 2944 : index
    %swap3A_2854 = tpu.vector_load %arg6[%swap3A_2853] {strides = array<i32>} : memref<8192xi32, #tpu.memory_space<vmem>>, vector<16xi32>,
    %swap3A_2855 = vector.shape_cast %swap3A_2854 : vector<16xi32> to vector<16xi32>
    %swap3A_2856 = vector.shape_cast %add3A_2852 : vector<16xi32> to vector<16xi32>
    tpu.vector_store %arg6[%swap3A_2853], %swap3A_2856 {strides = array<i32>} : memref<8192xi32, #tpu.memory_space<vmem>>, vector<16xi32>,
    %add3A_2857 = arith.constant 600000 : i32
    %add3A_2858 = vector.broadcast %add3A_2857 : i32 to vector<16xi32>
    %add3A_2859 = arith.addi %min3A_2814, %add3A_2858 : vector<16xi32>
    %swap3A_2860 = arith.constant 3456 : index
    %swap3A_2861 = tpu.vector_load %arg6[%swap3A_2860] {strides = array<i32>} : memref<8192xi32, #tpu.memory_space<vmem>>, vector<16xi32>,
    %swap3A_2862 = vector.shape_cast %swap3A_2861 : vector<16xi32> to vector<16xi32>
    %swap3A_2863 = vector.shape_cast %add3A_2859 : vector<16xi32> to vector<16xi32>
    tpu.vector_store %arg6[%swap3A_2860], %swap3A_2863 {strides = array<i32>} : memref<8192xi32, #tpu.memory_space<vmem>>, vector<16xi32>,
    %add3A_2864 = arith.constant 700000 : i32
    %add3A_2865 = vector.broadcast %add3A_2864 : i32 to vector<16xi32>
    %add3A_2866 = arith.addi %min3A_2814, %add3A_2865 : vector<16xi32>
    %swap3A_2867 = arith.constant 3968 : index
    %swap3A_2868 = tpu.vector_load %arg6[%swap3A_2867] {strides = array<i32>} : memref<8192xi32, #tpu.memory_space<vmem>>, vector<16xi32>,
    %swap3A_2869 = vector.shape_cast %swap3A_2868 : vector<16xi32> to vector<16xi32>
    %swap3A_2870 = vector.shape_cast %add3A_2866 : vector<16xi32> to vector<16xi32>
    tpu.vector_store %arg6[%swap3A_2867], %swap3A_2870 {strides = array<i32>} : memref<8192xi32, #tpu.memory_space<vmem>>, vector<16xi32>,
    %add3A_2871 = arith.constant 800000 : i32
    %add3A_2872 = vector.broadcast %add3A_2871 : i32 to vector<16xi32>
    %add3A_2873 = arith.addi %min3A_2814, %add3A_2872 : vector<16xi32>
    %swap3A_2874 = arith.constant 4480 : index
    %swap3A_2875 = tpu.vector_load %arg6[%swap3A_2874] {strides = array<i32>} : memref<8192xi32, #tpu.memory_space<vmem>>, vector<16xi32>,
    %swap3A_2876 = vector.shape_cast %swap3A_2875 : vector<16xi32> to vector<16xi32>
    %swap3A_2877 = vector.shape_cast %add3A_2873 : vector<16xi32> to vector<16xi32>
    tpu.vector_store %arg6[%swap3A_2874], %swap3A_2877 {strides = array<i32>} : memref<8192xi32, #tpu.memory_space<vmem>>, vector<16xi32>,
    %add3A_2878 = arith.constant 900000 : i32
    %add3A_2879 = vector.broadcast %add3A_2878 : i32 to vector<16xi32>
    %add3A_2880 = arith.addi %min3A_2814, %add3A_2879 : vector<16xi32>
    %swap3A_2881 = arith.constant 4992 : index
    %swap3A_2882 = tpu.vector_load %arg6[%swap3A_2881] {strides = array<i32>} : memref<8192xi32, #tpu.memory_space<vmem>>, vector<16xi32>,
    %swap3A_2883 = vector.shape_cast %swap3A_2882 : vector<16xi32> to vector<16xi32>
    %swap3A_2884 = vector.shape_cast %add3A_2880 : vector<16xi32> to vector<16xi32>
    tpu.vector_store %arg6[%swap3A_2881], %swap3A_2884 {strides = array<i32>} : memref<8192xi32, #tpu.memory_space<vmem>>, vector<16xi32>,
    %add3A_2885 = arith.constant 1000000 : i32
    %add3A_2886 = vector.broadcast %add3A_2885 : i32 to vector<16xi32>
    %add3A_2887 = arith.addi %min3A_2814, %add3A_2886 : vector<16xi32>
    %swap3A_2888 = arith.constant 5504 : index
    %swap3A_2889 = tpu.vector_load %arg6[%swap3A_2888] {strides = array<i32>} : memref<8192xi32, #tpu.memory_space<vmem>>, vector<16xi32>,
    %swap3A_2890 = vector.shape_cast %swap3A_2889 : vector<16xi32> to vector<16xi32>
    %swap3A_2891 = vector.shape_cast %add3A_2887 : vector<16xi32> to vector<16xi32>
    tpu.vector_store %arg6[%swap3A_2888], %swap3A_2891 {strides = array<i32>} : memref<8192xi32, #tpu.memory_space<vmem>>, vector<16xi32>,
    %add3A_2892 = arith.constant 1100000 : i32
    %add3A_2893 = vector.broadcast %add3A_2892 : i32 to vector<16xi32>
    %add3A_2894 = arith.addi %min3A_2814, %add3A_2893 : vector<16xi32>
    %swap3A_2895 = arith.constant 6016 : index
    %swap3A_2896 = tpu.vector_load %arg6[%swap3A_2895] {strides = array<i32>} : memref<8192xi32, #tpu.memory_space<vmem>>, vector<16xi32>,
    %swap3A_2897 = vector.shape_cast %swap3A_2896 : vector<16xi32> to vector<16xi32>
    %swap3A_2898 = vector.shape_cast %add3A_2894 : vector<16xi32> to vector<16xi32>
    tpu.vector_store %arg6[%swap3A_2895], %swap3A_2898 {strides = array<i32>} : memref<8192xi32, #tpu.memory_space<vmem>>, vector<16xi32>,
    %add3A_2899 = arith.constant 1200000 : i32
    %add3A_2900 = vector.broadcast %add3A_2899 : i32 to vector<16xi32>
    %add3A_2901 = arith.addi %min3A_2814, %add3A_2900 : vector<16xi32>
    %swap3A_2902 = arith.constant 6528 : index
    %swap3A_2903 = tpu.vector_load %arg6[%swap3A_2902] {strides = array<i32>} : memref<8192xi32, #tpu.memory_space<vmem>>, vector<16xi32>,
    %swap3A_2904 = vector.shape_cast %swap3A_2903 : vector<16xi32> to vector<16xi32>
    %swap3A_2905 = vector.shape_cast %add3A_2901 : vector<16xi32> to vector<16xi32>
    tpu.vector_store %arg6[%swap3A_2902], %swap3A_2905 {strides = array<i32>} : memref<8192xi32, #tpu.memory_space<vmem>>, vector<16xi32>,
    %add3A_2906 = arith.constant 1300000 : i32
    %add3A_2907 = vector.broadcast %add3A_2906 : i32 to vector<16xi32>
    %add3A_2908 = arith.addi %min3A_2814, %add3A_2907 : vector<16xi32>
    %swap3A_2909 = arith.constant 7040 : index
    %swap3A_2910 = tpu.vector_load %arg6[%swap3A_2909] {strides = array<i32>} : memref<8192xi32, #tpu.memory_space<vmem>>, vector<16xi32>,
    %swap3A_2911 = vector.shape_cast %swap3A_2910 : vector<16xi32> to vector<16xi32>
    %swap3A_2912 = vector.shape_cast %add3A_2908 : vector<16xi32> to vector<16xi32>
    tpu.vector_store %arg6[%swap3A_2909], %swap3A_2912 {strides = array<i32>} : memref<8192xi32, #tpu.memory_space<vmem>>, vector<16xi32>,
    %add3A_2913 = arith.constant 1400000 : i32
    %add3A_2914 = vector.broadcast %add3A_2913 : i32 to vector<16xi32>
    %add3A_2915 = arith.addi %min3A_2814, %add3A_2914 : vector<16xi32>
    %swap3A_2916 = arith.constant 7552 : index
    %swap3A_2917 = tpu.vector_load %arg6[%swap3A_2916] {strides = array<i32>} : memref<8192xi32, #tpu.memory_space<vmem>>, vector<16xi32>,
    %swap3A_2918 = vector.shape_cast %swap3A_2917 : vector<16xi32> to vector<16xi32>
    %swap3A_2919 = vector.shape_cast %add3A_2915 : vector<16xi32> to vector<16xi32>
    tpu.vector_store %arg6[%swap3A_2916], %swap3A_2919 {strides = array<i32>} : memref<8192xi32, #tpu.memory_space<vmem>>, vector<16xi32>,
    %add3A_2920 = arith.constant 1500000 : i32
    %add3A_2921 = vector.broadcast %add3A_2920 : i32 to vector<16xi32>
    %add3A_2922 = arith.addi %min3A_2814, %add3A_2921 : vector<16xi32>
    %swap3A_2923 = arith.constant 8064 : index
    %swap3A_2924 = tpu.vector_load %arg6[%swap3A_2923] {strides = array<i32>} : memref<8192xi32, #tpu.memory_space<vmem>>, vector<16xi32>,
    %swap3A_2925 = vector.shape_cast %swap3A_2924 : vector<16xi32> to vector<16xi32>
    %swap3A_2926 = vector.shape_cast %add3A_2922 : vector<16xi32> to vector<16xi32>
    tpu.vector_store %arg6[%swap3A_2923], %swap3A_2926 {strides = array<i32>} : memref<8192xi32, #tpu.memory_space<vmem>>, vector<16xi32>,
    %get3A_2927 = arith.constant 400 : index
    %get3A_2928 = tpu.vector_load %arg5[%get3A_2927] {strides = array<i32>} : memref<512xi32, #tpu.memory_space<vmem>>, vector<16xi32>,
    %get3A_2929 = vector.shape_cast %get3A_2928 : vector<16xi32> to vector<16xi32>
    %max3A_2930 = arith.maxsi %get3A_2929, %broadcast_in_dim3A_5 : vector<16xi32>
    %min3A_2931 = arith.minsi %max3A_2930, %broadcast_in_dim3A_3 : vector<16xi32>
    %add3A_2932 = arith.constant 0 : i32
    %add3A_2933 = vector.broadcast %add3A_2932 : i32 to vector<16xi32>
    %add3A_2934 = arith.addi %min3A_2931, %add3A_2933 : vector<16xi32>
    %swap3A_2935 = arith.constant 400 : index
    %swap3A_2936 = tpu.vector_load %arg6[%swap3A_2935] {strides = array<i32>} : memref<8192xi32, #tpu.memory_space<vmem>>, vector<16xi32>,
    %swap3A_2937 = vector.shape_cast %swap3A_2936 : vector<16xi32> to vector<16xi32>
    %swap3A_2938 = vector.shape_cast %add3A_2934 : vector<16xi32> to vector<16xi32>
    tpu.vector_store %arg6[%swap3A_2935], %swap3A_2938 {strides = array<i32>} : memref<8192xi32, #tpu.memory_space<vmem>>, vector<16xi32>,
    %add3A_2939 = arith.constant 100000 : i32
    %add3A_2940 = vector.broadcast %add3A_2939 : i32 to vector<16xi32>
    %add3A_2941 = arith.addi %min3A_2931, %add3A_2940 : vector<16xi32>
    %swap3A_2942 = arith.constant 912 : index
    %swap3A_2943 = tpu.vector_load %arg6[%swap3A_2942] {strides = array<i32>} : memref<8192xi32, #tpu.memory_space<vmem>>, vector<16xi32>,
    %swap3A_2944 = vector.shape_cast %swap3A_2943 : vector<16xi32> to vector<16xi32>
    %swap3A_2945 = vector.shape_cast %add3A_2941 : vector<16xi32> to vector<16xi32>
    tpu.vector_store %arg6[%swap3A_2942], %swap3A_2945 {strides = array<i32>} : memref<8192xi32, #tpu.memory_space<vmem>>, vector<16xi32>,
    %add3A_2946 = arith.constant 200000 : i32
    %add3A_2947 = vector.broadcast %add3A_2946 : i32 to vector<16xi32>
    %add3A_2948 = arith.addi %min3A_2931, %add3A_2947 : vector<16xi32>
    %swap3A_2949 = arith.constant 1424 : index
    %swap3A_2950 = tpu.vector_load %arg6[%swap3A_2949] {strides = array<i32>} : memref<8192xi32, #tpu.memory_space<vmem>>, vector<16xi32>,
    %swap3A_2951 = vector.shape_cast %swap3A_2950 : vector<16xi32> to vector<16xi32>
    %swap3A_2952 = vector.shape_cast %add3A_2948 : vector<16xi32> to vector<16xi32>
    tpu.vector_store %arg6[%swap3A_2949], %swap3A_2952 {strides = array<i32>} : memref<8192xi32, #tpu.memory_space<vmem>>, vector<16xi32>,
    %add3A_2953 = arith.constant 300000 : i32
    %add3A_2954 = vector.broadcast %add3A_2953 : i32 to vector<16xi32>
    %add3A_2955 = arith.addi %min3A_2931, %add3A_2954 : vector<16xi32>
    %swap3A_2956 = arith.constant 1936 : index
    %swap3A_2957 = tpu.vector_load %arg6[%swap3A_2956] {strides = array<i32>} : memref<8192xi32, #tpu.memory_space<vmem>>, vector<16xi32>,
    %swap3A_2958 = vector.shape_cast %swap3A_2957 : vector<16xi32> to vector<16xi32>
    %swap3A_2959 = vector.shape_cast %add3A_2955 : vector<16xi32> to vector<16xi32>
    tpu.vector_store %arg6[%swap3A_2956], %swap3A_2959 {strides = array<i32>} : memref<8192xi32, #tpu.memory_space<vmem>>, vector<16xi32>,
    %add3A_2960 = arith.constant 400000 : i32
    %add3A_2961 = vector.broadcast %add3A_2960 : i32 to vector<16xi32>
    %add3A_2962 = arith.addi %min3A_2931, %add3A_2961 : vector<16xi32>
    %swap3A_2963 = arith.constant 2448 : index
    %swap3A_2964 = tpu.vector_load %arg6[%swap3A_2963] {strides = array<i32>} : memref<8192xi32, #tpu.memory_space<vmem>>, vector<16xi32>,
    %swap3A_2965 = vector.shape_cast %swap3A_2964 : vector<16xi32> to vector<16xi32>
    %swap3A_2966 = vector.shape_cast %add3A_2962 : vector<16xi32> to vector<16xi32>
    tpu.vector_store %arg6[%swap3A_2963], %swap3A_2966 {strides = array<i32>} : memref<8192xi32, #tpu.memory_space<vmem>>, vector<16xi32>,
    %add3A_2967 = arith.constant 500000 : i32
    %add3A_2968 = vector.broadcast %add3A_2967 : i32 to vector<16xi32>
    %add3A_2969 = arith.addi %min3A_2931, %add3A_2968 : vector<16xi32>
    %swap3A_2970 = arith.constant 2960 : index
    %swap3A_2971 = tpu.vector_load %arg6[%swap3A_2970] {strides = array<i32>} : memref<8192xi32, #tpu.memory_space<vmem>>, vector<16xi32>,
    %swap3A_2972 = vector.shape_cast %swap3A_2971 : vector<16xi32> to vector<16xi32>
    %swap3A_2973 = vector.shape_cast %add3A_2969 : vector<16xi32> to vector<16xi32>
    tpu.vector_store %arg6[%swap3A_2970], %swap3A_2973 {strides = array<i32>} : memref<8192xi32, #tpu.memory_space<vmem>>, vector<16xi32>,
    %add3A_2974 = arith.constant 600000 : i32
    %add3A_2975 = vector.broadcast %add3A_2974 : i32 to vector<16xi32>
    %add3A_2976 = arith.addi %min3A_2931, %add3A_2975 : vector<16xi32>
    %swap3A_2977 = arith.constant 3472 : index
    %swap3A_2978 = tpu.vector_load %arg6[%swap3A_2977] {strides = array<i32>} : memref<8192xi32, #tpu.memory_space<vmem>>, vector<16xi32>,
    %swap3A_2979 = vector.shape_cast %swap3A_2978 : vector<16xi32> to vector<16xi32>
    %swap3A_2980 = vector.shape_cast %add3A_2976 : vector<16xi32> to vector<16xi32>
    tpu.vector_store %arg6[%swap3A_2977], %swap3A_2980 {strides = array<i32>} : memref<8192xi32, #tpu.memory_space<vmem>>, vector<16xi32>,
    %add3A_2981 = arith.constant 700000 : i32
    %add3A_2982 = vector.broadcast %add3A_2981 : i32 to vector<16xi32>
    %add3A_2983 = arith.addi %min3A_2931, %add3A_2982 : vector<16xi32>
    %swap3A_2984 = arith.constant 3984 : index
    %swap3A_2985 = tpu.vector_load %arg6[%swap3A_2984] {strides = array<i32>} : memref<8192xi32, #tpu.memory_space<vmem>>, vector<16xi32>,
    %swap3A_2986 = vector.shape_cast %swap3A_2985 : vector<16xi32> to vector<16xi32>
    %swap3A_2987 = vector.shape_cast %add3A_2983 : vector<16xi32> to vector<16xi32>
    tpu.vector_store %arg6[%swap3A_2984], %swap3A_2987 {strides = array<i32>} : memref<8192xi32, #tpu.memory_space<vmem>>, vector<16xi32>,
    %add3A_2988 = arith.constant 800000 : i32
    %add3A_2989 = vector.broadcast %add3A_2988 : i32 to vector<16xi32>
    %add3A_2990 = arith.addi %min3A_2931, %add3A_2989 : vector<16xi32>
    %swap3A_2991 = arith.constant 4496 : index
    %swap3A_2992 = tpu.vector_load %arg6[%swap3A_2991] {strides = array<i32>} : memref<8192xi32, #tpu.memory_space<vmem>>, vector<16xi32>,
    %swap3A_2993 = vector.shape_cast %swap3A_2992 : vector<16xi32> to vector<16xi32>
    %swap3A_2994 = vector.shape_cast %add3A_2990 : vector<16xi32> to vector<16xi32>
    tpu.vector_store %arg6[%swap3A_2991], %swap3A_2994 {strides = array<i32>} : memref<8192xi32, #tpu.memory_space<vmem>>, vector<16xi32>,
    %add3A_2995 = arith.constant 900000 : i32
    %add3A_2996 = vector.broadcast %add3A_2995 : i32 to vector<16xi32>
    %add3A_2997 = arith.addi %min3A_2931, %add3A_2996 : vector<16xi32>
    %swap3A_2998 = arith.constant 5008 : index
    %swap3A_2999 = tpu.vector_load %arg6[%swap3A_2998] {strides = array<i32>} : memref<8192xi32, #tpu.memory_space<vmem>>, vector<16xi32>,
    %swap3A_3000 = vector.shape_cast %swap3A_2999 : vector<16xi32> to vector<16xi32>
    %swap3A_3001 = vector.shape_cast %add3A_2997 : vector<16xi32> to vector<16xi32>
    tpu.vector_store %arg6[%swap3A_2998], %swap3A_3001 {strides = array<i32>} : memref<8192xi32, #tpu.memory_space<vmem>>, vector<16xi32>,
    %add3A_3002 = arith.constant 1000000 : i32
    %add3A_3003 = vector.broadcast %add3A_3002 : i32 to vector<16xi32>
    %add3A_3004 = arith.addi %min3A_2931, %add3A_3003 : vector<16xi32>
    %swap3A_3005 = arith.constant 5520 : index
    %swap3A_3006 = tpu.vector_load %arg6[%swap3A_3005] {strides = array<i32>} : memref<8192xi32, #tpu.memory_space<vmem>>, vector<16xi32>,
    %swap3A_3007 = vector.shape_cast %swap3A_3006 : vector<16xi32> to vector<16xi32>
    %swap3A_3008 = vector.shape_cast %add3A_3004 : vector<16xi32> to vector<16xi32>
    tpu.vector_store %arg6[%swap3A_3005], %swap3A_3008 {strides = array<i32>} : memref<8192xi32, #tpu.memory_space<vmem>>, vector<16xi32>,
    %add3A_3009 = arith.constant 1100000 : i32
    %add3A_3010 = vector.broadcast %add3A_3009 : i32 to vector<16xi32>
    %add3A_3011 = arith.addi %min3A_2931, %add3A_3010 : vector<16xi32>
    %swap3A_3012 = arith.constant 6032 : index
    %swap3A_3013 = tpu.vector_load %arg6[%swap3A_3012] {strides = array<i32>} : memref<8192xi32, #tpu.memory_space<vmem>>, vector<16xi32>,
    %swap3A_3014 = vector.shape_cast %swap3A_3013 : vector<16xi32> to vector<16xi32>
    %swap3A_3015 = vector.shape_cast %add3A_3011 : vector<16xi32> to vector<16xi32>
    tpu.vector_store %arg6[%swap3A_3012], %swap3A_3015 {strides = array<i32>} : memref<8192xi32, #tpu.memory_space<vmem>>, vector<16xi32>,
    %add3A_3016 = arith.constant 1200000 : i32
    %add3A_3017 = vector.broadcast %add3A_3016 : i32 to vector<16xi32>
    %add3A_3018 = arith.addi %min3A_2931, %add3A_3017 : vector<16xi32>
    %swap3A_3019 = arith.constant 6544 : index
    %swap3A_3020 = tpu.vector_load %arg6[%swap3A_3019] {strides = array<i32>} : memref<8192xi32, #tpu.memory_space<vmem>>, vector<16xi32>,
    %swap3A_3021 = vector.shape_cast %swap3A_3020 : vector<16xi32> to vector<16xi32>
    %swap3A_3022 = vector.shape_cast %add3A_3018 : vector<16xi32> to vector<16xi32>
    tpu.vector_store %arg6[%swap3A_3019], %swap3A_3022 {strides = array<i32>} : memref<8192xi32, #tpu.memory_space<vmem>>, vector<16xi32>,
    %add3A_3023 = arith.constant 1300000 : i32
    %add3A_3024 = vector.broadcast %add3A_3023 : i32 to vector<16xi32>
    %add3A_3025 = arith.addi %min3A_2931, %add3A_3024 : vector<16xi32>
    %swap3A_3026 = arith.constant 7056 : index
    %swap3A_3027 = tpu.vector_load %arg6[%swap3A_3026] {strides = array<i32>} : memref<8192xi32, #tpu.memory_space<vmem>>, vector<16xi32>,
    %swap3A_3028 = vector.shape_cast %swap3A_3027 : vector<16xi32> to vector<16xi32>
    %swap3A_3029 = vector.shape_cast %add3A_3025 : vector<16xi32> to vector<16xi32>
    tpu.vector_store %arg6[%swap3A_3026], %swap3A_3029 {strides = array<i32>} : memref<8192xi32, #tpu.memory_space<vmem>>, vector<16xi32>,
    %add3A_3030 = arith.constant 1400000 : i32
    %add3A_3031 = vector.broadcast %add3A_3030 : i32 to vector<16xi32>
    %add3A_3032 = arith.addi %min3A_2931, %add3A_3031 : vector<16xi32>
    %swap3A_3033 = arith.constant 7568 : index
    %swap3A_3034 = tpu.vector_load %arg6[%swap3A_3033] {strides = array<i32>} : memref<8192xi32, #tpu.memory_space<vmem>>, vector<16xi32>,
    %swap3A_3035 = vector.shape_cast %swap3A_3034 : vector<16xi32> to vector<16xi32>
    %swap3A_3036 = vector.shape_cast %add3A_3032 : vector<16xi32> to vector<16xi32>
    tpu.vector_store %arg6[%swap3A_3033], %swap3A_3036 {strides = array<i32>} : memref<8192xi32, #tpu.memory_space<vmem>>, vector<16xi32>,
    %add3A_3037 = arith.constant 1500000 : i32
    %add3A_3038 = vector.broadcast %add3A_3037 : i32 to vector<16xi32>
    %add3A_3039 = arith.addi %min3A_2931, %add3A_3038 : vector<16xi32>
    %swap3A_3040 = arith.constant 8080 : index
    %swap3A_3041 = tpu.vector_load %arg6[%swap3A_3040] {strides = array<i32>} : memref<8192xi32, #tpu.memory_space<vmem>>, vector<16xi32>,
    %swap3A_3042 = vector.shape_cast %swap3A_3041 : vector<16xi32> to vector<16xi32>
    %swap3A_3043 = vector.shape_cast %add3A_3039 : vector<16xi32> to vector<16xi32>
    tpu.vector_store %arg6[%swap3A_3040], %swap3A_3043 {strides = array<i32>} : memref<8192xi32, #tpu.memory_space<vmem>>, vector<16xi32>,
    %get3A_3044 = arith.constant 416 : index
    %get3A_3045 = tpu.vector_load %arg5[%get3A_3044] {strides = array<i32>} : memref<512xi32, #tpu.memory_space<vmem>>, vector<16xi32>,
    %get3A_3046 = vector.shape_cast %get3A_3045 : vector<16xi32> to vector<16xi32>
    %max3A_3047 = arith.maxsi %get3A_3046, %broadcast_in_dim3A_5 : vector<16xi32>
    %min3A_3048 = arith.minsi %max3A_3047, %broadcast_in_dim3A_3 : vector<16xi32>
    %add3A_3049 = arith.constant 0 : i32
    %add3A_3050 = vector.broadcast %add3A_3049 : i32 to vector<16xi32>
    %add3A_3051 = arith.addi %min3A_3048, %add3A_3050 : vector<16xi32>
    %swap3A_3052 = arith.constant 416 : index
    %swap3A_3053 = tpu.vector_load %arg6[%swap3A_3052] {strides = array<i32>} : memref<8192xi32, #tpu.memory_space<vmem>>, vector<16xi32>,
    %swap3A_3054 = vector.shape_cast %swap3A_3053 : vector<16xi32> to vector<16xi32>
    %swap3A_3055 = vector.shape_cast %add3A_3051 : vector<16xi32> to vector<16xi32>
    tpu.vector_store %arg6[%swap3A_3052], %swap3A_3055 {strides = array<i32>} : memref<8192xi32, #tpu.memory_space<vmem>>, vector<16xi32>,
    %add3A_3056 = arith.constant 100000 : i32
    %add3A_3057 = vector.broadcast %add3A_3056 : i32 to vector<16xi32>
    %add3A_3058 = arith.addi %min3A_3048, %add3A_3057 : vector<16xi32>
    %swap3A_3059 = arith.constant 928 : index
    %swap3A_3060 = tpu.vector_load %arg6[%swap3A_3059] {strides = array<i32>} : memref<8192xi32, #tpu.memory_space<vmem>>, vector<16xi32>,
    %swap3A_3061 = vector.shape_cast %swap3A_3060 : vector<16xi32> to vector<16xi32>
    %swap3A_3062 = vector.shape_cast %add3A_3058 : vector<16xi32> to vector<16xi32>
    tpu.vector_store %arg6[%swap3A_3059], %swap3A_3062 {strides = array<i32>} : memref<8192xi32, #tpu.memory_space<vmem>>, vector<16xi32>,
    %add3A_3063 = arith.constant 200000 : i32
    %add3A_3064 = vector.broadcast %add3A_3063 : i32 to vector<16xi32>
    %add3A_3065 = arith.addi %min3A_3048, %add3A_3064 : vector<16xi32>
    %swap3A_3066 = arith.constant 1440 : index
    %swap3A_3067 = tpu.vector_load %arg6[%swap3A_3066] {strides = array<i32>} : memref<8192xi32, #tpu.memory_space<vmem>>, vector<16xi32>,
    %swap3A_3068 = vector.shape_cast %swap3A_3067 : vector<16xi32> to vector<16xi32>
    %swap3A_3069 = vector.shape_cast %add3A_3065 : vector<16xi32> to vector<16xi32>
    tpu.vector_store %arg6[%swap3A_3066], %swap3A_3069 {strides = array<i32>} : memref<8192xi32, #tpu.memory_space<vmem>>, vector<16xi32>,
    %add3A_3070 = arith.constant 300000 : i32
    %add3A_3071 = vector.broadcast %add3A_3070 : i32 to vector<16xi32>
    %add3A_3072 = arith.addi %min3A_3048, %add3A_3071 : vector<16xi32>
    %swap3A_3073 = arith.constant 1952 : index
    %swap3A_3074 = tpu.vector_load %arg6[%swap3A_3073] {strides = array<i32>} : memref<8192xi32, #tpu.memory_space<vmem>>, vector<16xi32>,
    %swap3A_3075 = vector.shape_cast %swap3A_3074 : vector<16xi32> to vector<16xi32>
    %swap3A_3076 = vector.shape_cast %add3A_3072 : vector<16xi32> to vector<16xi32>
    tpu.vector_store %arg6[%swap3A_3073], %swap3A_3076 {strides = array<i32>} : memref<8192xi32, #tpu.memory_space<vmem>>, vector<16xi32>,
    %add3A_3077 = arith.constant 400000 : i32
    %add3A_3078 = vector.broadcast %add3A_3077 : i32 to vector<16xi32>
    %add3A_3079 = arith.addi %min3A_3048, %add3A_3078 : vector<16xi32>
    %swap3A_3080 = arith.constant 2464 : index
    %swap3A_3081 = tpu.vector_load %arg6[%swap3A_3080] {strides = array<i32>} : memref<8192xi32, #tpu.memory_space<vmem>>, vector<16xi32>,
    %swap3A_3082 = vector.shape_cast %swap3A_3081 : vector<16xi32> to vector<16xi32>
    %swap3A_3083 = vector.shape_cast %add3A_3079 : vector<16xi32> to vector<16xi32>
    tpu.vector_store %arg6[%swap3A_3080], %swap3A_3083 {strides = array<i32>} : memref<8192xi32, #tpu.memory_space<vmem>>, vector<16xi32>,
    %add3A_3084 = arith.constant 500000 : i32
    %add3A_3085 = vector.broadcast %add3A_3084 : i32 to vector<16xi32>
    %add3A_3086 = arith.addi %min3A_3048, %add3A_3085 : vector<16xi32>
    %swap3A_3087 = arith.constant 2976 : index
    %swap3A_3088 = tpu.vector_load %arg6[%swap3A_3087] {strides = array<i32>} : memref<8192xi32, #tpu.memory_space<vmem>>, vector<16xi32>,
    %swap3A_3089 = vector.shape_cast %swap3A_3088 : vector<16xi32> to vector<16xi32>
    %swap3A_3090 = vector.shape_cast %add3A_3086 : vector<16xi32> to vector<16xi32>
    tpu.vector_store %arg6[%swap3A_3087], %swap3A_3090 {strides = array<i32>} : memref<8192xi32, #tpu.memory_space<vmem>>, vector<16xi32>,
    %add3A_3091 = arith.constant 600000 : i32
    %add3A_3092 = vector.broadcast %add3A_3091 : i32 to vector<16xi32>
    %add3A_3093 = arith.addi %min3A_3048, %add3A_3092 : vector<16xi32>
    %swap3A_3094 = arith.constant 3488 : index
    %swap3A_3095 = tpu.vector_load %arg6[%swap3A_3094] {strides = array<i32>} : memref<8192xi32, #tpu.memory_space<vmem>>, vector<16xi32>,
    %swap3A_3096 = vector.shape_cast %swap3A_3095 : vector<16xi32> to vector<16xi32>
    %swap3A_3097 = vector.shape_cast %add3A_3093 : vector<16xi32> to vector<16xi32>
    tpu.vector_store %arg6[%swap3A_3094], %swap3A_3097 {strides = array<i32>} : memref<8192xi32, #tpu.memory_space<vmem>>, vector<16xi32>,
    %add3A_3098 = arith.constant 700000 : i32
    %add3A_3099 = vector.broadcast %add3A_3098 : i32 to vector<16xi32>
    %add3A_3100 = arith.addi %min3A_3048, %add3A_3099 : vector<16xi32>
    %swap3A_3101 = arith.constant 4000 : index
    %swap3A_3102 = tpu.vector_load %arg6[%swap3A_3101] {strides = array<i32>} : memref<8192xi32, #tpu.memory_space<vmem>>, vector<16xi32>,
    %swap3A_3103 = vector.shape_cast %swap3A_3102 : vector<16xi32> to vector<16xi32>
    %swap3A_3104 = vector.shape_cast %add3A_3100 : vector<16xi32> to vector<16xi32>
    tpu.vector_store %arg6[%swap3A_3101], %swap3A_3104 {strides = array<i32>} : memref<8192xi32, #tpu.memory_space<vmem>>, vector<16xi32>,
    %add3A_3105 = arith.constant 800000 : i32
    %add3A_3106 = vector.broadcast %add3A_3105 : i32 to vector<16xi32>
    %add3A_3107 = arith.addi %min3A_3048, %add3A_3106 : vector<16xi32>
    %swap3A_3108 = arith.constant 4512 : index
    %swap3A_3109 = tpu.vector_load %arg6[%swap3A_3108] {strides = array<i32>} : memref<8192xi32, #tpu.memory_space<vmem>>, vector<16xi32>,
    %swap3A_3110 = vector.shape_cast %swap3A_3109 : vector<16xi32> to vector<16xi32>
    %swap3A_3111 = vector.shape_cast %add3A_3107 : vector<16xi32> to vector<16xi32>
    tpu.vector_store %arg6[%swap3A_3108], %swap3A_3111 {strides = array<i32>} : memref<8192xi32, #tpu.memory_space<vmem>>, vector<16xi32>,
    %add3A_3112 = arith.constant 900000 : i32
    %add3A_3113 = vector.broadcast %add3A_3112 : i32 to vector<16xi32>
    %add3A_3114 = arith.addi %min3A_3048, %add3A_3113 : vector<16xi32>
    %swap3A_3115 = arith.constant 5024 : index
    %swap3A_3116 = tpu.vector_load %arg6[%swap3A_3115] {strides = array<i32>} : memref<8192xi32, #tpu.memory_space<vmem>>, vector<16xi32>,
    %swap3A_3117 = vector.shape_cast %swap3A_3116 : vector<16xi32> to vector<16xi32>
    %swap3A_3118 = vector.shape_cast %add3A_3114 : vector<16xi32> to vector<16xi32>
    tpu.vector_store %arg6[%swap3A_3115], %swap3A_3118 {strides = array<i32>} : memref<8192xi32, #tpu.memory_space<vmem>>, vector<16xi32>,
    %add3A_3119 = arith.constant 1000000 : i32
    %add3A_3120 = vector.broadcast %add3A_3119 : i32 to vector<16xi32>
    %add3A_3121 = arith.addi %min3A_3048, %add3A_3120 : vector<16xi32>
    %swap3A_3122 = arith.constant 5536 : index
    %swap3A_3123 = tpu.vector_load %arg6[%swap3A_3122] {strides = array<i32>} : memref<8192xi32, #tpu.memory_space<vmem>>, vector<16xi32>,
    %swap3A_3124 = vector.shape_cast %swap3A_3123 : vector<16xi32> to vector<16xi32>
    %swap3A_3125 = vector.shape_cast %add3A_3121 : vector<16xi32> to vector<16xi32>
    tpu.vector_store %arg6[%swap3A_3122], %swap3A_3125 {strides = array<i32>} : memref<8192xi32, #tpu.memory_space<vmem>>, vector<16xi32>,
    %add3A_3126 = arith.constant 1100000 : i32
    %add3A_3127 = vector.broadcast %add3A_3126 : i32 to vector<16xi32>
    %add3A_3128 = arith.addi %min3A_3048, %add3A_3127 : vector<16xi32>
    %swap3A_3129 = arith.constant 6048 : index
    %swap3A_3130 = tpu.vector_load %arg6[%swap3A_3129] {strides = array<i32>} : memref<8192xi32, #tpu.memory_space<vmem>>, vector<16xi32>,
    %swap3A_3131 = vector.shape_cast %swap3A_3130 : vector<16xi32> to vector<16xi32>
    %swap3A_3132 = vector.shape_cast %add3A_3128 : vector<16xi32> to vector<16xi32>
    tpu.vector_store %arg6[%swap3A_3129], %swap3A_3132 {strides = array<i32>} : memref<8192xi32, #tpu.memory_space<vmem>>, vector<16xi32>,
    %add3A_3133 = arith.constant 1200000 : i32
    %add3A_3134 = vector.broadcast %add3A_3133 : i32 to vector<16xi32>
    %add3A_3135 = arith.addi %min3A_3048, %add3A_3134 : vector<16xi32>
    %swap3A_3136 = arith.constant 6560 : index
    %swap3A_3137 = tpu.vector_load %arg6[%swap3A_3136] {strides = array<i32>} : memref<8192xi32, #tpu.memory_space<vmem>>, vector<16xi32>,
    %swap3A_3138 = vector.shape_cast %swap3A_3137 : vector<16xi32> to vector<16xi32>
    %swap3A_3139 = vector.shape_cast %add3A_3135 : vector<16xi32> to vector<16xi32>
    tpu.vector_store %arg6[%swap3A_3136], %swap3A_3139 {strides = array<i32>} : memref<8192xi32, #tpu.memory_space<vmem>>, vector<16xi32>,
    %add3A_3140 = arith.constant 1300000 : i32
    %add3A_3141 = vector.broadcast %add3A_3140 : i32 to vector<16xi32>
    %add3A_3142 = arith.addi %min3A_3048, %add3A_3141 : vector<16xi32>
    %swap3A_3143 = arith.constant 7072 : index
    %swap3A_3144 = tpu.vector_load %arg6[%swap3A_3143] {strides = array<i32>} : memref<8192xi32, #tpu.memory_space<vmem>>, vector<16xi32>,
    %swap3A_3145 = vector.shape_cast %swap3A_3144 : vector<16xi32> to vector<16xi32>
    %swap3A_3146 = vector.shape_cast %add3A_3142 : vector<16xi32> to vector<16xi32>
    tpu.vector_store %arg6[%swap3A_3143], %swap3A_3146 {strides = array<i32>} : memref<8192xi32, #tpu.memory_space<vmem>>, vector<16xi32>,
    %add3A_3147 = arith.constant 1400000 : i32
    %add3A_3148 = vector.broadcast %add3A_3147 : i32 to vector<16xi32>
    %add3A_3149 = arith.addi %min3A_3048, %add3A_3148 : vector<16xi32>
    %swap3A_3150 = arith.constant 7584 : index
    %swap3A_3151 = tpu.vector_load %arg6[%swap3A_3150] {strides = array<i32>} : memref<8192xi32, #tpu.memory_space<vmem>>, vector<16xi32>,
    %swap3A_3152 = vector.shape_cast %swap3A_3151 : vector<16xi32> to vector<16xi32>
    %swap3A_3153 = vector.shape_cast %add3A_3149 : vector<16xi32> to vector<16xi32>
    tpu.vector_store %arg6[%swap3A_3150], %swap3A_3153 {strides = array<i32>} : memref<8192xi32, #tpu.memory_space<vmem>>, vector<16xi32>,
    %add3A_3154 = arith.constant 1500000 : i32
    %add3A_3155 = vector.broadcast %add3A_3154 : i32 to vector<16xi32>
    %add3A_3156 = arith.addi %min3A_3048, %add3A_3155 : vector<16xi32>
    %swap3A_3157 = arith.constant 8096 : index
    %swap3A_3158 = tpu.vector_load %arg6[%swap3A_3157] {strides = array<i32>} : memref<8192xi32, #tpu.memory_space<vmem>>, vector<16xi32>,
    %swap3A_3159 = vector.shape_cast %swap3A_3158 : vector<16xi32> to vector<16xi32>
    %swap3A_3160 = vector.shape_cast %add3A_3156 : vector<16xi32> to vector<16xi32>
    tpu.vector_store %arg6[%swap3A_3157], %swap3A_3160 {strides = array<i32>} : memref<8192xi32, #tpu.memory_space<vmem>>, vector<16xi32>,
    %get3A_3161 = arith.constant 432 : index
    %get3A_3162 = tpu.vector_load %arg5[%get3A_3161] {strides = array<i32>} : memref<512xi32, #tpu.memory_space<vmem>>, vector<16xi32>,
    %get3A_3163 = vector.shape_cast %get3A_3162 : vector<16xi32> to vector<16xi32>
    %max3A_3164 = arith.maxsi %get3A_3163, %broadcast_in_dim3A_5 : vector<16xi32>
    %min3A_3165 = arith.minsi %max3A_3164, %broadcast_in_dim3A_3 : vector<16xi32>
    %add3A_3166 = arith.constant 0 : i32
    %add3A_3167 = vector.broadcast %add3A_3166 : i32 to vector<16xi32>
    %add3A_3168 = arith.addi %min3A_3165, %add3A_3167 : vector<16xi32>
    %swap3A_3169 = arith.constant 432 : index
    %swap3A_3170 = tpu.vector_load %arg6[%swap3A_3169] {strides = array<i32>} : memref<8192xi32, #tpu.memory_space<vmem>>, vector<16xi32>,
    %swap3A_3171 = vector.shape_cast %swap3A_3170 : vector<16xi32> to vector<16xi32>
    %swap3A_3172 = vector.shape_cast %add3A_3168 : vector<16xi32> to vector<16xi32>
    tpu.vector_store %arg6[%swap3A_3169], %swap3A_3172 {strides = array<i32>} : memref<8192xi32, #tpu.memory_space<vmem>>, vector<16xi32>,
    %add3A_3173 = arith.constant 100000 : i32
    %add3A_3174 = vector.broadcast %add3A_3173 : i32 to vector<16xi32>
    %add3A_3175 = arith.addi %min3A_3165, %add3A_3174 : vector<16xi32>
    %swap3A_3176 = arith.constant 944 : index
    %swap3A_3177 = tpu.vector_load %arg6[%swap3A_3176] {strides = array<i32>} : memref<8192xi32, #tpu.memory_space<vmem>>, vector<16xi32>,
    %swap3A_3178 = vector.shape_cast %swap3A_3177 : vector<16xi32> to vector<16xi32>
    %swap3A_3179 = vector.shape_cast %add3A_3175 : vector<16xi32> to vector<16xi32>
    tpu.vector_store %arg6[%swap3A_3176], %swap3A_3179 {strides = array<i32>} : memref<8192xi32, #tpu.memory_space<vmem>>, vector<16xi32>,
    %add3A_3180 = arith.constant 200000 : i32
    %add3A_3181 = vector.broadcast %add3A_3180 : i32 to vector<16xi32>
    %add3A_3182 = arith.addi %min3A_3165, %add3A_3181 : vector<16xi32>
    %swap3A_3183 = arith.constant 1456 : index
    %swap3A_3184 = tpu.vector_load %arg6[%swap3A_3183] {strides = array<i32>} : memref<8192xi32, #tpu.memory_space<vmem>>, vector<16xi32>,
    %swap3A_3185 = vector.shape_cast %swap3A_3184 : vector<16xi32> to vector<16xi32>
    %swap3A_3186 = vector.shape_cast %add3A_3182 : vector<16xi32> to vector<16xi32>
    tpu.vector_store %arg6[%swap3A_3183], %swap3A_3186 {strides = array<i32>} : memref<8192xi32, #tpu.memory_space<vmem>>, vector<16xi32>,
    %add3A_3187 = arith.constant 300000 : i32
    %add3A_3188 = vector.broadcast %add3A_3187 : i32 to vector<16xi32>
    %add3A_3189 = arith.addi %min3A_3165, %add3A_3188 : vector<16xi32>
    %swap3A_3190 = arith.constant 1968 : index
    %swap3A_3191 = tpu.vector_load %arg6[%swap3A_3190] {strides = array<i32>} : memref<8192xi32, #tpu.memory_space<vmem>>, vector<16xi32>,
    %swap3A_3192 = vector.shape_cast %swap3A_3191 : vector<16xi32> to vector<16xi32>
    %swap3A_3193 = vector.shape_cast %add3A_3189 : vector<16xi32> to vector<16xi32>
    tpu.vector_store %arg6[%swap3A_3190], %swap3A_3193 {strides = array<i32>} : memref<8192xi32, #tpu.memory_space<vmem>>, vector<16xi32>,
    %add3A_3194 = arith.constant 400000 : i32
    %add3A_3195 = vector.broadcast %add3A_3194 : i32 to vector<16xi32>
    %add3A_3196 = arith.addi %min3A_3165, %add3A_3195 : vector<16xi32>
    %swap3A_3197 = arith.constant 2480 : index
    %swap3A_3198 = tpu.vector_load %arg6[%swap3A_3197] {strides = array<i32>} : memref<8192xi32, #tpu.memory_space<vmem>>, vector<16xi32>,
    %swap3A_3199 = vector.shape_cast %swap3A_3198 : vector<16xi32> to vector<16xi32>
    %swap3A_3200 = vector.shape_cast %add3A_3196 : vector<16xi32> to vector<16xi32>
    tpu.vector_store %arg6[%swap3A_3197], %swap3A_3200 {strides = array<i32>} : memref<8192xi32, #tpu.memory_space<vmem>>, vector<16xi32>,
    %add3A_3201 = arith.constant 500000 : i32
    %add3A_3202 = vector.broadcast %add3A_3201 : i32 to vector<16xi32>
    %add3A_3203 = arith.addi %min3A_3165, %add3A_3202 : vector<16xi32>
    %swap3A_3204 = arith.constant 2992 : index
    %swap3A_3205 = tpu.vector_load %arg6[%swap3A_3204] {strides = array<i32>} : memref<8192xi32, #tpu.memory_space<vmem>>, vector<16xi32>,
    %swap3A_3206 = vector.shape_cast %swap3A_3205 : vector<16xi32> to vector<16xi32>
    %swap3A_3207 = vector.shape_cast %add3A_3203 : vector<16xi32> to vector<16xi32>
    tpu.vector_store %arg6[%swap3A_3204], %swap3A_3207 {strides = array<i32>} : memref<8192xi32, #tpu.memory_space<vmem>>, vector<16xi32>,
    %add3A_3208 = arith.constant 600000 : i32
    %add3A_3209 = vector.broadcast %add3A_3208 : i32 to vector<16xi32>
    %add3A_3210 = arith.addi %min3A_3165, %add3A_3209 : vector<16xi32>
    %swap3A_3211 = arith.constant 3504 : index
    %swap3A_3212 = tpu.vector_load %arg6[%swap3A_3211] {strides = array<i32>} : memref<8192xi32, #tpu.memory_space<vmem>>, vector<16xi32>,
    %swap3A_3213 = vector.shape_cast %swap3A_3212 : vector<16xi32> to vector<16xi32>
    %swap3A_3214 = vector.shape_cast %add3A_3210 : vector<16xi32> to vector<16xi32>
    tpu.vector_store %arg6[%swap3A_3211], %swap3A_3214 {strides = array<i32>} : memref<8192xi32, #tpu.memory_space<vmem>>, vector<16xi32>,
    %add3A_3215 = arith.constant 700000 : i32
    %add3A_3216 = vector.broadcast %add3A_3215 : i32 to vector<16xi32>
    %add3A_3217 = arith.addi %min3A_3165, %add3A_3216 : vector<16xi32>
    %swap3A_3218 = arith.constant 4016 : index
    %swap3A_3219 = tpu.vector_load %arg6[%swap3A_3218] {strides = array<i32>} : memref<8192xi32, #tpu.memory_space<vmem>>, vector<16xi32>,
    %swap3A_3220 = vector.shape_cast %swap3A_3219 : vector<16xi32> to vector<16xi32>
    %swap3A_3221 = vector.shape_cast %add3A_3217 : vector<16xi32> to vector<16xi32>
    tpu.vector_store %arg6[%swap3A_3218], %swap3A_3221 {strides = array<i32>} : memref<8192xi32, #tpu.memory_space<vmem>>, vector<16xi32>,
    %add3A_3222 = arith.constant 800000 : i32
    %add3A_3223 = vector.broadcast %add3A_3222 : i32 to vector<16xi32>
    %add3A_3224 = arith.addi %min3A_3165, %add3A_3223 : vector<16xi32>
    %swap3A_3225 = arith.constant 4528 : index
    %swap3A_3226 = tpu.vector_load %arg6[%swap3A_3225] {strides = array<i32>} : memref<8192xi32, #tpu.memory_space<vmem>>, vector<16xi32>,
    %swap3A_3227 = vector.shape_cast %swap3A_3226 : vector<16xi32> to vector<16xi32>
    %swap3A_3228 = vector.shape_cast %add3A_3224 : vector<16xi32> to vector<16xi32>
    tpu.vector_store %arg6[%swap3A_3225], %swap3A_3228 {strides = array<i32>} : memref<8192xi32, #tpu.memory_space<vmem>>, vector<16xi32>,
    %add3A_3229 = arith.constant 900000 : i32
    %add3A_3230 = vector.broadcast %add3A_3229 : i32 to vector<16xi32>
    %add3A_3231 = arith.addi %min3A_3165, %add3A_3230 : vector<16xi32>
    %swap3A_3232 = arith.constant 5040 : index
    %swap3A_3233 = tpu.vector_load %arg6[%swap3A_3232] {strides = array<i32>} : memref<8192xi32, #tpu.memory_space<vmem>>, vector<16xi32>,
    %swap3A_3234 = vector.shape_cast %swap3A_3233 : vector<16xi32> to vector<16xi32>
    %swap3A_3235 = vector.shape_cast %add3A_3231 : vector<16xi32> to vector<16xi32>
    tpu.vector_store %arg6[%swap3A_3232], %swap3A_3235 {strides = array<i32>} : memref<8192xi32, #tpu.memory_space<vmem>>, vector<16xi32>,
    %add3A_3236 = arith.constant 1000000 : i32
    %add3A_3237 = vector.broadcast %add3A_3236 : i32 to vector<16xi32>
    %add3A_3238 = arith.addi %min3A_3165, %add3A_3237 : vector<16xi32>
    %swap3A_3239 = arith.constant 5552 : index
    %swap3A_3240 = tpu.vector_load %arg6[%swap3A_3239] {strides = array<i32>} : memref<8192xi32, #tpu.memory_space<vmem>>, vector<16xi32>,
    %swap3A_3241 = vector.shape_cast %swap3A_3240 : vector<16xi32> to vector<16xi32>
    %swap3A_3242 = vector.shape_cast %add3A_3238 : vector<16xi32> to vector<16xi32>
    tpu.vector_store %arg6[%swap3A_3239], %swap3A_3242 {strides = array<i32>} : memref<8192xi32, #tpu.memory_space<vmem>>, vector<16xi32>,
    %add3A_3243 = arith.constant 1100000 : i32
    %add3A_3244 = vector.broadcast %add3A_3243 : i32 to vector<16xi32>
    %add3A_3245 = arith.addi %min3A_3165, %add3A_3244 : vector<16xi32>
    %swap3A_3246 = arith.constant 6064 : index
    %swap3A_3247 = tpu.vector_load %arg6[%swap3A_3246] {strides = array<i32>} : memref<8192xi32, #tpu.memory_space<vmem>>, vector<16xi32>,
    %swap3A_3248 = vector.shape_cast %swap3A_3247 : vector<16xi32> to vector<16xi32>
    %swap3A_3249 = vector.shape_cast %add3A_3245 : vector<16xi32> to vector<16xi32>
    tpu.vector_store %arg6[%swap3A_3246], %swap3A_3249 {strides = array<i32>} : memref<8192xi32, #tpu.memory_space<vmem>>, vector<16xi32>,
    %add3A_3250 = arith.constant 1200000 : i32
    %add3A_3251 = vector.broadcast %add3A_3250 : i32 to vector<16xi32>
    %add3A_3252 = arith.addi %min3A_3165, %add3A_3251 : vector<16xi32>
    %swap3A_3253 = arith.constant 6576 : index
    %swap3A_3254 = tpu.vector_load %arg6[%swap3A_3253] {strides = array<i32>} : memref<8192xi32, #tpu.memory_space<vmem>>, vector<16xi32>,
    %swap3A_3255 = vector.shape_cast %swap3A_3254 : vector<16xi32> to vector<16xi32>
    %swap3A_3256 = vector.shape_cast %add3A_3252 : vector<16xi32> to vector<16xi32>
    tpu.vector_store %arg6[%swap3A_3253], %swap3A_3256 {strides = array<i32>} : memref<8192xi32, #tpu.memory_space<vmem>>, vector<16xi32>,
    %add3A_3257 = arith.constant 1300000 : i32
    %add3A_3258 = vector.broadcast %add3A_3257 : i32 to vector<16xi32>
    %add3A_3259 = arith.addi %min3A_3165, %add3A_3258 : vector<16xi32>
    %swap3A_3260 = arith.constant 7088 : index
    %swap3A_3261 = tpu.vector_load %arg6[%swap3A_3260] {strides = array<i32>} : memref<8192xi32, #tpu.memory_space<vmem>>, vector<16xi32>,
    %swap3A_3262 = vector.shape_cast %swap3A_3261 : vector<16xi32> to vector<16xi32>
    %swap3A_3263 = vector.shape_cast %add3A_3259 : vector<16xi32> to vector<16xi32>
    tpu.vector_store %arg6[%swap3A_3260], %swap3A_3263 {strides = array<i32>} : memref<8192xi32, #tpu.memory_space<vmem>>, vector<16xi32>,
    %add3A_3264 = arith.constant 1400000 : i32
    %add3A_3265 = vector.broadcast %add3A_3264 : i32 to vector<16xi32>
    %add3A_3266 = arith.addi %min3A_3165, %add3A_3265 : vector<16xi32>
    %swap3A_3267 = arith.constant 7600 : index
    %swap3A_3268 = tpu.vector_load %arg6[%swap3A_3267] {strides = array<i32>} : memref<8192xi32, #tpu.memory_space<vmem>>, vector<16xi32>,
    %swap3A_3269 = vector.shape_cast %swap3A_3268 : vector<16xi32> to vector<16xi32>
    %swap3A_3270 = vector.shape_cast %add3A_3266 : vector<16xi32> to vector<16xi32>
    tpu.vector_store %arg6[%swap3A_3267], %swap3A_3270 {strides = array<i32>} : memref<8192xi32, #tpu.memory_space<vmem>>, vector<16xi32>,
    %add3A_3271 = arith.constant 1500000 : i32
    %add3A_3272 = vector.broadcast %add3A_3271 : i32 to vector<16xi32>
    %add3A_3273 = arith.addi %min3A_3165, %add3A_3272 : vector<16xi32>
    %swap3A_3274 = arith.constant 8112 : index
    %swap3A_3275 = tpu.vector_load %arg6[%swap3A_3274] {strides = array<i32>} : memref<8192xi32, #tpu.memory_space<vmem>>, vector<16xi32>,
    %swap3A_3276 = vector.shape_cast %swap3A_3275 : vector<16xi32> to vector<16xi32>
    %swap3A_3277 = vector.shape_cast %add3A_3273 : vector<16xi32> to vector<16xi32>
    tpu.vector_store %arg6[%swap3A_3274], %swap3A_3277 {strides = array<i32>} : memref<8192xi32, #tpu.memory_space<vmem>>, vector<16xi32>,
    %get3A_3278 = arith.constant 448 : index
    %get3A_3279 = tpu.vector_load %arg5[%get3A_3278] {strides = array<i32>} : memref<512xi32, #tpu.memory_space<vmem>>, vector<16xi32>,
    %get3A_3280 = vector.shape_cast %get3A_3279 : vector<16xi32> to vector<16xi32>
    %max3A_3281 = arith.maxsi %get3A_3280, %broadcast_in_dim3A_5 : vector<16xi32>
    %min3A_3282 = arith.minsi %max3A_3281, %broadcast_in_dim3A_3 : vector<16xi32>
    %add3A_3283 = arith.constant 0 : i32
    %add3A_3284 = vector.broadcast %add3A_3283 : i32 to vector<16xi32>
    %add3A_3285 = arith.addi %min3A_3282, %add3A_3284 : vector<16xi32>
    %swap3A_3286 = arith.constant 448 : index
    %swap3A_3287 = tpu.vector_load %arg6[%swap3A_3286] {strides = array<i32>} : memref<8192xi32, #tpu.memory_space<vmem>>, vector<16xi32>,
    %swap3A_3288 = vector.shape_cast %swap3A_3287 : vector<16xi32> to vector<16xi32>
    %swap3A_3289 = vector.shape_cast %add3A_3285 : vector<16xi32> to vector<16xi32>
    tpu.vector_store %arg6[%swap3A_3286], %swap3A_3289 {strides = array<i32>} : memref<8192xi32, #tpu.memory_space<vmem>>, vector<16xi32>,
    %add3A_3290 = arith.constant 100000 : i32
    %add3A_3291 = vector.broadcast %add3A_3290 : i32 to vector<16xi32>
    %add3A_3292 = arith.addi %min3A_3282, %add3A_3291 : vector<16xi32>
    %swap3A_3293 = arith.constant 960 : index
    %swap3A_3294 = tpu.vector_load %arg6[%swap3A_3293] {strides = array<i32>} : memref<8192xi32, #tpu.memory_space<vmem>>, vector<16xi32>,
    %swap3A_3295 = vector.shape_cast %swap3A_3294 : vector<16xi32> to vector<16xi32>
    %swap3A_3296 = vector.shape_cast %add3A_3292 : vector<16xi32> to vector<16xi32>
    tpu.vector_store %arg6[%swap3A_3293], %swap3A_3296 {strides = array<i32>} : memref<8192xi32, #tpu.memory_space<vmem>>, vector<16xi32>,
    %add3A_3297 = arith.constant 200000 : i32
    %add3A_3298 = vector.broadcast %add3A_3297 : i32 to vector<16xi32>
    %add3A_3299 = arith.addi %min3A_3282, %add3A_3298 : vector<16xi32>
    %swap3A_3300 = arith.constant 1472 : index
    %swap3A_3301 = tpu.vector_load %arg6[%swap3A_3300] {strides = array<i32>} : memref<8192xi32, #tpu.memory_space<vmem>>, vector<16xi32>,
    %swap3A_3302 = vector.shape_cast %swap3A_3301 : vector<16xi32> to vector<16xi32>
    %swap3A_3303 = vector.shape_cast %add3A_3299 : vector<16xi32> to vector<16xi32>
    tpu.vector_store %arg6[%swap3A_3300], %swap3A_3303 {strides = array<i32>} : memref<8192xi32, #tpu.memory_space<vmem>>, vector<16xi32>,
    %add3A_3304 = arith.constant 300000 : i32
    %add3A_3305 = vector.broadcast %add3A_3304 : i32 to vector<16xi32>
    %add3A_3306 = arith.addi %min3A_3282, %add3A_3305 : vector<16xi32>
    %swap3A_3307 = arith.constant 1984 : index
    %swap3A_3308 = tpu.vector_load %arg6[%swap3A_3307] {strides = array<i32>} : memref<8192xi32, #tpu.memory_space<vmem>>, vector<16xi32>,
    %swap3A_3309 = vector.shape_cast %swap3A_3308 : vector<16xi32> to vector<16xi32>
    %swap3A_3310 = vector.shape_cast %add3A_3306 : vector<16xi32> to vector<16xi32>
    tpu.vector_store %arg6[%swap3A_3307], %swap3A_3310 {strides = array<i32>} : memref<8192xi32, #tpu.memory_space<vmem>>, vector<16xi32>,
    %add3A_3311 = arith.constant 400000 : i32
    %add3A_3312 = vector.broadcast %add3A_3311 : i32 to vector<16xi32>
    %add3A_3313 = arith.addi %min3A_3282, %add3A_3312 : vector<16xi32>
    %swap3A_3314 = arith.constant 2496 : index
    %swap3A_3315 = tpu.vector_load %arg6[%swap3A_3314] {strides = array<i32>} : memref<8192xi32, #tpu.memory_space<vmem>>, vector<16xi32>,
    %swap3A_3316 = vector.shape_cast %swap3A_3315 : vector<16xi32> to vector<16xi32>
    %swap3A_3317 = vector.shape_cast %add3A_3313 : vector<16xi32> to vector<16xi32>
    tpu.vector_store %arg6[%swap3A_3314], %swap3A_3317 {strides = array<i32>} : memref<8192xi32, #tpu.memory_space<vmem>>, vector<16xi32>,
    %add3A_3318 = arith.constant 500000 : i32
    %add3A_3319 = vector.broadcast %add3A_3318 : i32 to vector<16xi32>
    %add3A_3320 = arith.addi %min3A_3282, %add3A_3319 : vector<16xi32>
    %swap3A_3321 = arith.constant 3008 : index
    %swap3A_3322 = tpu.vector_load %arg6[%swap3A_3321] {strides = array<i32>} : memref<8192xi32, #tpu.memory_space<vmem>>, vector<16xi32>,
    %swap3A_3323 = vector.shape_cast %swap3A_3322 : vector<16xi32> to vector<16xi32>
    %swap3A_3324 = vector.shape_cast %add3A_3320 : vector<16xi32> to vector<16xi32>
    tpu.vector_store %arg6[%swap3A_3321], %swap3A_3324 {strides = array<i32>} : memref<8192xi32, #tpu.memory_space<vmem>>, vector<16xi32>,
    %add3A_3325 = arith.constant 600000 : i32
    %add3A_3326 = vector.broadcast %add3A_3325 : i32 to vector<16xi32>
    %add3A_3327 = arith.addi %min3A_3282, %add3A_3326 : vector<16xi32>
    %swap3A_3328 = arith.constant 3520 : index
    %swap3A_3329 = tpu.vector_load %arg6[%swap3A_3328] {strides = array<i32>} : memref<8192xi32, #tpu.memory_space<vmem>>, vector<16xi32>,
    %swap3A_3330 = vector.shape_cast %swap3A_3329 : vector<16xi32> to vector<16xi32>
    %swap3A_3331 = vector.shape_cast %add3A_3327 : vector<16xi32> to vector<16xi32>
    tpu.vector_store %arg6[%swap3A_3328], %swap3A_3331 {strides = array<i32>} : memref<8192xi32, #tpu.memory_space<vmem>>, vector<16xi32>,
    %add3A_3332 = arith.constant 700000 : i32
    %add3A_3333 = vector.broadcast %add3A_3332 : i32 to vector<16xi32>
    %add3A_3334 = arith.addi %min3A_3282, %add3A_3333 : vector<16xi32>
    %swap3A_3335 = arith.constant 4032 : index
    %swap3A_3336 = tpu.vector_load %arg6[%swap3A_3335] {strides = array<i32>} : memref<8192xi32, #tpu.memory_space<vmem>>, vector<16xi32>,
    %swap3A_3337 = vector.shape_cast %swap3A_3336 : vector<16xi32> to vector<16xi32>
    %swap3A_3338 = vector.shape_cast %add3A_3334 : vector<16xi32> to vector<16xi32>
    tpu.vector_store %arg6[%swap3A_3335], %swap3A_3338 {strides = array<i32>} : memref<8192xi32, #tpu.memory_space<vmem>>, vector<16xi32>,
    %add3A_3339 = arith.constant 800000 : i32
    %add3A_3340 = vector.broadcast %add3A_3339 : i32 to vector<16xi32>
    %add3A_3341 = arith.addi %min3A_3282, %add3A_3340 : vector<16xi32>
    %swap3A_3342 = arith.constant 4544 : index
    %swap3A_3343 = tpu.vector_load %arg6[%swap3A_3342] {strides = array<i32>} : memref<8192xi32, #tpu.memory_space<vmem>>, vector<16xi32>,
    %swap3A_3344 = vector.shape_cast %swap3A_3343 : vector<16xi32> to vector<16xi32>
    %swap3A_3345 = vector.shape_cast %add3A_3341 : vector<16xi32> to vector<16xi32>
    tpu.vector_store %arg6[%swap3A_3342], %swap3A_3345 {strides = array<i32>} : memref<8192xi32, #tpu.memory_space<vmem>>, vector<16xi32>,
    %add3A_3346 = arith.constant 900000 : i32
    %add3A_3347 = vector.broadcast %add3A_3346 : i32 to vector<16xi32>
    %add3A_3348 = arith.addi %min3A_3282, %add3A_3347 : vector<16xi32>
    %swap3A_3349 = arith.constant 5056 : index
    %swap3A_3350 = tpu.vector_load %arg6[%swap3A_3349] {strides = array<i32>} : memref<8192xi32, #tpu.memory_space<vmem>>, vector<16xi32>,
    %swap3A_3351 = vector.shape_cast %swap3A_3350 : vector<16xi32> to vector<16xi32>
    %swap3A_3352 = vector.shape_cast %add3A_3348 : vector<16xi32> to vector<16xi32>
    tpu.vector_store %arg6[%swap3A_3349], %swap3A_3352 {strides = array<i32>} : memref<8192xi32, #tpu.memory_space<vmem>>, vector<16xi32>,
    %add3A_3353 = arith.constant 1000000 : i32
    %add3A_3354 = vector.broadcast %add3A_3353 : i32 to vector<16xi32>
    %add3A_3355 = arith.addi %min3A_3282, %add3A_3354 : vector<16xi32>
    %swap3A_3356 = arith.constant 5568 : index
    %swap3A_3357 = tpu.vector_load %arg6[%swap3A_3356] {strides = array<i32>} : memref<8192xi32, #tpu.memory_space<vmem>>, vector<16xi32>,
    %swap3A_3358 = vector.shape_cast %swap3A_3357 : vector<16xi32> to vector<16xi32>
    %swap3A_3359 = vector.shape_cast %add3A_3355 : vector<16xi32> to vector<16xi32>
    tpu.vector_store %arg6[%swap3A_3356], %swap3A_3359 {strides = array<i32>} : memref<8192xi32, #tpu.memory_space<vmem>>, vector<16xi32>,
    %add3A_3360 = arith.constant 1100000 : i32
    %add3A_3361 = vector.broadcast %add3A_3360 : i32 to vector<16xi32>
    %add3A_3362 = arith.addi %min3A_3282, %add3A_3361 : vector<16xi32>
    %swap3A_3363 = arith.constant 6080 : index
    %swap3A_3364 = tpu.vector_load %arg6[%swap3A_3363] {strides = array<i32>} : memref<8192xi32, #tpu.memory_space<vmem>>, vector<16xi32>,
    %swap3A_3365 = vector.shape_cast %swap3A_3364 : vector<16xi32> to vector<16xi32>
    %swap3A_3366 = vector.shape_cast %add3A_3362 : vector<16xi32> to vector<16xi32>
    tpu.vector_store %arg6[%swap3A_3363], %swap3A_3366 {strides = array<i32>} : memref<8192xi32, #tpu.memory_space<vmem>>, vector<16xi32>,
    %add3A_3367 = arith.constant 1200000 : i32
    %add3A_3368 = vector.broadcast %add3A_3367 : i32 to vector<16xi32>
    %add3A_3369 = arith.addi %min3A_3282, %add3A_3368 : vector<16xi32>
    %swap3A_3370 = arith.constant 6592 : index
    %swap3A_3371 = tpu.vector_load %arg6[%swap3A_3370] {strides = array<i32>} : memref<8192xi32, #tpu.memory_space<vmem>>, vector<16xi32>,
    %swap3A_3372 = vector.shape_cast %swap3A_3371 : vector<16xi32> to vector<16xi32>
    %swap3A_3373 = vector.shape_cast %add3A_3369 : vector<16xi32> to vector<16xi32>
    tpu.vector_store %arg6[%swap3A_3370], %swap3A_3373 {strides = array<i32>} : memref<8192xi32, #tpu.memory_space<vmem>>, vector<16xi32>,
    %add3A_3374 = arith.constant 1300000 : i32
    %add3A_3375 = vector.broadcast %add3A_3374 : i32 to vector<16xi32>
    %add3A_3376 = arith.addi %min3A_3282, %add3A_3375 : vector<16xi32>
    %swap3A_3377 = arith.constant 7104 : index
    %swap3A_3378 = tpu.vector_load %arg6[%swap3A_3377] {strides = array<i32>} : memref<8192xi32, #tpu.memory_space<vmem>>, vector<16xi32>,
    %swap3A_3379 = vector.shape_cast %swap3A_3378 : vector<16xi32> to vector<16xi32>
    %swap3A_3380 = vector.shape_cast %add3A_3376 : vector<16xi32> to vector<16xi32>
    tpu.vector_store %arg6[%swap3A_3377], %swap3A_3380 {strides = array<i32>} : memref<8192xi32, #tpu.memory_space<vmem>>, vector<16xi32>,
    %add3A_3381 = arith.constant 1400000 : i32
    %add3A_3382 = vector.broadcast %add3A_3381 : i32 to vector<16xi32>
    %add3A_3383 = arith.addi %min3A_3282, %add3A_3382 : vector<16xi32>
    %swap3A_3384 = arith.constant 7616 : index
    %swap3A_3385 = tpu.vector_load %arg6[%swap3A_3384] {strides = array<i32>} : memref<8192xi32, #tpu.memory_space<vmem>>, vector<16xi32>,
    %swap3A_3386 = vector.shape_cast %swap3A_3385 : vector<16xi32> to vector<16xi32>
    %swap3A_3387 = vector.shape_cast %add3A_3383 : vector<16xi32> to vector<16xi32>
    tpu.vector_store %arg6[%swap3A_3384], %swap3A_3387 {strides = array<i32>} : memref<8192xi32, #tpu.memory_space<vmem>>, vector<16xi32>,
    %add3A_3388 = arith.constant 1500000 : i32
    %add3A_3389 = vector.broadcast %add3A_3388 : i32 to vector<16xi32>
    %add3A_3390 = arith.addi %min3A_3282, %add3A_3389 : vector<16xi32>
    %swap3A_3391 = arith.constant 8128 : index
    %swap3A_3392 = tpu.vector_load %arg6[%swap3A_3391] {strides = array<i32>} : memref<8192xi32, #tpu.memory_space<vmem>>, vector<16xi32>,
    %swap3A_3393 = vector.shape_cast %swap3A_3392 : vector<16xi32> to vector<16xi32>
    %swap3A_3394 = vector.shape_cast %add3A_3390 : vector<16xi32> to vector<16xi32>
    tpu.vector_store %arg6[%swap3A_3391], %swap3A_3394 {strides = array<i32>} : memref<8192xi32, #tpu.memory_space<vmem>>, vector<16xi32>,
    %get3A_3395 = arith.constant 464 : index
    %get3A_3396 = tpu.vector_load %arg5[%get3A_3395] {strides = array<i32>} : memref<512xi32, #tpu.memory_space<vmem>>, vector<16xi32>,
    %get3A_3397 = vector.shape_cast %get3A_3396 : vector<16xi32> to vector<16xi32>
    %max3A_3398 = arith.maxsi %get3A_3397, %broadcast_in_dim3A_5 : vector<16xi32>
    %min3A_3399 = arith.minsi %max3A_3398, %broadcast_in_dim3A_3 : vector<16xi32>
    %add3A_3400 = arith.constant 0 : i32
    %add3A_3401 = vector.broadcast %add3A_3400 : i32 to vector<16xi32>
    %add3A_3402 = arith.addi %min3A_3399, %add3A_3401 : vector<16xi32>
    %swap3A_3403 = arith.constant 464 : index
    %swap3A_3404 = tpu.vector_load %arg6[%swap3A_3403] {strides = array<i32>} : memref<8192xi32, #tpu.memory_space<vmem>>, vector<16xi32>,
    %swap3A_3405 = vector.shape_cast %swap3A_3404 : vector<16xi32> to vector<16xi32>
    %swap3A_3406 = vector.shape_cast %add3A_3402 : vector<16xi32> to vector<16xi32>
    tpu.vector_store %arg6[%swap3A_3403], %swap3A_3406 {strides = array<i32>} : memref<8192xi32, #tpu.memory_space<vmem>>, vector<16xi32>,
    %add3A_3407 = arith.constant 100000 : i32
    %add3A_3408 = vector.broadcast %add3A_3407 : i32 to vector<16xi32>
    %add3A_3409 = arith.addi %min3A_3399, %add3A_3408 : vector<16xi32>
    %swap3A_3410 = arith.constant 976 : index
    %swap3A_3411 = tpu.vector_load %arg6[%swap3A_3410] {strides = array<i32>} : memref<8192xi32, #tpu.memory_space<vmem>>, vector<16xi32>,
    %swap3A_3412 = vector.shape_cast %swap3A_3411 : vector<16xi32> to vector<16xi32>
    %swap3A_3413 = vector.shape_cast %add3A_3409 : vector<16xi32> to vector<16xi32>
    tpu.vector_store %arg6[%swap3A_3410], %swap3A_3413 {strides = array<i32>} : memref<8192xi32, #tpu.memory_space<vmem>>, vector<16xi32>,
    %add3A_3414 = arith.constant 200000 : i32
    %add3A_3415 = vector.broadcast %add3A_3414 : i32 to vector<16xi32>
    %add3A_3416 = arith.addi %min3A_3399, %add3A_3415 : vector<16xi32>
    %swap3A_3417 = arith.constant 1488 : index
    %swap3A_3418 = tpu.vector_load %arg6[%swap3A_3417] {strides = array<i32>} : memref<8192xi32, #tpu.memory_space<vmem>>, vector<16xi32>,
    %swap3A_3419 = vector.shape_cast %swap3A_3418 : vector<16xi32> to vector<16xi32>
    %swap3A_3420 = vector.shape_cast %add3A_3416 : vector<16xi32> to vector<16xi32>
    tpu.vector_store %arg6[%swap3A_3417], %swap3A_3420 {strides = array<i32>} : memref<8192xi32, #tpu.memory_space<vmem>>, vector<16xi32>,
    %add3A_3421 = arith.constant 300000 : i32
    %add3A_3422 = vector.broadcast %add3A_3421 : i32 to vector<16xi32>
    %add3A_3423 = arith.addi %min3A_3399, %add3A_3422 : vector<16xi32>
    %swap3A_3424 = arith.constant 2000 : index
    %swap3A_3425 = tpu.vector_load %arg6[%swap3A_3424] {strides = array<i32>} : memref<8192xi32, #tpu.memory_space<vmem>>, vector<16xi32>,
    %swap3A_3426 = vector.shape_cast %swap3A_3425 : vector<16xi32> to vector<16xi32>
    %swap3A_3427 = vector.shape_cast %add3A_3423 : vector<16xi32> to vector<16xi32>
    tpu.vector_store %arg6[%swap3A_3424], %swap3A_3427 {strides = array<i32>} : memref<8192xi32, #tpu.memory_space<vmem>>, vector<16xi32>,
    %add3A_3428 = arith.constant 400000 : i32
    %add3A_3429 = vector.broadcast %add3A_3428 : i32 to vector<16xi32>
    %add3A_3430 = arith.addi %min3A_3399, %add3A_3429 : vector<16xi32>
    %swap3A_3431 = arith.constant 2512 : index
    %swap3A_3432 = tpu.vector_load %arg6[%swap3A_3431] {strides = array<i32>} : memref<8192xi32, #tpu.memory_space<vmem>>, vector<16xi32>,
    %swap3A_3433 = vector.shape_cast %swap3A_3432 : vector<16xi32> to vector<16xi32>
    %swap3A_3434 = vector.shape_cast %add3A_3430 : vector<16xi32> to vector<16xi32>
    tpu.vector_store %arg6[%swap3A_3431], %swap3A_3434 {strides = array<i32>} : memref<8192xi32, #tpu.memory_space<vmem>>, vector<16xi32>,
    %add3A_3435 = arith.constant 500000 : i32
    %add3A_3436 = vector.broadcast %add3A_3435 : i32 to vector<16xi32>
    %add3A_3437 = arith.addi %min3A_3399, %add3A_3436 : vector<16xi32>
    %swap3A_3438 = arith.constant 3024 : index
    %swap3A_3439 = tpu.vector_load %arg6[%swap3A_3438] {strides = array<i32>} : memref<8192xi32, #tpu.memory_space<vmem>>, vector<16xi32>,
    %swap3A_3440 = vector.shape_cast %swap3A_3439 : vector<16xi32> to vector<16xi32>
    %swap3A_3441 = vector.shape_cast %add3A_3437 : vector<16xi32> to vector<16xi32>
    tpu.vector_store %arg6[%swap3A_3438], %swap3A_3441 {strides = array<i32>} : memref<8192xi32, #tpu.memory_space<vmem>>, vector<16xi32>,
    %add3A_3442 = arith.constant 600000 : i32
    %add3A_3443 = vector.broadcast %add3A_3442 : i32 to vector<16xi32>
    %add3A_3444 = arith.addi %min3A_3399, %add3A_3443 : vector<16xi32>
    %swap3A_3445 = arith.constant 3536 : index
    %swap3A_3446 = tpu.vector_load %arg6[%swap3A_3445] {strides = array<i32>} : memref<8192xi32, #tpu.memory_space<vmem>>, vector<16xi32>,
    %swap3A_3447 = vector.shape_cast %swap3A_3446 : vector<16xi32> to vector<16xi32>
    %swap3A_3448 = vector.shape_cast %add3A_3444 : vector<16xi32> to vector<16xi32>
    tpu.vector_store %arg6[%swap3A_3445], %swap3A_3448 {strides = array<i32>} : memref<8192xi32, #tpu.memory_space<vmem>>, vector<16xi32>,
    %add3A_3449 = arith.constant 700000 : i32
    %add3A_3450 = vector.broadcast %add3A_3449 : i32 to vector<16xi32>
    %add3A_3451 = arith.addi %min3A_3399, %add3A_3450 : vector<16xi32>
    %swap3A_3452 = arith.constant 4048 : index
    %swap3A_3453 = tpu.vector_load %arg6[%swap3A_3452] {strides = array<i32>} : memref<8192xi32, #tpu.memory_space<vmem>>, vector<16xi32>,
    %swap3A_3454 = vector.shape_cast %swap3A_3453 : vector<16xi32> to vector<16xi32>
    %swap3A_3455 = vector.shape_cast %add3A_3451 : vector<16xi32> to vector<16xi32>
    tpu.vector_store %arg6[%swap3A_3452], %swap3A_3455 {strides = array<i32>} : memref<8192xi32, #tpu.memory_space<vmem>>, vector<16xi32>,
    %add3A_3456 = arith.constant 800000 : i32
    %add3A_3457 = vector.broadcast %add3A_3456 : i32 to vector<16xi32>
    %add3A_3458 = arith.addi %min3A_3399, %add3A_3457 : vector<16xi32>
    %swap3A_3459 = arith.constant 4560 : index
    %swap3A_3460 = tpu.vector_load %arg6[%swap3A_3459] {strides = array<i32>} : memref<8192xi32, #tpu.memory_space<vmem>>, vector<16xi32>,
    %swap3A_3461 = vector.shape_cast %swap3A_3460 : vector<16xi32> to vector<16xi32>
    %swap3A_3462 = vector.shape_cast %add3A_3458 : vector<16xi32> to vector<16xi32>
    tpu.vector_store %arg6[%swap3A_3459], %swap3A_3462 {strides = array<i32>} : memref<8192xi32, #tpu.memory_space<vmem>>, vector<16xi32>,
    %add3A_3463 = arith.constant 900000 : i32
    %add3A_3464 = vector.broadcast %add3A_3463 : i32 to vector<16xi32>
    %add3A_3465 = arith.addi %min3A_3399, %add3A_3464 : vector<16xi32>
    %swap3A_3466 = arith.constant 5072 : index
    %swap3A_3467 = tpu.vector_load %arg6[%swap3A_3466] {strides = array<i32>} : memref<8192xi32, #tpu.memory_space<vmem>>, vector<16xi32>,
    %swap3A_3468 = vector.shape_cast %swap3A_3467 : vector<16xi32> to vector<16xi32>
    %swap3A_3469 = vector.shape_cast %add3A_3465 : vector<16xi32> to vector<16xi32>
    tpu.vector_store %arg6[%swap3A_3466], %swap3A_3469 {strides = array<i32>} : memref<8192xi32, #tpu.memory_space<vmem>>, vector<16xi32>,
    %add3A_3470 = arith.constant 1000000 : i32
    %add3A_3471 = vector.broadcast %add3A_3470 : i32 to vector<16xi32>
    %add3A_3472 = arith.addi %min3A_3399, %add3A_3471 : vector<16xi32>
    %swap3A_3473 = arith.constant 5584 : index
    %swap3A_3474 = tpu.vector_load %arg6[%swap3A_3473] {strides = array<i32>} : memref<8192xi32, #tpu.memory_space<vmem>>, vector<16xi32>,
    %swap3A_3475 = vector.shape_cast %swap3A_3474 : vector<16xi32> to vector<16xi32>
    %swap3A_3476 = vector.shape_cast %add3A_3472 : vector<16xi32> to vector<16xi32>
    tpu.vector_store %arg6[%swap3A_3473], %swap3A_3476 {strides = array<i32>} : memref<8192xi32, #tpu.memory_space<vmem>>, vector<16xi32>,
    %add3A_3477 = arith.constant 1100000 : i32
    %add3A_3478 = vector.broadcast %add3A_3477 : i32 to vector<16xi32>
    %add3A_3479 = arith.addi %min3A_3399, %add3A_3478 : vector<16xi32>
    %swap3A_3480 = arith.constant 6096 : index
    %swap3A_3481 = tpu.vector_load %arg6[%swap3A_3480] {strides = array<i32>} : memref<8192xi32, #tpu.memory_space<vmem>>, vector<16xi32>,
    %swap3A_3482 = vector.shape_cast %swap3A_3481 : vector<16xi32> to vector<16xi32>
    %swap3A_3483 = vector.shape_cast %add3A_3479 : vector<16xi32> to vector<16xi32>
    tpu.vector_store %arg6[%swap3A_3480], %swap3A_3483 {strides = array<i32>} : memref<8192xi32, #tpu.memory_space<vmem>>, vector<16xi32>,
    %add3A_3484 = arith.constant 1200000 : i32
    %add3A_3485 = vector.broadcast %add3A_3484 : i32 to vector<16xi32>
    %add3A_3486 = arith.addi %min3A_3399, %add3A_3485 : vector<16xi32>
    %swap3A_3487 = arith.constant 6608 : index
    %swap3A_3488 = tpu.vector_load %arg6[%swap3A_3487] {strides = array<i32>} : memref<8192xi32, #tpu.memory_space<vmem>>, vector<16xi32>,
    %swap3A_3489 = vector.shape_cast %swap3A_3488 : vector<16xi32> to vector<16xi32>
    %swap3A_3490 = vector.shape_cast %add3A_3486 : vector<16xi32> to vector<16xi32>
    tpu.vector_store %arg6[%swap3A_3487], %swap3A_3490 {strides = array<i32>} : memref<8192xi32, #tpu.memory_space<vmem>>, vector<16xi32>,
    %add3A_3491 = arith.constant 1300000 : i32
    %add3A_3492 = vector.broadcast %add3A_3491 : i32 to vector<16xi32>
    %add3A_3493 = arith.addi %min3A_3399, %add3A_3492 : vector<16xi32>
    %swap3A_3494 = arith.constant 7120 : index
    %swap3A_3495 = tpu.vector_load %arg6[%swap3A_3494] {strides = array<i32>} : memref<8192xi32, #tpu.memory_space<vmem>>, vector<16xi32>,
    %swap3A_3496 = vector.shape_cast %swap3A_3495 : vector<16xi32> to vector<16xi32>
    %swap3A_3497 = vector.shape_cast %add3A_3493 : vector<16xi32> to vector<16xi32>
    tpu.vector_store %arg6[%swap3A_3494], %swap3A_3497 {strides = array<i32>} : memref<8192xi32, #tpu.memory_space<vmem>>, vector<16xi32>,
    %add3A_3498 = arith.constant 1400000 : i32
    %add3A_3499 = vector.broadcast %add3A_3498 : i32 to vector<16xi32>
    %add3A_3500 = arith.addi %min3A_3399, %add3A_3499 : vector<16xi32>
    %swap3A_3501 = arith.constant 7632 : index
    %swap3A_3502 = tpu.vector_load %arg6[%swap3A_3501] {strides = array<i32>} : memref<8192xi32, #tpu.memory_space<vmem>>, vector<16xi32>,
    %swap3A_3503 = vector.shape_cast %swap3A_3502 : vector<16xi32> to vector<16xi32>
    %swap3A_3504 = vector.shape_cast %add3A_3500 : vector<16xi32> to vector<16xi32>
    tpu.vector_store %arg6[%swap3A_3501], %swap3A_3504 {strides = array<i32>} : memref<8192xi32, #tpu.memory_space<vmem>>, vector<16xi32>,
    %add3A_3505 = arith.constant 1500000 : i32
    %add3A_3506 = vector.broadcast %add3A_3505 : i32 to vector<16xi32>
    %add3A_3507 = arith.addi %min3A_3399, %add3A_3506 : vector<16xi32>
    %swap3A_3508 = arith.constant 8144 : index
    %swap3A_3509 = tpu.vector_load %arg6[%swap3A_3508] {strides = array<i32>} : memref<8192xi32, #tpu.memory_space<vmem>>, vector<16xi32>,
    %swap3A_3510 = vector.shape_cast %swap3A_3509 : vector<16xi32> to vector<16xi32>
    %swap3A_3511 = vector.shape_cast %add3A_3507 : vector<16xi32> to vector<16xi32>
    tpu.vector_store %arg6[%swap3A_3508], %swap3A_3511 {strides = array<i32>} : memref<8192xi32, #tpu.memory_space<vmem>>, vector<16xi32>,
    %get3A_3512 = arith.constant 480 : index
    %get3A_3513 = tpu.vector_load %arg5[%get3A_3512] {strides = array<i32>} : memref<512xi32, #tpu.memory_space<vmem>>, vector<16xi32>,
    %get3A_3514 = vector.shape_cast %get3A_3513 : vector<16xi32> to vector<16xi32>
    %max3A_3515 = arith.maxsi %get3A_3514, %broadcast_in_dim3A_5 : vector<16xi32>
    %min3A_3516 = arith.minsi %max3A_3515, %broadcast_in_dim3A_3 : vector<16xi32>
    %add3A_3517 = arith.constant 0 : i32
    %add3A_3518 = vector.broadcast %add3A_3517 : i32 to vector<16xi32>
    %add3A_3519 = arith.addi %min3A_3516, %add3A_3518 : vector<16xi32>
    %swap3A_3520 = arith.constant 480 : index
    %swap3A_3521 = tpu.vector_load %arg6[%swap3A_3520] {strides = array<i32>} : memref<8192xi32, #tpu.memory_space<vmem>>, vector<16xi32>,
    %swap3A_3522 = vector.shape_cast %swap3A_3521 : vector<16xi32> to vector<16xi32>
    %swap3A_3523 = vector.shape_cast %add3A_3519 : vector<16xi32> to vector<16xi32>
    tpu.vector_store %arg6[%swap3A_3520], %swap3A_3523 {strides = array<i32>} : memref<8192xi32, #tpu.memory_space<vmem>>, vector<16xi32>,
    %add3A_3524 = arith.constant 100000 : i32
    %add3A_3525 = vector.broadcast %add3A_3524 : i32 to vector<16xi32>
    %add3A_3526 = arith.addi %min3A_3516, %add3A_3525 : vector<16xi32>
    %swap3A_3527 = arith.constant 992 : index
    %swap3A_3528 = tpu.vector_load %arg6[%swap3A_3527] {strides = array<i32>} : memref<8192xi32, #tpu.memory_space<vmem>>, vector<16xi32>,
    %swap3A_3529 = vector.shape_cast %swap3A_3528 : vector<16xi32> to vector<16xi32>
    %swap3A_3530 = vector.shape_cast %add3A_3526 : vector<16xi32> to vector<16xi32>
    tpu.vector_store %arg6[%swap3A_3527], %swap3A_3530 {strides = array<i32>} : memref<8192xi32, #tpu.memory_space<vmem>>, vector<16xi32>,
    %add3A_3531 = arith.constant 200000 : i32
    %add3A_3532 = vector.broadcast %add3A_3531 : i32 to vector<16xi32>
    %add3A_3533 = arith.addi %min3A_3516, %add3A_3532 : vector<16xi32>
    %swap3A_3534 = arith.constant 1504 : index
    %swap3A_3535 = tpu.vector_load %arg6[%swap3A_3534] {strides = array<i32>} : memref<8192xi32, #tpu.memory_space<vmem>>, vector<16xi32>,
    %swap3A_3536 = vector.shape_cast %swap3A_3535 : vector<16xi32> to vector<16xi32>
    %swap3A_3537 = vector.shape_cast %add3A_3533 : vector<16xi32> to vector<16xi32>
    tpu.vector_store %arg6[%swap3A_3534], %swap3A_3537 {strides = array<i32>} : memref<8192xi32, #tpu.memory_space<vmem>>, vector<16xi32>,
    %add3A_3538 = arith.constant 300000 : i32
    %add3A_3539 = vector.broadcast %add3A_3538 : i32 to vector<16xi32>
    %add3A_3540 = arith.addi %min3A_3516, %add3A_3539 : vector<16xi32>
    %swap3A_3541 = arith.constant 2016 : index
    %swap3A_3542 = tpu.vector_load %arg6[%swap3A_3541] {strides = array<i32>} : memref<8192xi32, #tpu.memory_space<vmem>>, vector<16xi32>,
    %swap3A_3543 = vector.shape_cast %swap3A_3542 : vector<16xi32> to vector<16xi32>
    %swap3A_3544 = vector.shape_cast %add3A_3540 : vector<16xi32> to vector<16xi32>
    tpu.vector_store %arg6[%swap3A_3541], %swap3A_3544 {strides = array<i32>} : memref<8192xi32, #tpu.memory_space<vmem>>, vector<16xi32>,
    %add3A_3545 = arith.constant 400000 : i32
    %add3A_3546 = vector.broadcast %add3A_3545 : i32 to vector<16xi32>
    %add3A_3547 = arith.addi %min3A_3516, %add3A_3546 : vector<16xi32>
    %swap3A_3548 = arith.constant 2528 : index
    %swap3A_3549 = tpu.vector_load %arg6[%swap3A_3548] {strides = array<i32>} : memref<8192xi32, #tpu.memory_space<vmem>>, vector<16xi32>,
    %swap3A_3550 = vector.shape_cast %swap3A_3549 : vector<16xi32> to vector<16xi32>
    %swap3A_3551 = vector.shape_cast %add3A_3547 : vector<16xi32> to vector<16xi32>
    tpu.vector_store %arg6[%swap3A_3548], %swap3A_3551 {strides = array<i32>} : memref<8192xi32, #tpu.memory_space<vmem>>, vector<16xi32>,
    %add3A_3552 = arith.constant 500000 : i32
    %add3A_3553 = vector.broadcast %add3A_3552 : i32 to vector<16xi32>
    %add3A_3554 = arith.addi %min3A_3516, %add3A_3553 : vector<16xi32>
    %swap3A_3555 = arith.constant 3040 : index
    %swap3A_3556 = tpu.vector_load %arg6[%swap3A_3555] {strides = array<i32>} : memref<8192xi32, #tpu.memory_space<vmem>>, vector<16xi32>,
    %swap3A_3557 = vector.shape_cast %swap3A_3556 : vector<16xi32> to vector<16xi32>
    %swap3A_3558 = vector.shape_cast %add3A_3554 : vector<16xi32> to vector<16xi32>
    tpu.vector_store %arg6[%swap3A_3555], %swap3A_3558 {strides = array<i32>} : memref<8192xi32, #tpu.memory_space<vmem>>, vector<16xi32>,
    %add3A_3559 = arith.constant 600000 : i32
    %add3A_3560 = vector.broadcast %add3A_3559 : i32 to vector<16xi32>
    %add3A_3561 = arith.addi %min3A_3516, %add3A_3560 : vector<16xi32>
    %swap3A_3562 = arith.constant 3552 : index
    %swap3A_3563 = tpu.vector_load %arg6[%swap3A_3562] {strides = array<i32>} : memref<8192xi32, #tpu.memory_space<vmem>>, vector<16xi32>,
    %swap3A_3564 = vector.shape_cast %swap3A_3563 : vector<16xi32> to vector<16xi32>
    %swap3A_3565 = vector.shape_cast %add3A_3561 : vector<16xi32> to vector<16xi32>
    tpu.vector_store %arg6[%swap3A_3562], %swap3A_3565 {strides = array<i32>} : memref<8192xi32, #tpu.memory_space<vmem>>, vector<16xi32>,
    %add3A_3566 = arith.constant 700000 : i32
    %add3A_3567 = vector.broadcast %add3A_3566 : i32 to vector<16xi32>
    %add3A_3568 = arith.addi %min3A_3516, %add3A_3567 : vector<16xi32>
    %swap3A_3569 = arith.constant 4064 : index
    %swap3A_3570 = tpu.vector_load %arg6[%swap3A_3569] {strides = array<i32>} : memref<8192xi32, #tpu.memory_space<vmem>>, vector<16xi32>,
    %swap3A_3571 = vector.shape_cast %swap3A_3570 : vector<16xi32> to vector<16xi32>
    %swap3A_3572 = vector.shape_cast %add3A_3568 : vector<16xi32> to vector<16xi32>
    tpu.vector_store %arg6[%swap3A_3569], %swap3A_3572 {strides = array<i32>} : memref<8192xi32, #tpu.memory_space<vmem>>, vector<16xi32>,
    %add3A_3573 = arith.constant 800000 : i32
    %add3A_3574 = vector.broadcast %add3A_3573 : i32 to vector<16xi32>
    %add3A_3575 = arith.addi %min3A_3516, %add3A_3574 : vector<16xi32>
    %swap3A_3576 = arith.constant 4576 : index
    %swap3A_3577 = tpu.vector_load %arg6[%swap3A_3576] {strides = array<i32>} : memref<8192xi32, #tpu.memory_space<vmem>>, vector<16xi32>,
    %swap3A_3578 = vector.shape_cast %swap3A_3577 : vector<16xi32> to vector<16xi32>
    %swap3A_3579 = vector.shape_cast %add3A_3575 : vector<16xi32> to vector<16xi32>
    tpu.vector_store %arg6[%swap3A_3576], %swap3A_3579 {strides = array<i32>} : memref<8192xi32, #tpu.memory_space<vmem>>, vector<16xi32>,
    %add3A_3580 = arith.constant 900000 : i32
    %add3A_3581 = vector.broadcast %add3A_3580 : i32 to vector<16xi32>
    %add3A_3582 = arith.addi %min3A_3516, %add3A_3581 : vector<16xi32>
    %swap3A_3583 = arith.constant 5088 : index
    %swap3A_3584 = tpu.vector_load %arg6[%swap3A_3583] {strides = array<i32>} : memref<8192xi32, #tpu.memory_space<vmem>>, vector<16xi32>,
    %swap3A_3585 = vector.shape_cast %swap3A_3584 : vector<16xi32> to vector<16xi32>
    %swap3A_3586 = vector.shape_cast %add3A_3582 : vector<16xi32> to vector<16xi32>
    tpu.vector_store %arg6[%swap3A_3583], %swap3A_3586 {strides = array<i32>} : memref<8192xi32, #tpu.memory_space<vmem>>, vector<16xi32>,
    %add3A_3587 = arith.constant 1000000 : i32
    %add3A_3588 = vector.broadcast %add3A_3587 : i32 to vector<16xi32>
    %add3A_3589 = arith.addi %min3A_3516, %add3A_3588 : vector<16xi32>
    %swap3A_3590 = arith.constant 5600 : index
    %swap3A_3591 = tpu.vector_load %arg6[%swap3A_3590] {strides = array<i32>} : memref<8192xi32, #tpu.memory_space<vmem>>, vector<16xi32>,
    %swap3A_3592 = vector.shape_cast %swap3A_3591 : vector<16xi32> to vector<16xi32>
    %swap3A_3593 = vector.shape_cast %add3A_3589 : vector<16xi32> to vector<16xi32>
    tpu.vector_store %arg6[%swap3A_3590], %swap3A_3593 {strides = array<i32>} : memref<8192xi32, #tpu.memory_space<vmem>>, vector<16xi32>,
    %add3A_3594 = arith.constant 1100000 : i32
    %add3A_3595 = vector.broadcast %add3A_3594 : i32 to vector<16xi32>
    %add3A_3596 = arith.addi %min3A_3516, %add3A_3595 : vector<16xi32>
    %swap3A_3597 = arith.constant 6112 : index
    %swap3A_3598 = tpu.vector_load %arg6[%swap3A_3597] {strides = array<i32>} : memref<8192xi32, #tpu.memory_space<vmem>>, vector<16xi32>,
    %swap3A_3599 = vector.shape_cast %swap3A_3598 : vector<16xi32> to vector<16xi32>
    %swap3A_3600 = vector.shape_cast %add3A_3596 : vector<16xi32> to vector<16xi32>
    tpu.vector_store %arg6[%swap3A_3597], %swap3A_3600 {strides = array<i32>} : memref<8192xi32, #tpu.memory_space<vmem>>, vector<16xi32>,
    %add3A_3601 = arith.constant 1200000 : i32
    %add3A_3602 = vector.broadcast %add3A_3601 : i32 to vector<16xi32>
    %add3A_3603 = arith.addi %min3A_3516, %add3A_3602 : vector<16xi32>
    %swap3A_3604 = arith.constant 6624 : index
    %swap3A_3605 = tpu.vector_load %arg6[%swap3A_3604] {strides = array<i32>} : memref<8192xi32, #tpu.memory_space<vmem>>, vector<16xi32>,
    %swap3A_3606 = vector.shape_cast %swap3A_3605 : vector<16xi32> to vector<16xi32>
    %swap3A_3607 = vector.shape_cast %add3A_3603 : vector<16xi32> to vector<16xi32>
    tpu.vector_store %arg6[%swap3A_3604], %swap3A_3607 {strides = array<i32>} : memref<8192xi32, #tpu.memory_space<vmem>>, vector<16xi32>,
    %add3A_3608 = arith.constant 1300000 : i32
    %add3A_3609 = vector.broadcast %add3A_3608 : i32 to vector<16xi32>
    %add3A_3610 = arith.addi %min3A_3516, %add3A_3609 : vector<16xi32>
    %swap3A_3611 = arith.constant 7136 : index
    %swap3A_3612 = tpu.vector_load %arg6[%swap3A_3611] {strides = array<i32>} : memref<8192xi32, #tpu.memory_space<vmem>>, vector<16xi32>,
    %swap3A_3613 = vector.shape_cast %swap3A_3612 : vector<16xi32> to vector<16xi32>
    %swap3A_3614 = vector.shape_cast %add3A_3610 : vector<16xi32> to vector<16xi32>
    tpu.vector_store %arg6[%swap3A_3611], %swap3A_3614 {strides = array<i32>} : memref<8192xi32, #tpu.memory_space<vmem>>, vector<16xi32>,
    %add3A_3615 = arith.constant 1400000 : i32
    %add3A_3616 = vector.broadcast %add3A_3615 : i32 to vector<16xi32>
    %add3A_3617 = arith.addi %min3A_3516, %add3A_3616 : vector<16xi32>
    %swap3A_3618 = arith.constant 7648 : index
    %swap3A_3619 = tpu.vector_load %arg6[%swap3A_3618] {strides = array<i32>} : memref<8192xi32, #tpu.memory_space<vmem>>, vector<16xi32>,
    %swap3A_3620 = vector.shape_cast %swap3A_3619 : vector<16xi32> to vector<16xi32>
    %swap3A_3621 = vector.shape_cast %add3A_3617 : vector<16xi32> to vector<16xi32>
    tpu.vector_store %arg6[%swap3A_3618], %swap3A_3621 {strides = array<i32>} : memref<8192xi32, #tpu.memory_space<vmem>>, vector<16xi32>,
    %add3A_3622 = arith.constant 1500000 : i32
    %add3A_3623 = vector.broadcast %add3A_3622 : i32 to vector<16xi32>
    %add3A_3624 = arith.addi %min3A_3516, %add3A_3623 : vector<16xi32>
    %swap3A_3625 = arith.constant 8160 : index
    %swap3A_3626 = tpu.vector_load %arg6[%swap3A_3625] {strides = array<i32>} : memref<8192xi32, #tpu.memory_space<vmem>>, vector<16xi32>,
    %swap3A_3627 = vector.shape_cast %swap3A_3626 : vector<16xi32> to vector<16xi32>
    %swap3A_3628 = vector.shape_cast %add3A_3624 : vector<16xi32> to vector<16xi32>
    tpu.vector_store %arg6[%swap3A_3625], %swap3A_3628 {strides = array<i32>} : memref<8192xi32, #tpu.memory_space<vmem>>, vector<16xi32>,
    %get3A_3629 = arith.constant 496 : index
    %get3A_3630 = tpu.vector_load %arg5[%get3A_3629] {strides = array<i32>} : memref<512xi32, #tpu.memory_space<vmem>>, vector<16xi32>,
    %get3A_3631 = vector.shape_cast %get3A_3630 : vector<16xi32> to vector<16xi32>
    %max3A_3632 = arith.maxsi %get3A_3631, %broadcast_in_dim3A_5 : vector<16xi32>
    %min3A_3633 = arith.minsi %max3A_3632, %broadcast_in_dim3A_3 : vector<16xi32>
    %add3A_3634 = arith.constant 0 : i32
    %add3A_3635 = vector.broadcast %add3A_3634 : i32 to vector<16xi32>
    %add3A_3636 = arith.addi %min3A_3633, %add3A_3635 : vector<16xi32>
    %swap3A_3637 = arith.constant 496 : index
    %swap3A_3638 = tpu.vector_load %arg6[%swap3A_3637] {strides = array<i32>} : memref<8192xi32, #tpu.memory_space<vmem>>, vector<16xi32>,
    %swap3A_3639 = vector.shape_cast %swap3A_3638 : vector<16xi32> to vector<16xi32>
    %swap3A_3640 = vector.shape_cast %add3A_3636 : vector<16xi32> to vector<16xi32>
    tpu.vector_store %arg6[%swap3A_3637], %swap3A_3640 {strides = array<i32>} : memref<8192xi32, #tpu.memory_space<vmem>>, vector<16xi32>,
    %add3A_3641 = arith.constant 100000 : i32
    %add3A_3642 = vector.broadcast %add3A_3641 : i32 to vector<16xi32>
    %add3A_3643 = arith.addi %min3A_3633, %add3A_3642 : vector<16xi32>
    %swap3A_3644 = arith.constant 1008 : index
    %swap3A_3645 = tpu.vector_load %arg6[%swap3A_3644] {strides = array<i32>} : memref<8192xi32, #tpu.memory_space<vmem>>, vector<16xi32>,
    %swap3A_3646 = vector.shape_cast %swap3A_3645 : vector<16xi32> to vector<16xi32>
    %swap3A_3647 = vector.shape_cast %add3A_3643 : vector<16xi32> to vector<16xi32>
    tpu.vector_store %arg6[%swap3A_3644], %swap3A_3647 {strides = array<i32>} : memref<8192xi32, #tpu.memory_space<vmem>>, vector<16xi32>,
    %add3A_3648 = arith.constant 200000 : i32
    %add3A_3649 = vector.broadcast %add3A_3648 : i32 to vector<16xi32>
    %add3A_3650 = arith.addi %min3A_3633, %add3A_3649 : vector<16xi32>
    %swap3A_3651 = arith.constant 1520 : index
    %swap3A_3652 = tpu.vector_load %arg6[%swap3A_3651] {strides = array<i32>} : memref<8192xi32, #tpu.memory_space<vmem>>, vector<16xi32>,
    %swap3A_3653 = vector.shape_cast %swap3A_3652 : vector<16xi32> to vector<16xi32>
    %swap3A_3654 = vector.shape_cast %add3A_3650 : vector<16xi32> to vector<16xi32>
    tpu.vector_store %arg6[%swap3A_3651], %swap3A_3654 {strides = array<i32>} : memref<8192xi32, #tpu.memory_space<vmem>>, vector<16xi32>,
    %add3A_3655 = arith.constant 300000 : i32
    %add3A_3656 = vector.broadcast %add3A_3655 : i32 to vector<16xi32>
    %add3A_3657 = arith.addi %min3A_3633, %add3A_3656 : vector<16xi32>
    %swap3A_3658 = arith.constant 2032 : index
    %swap3A_3659 = tpu.vector_load %arg6[%swap3A_3658] {strides = array<i32>} : memref<8192xi32, #tpu.memory_space<vmem>>, vector<16xi32>,
    %swap3A_3660 = vector.shape_cast %swap3A_3659 : vector<16xi32> to vector<16xi32>
    %swap3A_3661 = vector.shape_cast %add3A_3657 : vector<16xi32> to vector<16xi32>
    tpu.vector_store %arg6[%swap3A_3658], %swap3A_3661 {strides = array<i32>} : memref<8192xi32, #tpu.memory_space<vmem>>, vector<16xi32>,
    %add3A_3662 = arith.constant 400000 : i32
    %add3A_3663 = vector.broadcast %add3A_3662 : i32 to vector<16xi32>
    %add3A_3664 = arith.addi %min3A_3633, %add3A_3663 : vector<16xi32>
    %swap3A_3665 = arith.constant 2544 : index
    %swap3A_3666 = tpu.vector_load %arg6[%swap3A_3665] {strides = array<i32>} : memref<8192xi32, #tpu.memory_space<vmem>>, vector<16xi32>,
    %swap3A_3667 = vector.shape_cast %swap3A_3666 : vector<16xi32> to vector<16xi32>
    %swap3A_3668 = vector.shape_cast %add3A_3664 : vector<16xi32> to vector<16xi32>
    tpu.vector_store %arg6[%swap3A_3665], %swap3A_3668 {strides = array<i32>} : memref<8192xi32, #tpu.memory_space<vmem>>, vector<16xi32>,
    %add3A_3669 = arith.constant 500000 : i32
    %add3A_3670 = vector.broadcast %add3A_3669 : i32 to vector<16xi32>
    %add3A_3671 = arith.addi %min3A_3633, %add3A_3670 : vector<16xi32>
    %swap3A_3672 = arith.constant 3056 : index
    %swap3A_3673 = tpu.vector_load %arg6[%swap3A_3672] {strides = array<i32>} : memref<8192xi32, #tpu.memory_space<vmem>>, vector<16xi32>,
    %swap3A_3674 = vector.shape_cast %swap3A_3673 : vector<16xi32> to vector<16xi32>
    %swap3A_3675 = vector.shape_cast %add3A_3671 : vector<16xi32> to vector<16xi32>
    tpu.vector_store %arg6[%swap3A_3672], %swap3A_3675 {strides = array<i32>} : memref<8192xi32, #tpu.memory_space<vmem>>, vector<16xi32>,
    %add3A_3676 = arith.constant 600000 : i32
    %add3A_3677 = vector.broadcast %add3A_3676 : i32 to vector<16xi32>
    %add3A_3678 = arith.addi %min3A_3633, %add3A_3677 : vector<16xi32>
    %swap3A_3679 = arith.constant 3568 : index
    %swap3A_3680 = tpu.vector_load %arg6[%swap3A_3679] {strides = array<i32>} : memref<8192xi32, #tpu.memory_space<vmem>>, vector<16xi32>,
    %swap3A_3681 = vector.shape_cast %swap3A_3680 : vector<16xi32> to vector<16xi32>
    %swap3A_3682 = vector.shape_cast %add3A_3678 : vector<16xi32> to vector<16xi32>
    tpu.vector_store %arg6[%swap3A_3679], %swap3A_3682 {strides = array<i32>} : memref<8192xi32, #tpu.memory_space<vmem>>, vector<16xi32>,
    %add3A_3683 = arith.constant 700000 : i32
    %add3A_3684 = vector.broadcast %add3A_3683 : i32 to vector<16xi32>
    %add3A_3685 = arith.addi %min3A_3633, %add3A_3684 : vector<16xi32>
    %swap3A_3686 = arith.constant 4080 : index
    %swap3A_3687 = tpu.vector_load %arg6[%swap3A_3686] {strides = array<i32>} : memref<8192xi32, #tpu.memory_space<vmem>>, vector<16xi32>,
    %swap3A_3688 = vector.shape_cast %swap3A_3687 : vector<16xi32> to vector<16xi32>
    %swap3A_3689 = vector.shape_cast %add3A_3685 : vector<16xi32> to vector<16xi32>
    tpu.vector_store %arg6[%swap3A_3686], %swap3A_3689 {strides = array<i32>} : memref<8192xi32, #tpu.memory_space<vmem>>, vector<16xi32>,
    %add3A_3690 = arith.constant 800000 : i32
    %add3A_3691 = vector.broadcast %add3A_3690 : i32 to vector<16xi32>
    %add3A_3692 = arith.addi %min3A_3633, %add3A_3691 : vector<16xi32>
    %swap3A_3693 = arith.constant 4592 : index
    %swap3A_3694 = tpu.vector_load %arg6[%swap3A_3693] {strides = array<i32>} : memref<8192xi32, #tpu.memory_space<vmem>>, vector<16xi32>,
    %swap3A_3695 = vector.shape_cast %swap3A_3694 : vector<16xi32> to vector<16xi32>
    %swap3A_3696 = vector.shape_cast %add3A_3692 : vector<16xi32> to vector<16xi32>
    tpu.vector_store %arg6[%swap3A_3693], %swap3A_3696 {strides = array<i32>} : memref<8192xi32, #tpu.memory_space<vmem>>, vector<16xi32>,
    %add3A_3697 = arith.constant 900000 : i32
    %add3A_3698 = vector.broadcast %add3A_3697 : i32 to vector<16xi32>
    %add3A_3699 = arith.addi %min3A_3633, %add3A_3698 : vector<16xi32>
    %swap3A_3700 = arith.constant 5104 : index
    %swap3A_3701 = tpu.vector_load %arg6[%swap3A_3700] {strides = array<i32>} : memref<8192xi32, #tpu.memory_space<vmem>>, vector<16xi32>,
    %swap3A_3702 = vector.shape_cast %swap3A_3701 : vector<16xi32> to vector<16xi32>
    %swap3A_3703 = vector.shape_cast %add3A_3699 : vector<16xi32> to vector<16xi32>
    tpu.vector_store %arg6[%swap3A_3700], %swap3A_3703 {strides = array<i32>} : memref<8192xi32, #tpu.memory_space<vmem>>, vector<16xi32>,
    %add3A_3704 = arith.constant 1000000 : i32
    %add3A_3705 = vector.broadcast %add3A_3704 : i32 to vector<16xi32>
    %add3A_3706 = arith.addi %min3A_3633, %add3A_3705 : vector<16xi32>
    %swap3A_3707 = arith.constant 5616 : index
    %swap3A_3708 = tpu.vector_load %arg6[%swap3A_3707] {strides = array<i32>} : memref<8192xi32, #tpu.memory_space<vmem>>, vector<16xi32>,
    %swap3A_3709 = vector.shape_cast %swap3A_3708 : vector<16xi32> to vector<16xi32>
    %swap3A_3710 = vector.shape_cast %add3A_3706 : vector<16xi32> to vector<16xi32>
    tpu.vector_store %arg6[%swap3A_3707], %swap3A_3710 {strides = array<i32>} : memref<8192xi32, #tpu.memory_space<vmem>>, vector<16xi32>,
    %add3A_3711 = arith.constant 1100000 : i32
    %add3A_3712 = vector.broadcast %add3A_3711 : i32 to vector<16xi32>
    %add3A_3713 = arith.addi %min3A_3633, %add3A_3712 : vector<16xi32>
    %swap3A_3714 = arith.constant 6128 : index
    %swap3A_3715 = tpu.vector_load %arg6[%swap3A_3714] {strides = array<i32>} : memref<8192xi32, #tpu.memory_space<vmem>>, vector<16xi32>,
    %swap3A_3716 = vector.shape_cast %swap3A_3715 : vector<16xi32> to vector<16xi32>
    %swap3A_3717 = vector.shape_cast %add3A_3713 : vector<16xi32> to vector<16xi32>
    tpu.vector_store %arg6[%swap3A_3714], %swap3A_3717 {strides = array<i32>} : memref<8192xi32, #tpu.memory_space<vmem>>, vector<16xi32>,
    %add3A_3718 = arith.constant 1200000 : i32
    %add3A_3719 = vector.broadcast %add3A_3718 : i32 to vector<16xi32>
    %add3A_3720 = arith.addi %min3A_3633, %add3A_3719 : vector<16xi32>
    %swap3A_3721 = arith.constant 6640 : index
    %swap3A_3722 = tpu.vector_load %arg6[%swap3A_3721] {strides = array<i32>} : memref<8192xi32, #tpu.memory_space<vmem>>, vector<16xi32>,
    %swap3A_3723 = vector.shape_cast %swap3A_3722 : vector<16xi32> to vector<16xi32>
    %swap3A_3724 = vector.shape_cast %add3A_3720 : vector<16xi32> to vector<16xi32>
    tpu.vector_store %arg6[%swap3A_3721], %swap3A_3724 {strides = array<i32>} : memref<8192xi32, #tpu.memory_space<vmem>>, vector<16xi32>,
    %add3A_3725 = arith.constant 1300000 : i32
    %add3A_3726 = vector.broadcast %add3A_3725 : i32 to vector<16xi32>
    %add3A_3727 = arith.addi %min3A_3633, %add3A_3726 : vector<16xi32>
    %swap3A_3728 = arith.constant 7152 : index
    %swap3A_3729 = tpu.vector_load %arg6[%swap3A_3728] {strides = array<i32>} : memref<8192xi32, #tpu.memory_space<vmem>>, vector<16xi32>,
    %swap3A_3730 = vector.shape_cast %swap3A_3729 : vector<16xi32> to vector<16xi32>
    %swap3A_3731 = vector.shape_cast %add3A_3727 : vector<16xi32> to vector<16xi32>
    tpu.vector_store %arg6[%swap3A_3728], %swap3A_3731 {strides = array<i32>} : memref<8192xi32, #tpu.memory_space<vmem>>, vector<16xi32>,
    %add3A_3732 = arith.constant 1400000 : i32
    %add3A_3733 = vector.broadcast %add3A_3732 : i32 to vector<16xi32>
    %add3A_3734 = arith.addi %min3A_3633, %add3A_3733 : vector<16xi32>
    %swap3A_3735 = arith.constant 7664 : index
    %swap3A_3736 = tpu.vector_load %arg6[%swap3A_3735] {strides = array<i32>} : memref<8192xi32, #tpu.memory_space<vmem>>, vector<16xi32>,
    %swap3A_3737 = vector.shape_cast %swap3A_3736 : vector<16xi32> to vector<16xi32>
    %swap3A_3738 = vector.shape_cast %add3A_3734 : vector<16xi32> to vector<16xi32>
    tpu.vector_store %arg6[%swap3A_3735], %swap3A_3738 {strides = array<i32>} : memref<8192xi32, #tpu.memory_space<vmem>>, vector<16xi32>,
    %add3A_3739 = arith.constant 1500000 : i32
    %add3A_3740 = vector.broadcast %add3A_3739 : i32 to vector<16xi32>
    %add3A_3741 = arith.addi %min3A_3633, %add3A_3740 : vector<16xi32>
    %swap3A_3742 = arith.constant 8176 : index
    %swap3A_3743 = tpu.vector_load %arg6[%swap3A_3742] {strides = array<i32>} : memref<8192xi32, #tpu.memory_space<vmem>>, vector<16xi32>,
    %swap3A_3744 = vector.shape_cast %swap3A_3743 : vector<16xi32> to vector<16xi32>
    %swap3A_3745 = vector.shape_cast %add3A_3741 : vector<16xi32> to vector<16xi32>
    tpu.vector_store %arg6[%swap3A_3742], %swap3A_3745 {strides = array<i32>} : memref<8192xi32, #tpu.memory_space<vmem>>, vector<16xi32>,
    %dma_start3A = arith.constant 0 : i32
    %dma_start3A_3746 = arith.constant 0 : i32
    %dma_start3A_3747 = arith.constant 0 : i32
    %dma_start3A_3748 = tpu.memref_slice %arg7[%dma_start3A, %dma_start3A_3747] : memref<16x512xf32, #tpu.memory_space<vmem>> -> memref<1x512xf32, #tpu.memory_space<vmem>>
    %dma_start3A_3749 = tpu.memref_squeeze %dma_start3A_3748 : memref<1x512xf32, #tpu.memory_space<vmem>> -> memref<512xf32, #tpu.memory_space<vmem>>
    %dma_start3A_3750 = arith.constant 0 : i32
    %dma_start3A_3751 = tpu.memref_slice %arg6[%dma_start3A_3750] : memref<8192xi32, #tpu.memory_space<vmem>> -> memref<512xi32, #tpu.memory_space<vmem>>
    %dma_start3A_3752 = arith.constant 0 : i32
    %dma_start3A_3753 = tpu.memref_slice %arg3[%dma_start3A_3752] : memref<1600000xf32, #tpu.memory_space<hbm>> -> memref<1600000xf32, #tpu.memory_space<hbm>>
    %dma_start3A_3754 = tpu.memref_slice %arg8[%dma_start3A_3746] : memref<16x!tpu.dma_semaphore, #tpu.memory_space<semaphore_mem>> -> memref<1x!tpu.dma_semaphore, #tpu.memory_space<semaphore_mem>>
    %dma_start3A_3755 = tpu.memref_squeeze %dma_start3A_3754 : memref<1x!tpu.dma_semaphore, #tpu.memory_space<semaphore_mem>> -> memref<!tpu.dma_semaphore, #tpu.memory_space<semaphore_mem>>
    tpu.enqueue_indirect_dma source(%dma_start3A_3753 : memref<1600000xf32, #tpu.memory_space<hbm>>) target(%dma_start3A_3749 : memref<512xf32, #tpu.memory_space<vmem>>) offsets(%dma_start3A_3751 : memref<512xi32, #tpu.memory_space<vmem>>) semaphore(%dma_start3A_3755 : memref<!tpu.dma_semaphore, #tpu.memory_space<semaphore_mem>>)
    %dma_start3A_3756 = arith.constant 1 : i32
    %dma_start3A_3757 = arith.constant 1 : i32
    %dma_start3A_3758 = arith.constant 0 : i32
    %dma_start3A_3759 = tpu.memref_slice %arg7[%dma_start3A_3756, %dma_start3A_3758] : memref<16x512xf32, #tpu.memory_space<vmem>> -> memref<1x512xf32, #tpu.memory_space<vmem>>
    %dma_start3A_3760 = tpu.memref_squeeze %dma_start3A_3759 : memref<1x512xf32, #tpu.memory_space<vmem>> -> memref<512xf32, #tpu.memory_space<vmem>>
    %dma_start3A_3761 = arith.constant 512 : i32
    %dma_start3A_3762 = tpu.memref_slice %arg6[%dma_start3A_3761] : memref<8192xi32, #tpu.memory_space<vmem>> -> memref<512xi32, #tpu.memory_space<vmem>>
    %dma_start3A_3763 = arith.constant 0 : i32
    %dma_start3A_3764 = tpu.memref_slice %arg3[%dma_start3A_3763] : memref<1600000xf32, #tpu.memory_space<hbm>> -> memref<1600000xf32, #tpu.memory_space<hbm>>
    %dma_start3A_3765 = tpu.memref_slice %arg8[%dma_start3A_3757] : memref<16x!tpu.dma_semaphore, #tpu.memory_space<semaphore_mem>> -> memref<1x!tpu.dma_semaphore, #tpu.memory_space<semaphore_mem>>
    %dma_start3A_3766 = tpu.memref_squeeze %dma_start3A_3765 : memref<1x!tpu.dma_semaphore, #tpu.memory_space<semaphore_mem>> -> memref<!tpu.dma_semaphore, #tpu.memory_space<semaphore_mem>>
    tpu.enqueue_indirect_dma source(%dma_start3A_3764 : memref<1600000xf32, #tpu.memory_space<hbm>>) target(%dma_start3A_3760 : memref<512xf32, #tpu.memory_space<vmem>>) offsets(%dma_start3A_3762 : memref<512xi32, #tpu.memory_space<vmem>>) semaphore(%dma_start3A_3766 : memref<!tpu.dma_semaphore, #tpu.memory_space<semaphore_mem>>)
    %dma_start3A_3767 = arith.constant 2 : i32
    %dma_start3A_3768 = arith.constant 2 : i32
    %dma_start3A_3769 = arith.constant 0 : i32
    %dma_start3A_3770 = tpu.memref_slice %arg7[%dma_start3A_3767, %dma_start3A_3769] : memref<16x512xf32, #tpu.memory_space<vmem>> -> memref<1x512xf32, #tpu.memory_space<vmem>>
    %dma_start3A_3771 = tpu.memref_squeeze %dma_start3A_3770 : memref<1x512xf32, #tpu.memory_space<vmem>> -> memref<512xf32, #tpu.memory_space<vmem>>
    %dma_start3A_3772 = arith.constant 1024 : i32
    %dma_start3A_3773 = tpu.memref_slice %arg6[%dma_start3A_3772] : memref<8192xi32, #tpu.memory_space<vmem>> -> memref<512xi32, #tpu.memory_space<vmem>>
    %dma_start3A_3774 = arith.constant 0 : i32
    %dma_start3A_3775 = tpu.memref_slice %arg3[%dma_start3A_3774] : memref<1600000xf32, #tpu.memory_space<hbm>> -> memref<1600000xf32, #tpu.memory_space<hbm>>
    %dma_start3A_3776 = tpu.memref_slice %arg8[%dma_start3A_3768] : memref<16x!tpu.dma_semaphore, #tpu.memory_space<semaphore_mem>> -> memref<1x!tpu.dma_semaphore, #tpu.memory_space<semaphore_mem>>
    %dma_start3A_3777 = tpu.memref_squeeze %dma_start3A_3776 : memref<1x!tpu.dma_semaphore, #tpu.memory_space<semaphore_mem>> -> memref<!tpu.dma_semaphore, #tpu.memory_space<semaphore_mem>>
    tpu.enqueue_indirect_dma source(%dma_start3A_3775 : memref<1600000xf32, #tpu.memory_space<hbm>>) target(%dma_start3A_3771 : memref<512xf32, #tpu.memory_space<vmem>>) offsets(%dma_start3A_3773 : memref<512xi32, #tpu.memory_space<vmem>>) semaphore(%dma_start3A_3777 : memref<!tpu.dma_semaphore, #tpu.memory_space<semaphore_mem>>)
    %dma_start3A_3778 = arith.constant 3 : i32
    %dma_start3A_3779 = arith.constant 3 : i32
    %dma_start3A_3780 = arith.constant 0 : i32
    %dma_start3A_3781 = tpu.memref_slice %arg7[%dma_start3A_3778, %dma_start3A_3780] : memref<16x512xf32, #tpu.memory_space<vmem>> -> memref<1x512xf32, #tpu.memory_space<vmem>>
    %dma_start3A_3782 = tpu.memref_squeeze %dma_start3A_3781 : memref<1x512xf32, #tpu.memory_space<vmem>> -> memref<512xf32, #tpu.memory_space<vmem>>
    %dma_start3A_3783 = arith.constant 1536 : i32
    %dma_start3A_3784 = tpu.memref_slice %arg6[%dma_start3A_3783] : memref<8192xi32, #tpu.memory_space<vmem>> -> memref<512xi32, #tpu.memory_space<vmem>>
    %dma_start3A_3785 = arith.constant 0 : i32
    %dma_start3A_3786 = tpu.memref_slice %arg3[%dma_start3A_3785] : memref<1600000xf32, #tpu.memory_space<hbm>> -> memref<1600000xf32, #tpu.memory_space<hbm>>
    %dma_start3A_3787 = tpu.memref_slice %arg8[%dma_start3A_3779] : memref<16x!tpu.dma_semaphore, #tpu.memory_space<semaphore_mem>> -> memref<1x!tpu.dma_semaphore, #tpu.memory_space<semaphore_mem>>
    %dma_start3A_3788 = tpu.memref_squeeze %dma_start3A_3787 : memref<1x!tpu.dma_semaphore, #tpu.memory_space<semaphore_mem>> -> memref<!tpu.dma_semaphore, #tpu.memory_space<semaphore_mem>>
    tpu.enqueue_indirect_dma source(%dma_start3A_3786 : memref<1600000xf32, #tpu.memory_space<hbm>>) target(%dma_start3A_3782 : memref<512xf32, #tpu.memory_space<vmem>>) offsets(%dma_start3A_3784 : memref<512xi32, #tpu.memory_space<vmem>>) semaphore(%dma_start3A_3788 : memref<!tpu.dma_semaphore, #tpu.memory_space<semaphore_mem>>)
    %dma_start3A_3789 = arith.constant 4 : i32
    %dma_start3A_3790 = arith.constant 4 : i32
    %dma_start3A_3791 = arith.constant 0 : i32
    %dma_start3A_3792 = tpu.memref_slice %arg7[%dma_start3A_3789, %dma_start3A_3791] : memref<16x512xf32, #tpu.memory_space<vmem>> -> memref<1x512xf32, #tpu.memory_space<vmem>>
    %dma_start3A_3793 = tpu.memref_squeeze %dma_start3A_3792 : memref<1x512xf32, #tpu.memory_space<vmem>> -> memref<512xf32, #tpu.memory_space<vmem>>
    %dma_start3A_3794 = arith.constant 2048 : i32
    %dma_start3A_3795 = tpu.memref_slice %arg6[%dma_start3A_3794] : memref<8192xi32, #tpu.memory_space<vmem>> -> memref<512xi32, #tpu.memory_space<vmem>>
    %dma_start3A_3796 = arith.constant 0 : i32
    %dma_start3A_3797 = tpu.memref_slice %arg3[%dma_start3A_3796] : memref<1600000xf32, #tpu.memory_space<hbm>> -> memref<1600000xf32, #tpu.memory_space<hbm>>
    %dma_start3A_3798 = tpu.memref_slice %arg8[%dma_start3A_3790] : memref<16x!tpu.dma_semaphore, #tpu.memory_space<semaphore_mem>> -> memref<1x!tpu.dma_semaphore, #tpu.memory_space<semaphore_mem>>
    %dma_start3A_3799 = tpu.memref_squeeze %dma_start3A_3798 : memref<1x!tpu.dma_semaphore, #tpu.memory_space<semaphore_mem>> -> memref<!tpu.dma_semaphore, #tpu.memory_space<semaphore_mem>>
    tpu.enqueue_indirect_dma source(%dma_start3A_3797 : memref<1600000xf32, #tpu.memory_space<hbm>>) target(%dma_start3A_3793 : memref<512xf32, #tpu.memory_space<vmem>>) offsets(%dma_start3A_3795 : memref<512xi32, #tpu.memory_space<vmem>>) semaphore(%dma_start3A_3799 : memref<!tpu.dma_semaphore, #tpu.memory_space<semaphore_mem>>)
    %dma_start3A_3800 = arith.constant 5 : i32
    %dma_start3A_3801 = arith.constant 5 : i32
    %dma_start3A_3802 = arith.constant 0 : i32
    %dma_start3A_3803 = tpu.memref_slice %arg7[%dma_start3A_3800, %dma_start3A_3802] : memref<16x512xf32, #tpu.memory_space<vmem>> -> memref<1x512xf32, #tpu.memory_space<vmem>>
    %dma_start3A_3804 = tpu.memref_squeeze %dma_start3A_3803 : memref<1x512xf32, #tpu.memory_space<vmem>> -> memref<512xf32, #tpu.memory_space<vmem>>
    %dma_start3A_3805 = arith.constant 2560 : i32
    %dma_start3A_3806 = tpu.memref_slice %arg6[%dma_start3A_3805] : memref<8192xi32, #tpu.memory_space<vmem>> -> memref<512xi32, #tpu.memory_space<vmem>>
    %dma_start3A_3807 = arith.constant 0 : i32
    %dma_start3A_3808 = tpu.memref_slice %arg3[%dma_start3A_3807] : memref<1600000xf32, #tpu.memory_space<hbm>> -> memref<1600000xf32, #tpu.memory_space<hbm>>
    %dma_start3A_3809 = tpu.memref_slice %arg8[%dma_start3A_3801] : memref<16x!tpu.dma_semaphore, #tpu.memory_space<semaphore_mem>> -> memref<1x!tpu.dma_semaphore, #tpu.memory_space<semaphore_mem>>
    %dma_start3A_3810 = tpu.memref_squeeze %dma_start3A_3809 : memref<1x!tpu.dma_semaphore, #tpu.memory_space<semaphore_mem>> -> memref<!tpu.dma_semaphore, #tpu.memory_space<semaphore_mem>>
    tpu.enqueue_indirect_dma source(%dma_start3A_3808 : memref<1600000xf32, #tpu.memory_space<hbm>>) target(%dma_start3A_3804 : memref<512xf32, #tpu.memory_space<vmem>>) offsets(%dma_start3A_3806 : memref<512xi32, #tpu.memory_space<vmem>>) semaphore(%dma_start3A_3810 : memref<!tpu.dma_semaphore, #tpu.memory_space<semaphore_mem>>)
    %dma_start3A_3811 = arith.constant 6 : i32
    %dma_start3A_3812 = arith.constant 6 : i32
    %dma_start3A_3813 = arith.constant 0 : i32
    %dma_start3A_3814 = tpu.memref_slice %arg7[%dma_start3A_3811, %dma_start3A_3813] : memref<16x512xf32, #tpu.memory_space<vmem>> -> memref<1x512xf32, #tpu.memory_space<vmem>>
    %dma_start3A_3815 = tpu.memref_squeeze %dma_start3A_3814 : memref<1x512xf32, #tpu.memory_space<vmem>> -> memref<512xf32, #tpu.memory_space<vmem>>
    %dma_start3A_3816 = arith.constant 3072 : i32
    %dma_start3A_3817 = tpu.memref_slice %arg6[%dma_start3A_3816] : memref<8192xi32, #tpu.memory_space<vmem>> -> memref<512xi32, #tpu.memory_space<vmem>>
    %dma_start3A_3818 = arith.constant 0 : i32
    %dma_start3A_3819 = tpu.memref_slice %arg3[%dma_start3A_3818] : memref<1600000xf32, #tpu.memory_space<hbm>> -> memref<1600000xf32, #tpu.memory_space<hbm>>
    %dma_start3A_3820 = tpu.memref_slice %arg8[%dma_start3A_3812] : memref<16x!tpu.dma_semaphore, #tpu.memory_space<semaphore_mem>> -> memref<1x!tpu.dma_semaphore, #tpu.memory_space<semaphore_mem>>
    %dma_start3A_3821 = tpu.memref_squeeze %dma_start3A_3820 : memref<1x!tpu.dma_semaphore, #tpu.memory_space<semaphore_mem>> -> memref<!tpu.dma_semaphore, #tpu.memory_space<semaphore_mem>>
    tpu.enqueue_indirect_dma source(%dma_start3A_3819 : memref<1600000xf32, #tpu.memory_space<hbm>>) target(%dma_start3A_3815 : memref<512xf32, #tpu.memory_space<vmem>>) offsets(%dma_start3A_3817 : memref<512xi32, #tpu.memory_space<vmem>>) semaphore(%dma_start3A_3821 : memref<!tpu.dma_semaphore, #tpu.memory_space<semaphore_mem>>)
    %dma_start3A_3822 = arith.constant 7 : i32
    %dma_start3A_3823 = arith.constant 7 : i32
    %dma_start3A_3824 = arith.constant 0 : i32
    %dma_start3A_3825 = tpu.memref_slice %arg7[%dma_start3A_3822, %dma_start3A_3824] : memref<16x512xf32, #tpu.memory_space<vmem>> -> memref<1x512xf32, #tpu.memory_space<vmem>>
    %dma_start3A_3826 = tpu.memref_squeeze %dma_start3A_3825 : memref<1x512xf32, #tpu.memory_space<vmem>> -> memref<512xf32, #tpu.memory_space<vmem>>
    %dma_start3A_3827 = arith.constant 3584 : i32
    %dma_start3A_3828 = tpu.memref_slice %arg6[%dma_start3A_3827] : memref<8192xi32, #tpu.memory_space<vmem>> -> memref<512xi32, #tpu.memory_space<vmem>>
    %dma_start3A_3829 = arith.constant 0 : i32
    %dma_start3A_3830 = tpu.memref_slice %arg3[%dma_start3A_3829] : memref<1600000xf32, #tpu.memory_space<hbm>> -> memref<1600000xf32, #tpu.memory_space<hbm>>
    %dma_start3A_3831 = tpu.memref_slice %arg8[%dma_start3A_3823] : memref<16x!tpu.dma_semaphore, #tpu.memory_space<semaphore_mem>> -> memref<1x!tpu.dma_semaphore, #tpu.memory_space<semaphore_mem>>
    %dma_start3A_3832 = tpu.memref_squeeze %dma_start3A_3831 : memref<1x!tpu.dma_semaphore, #tpu.memory_space<semaphore_mem>> -> memref<!tpu.dma_semaphore, #tpu.memory_space<semaphore_mem>>
    tpu.enqueue_indirect_dma source(%dma_start3A_3830 : memref<1600000xf32, #tpu.memory_space<hbm>>) target(%dma_start3A_3826 : memref<512xf32, #tpu.memory_space<vmem>>) offsets(%dma_start3A_3828 : memref<512xi32, #tpu.memory_space<vmem>>) semaphore(%dma_start3A_3832 : memref<!tpu.dma_semaphore, #tpu.memory_space<semaphore_mem>>)
    %dma_start3A_3833 = arith.constant 8 : i32
    %dma_start3A_3834 = arith.constant 8 : i32
    %dma_start3A_3835 = arith.constant 0 : i32
    %dma_start3A_3836 = tpu.memref_slice %arg7[%dma_start3A_3833, %dma_start3A_3835] : memref<16x512xf32, #tpu.memory_space<vmem>> -> memref<1x512xf32, #tpu.memory_space<vmem>>
    %dma_start3A_3837 = tpu.memref_squeeze %dma_start3A_3836 : memref<1x512xf32, #tpu.memory_space<vmem>> -> memref<512xf32, #tpu.memory_space<vmem>>
    %dma_start3A_3838 = arith.constant 4096 : i32
    %dma_start3A_3839 = tpu.memref_slice %arg6[%dma_start3A_3838] : memref<8192xi32, #tpu.memory_space<vmem>> -> memref<512xi32, #tpu.memory_space<vmem>>
    %dma_start3A_3840 = arith.constant 0 : i32
    %dma_start3A_3841 = tpu.memref_slice %arg3[%dma_start3A_3840] : memref<1600000xf32, #tpu.memory_space<hbm>> -> memref<1600000xf32, #tpu.memory_space<hbm>>
    %dma_start3A_3842 = tpu.memref_slice %arg8[%dma_start3A_3834] : memref<16x!tpu.dma_semaphore, #tpu.memory_space<semaphore_mem>> -> memref<1x!tpu.dma_semaphore, #tpu.memory_space<semaphore_mem>>
    %dma_start3A_3843 = tpu.memref_squeeze %dma_start3A_3842 : memref<1x!tpu.dma_semaphore, #tpu.memory_space<semaphore_mem>> -> memref<!tpu.dma_semaphore, #tpu.memory_space<semaphore_mem>>
    tpu.enqueue_indirect_dma source(%dma_start3A_3841 : memref<1600000xf32, #tpu.memory_space<hbm>>) target(%dma_start3A_3837 : memref<512xf32, #tpu.memory_space<vmem>>) offsets(%dma_start3A_3839 : memref<512xi32, #tpu.memory_space<vmem>>) semaphore(%dma_start3A_3843 : memref<!tpu.dma_semaphore, #tpu.memory_space<semaphore_mem>>)
    %dma_start3A_3844 = arith.constant 9 : i32
    %dma_start3A_3845 = arith.constant 9 : i32
    %dma_start3A_3846 = arith.constant 0 : i32
    %dma_start3A_3847 = tpu.memref_slice %arg7[%dma_start3A_3844, %dma_start3A_3846] : memref<16x512xf32, #tpu.memory_space<vmem>> -> memref<1x512xf32, #tpu.memory_space<vmem>>
    %dma_start3A_3848 = tpu.memref_squeeze %dma_start3A_3847 : memref<1x512xf32, #tpu.memory_space<vmem>> -> memref<512xf32, #tpu.memory_space<vmem>>
    %dma_start3A_3849 = arith.constant 4608 : i32
    %dma_start3A_3850 = tpu.memref_slice %arg6[%dma_start3A_3849] : memref<8192xi32, #tpu.memory_space<vmem>> -> memref<512xi32, #tpu.memory_space<vmem>>
    %dma_start3A_3851 = arith.constant 0 : i32
    %dma_start3A_3852 = tpu.memref_slice %arg3[%dma_start3A_3851] : memref<1600000xf32, #tpu.memory_space<hbm>> -> memref<1600000xf32, #tpu.memory_space<hbm>>
    %dma_start3A_3853 = tpu.memref_slice %arg8[%dma_start3A_3845] : memref<16x!tpu.dma_semaphore, #tpu.memory_space<semaphore_mem>> -> memref<1x!tpu.dma_semaphore, #tpu.memory_space<semaphore_mem>>
    %dma_start3A_3854 = tpu.memref_squeeze %dma_start3A_3853 : memref<1x!tpu.dma_semaphore, #tpu.memory_space<semaphore_mem>> -> memref<!tpu.dma_semaphore, #tpu.memory_space<semaphore_mem>>
    tpu.enqueue_indirect_dma source(%dma_start3A_3852 : memref<1600000xf32, #tpu.memory_space<hbm>>) target(%dma_start3A_3848 : memref<512xf32, #tpu.memory_space<vmem>>) offsets(%dma_start3A_3850 : memref<512xi32, #tpu.memory_space<vmem>>) semaphore(%dma_start3A_3854 : memref<!tpu.dma_semaphore, #tpu.memory_space<semaphore_mem>>)
    %dma_start3A_3855 = arith.constant 10 : i32
    %dma_start3A_3856 = arith.constant 10 : i32
    %dma_start3A_3857 = arith.constant 0 : i32
    %dma_start3A_3858 = tpu.memref_slice %arg7[%dma_start3A_3855, %dma_start3A_3857] : memref<16x512xf32, #tpu.memory_space<vmem>> -> memref<1x512xf32, #tpu.memory_space<vmem>>
    %dma_start3A_3859 = tpu.memref_squeeze %dma_start3A_3858 : memref<1x512xf32, #tpu.memory_space<vmem>> -> memref<512xf32, #tpu.memory_space<vmem>>
    %dma_start3A_3860 = arith.constant 5120 : i32
    %dma_start3A_3861 = tpu.memref_slice %arg6[%dma_start3A_3860] : memref<8192xi32, #tpu.memory_space<vmem>> -> memref<512xi32, #tpu.memory_space<vmem>>
    %dma_start3A_3862 = arith.constant 0 : i32
    %dma_start3A_3863 = tpu.memref_slice %arg3[%dma_start3A_3862] : memref<1600000xf32, #tpu.memory_space<hbm>> -> memref<1600000xf32, #tpu.memory_space<hbm>>
    %dma_start3A_3864 = tpu.memref_slice %arg8[%dma_start3A_3856] : memref<16x!tpu.dma_semaphore, #tpu.memory_space<semaphore_mem>> -> memref<1x!tpu.dma_semaphore, #tpu.memory_space<semaphore_mem>>
    %dma_start3A_3865 = tpu.memref_squeeze %dma_start3A_3864 : memref<1x!tpu.dma_semaphore, #tpu.memory_space<semaphore_mem>> -> memref<!tpu.dma_semaphore, #tpu.memory_space<semaphore_mem>>
    tpu.enqueue_indirect_dma source(%dma_start3A_3863 : memref<1600000xf32, #tpu.memory_space<hbm>>) target(%dma_start3A_3859 : memref<512xf32, #tpu.memory_space<vmem>>) offsets(%dma_start3A_3861 : memref<512xi32, #tpu.memory_space<vmem>>) semaphore(%dma_start3A_3865 : memref<!tpu.dma_semaphore, #tpu.memory_space<semaphore_mem>>)
    %dma_start3A_3866 = arith.constant 11 : i32
    %dma_start3A_3867 = arith.constant 11 : i32
    %dma_start3A_3868 = arith.constant 0 : i32
    %dma_start3A_3869 = tpu.memref_slice %arg7[%dma_start3A_3866, %dma_start3A_3868] : memref<16x512xf32, #tpu.memory_space<vmem>> -> memref<1x512xf32, #tpu.memory_space<vmem>>
    %dma_start3A_3870 = tpu.memref_squeeze %dma_start3A_3869 : memref<1x512xf32, #tpu.memory_space<vmem>> -> memref<512xf32, #tpu.memory_space<vmem>>
    %dma_start3A_3871 = arith.constant 5632 : i32
    %dma_start3A_3872 = tpu.memref_slice %arg6[%dma_start3A_3871] : memref<8192xi32, #tpu.memory_space<vmem>> -> memref<512xi32, #tpu.memory_space<vmem>>
    %dma_start3A_3873 = arith.constant 0 : i32
    %dma_start3A_3874 = tpu.memref_slice %arg3[%dma_start3A_3873] : memref<1600000xf32, #tpu.memory_space<hbm>> -> memref<1600000xf32, #tpu.memory_space<hbm>>
    %dma_start3A_3875 = tpu.memref_slice %arg8[%dma_start3A_3867] : memref<16x!tpu.dma_semaphore, #tpu.memory_space<semaphore_mem>> -> memref<1x!tpu.dma_semaphore, #tpu.memory_space<semaphore_mem>>
    %dma_start3A_3876 = tpu.memref_squeeze %dma_start3A_3875 : memref<1x!tpu.dma_semaphore, #tpu.memory_space<semaphore_mem>> -> memref<!tpu.dma_semaphore, #tpu.memory_space<semaphore_mem>>
    tpu.enqueue_indirect_dma source(%dma_start3A_3874 : memref<1600000xf32, #tpu.memory_space<hbm>>) target(%dma_start3A_3870 : memref<512xf32, #tpu.memory_space<vmem>>) offsets(%dma_start3A_3872 : memref<512xi32, #tpu.memory_space<vmem>>) semaphore(%dma_start3A_3876 : memref<!tpu.dma_semaphore, #tpu.memory_space<semaphore_mem>>)
    %dma_start3A_3877 = arith.constant 12 : i32
    %dma_start3A_3878 = arith.constant 12 : i32
    %dma_start3A_3879 = arith.constant 0 : i32
    %dma_start3A_3880 = tpu.memref_slice %arg7[%dma_start3A_3877, %dma_start3A_3879] : memref<16x512xf32, #tpu.memory_space<vmem>> -> memref<1x512xf32, #tpu.memory_space<vmem>>
    %dma_start3A_3881 = tpu.memref_squeeze %dma_start3A_3880 : memref<1x512xf32, #tpu.memory_space<vmem>> -> memref<512xf32, #tpu.memory_space<vmem>>
    %dma_start3A_3882 = arith.constant 6144 : i32
    %dma_start3A_3883 = tpu.memref_slice %arg6[%dma_start3A_3882] : memref<8192xi32, #tpu.memory_space<vmem>> -> memref<512xi32, #tpu.memory_space<vmem>>
    %dma_start3A_3884 = arith.constant 0 : i32
    %dma_start3A_3885 = tpu.memref_slice %arg3[%dma_start3A_3884] : memref<1600000xf32, #tpu.memory_space<hbm>> -> memref<1600000xf32, #tpu.memory_space<hbm>>
    %dma_start3A_3886 = tpu.memref_slice %arg8[%dma_start3A_3878] : memref<16x!tpu.dma_semaphore, #tpu.memory_space<semaphore_mem>> -> memref<1x!tpu.dma_semaphore, #tpu.memory_space<semaphore_mem>>
    %dma_start3A_3887 = tpu.memref_squeeze %dma_start3A_3886 : memref<1x!tpu.dma_semaphore, #tpu.memory_space<semaphore_mem>> -> memref<!tpu.dma_semaphore, #tpu.memory_space<semaphore_mem>>
    tpu.enqueue_indirect_dma source(%dma_start3A_3885 : memref<1600000xf32, #tpu.memory_space<hbm>>) target(%dma_start3A_3881 : memref<512xf32, #tpu.memory_space<vmem>>) offsets(%dma_start3A_3883 : memref<512xi32, #tpu.memory_space<vmem>>) semaphore(%dma_start3A_3887 : memref<!tpu.dma_semaphore, #tpu.memory_space<semaphore_mem>>)
    %dma_start3A_3888 = arith.constant 13 : i32
    %dma_start3A_3889 = arith.constant 13 : i32
    %dma_start3A_3890 = arith.constant 0 : i32
    %dma_start3A_3891 = tpu.memref_slice %arg7[%dma_start3A_3888, %dma_start3A_3890] : memref<16x512xf32, #tpu.memory_space<vmem>> -> memref<1x512xf32, #tpu.memory_space<vmem>>
    %dma_start3A_3892 = tpu.memref_squeeze %dma_start3A_3891 : memref<1x512xf32, #tpu.memory_space<vmem>> -> memref<512xf32, #tpu.memory_space<vmem>>
    %dma_start3A_3893 = arith.constant 6656 : i32
    %dma_start3A_3894 = tpu.memref_slice %arg6[%dma_start3A_3893] : memref<8192xi32, #tpu.memory_space<vmem>> -> memref<512xi32, #tpu.memory_space<vmem>>
    %dma_start3A_3895 = arith.constant 0 : i32
    %dma_start3A_3896 = tpu.memref_slice %arg3[%dma_start3A_3895] : memref<1600000xf32, #tpu.memory_space<hbm>> -> memref<1600000xf32, #tpu.memory_space<hbm>>
    %dma_start3A_3897 = tpu.memref_slice %arg8[%dma_start3A_3889] : memref<16x!tpu.dma_semaphore, #tpu.memory_space<semaphore_mem>> -> memref<1x!tpu.dma_semaphore, #tpu.memory_space<semaphore_mem>>
    %dma_start3A_3898 = tpu.memref_squeeze %dma_start3A_3897 : memref<1x!tpu.dma_semaphore, #tpu.memory_space<semaphore_mem>> -> memref<!tpu.dma_semaphore, #tpu.memory_space<semaphore_mem>>
    tpu.enqueue_indirect_dma source(%dma_start3A_3896 : memref<1600000xf32, #tpu.memory_space<hbm>>) target(%dma_start3A_3892 : memref<512xf32, #tpu.memory_space<vmem>>) offsets(%dma_start3A_3894 : memref<512xi32, #tpu.memory_space<vmem>>) semaphore(%dma_start3A_3898 : memref<!tpu.dma_semaphore, #tpu.memory_space<semaphore_mem>>)
    %dma_start3A_3899 = arith.constant 14 : i32
    %dma_start3A_3900 = arith.constant 14 : i32
    %dma_start3A_3901 = arith.constant 0 : i32
    %dma_start3A_3902 = tpu.memref_slice %arg7[%dma_start3A_3899, %dma_start3A_3901] : memref<16x512xf32, #tpu.memory_space<vmem>> -> memref<1x512xf32, #tpu.memory_space<vmem>>
    %dma_start3A_3903 = tpu.memref_squeeze %dma_start3A_3902 : memref<1x512xf32, #tpu.memory_space<vmem>> -> memref<512xf32, #tpu.memory_space<vmem>>
    %dma_start3A_3904 = arith.constant 7168 : i32
    %dma_start3A_3905 = tpu.memref_slice %arg6[%dma_start3A_3904] : memref<8192xi32, #tpu.memory_space<vmem>> -> memref<512xi32, #tpu.memory_space<vmem>>
    %dma_start3A_3906 = arith.constant 0 : i32
    %dma_start3A_3907 = tpu.memref_slice %arg3[%dma_start3A_3906] : memref<1600000xf32, #tpu.memory_space<hbm>> -> memref<1600000xf32, #tpu.memory_space<hbm>>
    %dma_start3A_3908 = tpu.memref_slice %arg8[%dma_start3A_3900] : memref<16x!tpu.dma_semaphore, #tpu.memory_space<semaphore_mem>> -> memref<1x!tpu.dma_semaphore, #tpu.memory_space<semaphore_mem>>
    %dma_start3A_3909 = tpu.memref_squeeze %dma_start3A_3908 : memref<1x!tpu.dma_semaphore, #tpu.memory_space<semaphore_mem>> -> memref<!tpu.dma_semaphore, #tpu.memory_space<semaphore_mem>>
    tpu.enqueue_indirect_dma source(%dma_start3A_3907 : memref<1600000xf32, #tpu.memory_space<hbm>>) target(%dma_start3A_3903 : memref<512xf32, #tpu.memory_space<vmem>>) offsets(%dma_start3A_3905 : memref<512xi32, #tpu.memory_space<vmem>>) semaphore(%dma_start3A_3909 : memref<!tpu.dma_semaphore, #tpu.memory_space<semaphore_mem>>)
    %dma_start3A_3910 = arith.constant 15 : i32
    %dma_start3A_3911 = arith.constant 15 : i32
    %dma_start3A_3912 = arith.constant 0 : i32
    %dma_start3A_3913 = tpu.memref_slice %arg7[%dma_start3A_3910, %dma_start3A_3912] : memref<16x512xf32, #tpu.memory_space<vmem>> -> memref<1x512xf32, #tpu.memory_space<vmem>>
    %dma_start3A_3914 = tpu.memref_squeeze %dma_start3A_3913 : memref<1x512xf32, #tpu.memory_space<vmem>> -> memref<512xf32, #tpu.memory_space<vmem>>
    %dma_start3A_3915 = arith.constant 7680 : i32
    %dma_start3A_3916 = tpu.memref_slice %arg6[%dma_start3A_3915] : memref<8192xi32, #tpu.memory_space<vmem>> -> memref<512xi32, #tpu.memory_space<vmem>>
    %dma_start3A_3917 = arith.constant 0 : i32
    %dma_start3A_3918 = tpu.memref_slice %arg3[%dma_start3A_3917] : memref<1600000xf32, #tpu.memory_space<hbm>> -> memref<1600000xf32, #tpu.memory_space<hbm>>
    %dma_start3A_3919 = tpu.memref_slice %arg8[%dma_start3A_3911] : memref<16x!tpu.dma_semaphore, #tpu.memory_space<semaphore_mem>> -> memref<1x!tpu.dma_semaphore, #tpu.memory_space<semaphore_mem>>
    %dma_start3A_3920 = tpu.memref_squeeze %dma_start3A_3919 : memref<1x!tpu.dma_semaphore, #tpu.memory_space<semaphore_mem>> -> memref<!tpu.dma_semaphore, #tpu.memory_space<semaphore_mem>>
    tpu.enqueue_indirect_dma source(%dma_start3A_3918 : memref<1600000xf32, #tpu.memory_space<hbm>>) target(%dma_start3A_3914 : memref<512xf32, #tpu.memory_space<vmem>>) offsets(%dma_start3A_3916 : memref<512xi32, #tpu.memory_space<vmem>>) semaphore(%dma_start3A_3920 : memref<!tpu.dma_semaphore, #tpu.memory_space<semaphore_mem>>)
    %dma_wait3A = arith.constant 0 : i32
    %dma_wait3A_3921 = arith.constant 0 : i32
    %dma_wait3A_3922 = arith.constant 0 : i32
    %dma_wait3A_3923 = tpu.memref_slice %arg7[%dma_wait3A, %dma_wait3A_3922] : memref<16x512xf32, #tpu.memory_space<vmem>> -> memref<1x512xf32, #tpu.memory_space<vmem>>
    %dma_wait3A_3924 = tpu.memref_squeeze %dma_wait3A_3923 : memref<1x512xf32, #tpu.memory_space<vmem>> -> memref<512xf32, #tpu.memory_space<vmem>>
    %dma_wait3A_3925 = arith.constant 0 : i32
    %dma_wait3A_3926 = tpu.memref_slice %arg6[%dma_wait3A_3925] : memref<8192xi32, #tpu.memory_space<vmem>> -> memref<512xi32, #tpu.memory_space<vmem>>
    %dma_wait3A_3927 = arith.constant 0 : i32
    %dma_wait3A_3928 = tpu.memref_slice %arg3[%dma_wait3A_3927] : memref<1600000xf32, #tpu.memory_space<hbm>> -> memref<1600000xf32, #tpu.memory_space<hbm>>
    %dma_wait3A_3929 = tpu.memref_slice %arg8[%dma_wait3A_3921] : memref<16x!tpu.dma_semaphore, #tpu.memory_space<semaphore_mem>> -> memref<1x!tpu.dma_semaphore, #tpu.memory_space<semaphore_mem>>
    %dma_wait3A_3930 = tpu.memref_squeeze %dma_wait3A_3929 : memref<1x!tpu.dma_semaphore, #tpu.memory_space<semaphore_mem>> -> memref<!tpu.dma_semaphore, #tpu.memory_space<semaphore_mem>>
    tpu.wait_indirect_dma semaphore(%dma_wait3A_3930 : memref<!tpu.dma_semaphore, #tpu.memory_space<semaphore_mem>>) src(%dma_wait3A_3928 : memref<1600000xf32, #tpu.memory_space<hbm>>) dst(%dma_wait3A_3924 : memref<512xf32, #tpu.memory_space<vmem>>)
    %dma_start3A_3931 = arith.constant 0 : i32
    %dma_start3A_3932 = arith.constant 0 : i32
    %dma_start3A_3933 = arith.constant 0 : i32
    %dma_start3A_3934 = tpu.memref_slice %arg7[%dma_start3A_3931, %dma_start3A_3933] : memref<16x512xf32, #tpu.memory_space<vmem>> -> memref<1x512xf32, #tpu.memory_space<vmem>>
    %dma_start3A_3935 = tpu.memref_squeeze %dma_start3A_3934 : memref<1x512xf32, #tpu.memory_space<vmem>> -> memref<512xf32, #tpu.memory_space<vmem>>
    %dma_start3A_3936 = tpu.memref_slice %arg4[%dma_start3A_3932, %mul3A_2] : memref<16x16384xf32, #tpu.memory_space<hbm>> -> memref<1x512xf32, #tpu.memory_space<hbm>>
    %dma_start3A_3937 = tpu.memref_squeeze %dma_start3A_3936 : memref<1x512xf32, #tpu.memory_space<hbm>> -> memref<512xf32, #tpu.memory_space<hbm>>
    %dma_start3A_3938 = tpu.memref_slice %arg4[%dma_start3A_3932, %mul3A_2] : memref<16x16384xf32, #tpu.memory_space<hbm>> -> memref<1x512xf32, #tpu.memory_space<hbm>>
    %dma_start3A_3939 = tpu.memref_squeeze %dma_start3A_3938 : memref<1x512xf32, #tpu.memory_space<hbm>> -> memref<512xf32, #tpu.memory_space<hbm>>
    %dma_start3A_3940 = arith.constant 0 : i32
    %dma_start3A_3941 = tpu.memref_slice %arg7[%dma_start3A_3931, %dma_start3A_3940] : memref<16x512xf32, #tpu.memory_space<vmem>> -> memref<1x512xf32, #tpu.memory_space<vmem>>
    %dma_start3A_3942 = tpu.memref_squeeze %dma_start3A_3941 : memref<1x512xf32, #tpu.memory_space<vmem>> -> memref<512xf32, #tpu.memory_space<vmem>>
    tpu.enqueue_dma source(%dma_start3A_3942 : memref<512xf32, #tpu.memory_space<vmem>>) target(%dma_start3A_3939 : memref<512xf32, #tpu.memory_space<hbm>>) target_semaphore(%arg9 : memref<!tpu.dma_semaphore, #tpu.memory_space<semaphore_mem>>)
    %dma_wait3A_3943 = arith.constant 1 : i32
    %dma_wait3A_3944 = arith.constant 1 : i32
    %dma_wait3A_3945 = arith.constant 0 : i32
    %dma_wait3A_3946 = tpu.memref_slice %arg7[%dma_wait3A_3943, %dma_wait3A_3945] : memref<16x512xf32, #tpu.memory_space<vmem>> -> memref<1x512xf32, #tpu.memory_space<vmem>>
    %dma_wait3A_3947 = tpu.memref_squeeze %dma_wait3A_3946 : memref<1x512xf32, #tpu.memory_space<vmem>> -> memref<512xf32, #tpu.memory_space<vmem>>
    %dma_wait3A_3948 = arith.constant 512 : i32
    %dma_wait3A_3949 = tpu.memref_slice %arg6[%dma_wait3A_3948] : memref<8192xi32, #tpu.memory_space<vmem>> -> memref<512xi32, #tpu.memory_space<vmem>>
    %dma_wait3A_3950 = arith.constant 0 : i32
    %dma_wait3A_3951 = tpu.memref_slice %arg3[%dma_wait3A_3950] : memref<1600000xf32, #tpu.memory_space<hbm>> -> memref<1600000xf32, #tpu.memory_space<hbm>>
    %dma_wait3A_3952 = tpu.memref_slice %arg8[%dma_wait3A_3944] : memref<16x!tpu.dma_semaphore, #tpu.memory_space<semaphore_mem>> -> memref<1x!tpu.dma_semaphore, #tpu.memory_space<semaphore_mem>>
    %dma_wait3A_3953 = tpu.memref_squeeze %dma_wait3A_3952 : memref<1x!tpu.dma_semaphore, #tpu.memory_space<semaphore_mem>> -> memref<!tpu.dma_semaphore, #tpu.memory_space<semaphore_mem>>
    tpu.wait_indirect_dma semaphore(%dma_wait3A_3953 : memref<!tpu.dma_semaphore, #tpu.memory_space<semaphore_mem>>) src(%dma_wait3A_3951 : memref<1600000xf32, #tpu.memory_space<hbm>>) dst(%dma_wait3A_3947 : memref<512xf32, #tpu.memory_space<vmem>>)
    %dma_start3A_3954 = arith.constant 1 : i32
    %dma_start3A_3955 = arith.constant 1 : i32
    %dma_start3A_3956 = arith.constant 0 : i32
    %dma_start3A_3957 = tpu.memref_slice %arg7[%dma_start3A_3954, %dma_start3A_3956] : memref<16x512xf32, #tpu.memory_space<vmem>> -> memref<1x512xf32, #tpu.memory_space<vmem>>
    %dma_start3A_3958 = tpu.memref_squeeze %dma_start3A_3957 : memref<1x512xf32, #tpu.memory_space<vmem>> -> memref<512xf32, #tpu.memory_space<vmem>>
    %dma_start3A_3959 = tpu.memref_slice %arg4[%dma_start3A_3955, %mul3A_2] : memref<16x16384xf32, #tpu.memory_space<hbm>> -> memref<1x512xf32, #tpu.memory_space<hbm>>
    %dma_start3A_3960 = tpu.memref_squeeze %dma_start3A_3959 : memref<1x512xf32, #tpu.memory_space<hbm>> -> memref<512xf32, #tpu.memory_space<hbm>>
    %dma_start3A_3961 = tpu.memref_slice %arg4[%dma_start3A_3955, %mul3A_2] : memref<16x16384xf32, #tpu.memory_space<hbm>> -> memref<1x512xf32, #tpu.memory_space<hbm>>
    %dma_start3A_3962 = tpu.memref_squeeze %dma_start3A_3961 : memref<1x512xf32, #tpu.memory_space<hbm>> -> memref<512xf32, #tpu.memory_space<hbm>>
    %dma_start3A_3963 = arith.constant 0 : i32
    %dma_start3A_3964 = tpu.memref_slice %arg7[%dma_start3A_3954, %dma_start3A_3963] : memref<16x512xf32, #tpu.memory_space<vmem>> -> memref<1x512xf32, #tpu.memory_space<vmem>>
    %dma_start3A_3965 = tpu.memref_squeeze %dma_start3A_3964 : memref<1x512xf32, #tpu.memory_space<vmem>> -> memref<512xf32, #tpu.memory_space<vmem>>
    tpu.enqueue_dma source(%dma_start3A_3965 : memref<512xf32, #tpu.memory_space<vmem>>) target(%dma_start3A_3962 : memref<512xf32, #tpu.memory_space<hbm>>) target_semaphore(%arg9 : memref<!tpu.dma_semaphore, #tpu.memory_space<semaphore_mem>>)
    %dma_wait3A_3966 = arith.constant 2 : i32
    %dma_wait3A_3967 = arith.constant 2 : i32
    %dma_wait3A_3968 = arith.constant 0 : i32
    %dma_wait3A_3969 = tpu.memref_slice %arg7[%dma_wait3A_3966, %dma_wait3A_3968] : memref<16x512xf32, #tpu.memory_space<vmem>> -> memref<1x512xf32, #tpu.memory_space<vmem>>
    %dma_wait3A_3970 = tpu.memref_squeeze %dma_wait3A_3969 : memref<1x512xf32, #tpu.memory_space<vmem>> -> memref<512xf32, #tpu.memory_space<vmem>>
    %dma_wait3A_3971 = arith.constant 1024 : i32
    %dma_wait3A_3972 = tpu.memref_slice %arg6[%dma_wait3A_3971] : memref<8192xi32, #tpu.memory_space<vmem>> -> memref<512xi32, #tpu.memory_space<vmem>>
    %dma_wait3A_3973 = arith.constant 0 : i32
    %dma_wait3A_3974 = tpu.memref_slice %arg3[%dma_wait3A_3973] : memref<1600000xf32, #tpu.memory_space<hbm>> -> memref<1600000xf32, #tpu.memory_space<hbm>>
    %dma_wait3A_3975 = tpu.memref_slice %arg8[%dma_wait3A_3967] : memref<16x!tpu.dma_semaphore, #tpu.memory_space<semaphore_mem>> -> memref<1x!tpu.dma_semaphore, #tpu.memory_space<semaphore_mem>>
    %dma_wait3A_3976 = tpu.memref_squeeze %dma_wait3A_3975 : memref<1x!tpu.dma_semaphore, #tpu.memory_space<semaphore_mem>> -> memref<!tpu.dma_semaphore, #tpu.memory_space<semaphore_mem>>
    tpu.wait_indirect_dma semaphore(%dma_wait3A_3976 : memref<!tpu.dma_semaphore, #tpu.memory_space<semaphore_mem>>) src(%dma_wait3A_3974 : memref<1600000xf32, #tpu.memory_space<hbm>>) dst(%dma_wait3A_3970 : memref<512xf32, #tpu.memory_space<vmem>>)
    %dma_start3A_3977 = arith.constant 2 : i32
    %dma_start3A_3978 = arith.constant 2 : i32
    %dma_start3A_3979 = arith.constant 0 : i32
    %dma_start3A_3980 = tpu.memref_slice %arg7[%dma_start3A_3977, %dma_start3A_3979] : memref<16x512xf32, #tpu.memory_space<vmem>> -> memref<1x512xf32, #tpu.memory_space<vmem>>
    %dma_start3A_3981 = tpu.memref_squeeze %dma_start3A_3980 : memref<1x512xf32, #tpu.memory_space<vmem>> -> memref<512xf32, #tpu.memory_space<vmem>>
    %dma_start3A_3982 = tpu.memref_slice %arg4[%dma_start3A_3978, %mul3A_2] : memref<16x16384xf32, #tpu.memory_space<hbm>> -> memref<1x512xf32, #tpu.memory_space<hbm>>
    %dma_start3A_3983 = tpu.memref_squeeze %dma_start3A_3982 : memref<1x512xf32, #tpu.memory_space<hbm>> -> memref<512xf32, #tpu.memory_space<hbm>>
    %dma_start3A_3984 = tpu.memref_slice %arg4[%dma_start3A_3978, %mul3A_2] : memref<16x16384xf32, #tpu.memory_space<hbm>> -> memref<1x512xf32, #tpu.memory_space<hbm>>
    %dma_start3A_3985 = tpu.memref_squeeze %dma_start3A_3984 : memref<1x512xf32, #tpu.memory_space<hbm>> -> memref<512xf32, #tpu.memory_space<hbm>>
    %dma_start3A_3986 = arith.constant 0 : i32
    %dma_start3A_3987 = tpu.memref_slice %arg7[%dma_start3A_3977, %dma_start3A_3986] : memref<16x512xf32, #tpu.memory_space<vmem>> -> memref<1x512xf32, #tpu.memory_space<vmem>>
    %dma_start3A_3988 = tpu.memref_squeeze %dma_start3A_3987 : memref<1x512xf32, #tpu.memory_space<vmem>> -> memref<512xf32, #tpu.memory_space<vmem>>
    tpu.enqueue_dma source(%dma_start3A_3988 : memref<512xf32, #tpu.memory_space<vmem>>) target(%dma_start3A_3985 : memref<512xf32, #tpu.memory_space<hbm>>) target_semaphore(%arg9 : memref<!tpu.dma_semaphore, #tpu.memory_space<semaphore_mem>>)
    %dma_wait3A_3989 = arith.constant 3 : i32
    %dma_wait3A_3990 = arith.constant 3 : i32
    %dma_wait3A_3991 = arith.constant 0 : i32
    %dma_wait3A_3992 = tpu.memref_slice %arg7[%dma_wait3A_3989, %dma_wait3A_3991] : memref<16x512xf32, #tpu.memory_space<vmem>> -> memref<1x512xf32, #tpu.memory_space<vmem>>
    %dma_wait3A_3993 = tpu.memref_squeeze %dma_wait3A_3992 : memref<1x512xf32, #tpu.memory_space<vmem>> -> memref<512xf32, #tpu.memory_space<vmem>>
    %dma_wait3A_3994 = arith.constant 1536 : i32
    %dma_wait3A_3995 = tpu.memref_slice %arg6[%dma_wait3A_3994] : memref<8192xi32, #tpu.memory_space<vmem>> -> memref<512xi32, #tpu.memory_space<vmem>>
    %dma_wait3A_3996 = arith.constant 0 : i32
    %dma_wait3A_3997 = tpu.memref_slice %arg3[%dma_wait3A_3996] : memref<1600000xf32, #tpu.memory_space<hbm>> -> memref<1600000xf32, #tpu.memory_space<hbm>>
    %dma_wait3A_3998 = tpu.memref_slice %arg8[%dma_wait3A_3990] : memref<16x!tpu.dma_semaphore, #tpu.memory_space<semaphore_mem>> -> memref<1x!tpu.dma_semaphore, #tpu.memory_space<semaphore_mem>>
    %dma_wait3A_3999 = tpu.memref_squeeze %dma_wait3A_3998 : memref<1x!tpu.dma_semaphore, #tpu.memory_space<semaphore_mem>> -> memref<!tpu.dma_semaphore, #tpu.memory_space<semaphore_mem>>
    tpu.wait_indirect_dma semaphore(%dma_wait3A_3999 : memref<!tpu.dma_semaphore, #tpu.memory_space<semaphore_mem>>) src(%dma_wait3A_3997 : memref<1600000xf32, #tpu.memory_space<hbm>>) dst(%dma_wait3A_3993 : memref<512xf32, #tpu.memory_space<vmem>>)
    %dma_start3A_4000 = arith.constant 3 : i32
    %dma_start3A_4001 = arith.constant 3 : i32
    %dma_start3A_4002 = arith.constant 0 : i32
    %dma_start3A_4003 = tpu.memref_slice %arg7[%dma_start3A_4000, %dma_start3A_4002] : memref<16x512xf32, #tpu.memory_space<vmem>> -> memref<1x512xf32, #tpu.memory_space<vmem>>
    %dma_start3A_4004 = tpu.memref_squeeze %dma_start3A_4003 : memref<1x512xf32, #tpu.memory_space<vmem>> -> memref<512xf32, #tpu.memory_space<vmem>>
    %dma_start3A_4005 = tpu.memref_slice %arg4[%dma_start3A_4001, %mul3A_2] : memref<16x16384xf32, #tpu.memory_space<hbm>> -> memref<1x512xf32, #tpu.memory_space<hbm>>
    %dma_start3A_4006 = tpu.memref_squeeze %dma_start3A_4005 : memref<1x512xf32, #tpu.memory_space<hbm>> -> memref<512xf32, #tpu.memory_space<hbm>>
    %dma_start3A_4007 = tpu.memref_slice %arg4[%dma_start3A_4001, %mul3A_2] : memref<16x16384xf32, #tpu.memory_space<hbm>> -> memref<1x512xf32, #tpu.memory_space<hbm>>
    %dma_start3A_4008 = tpu.memref_squeeze %dma_start3A_4007 : memref<1x512xf32, #tpu.memory_space<hbm>> -> memref<512xf32, #tpu.memory_space<hbm>>
    %dma_start3A_4009 = arith.constant 0 : i32
    %dma_start3A_4010 = tpu.memref_slice %arg7[%dma_start3A_4000, %dma_start3A_4009] : memref<16x512xf32, #tpu.memory_space<vmem>> -> memref<1x512xf32, #tpu.memory_space<vmem>>
    %dma_start3A_4011 = tpu.memref_squeeze %dma_start3A_4010 : memref<1x512xf32, #tpu.memory_space<vmem>> -> memref<512xf32, #tpu.memory_space<vmem>>
    tpu.enqueue_dma source(%dma_start3A_4011 : memref<512xf32, #tpu.memory_space<vmem>>) target(%dma_start3A_4008 : memref<512xf32, #tpu.memory_space<hbm>>) target_semaphore(%arg9 : memref<!tpu.dma_semaphore, #tpu.memory_space<semaphore_mem>>)
    %dma_wait3A_4012 = arith.constant 4 : i32
    %dma_wait3A_4013 = arith.constant 4 : i32
    %dma_wait3A_4014 = arith.constant 0 : i32
    %dma_wait3A_4015 = tpu.memref_slice %arg7[%dma_wait3A_4012, %dma_wait3A_4014] : memref<16x512xf32, #tpu.memory_space<vmem>> -> memref<1x512xf32, #tpu.memory_space<vmem>>
    %dma_wait3A_4016 = tpu.memref_squeeze %dma_wait3A_4015 : memref<1x512xf32, #tpu.memory_space<vmem>> -> memref<512xf32, #tpu.memory_space<vmem>>
    %dma_wait3A_4017 = arith.constant 2048 : i32
    %dma_wait3A_4018 = tpu.memref_slice %arg6[%dma_wait3A_4017] : memref<8192xi32, #tpu.memory_space<vmem>> -> memref<512xi32, #tpu.memory_space<vmem>>
    %dma_wait3A_4019 = arith.constant 0 : i32
    %dma_wait3A_4020 = tpu.memref_slice %arg3[%dma_wait3A_4019] : memref<1600000xf32, #tpu.memory_space<hbm>> -> memref<1600000xf32, #tpu.memory_space<hbm>>
    %dma_wait3A_4021 = tpu.memref_slice %arg8[%dma_wait3A_4013] : memref<16x!tpu.dma_semaphore, #tpu.memory_space<semaphore_mem>> -> memref<1x!tpu.dma_semaphore, #tpu.memory_space<semaphore_mem>>
    %dma_wait3A_4022 = tpu.memref_squeeze %dma_wait3A_4021 : memref<1x!tpu.dma_semaphore, #tpu.memory_space<semaphore_mem>> -> memref<!tpu.dma_semaphore, #tpu.memory_space<semaphore_mem>>
    tpu.wait_indirect_dma semaphore(%dma_wait3A_4022 : memref<!tpu.dma_semaphore, #tpu.memory_space<semaphore_mem>>) src(%dma_wait3A_4020 : memref<1600000xf32, #tpu.memory_space<hbm>>) dst(%dma_wait3A_4016 : memref<512xf32, #tpu.memory_space<vmem>>)
    %dma_start3A_4023 = arith.constant 4 : i32
    %dma_start3A_4024 = arith.constant 4 : i32
    %dma_start3A_4025 = arith.constant 0 : i32
    %dma_start3A_4026 = tpu.memref_slice %arg7[%dma_start3A_4023, %dma_start3A_4025] : memref<16x512xf32, #tpu.memory_space<vmem>> -> memref<1x512xf32, #tpu.memory_space<vmem>>
    %dma_start3A_4027 = tpu.memref_squeeze %dma_start3A_4026 : memref<1x512xf32, #tpu.memory_space<vmem>> -> memref<512xf32, #tpu.memory_space<vmem>>
    %dma_start3A_4028 = tpu.memref_slice %arg4[%dma_start3A_4024, %mul3A_2] : memref<16x16384xf32, #tpu.memory_space<hbm>> -> memref<1x512xf32, #tpu.memory_space<hbm>>
    %dma_start3A_4029 = tpu.memref_squeeze %dma_start3A_4028 : memref<1x512xf32, #tpu.memory_space<hbm>> -> memref<512xf32, #tpu.memory_space<hbm>>
    %dma_start3A_4030 = tpu.memref_slice %arg4[%dma_start3A_4024, %mul3A_2] : memref<16x16384xf32, #tpu.memory_space<hbm>> -> memref<1x512xf32, #tpu.memory_space<hbm>>
    %dma_start3A_4031 = tpu.memref_squeeze %dma_start3A_4030 : memref<1x512xf32, #tpu.memory_space<hbm>> -> memref<512xf32, #tpu.memory_space<hbm>>
    %dma_start3A_4032 = arith.constant 0 : i32
    %dma_start3A_4033 = tpu.memref_slice %arg7[%dma_start3A_4023, %dma_start3A_4032] : memref<16x512xf32, #tpu.memory_space<vmem>> -> memref<1x512xf32, #tpu.memory_space<vmem>>
    %dma_start3A_4034 = tpu.memref_squeeze %dma_start3A_4033 : memref<1x512xf32, #tpu.memory_space<vmem>> -> memref<512xf32, #tpu.memory_space<vmem>>
    tpu.enqueue_dma source(%dma_start3A_4034 : memref<512xf32, #tpu.memory_space<vmem>>) target(%dma_start3A_4031 : memref<512xf32, #tpu.memory_space<hbm>>) target_semaphore(%arg9 : memref<!tpu.dma_semaphore, #tpu.memory_space<semaphore_mem>>)
    %dma_wait3A_4035 = arith.constant 5 : i32
    %dma_wait3A_4036 = arith.constant 5 : i32
    %dma_wait3A_4037 = arith.constant 0 : i32
    %dma_wait3A_4038 = tpu.memref_slice %arg7[%dma_wait3A_4035, %dma_wait3A_4037] : memref<16x512xf32, #tpu.memory_space<vmem>> -> memref<1x512xf32, #tpu.memory_space<vmem>>
    %dma_wait3A_4039 = tpu.memref_squeeze %dma_wait3A_4038 : memref<1x512xf32, #tpu.memory_space<vmem>> -> memref<512xf32, #tpu.memory_space<vmem>>
    %dma_wait3A_4040 = arith.constant 2560 : i32
    %dma_wait3A_4041 = tpu.memref_slice %arg6[%dma_wait3A_4040] : memref<8192xi32, #tpu.memory_space<vmem>> -> memref<512xi32, #tpu.memory_space<vmem>>
    %dma_wait3A_4042 = arith.constant 0 : i32
    %dma_wait3A_4043 = tpu.memref_slice %arg3[%dma_wait3A_4042] : memref<1600000xf32, #tpu.memory_space<hbm>> -> memref<1600000xf32, #tpu.memory_space<hbm>>
    %dma_wait3A_4044 = tpu.memref_slice %arg8[%dma_wait3A_4036] : memref<16x!tpu.dma_semaphore, #tpu.memory_space<semaphore_mem>> -> memref<1x!tpu.dma_semaphore, #tpu.memory_space<semaphore_mem>>
    %dma_wait3A_4045 = tpu.memref_squeeze %dma_wait3A_4044 : memref<1x!tpu.dma_semaphore, #tpu.memory_space<semaphore_mem>> -> memref<!tpu.dma_semaphore, #tpu.memory_space<semaphore_mem>>
    tpu.wait_indirect_dma semaphore(%dma_wait3A_4045 : memref<!tpu.dma_semaphore, #tpu.memory_space<semaphore_mem>>) src(%dma_wait3A_4043 : memref<1600000xf32, #tpu.memory_space<hbm>>) dst(%dma_wait3A_4039 : memref<512xf32, #tpu.memory_space<vmem>>)
    %dma_start3A_4046 = arith.constant 5 : i32
    %dma_start3A_4047 = arith.constant 5 : i32
    %dma_start3A_4048 = arith.constant 0 : i32
    %dma_start3A_4049 = tpu.memref_slice %arg7[%dma_start3A_4046, %dma_start3A_4048] : memref<16x512xf32, #tpu.memory_space<vmem>> -> memref<1x512xf32, #tpu.memory_space<vmem>>
    %dma_start3A_4050 = tpu.memref_squeeze %dma_start3A_4049 : memref<1x512xf32, #tpu.memory_space<vmem>> -> memref<512xf32, #tpu.memory_space<vmem>>
    %dma_start3A_4051 = tpu.memref_slice %arg4[%dma_start3A_4047, %mul3A_2] : memref<16x16384xf32, #tpu.memory_space<hbm>> -> memref<1x512xf32, #tpu.memory_space<hbm>>
    %dma_start3A_4052 = tpu.memref_squeeze %dma_start3A_4051 : memref<1x512xf32, #tpu.memory_space<hbm>> -> memref<512xf32, #tpu.memory_space<hbm>>
    %dma_start3A_4053 = tpu.memref_slice %arg4[%dma_start3A_4047, %mul3A_2] : memref<16x16384xf32, #tpu.memory_space<hbm>> -> memref<1x512xf32, #tpu.memory_space<hbm>>
    %dma_start3A_4054 = tpu.memref_squeeze %dma_start3A_4053 : memref<1x512xf32, #tpu.memory_space<hbm>> -> memref<512xf32, #tpu.memory_space<hbm>>
    %dma_start3A_4055 = arith.constant 0 : i32
    %dma_start3A_4056 = tpu.memref_slice %arg7[%dma_start3A_4046, %dma_start3A_4055] : memref<16x512xf32, #tpu.memory_space<vmem>> -> memref<1x512xf32, #tpu.memory_space<vmem>>
    %dma_start3A_4057 = tpu.memref_squeeze %dma_start3A_4056 : memref<1x512xf32, #tpu.memory_space<vmem>> -> memref<512xf32, #tpu.memory_space<vmem>>
    tpu.enqueue_dma source(%dma_start3A_4057 : memref<512xf32, #tpu.memory_space<vmem>>) target(%dma_start3A_4054 : memref<512xf32, #tpu.memory_space<hbm>>) target_semaphore(%arg9 : memref<!tpu.dma_semaphore, #tpu.memory_space<semaphore_mem>>)
    %dma_wait3A_4058 = arith.constant 6 : i32
    %dma_wait3A_4059 = arith.constant 6 : i32
    %dma_wait3A_4060 = arith.constant 0 : i32
    %dma_wait3A_4061 = tpu.memref_slice %arg7[%dma_wait3A_4058, %dma_wait3A_4060] : memref<16x512xf32, #tpu.memory_space<vmem>> -> memref<1x512xf32, #tpu.memory_space<vmem>>
    %dma_wait3A_4062 = tpu.memref_squeeze %dma_wait3A_4061 : memref<1x512xf32, #tpu.memory_space<vmem>> -> memref<512xf32, #tpu.memory_space<vmem>>
    %dma_wait3A_4063 = arith.constant 3072 : i32
    %dma_wait3A_4064 = tpu.memref_slice %arg6[%dma_wait3A_4063] : memref<8192xi32, #tpu.memory_space<vmem>> -> memref<512xi32, #tpu.memory_space<vmem>>
    %dma_wait3A_4065 = arith.constant 0 : i32
    %dma_wait3A_4066 = tpu.memref_slice %arg3[%dma_wait3A_4065] : memref<1600000xf32, #tpu.memory_space<hbm>> -> memref<1600000xf32, #tpu.memory_space<hbm>>
    %dma_wait3A_4067 = tpu.memref_slice %arg8[%dma_wait3A_4059] : memref<16x!tpu.dma_semaphore, #tpu.memory_space<semaphore_mem>> -> memref<1x!tpu.dma_semaphore, #tpu.memory_space<semaphore_mem>>
    %dma_wait3A_4068 = tpu.memref_squeeze %dma_wait3A_4067 : memref<1x!tpu.dma_semaphore, #tpu.memory_space<semaphore_mem>> -> memref<!tpu.dma_semaphore, #tpu.memory_space<semaphore_mem>>
    tpu.wait_indirect_dma semaphore(%dma_wait3A_4068 : memref<!tpu.dma_semaphore, #tpu.memory_space<semaphore_mem>>) src(%dma_wait3A_4066 : memref<1600000xf32, #tpu.memory_space<hbm>>) dst(%dma_wait3A_4062 : memref<512xf32, #tpu.memory_space<vmem>>)
    %dma_start3A_4069 = arith.constant 6 : i32
    %dma_start3A_4070 = arith.constant 6 : i32
    %dma_start3A_4071 = arith.constant 0 : i32
    %dma_start3A_4072 = tpu.memref_slice %arg7[%dma_start3A_4069, %dma_start3A_4071] : memref<16x512xf32, #tpu.memory_space<vmem>> -> memref<1x512xf32, #tpu.memory_space<vmem>>
    %dma_start3A_4073 = tpu.memref_squeeze %dma_start3A_4072 : memref<1x512xf32, #tpu.memory_space<vmem>> -> memref<512xf32, #tpu.memory_space<vmem>>
    %dma_start3A_4074 = tpu.memref_slice %arg4[%dma_start3A_4070, %mul3A_2] : memref<16x16384xf32, #tpu.memory_space<hbm>> -> memref<1x512xf32, #tpu.memory_space<hbm>>
    %dma_start3A_4075 = tpu.memref_squeeze %dma_start3A_4074 : memref<1x512xf32, #tpu.memory_space<hbm>> -> memref<512xf32, #tpu.memory_space<hbm>>
    %dma_start3A_4076 = tpu.memref_slice %arg4[%dma_start3A_4070, %mul3A_2] : memref<16x16384xf32, #tpu.memory_space<hbm>> -> memref<1x512xf32, #tpu.memory_space<hbm>>
    %dma_start3A_4077 = tpu.memref_squeeze %dma_start3A_4076 : memref<1x512xf32, #tpu.memory_space<hbm>> -> memref<512xf32, #tpu.memory_space<hbm>>
    %dma_start3A_4078 = arith.constant 0 : i32
    %dma_start3A_4079 = tpu.memref_slice %arg7[%dma_start3A_4069, %dma_start3A_4078] : memref<16x512xf32, #tpu.memory_space<vmem>> -> memref<1x512xf32, #tpu.memory_space<vmem>>
    %dma_start3A_4080 = tpu.memref_squeeze %dma_start3A_4079 : memref<1x512xf32, #tpu.memory_space<vmem>> -> memref<512xf32, #tpu.memory_space<vmem>>
    tpu.enqueue_dma source(%dma_start3A_4080 : memref<512xf32, #tpu.memory_space<vmem>>) target(%dma_start3A_4077 : memref<512xf32, #tpu.memory_space<hbm>>) target_semaphore(%arg9 : memref<!tpu.dma_semaphore, #tpu.memory_space<semaphore_mem>>)
    %dma_wait3A_4081 = arith.constant 7 : i32
    %dma_wait3A_4082 = arith.constant 7 : i32
    %dma_wait3A_4083 = arith.constant 0 : i32
    %dma_wait3A_4084 = tpu.memref_slice %arg7[%dma_wait3A_4081, %dma_wait3A_4083] : memref<16x512xf32, #tpu.memory_space<vmem>> -> memref<1x512xf32, #tpu.memory_space<vmem>>
    %dma_wait3A_4085 = tpu.memref_squeeze %dma_wait3A_4084 : memref<1x512xf32, #tpu.memory_space<vmem>> -> memref<512xf32, #tpu.memory_space<vmem>>
    %dma_wait3A_4086 = arith.constant 3584 : i32
    %dma_wait3A_4087 = tpu.memref_slice %arg6[%dma_wait3A_4086] : memref<8192xi32, #tpu.memory_space<vmem>> -> memref<512xi32, #tpu.memory_space<vmem>>
    %dma_wait3A_4088 = arith.constant 0 : i32
    %dma_wait3A_4089 = tpu.memref_slice %arg3[%dma_wait3A_4088] : memref<1600000xf32, #tpu.memory_space<hbm>> -> memref<1600000xf32, #tpu.memory_space<hbm>>
    %dma_wait3A_4090 = tpu.memref_slice %arg8[%dma_wait3A_4082] : memref<16x!tpu.dma_semaphore, #tpu.memory_space<semaphore_mem>> -> memref<1x!tpu.dma_semaphore, #tpu.memory_space<semaphore_mem>>
    %dma_wait3A_4091 = tpu.memref_squeeze %dma_wait3A_4090 : memref<1x!tpu.dma_semaphore, #tpu.memory_space<semaphore_mem>> -> memref<!tpu.dma_semaphore, #tpu.memory_space<semaphore_mem>>
    tpu.wait_indirect_dma semaphore(%dma_wait3A_4091 : memref<!tpu.dma_semaphore, #tpu.memory_space<semaphore_mem>>) src(%dma_wait3A_4089 : memref<1600000xf32, #tpu.memory_space<hbm>>) dst(%dma_wait3A_4085 : memref<512xf32, #tpu.memory_space<vmem>>)
    %dma_start3A_4092 = arith.constant 7 : i32
    %dma_start3A_4093 = arith.constant 7 : i32
    %dma_start3A_4094 = arith.constant 0 : i32
    %dma_start3A_4095 = tpu.memref_slice %arg7[%dma_start3A_4092, %dma_start3A_4094] : memref<16x512xf32, #tpu.memory_space<vmem>> -> memref<1x512xf32, #tpu.memory_space<vmem>>
    %dma_start3A_4096 = tpu.memref_squeeze %dma_start3A_4095 : memref<1x512xf32, #tpu.memory_space<vmem>> -> memref<512xf32, #tpu.memory_space<vmem>>
    %dma_start3A_4097 = tpu.memref_slice %arg4[%dma_start3A_4093, %mul3A_2] : memref<16x16384xf32, #tpu.memory_space<hbm>> -> memref<1x512xf32, #tpu.memory_space<hbm>>
    %dma_start3A_4098 = tpu.memref_squeeze %dma_start3A_4097 : memref<1x512xf32, #tpu.memory_space<hbm>> -> memref<512xf32, #tpu.memory_space<hbm>>
    %dma_start3A_4099 = tpu.memref_slice %arg4[%dma_start3A_4093, %mul3A_2] : memref<16x16384xf32, #tpu.memory_space<hbm>> -> memref<1x512xf32, #tpu.memory_space<hbm>>
    %dma_start3A_4100 = tpu.memref_squeeze %dma_start3A_4099 : memref<1x512xf32, #tpu.memory_space<hbm>> -> memref<512xf32, #tpu.memory_space<hbm>>
    %dma_start3A_4101 = arith.constant 0 : i32
    %dma_start3A_4102 = tpu.memref_slice %arg7[%dma_start3A_4092, %dma_start3A_4101] : memref<16x512xf32, #tpu.memory_space<vmem>> -> memref<1x512xf32, #tpu.memory_space<vmem>>
    %dma_start3A_4103 = tpu.memref_squeeze %dma_start3A_4102 : memref<1x512xf32, #tpu.memory_space<vmem>> -> memref<512xf32, #tpu.memory_space<vmem>>
    tpu.enqueue_dma source(%dma_start3A_4103 : memref<512xf32, #tpu.memory_space<vmem>>) target(%dma_start3A_4100 : memref<512xf32, #tpu.memory_space<hbm>>) target_semaphore(%arg9 : memref<!tpu.dma_semaphore, #tpu.memory_space<semaphore_mem>>)
    %dma_wait3A_4104 = arith.constant 8 : i32
    %dma_wait3A_4105 = arith.constant 8 : i32
    %dma_wait3A_4106 = arith.constant 0 : i32
    %dma_wait3A_4107 = tpu.memref_slice %arg7[%dma_wait3A_4104, %dma_wait3A_4106] : memref<16x512xf32, #tpu.memory_space<vmem>> -> memref<1x512xf32, #tpu.memory_space<vmem>>
    %dma_wait3A_4108 = tpu.memref_squeeze %dma_wait3A_4107 : memref<1x512xf32, #tpu.memory_space<vmem>> -> memref<512xf32, #tpu.memory_space<vmem>>
    %dma_wait3A_4109 = arith.constant 4096 : i32
    %dma_wait3A_4110 = tpu.memref_slice %arg6[%dma_wait3A_4109] : memref<8192xi32, #tpu.memory_space<vmem>> -> memref<512xi32, #tpu.memory_space<vmem>>
    %dma_wait3A_4111 = arith.constant 0 : i32
    %dma_wait3A_4112 = tpu.memref_slice %arg3[%dma_wait3A_4111] : memref<1600000xf32, #tpu.memory_space<hbm>> -> memref<1600000xf32, #tpu.memory_space<hbm>>
    %dma_wait3A_4113 = tpu.memref_slice %arg8[%dma_wait3A_4105] : memref<16x!tpu.dma_semaphore, #tpu.memory_space<semaphore_mem>> -> memref<1x!tpu.dma_semaphore, #tpu.memory_space<semaphore_mem>>
    %dma_wait3A_4114 = tpu.memref_squeeze %dma_wait3A_4113 : memref<1x!tpu.dma_semaphore, #tpu.memory_space<semaphore_mem>> -> memref<!tpu.dma_semaphore, #tpu.memory_space<semaphore_mem>>
    tpu.wait_indirect_dma semaphore(%dma_wait3A_4114 : memref<!tpu.dma_semaphore, #tpu.memory_space<semaphore_mem>>) src(%dma_wait3A_4112 : memref<1600000xf32, #tpu.memory_space<hbm>>) dst(%dma_wait3A_4108 : memref<512xf32, #tpu.memory_space<vmem>>)
    %dma_start3A_4115 = arith.constant 8 : i32
    %dma_start3A_4116 = arith.constant 8 : i32
    %dma_start3A_4117 = arith.constant 0 : i32
    %dma_start3A_4118 = tpu.memref_slice %arg7[%dma_start3A_4115, %dma_start3A_4117] : memref<16x512xf32, #tpu.memory_space<vmem>> -> memref<1x512xf32, #tpu.memory_space<vmem>>
    %dma_start3A_4119 = tpu.memref_squeeze %dma_start3A_4118 : memref<1x512xf32, #tpu.memory_space<vmem>> -> memref<512xf32, #tpu.memory_space<vmem>>
    %dma_start3A_4120 = tpu.memref_slice %arg4[%dma_start3A_4116, %mul3A_2] : memref<16x16384xf32, #tpu.memory_space<hbm>> -> memref<1x512xf32, #tpu.memory_space<hbm>>
    %dma_start3A_4121 = tpu.memref_squeeze %dma_start3A_4120 : memref<1x512xf32, #tpu.memory_space<hbm>> -> memref<512xf32, #tpu.memory_space<hbm>>
    %dma_start3A_4122 = tpu.memref_slice %arg4[%dma_start3A_4116, %mul3A_2] : memref<16x16384xf32, #tpu.memory_space<hbm>> -> memref<1x512xf32, #tpu.memory_space<hbm>>
    %dma_start3A_4123 = tpu.memref_squeeze %dma_start3A_4122 : memref<1x512xf32, #tpu.memory_space<hbm>> -> memref<512xf32, #tpu.memory_space<hbm>>
    %dma_start3A_4124 = arith.constant 0 : i32
    %dma_start3A_4125 = tpu.memref_slice %arg7[%dma_start3A_4115, %dma_start3A_4124] : memref<16x512xf32, #tpu.memory_space<vmem>> -> memref<1x512xf32, #tpu.memory_space<vmem>>
    %dma_start3A_4126 = tpu.memref_squeeze %dma_start3A_4125 : memref<1x512xf32, #tpu.memory_space<vmem>> -> memref<512xf32, #tpu.memory_space<vmem>>
    tpu.enqueue_dma source(%dma_start3A_4126 : memref<512xf32, #tpu.memory_space<vmem>>) target(%dma_start3A_4123 : memref<512xf32, #tpu.memory_space<hbm>>) target_semaphore(%arg9 : memref<!tpu.dma_semaphore, #tpu.memory_space<semaphore_mem>>)
    %dma_wait3A_4127 = arith.constant 9 : i32
    %dma_wait3A_4128 = arith.constant 9 : i32
    %dma_wait3A_4129 = arith.constant 0 : i32
    %dma_wait3A_4130 = tpu.memref_slice %arg7[%dma_wait3A_4127, %dma_wait3A_4129] : memref<16x512xf32, #tpu.memory_space<vmem>> -> memref<1x512xf32, #tpu.memory_space<vmem>>
    %dma_wait3A_4131 = tpu.memref_squeeze %dma_wait3A_4130 : memref<1x512xf32, #tpu.memory_space<vmem>> -> memref<512xf32, #tpu.memory_space<vmem>>
    %dma_wait3A_4132 = arith.constant 4608 : i32
    %dma_wait3A_4133 = tpu.memref_slice %arg6[%dma_wait3A_4132] : memref<8192xi32, #tpu.memory_space<vmem>> -> memref<512xi32, #tpu.memory_space<vmem>>
    %dma_wait3A_4134 = arith.constant 0 : i32
    %dma_wait3A_4135 = tpu.memref_slice %arg3[%dma_wait3A_4134] : memref<1600000xf32, #tpu.memory_space<hbm>> -> memref<1600000xf32, #tpu.memory_space<hbm>>
    %dma_wait3A_4136 = tpu.memref_slice %arg8[%dma_wait3A_4128] : memref<16x!tpu.dma_semaphore, #tpu.memory_space<semaphore_mem>> -> memref<1x!tpu.dma_semaphore, #tpu.memory_space<semaphore_mem>>
    %dma_wait3A_4137 = tpu.memref_squeeze %dma_wait3A_4136 : memref<1x!tpu.dma_semaphore, #tpu.memory_space<semaphore_mem>> -> memref<!tpu.dma_semaphore, #tpu.memory_space<semaphore_mem>>
    tpu.wait_indirect_dma semaphore(%dma_wait3A_4137 : memref<!tpu.dma_semaphore, #tpu.memory_space<semaphore_mem>>) src(%dma_wait3A_4135 : memref<1600000xf32, #tpu.memory_space<hbm>>) dst(%dma_wait3A_4131 : memref<512xf32, #tpu.memory_space<vmem>>)
    %dma_start3A_4138 = arith.constant 9 : i32
    %dma_start3A_4139 = arith.constant 9 : i32
    %dma_start3A_4140 = arith.constant 0 : i32
    %dma_start3A_4141 = tpu.memref_slice %arg7[%dma_start3A_4138, %dma_start3A_4140] : memref<16x512xf32, #tpu.memory_space<vmem>> -> memref<1x512xf32, #tpu.memory_space<vmem>>
    %dma_start3A_4142 = tpu.memref_squeeze %dma_start3A_4141 : memref<1x512xf32, #tpu.memory_space<vmem>> -> memref<512xf32, #tpu.memory_space<vmem>>
    %dma_start3A_4143 = tpu.memref_slice %arg4[%dma_start3A_4139, %mul3A_2] : memref<16x16384xf32, #tpu.memory_space<hbm>> -> memref<1x512xf32, #tpu.memory_space<hbm>>
    %dma_start3A_4144 = tpu.memref_squeeze %dma_start3A_4143 : memref<1x512xf32, #tpu.memory_space<hbm>> -> memref<512xf32, #tpu.memory_space<hbm>>
    %dma_start3A_4145 = tpu.memref_slice %arg4[%dma_start3A_4139, %mul3A_2] : memref<16x16384xf32, #tpu.memory_space<hbm>> -> memref<1x512xf32, #tpu.memory_space<hbm>>
    %dma_start3A_4146 = tpu.memref_squeeze %dma_start3A_4145 : memref<1x512xf32, #tpu.memory_space<hbm>> -> memref<512xf32, #tpu.memory_space<hbm>>
    %dma_start3A_4147 = arith.constant 0 : i32
    %dma_start3A_4148 = tpu.memref_slice %arg7[%dma_start3A_4138, %dma_start3A_4147] : memref<16x512xf32, #tpu.memory_space<vmem>> -> memref<1x512xf32, #tpu.memory_space<vmem>>
    %dma_start3A_4149 = tpu.memref_squeeze %dma_start3A_4148 : memref<1x512xf32, #tpu.memory_space<vmem>> -> memref<512xf32, #tpu.memory_space<vmem>>
    tpu.enqueue_dma source(%dma_start3A_4149 : memref<512xf32, #tpu.memory_space<vmem>>) target(%dma_start3A_4146 : memref<512xf32, #tpu.memory_space<hbm>>) target_semaphore(%arg9 : memref<!tpu.dma_semaphore, #tpu.memory_space<semaphore_mem>>)
    %dma_wait3A_4150 = arith.constant 10 : i32
    %dma_wait3A_4151 = arith.constant 10 : i32
    %dma_wait3A_4152 = arith.constant 0 : i32
    %dma_wait3A_4153 = tpu.memref_slice %arg7[%dma_wait3A_4150, %dma_wait3A_4152] : memref<16x512xf32, #tpu.memory_space<vmem>> -> memref<1x512xf32, #tpu.memory_space<vmem>>
    %dma_wait3A_4154 = tpu.memref_squeeze %dma_wait3A_4153 : memref<1x512xf32, #tpu.memory_space<vmem>> -> memref<512xf32, #tpu.memory_space<vmem>>
    %dma_wait3A_4155 = arith.constant 5120 : i32
    %dma_wait3A_4156 = tpu.memref_slice %arg6[%dma_wait3A_4155] : memref<8192xi32, #tpu.memory_space<vmem>> -> memref<512xi32, #tpu.memory_space<vmem>>
    %dma_wait3A_4157 = arith.constant 0 : i32
    %dma_wait3A_4158 = tpu.memref_slice %arg3[%dma_wait3A_4157] : memref<1600000xf32, #tpu.memory_space<hbm>> -> memref<1600000xf32, #tpu.memory_space<hbm>>
    %dma_wait3A_4159 = tpu.memref_slice %arg8[%dma_wait3A_4151] : memref<16x!tpu.dma_semaphore, #tpu.memory_space<semaphore_mem>> -> memref<1x!tpu.dma_semaphore, #tpu.memory_space<semaphore_mem>>
    %dma_wait3A_4160 = tpu.memref_squeeze %dma_wait3A_4159 : memref<1x!tpu.dma_semaphore, #tpu.memory_space<semaphore_mem>> -> memref<!tpu.dma_semaphore, #tpu.memory_space<semaphore_mem>>
    tpu.wait_indirect_dma semaphore(%dma_wait3A_4160 : memref<!tpu.dma_semaphore, #tpu.memory_space<semaphore_mem>>) src(%dma_wait3A_4158 : memref<1600000xf32, #tpu.memory_space<hbm>>) dst(%dma_wait3A_4154 : memref<512xf32, #tpu.memory_space<vmem>>)
    %dma_start3A_4161 = arith.constant 10 : i32
    %dma_start3A_4162 = arith.constant 10 : i32
    %dma_start3A_4163 = arith.constant 0 : i32
    %dma_start3A_4164 = tpu.memref_slice %arg7[%dma_start3A_4161, %dma_start3A_4163] : memref<16x512xf32, #tpu.memory_space<vmem>> -> memref<1x512xf32, #tpu.memory_space<vmem>>
    %dma_start3A_4165 = tpu.memref_squeeze %dma_start3A_4164 : memref<1x512xf32, #tpu.memory_space<vmem>> -> memref<512xf32, #tpu.memory_space<vmem>>
    %dma_start3A_4166 = tpu.memref_slice %arg4[%dma_start3A_4162, %mul3A_2] : memref<16x16384xf32, #tpu.memory_space<hbm>> -> memref<1x512xf32, #tpu.memory_space<hbm>>
    %dma_start3A_4167 = tpu.memref_squeeze %dma_start3A_4166 : memref<1x512xf32, #tpu.memory_space<hbm>> -> memref<512xf32, #tpu.memory_space<hbm>>
    %dma_start3A_4168 = tpu.memref_slice %arg4[%dma_start3A_4162, %mul3A_2] : memref<16x16384xf32, #tpu.memory_space<hbm>> -> memref<1x512xf32, #tpu.memory_space<hbm>>
    %dma_start3A_4169 = tpu.memref_squeeze %dma_start3A_4168 : memref<1x512xf32, #tpu.memory_space<hbm>> -> memref<512xf32, #tpu.memory_space<hbm>>
    %dma_start3A_4170 = arith.constant 0 : i32
    %dma_start3A_4171 = tpu.memref_slice %arg7[%dma_start3A_4161, %dma_start3A_4170] : memref<16x512xf32, #tpu.memory_space<vmem>> -> memref<1x512xf32, #tpu.memory_space<vmem>>
    %dma_start3A_4172 = tpu.memref_squeeze %dma_start3A_4171 : memref<1x512xf32, #tpu.memory_space<vmem>> -> memref<512xf32, #tpu.memory_space<vmem>>
    tpu.enqueue_dma source(%dma_start3A_4172 : memref<512xf32, #tpu.memory_space<vmem>>) target(%dma_start3A_4169 : memref<512xf32, #tpu.memory_space<hbm>>) target_semaphore(%arg9 : memref<!tpu.dma_semaphore, #tpu.memory_space<semaphore_mem>>)
    %dma_wait3A_4173 = arith.constant 11 : i32
    %dma_wait3A_4174 = arith.constant 11 : i32
    %dma_wait3A_4175 = arith.constant 0 : i32
    %dma_wait3A_4176 = tpu.memref_slice %arg7[%dma_wait3A_4173, %dma_wait3A_4175] : memref<16x512xf32, #tpu.memory_space<vmem>> -> memref<1x512xf32, #tpu.memory_space<vmem>>
    %dma_wait3A_4177 = tpu.memref_squeeze %dma_wait3A_4176 : memref<1x512xf32, #tpu.memory_space<vmem>> -> memref<512xf32, #tpu.memory_space<vmem>>
    %dma_wait3A_4178 = arith.constant 5632 : i32
    %dma_wait3A_4179 = tpu.memref_slice %arg6[%dma_wait3A_4178] : memref<8192xi32, #tpu.memory_space<vmem>> -> memref<512xi32, #tpu.memory_space<vmem>>
    %dma_wait3A_4180 = arith.constant 0 : i32
    %dma_wait3A_4181 = tpu.memref_slice %arg3[%dma_wait3A_4180] : memref<1600000xf32, #tpu.memory_space<hbm>> -> memref<1600000xf32, #tpu.memory_space<hbm>>
    %dma_wait3A_4182 = tpu.memref_slice %arg8[%dma_wait3A_4174] : memref<16x!tpu.dma_semaphore, #tpu.memory_space<semaphore_mem>> -> memref<1x!tpu.dma_semaphore, #tpu.memory_space<semaphore_mem>>
    %dma_wait3A_4183 = tpu.memref_squeeze %dma_wait3A_4182 : memref<1x!tpu.dma_semaphore, #tpu.memory_space<semaphore_mem>> -> memref<!tpu.dma_semaphore, #tpu.memory_space<semaphore_mem>>
    tpu.wait_indirect_dma semaphore(%dma_wait3A_4183 : memref<!tpu.dma_semaphore, #tpu.memory_space<semaphore_mem>>) src(%dma_wait3A_4181 : memref<1600000xf32, #tpu.memory_space<hbm>>) dst(%dma_wait3A_4177 : memref<512xf32, #tpu.memory_space<vmem>>)
    %dma_start3A_4184 = arith.constant 11 : i32
    %dma_start3A_4185 = arith.constant 11 : i32
    %dma_start3A_4186 = arith.constant 0 : i32
    %dma_start3A_4187 = tpu.memref_slice %arg7[%dma_start3A_4184, %dma_start3A_4186] : memref<16x512xf32, #tpu.memory_space<vmem>> -> memref<1x512xf32, #tpu.memory_space<vmem>>
    %dma_start3A_4188 = tpu.memref_squeeze %dma_start3A_4187 : memref<1x512xf32, #tpu.memory_space<vmem>> -> memref<512xf32, #tpu.memory_space<vmem>>
    %dma_start3A_4189 = tpu.memref_slice %arg4[%dma_start3A_4185, %mul3A_2] : memref<16x16384xf32, #tpu.memory_space<hbm>> -> memref<1x512xf32, #tpu.memory_space<hbm>>
    %dma_start3A_4190 = tpu.memref_squeeze %dma_start3A_4189 : memref<1x512xf32, #tpu.memory_space<hbm>> -> memref<512xf32, #tpu.memory_space<hbm>>
    %dma_start3A_4191 = tpu.memref_slice %arg4[%dma_start3A_4185, %mul3A_2] : memref<16x16384xf32, #tpu.memory_space<hbm>> -> memref<1x512xf32, #tpu.memory_space<hbm>>
    %dma_start3A_4192 = tpu.memref_squeeze %dma_start3A_4191 : memref<1x512xf32, #tpu.memory_space<hbm>> -> memref<512xf32, #tpu.memory_space<hbm>>
    %dma_start3A_4193 = arith.constant 0 : i32
    %dma_start3A_4194 = tpu.memref_slice %arg7[%dma_start3A_4184, %dma_start3A_4193] : memref<16x512xf32, #tpu.memory_space<vmem>> -> memref<1x512xf32, #tpu.memory_space<vmem>>
    %dma_start3A_4195 = tpu.memref_squeeze %dma_start3A_4194 : memref<1x512xf32, #tpu.memory_space<vmem>> -> memref<512xf32, #tpu.memory_space<vmem>>
    tpu.enqueue_dma source(%dma_start3A_4195 : memref<512xf32, #tpu.memory_space<vmem>>) target(%dma_start3A_4192 : memref<512xf32, #tpu.memory_space<hbm>>) target_semaphore(%arg9 : memref<!tpu.dma_semaphore, #tpu.memory_space<semaphore_mem>>)
    %dma_wait3A_4196 = arith.constant 12 : i32
    %dma_wait3A_4197 = arith.constant 12 : i32
    %dma_wait3A_4198 = arith.constant 0 : i32
    %dma_wait3A_4199 = tpu.memref_slice %arg7[%dma_wait3A_4196, %dma_wait3A_4198] : memref<16x512xf32, #tpu.memory_space<vmem>> -> memref<1x512xf32, #tpu.memory_space<vmem>>
    %dma_wait3A_4200 = tpu.memref_squeeze %dma_wait3A_4199 : memref<1x512xf32, #tpu.memory_space<vmem>> -> memref<512xf32, #tpu.memory_space<vmem>>
    %dma_wait3A_4201 = arith.constant 6144 : i32
    %dma_wait3A_4202 = tpu.memref_slice %arg6[%dma_wait3A_4201] : memref<8192xi32, #tpu.memory_space<vmem>> -> memref<512xi32, #tpu.memory_space<vmem>>
    %dma_wait3A_4203 = arith.constant 0 : i32
    %dma_wait3A_4204 = tpu.memref_slice %arg3[%dma_wait3A_4203] : memref<1600000xf32, #tpu.memory_space<hbm>> -> memref<1600000xf32, #tpu.memory_space<hbm>>
    %dma_wait3A_4205 = tpu.memref_slice %arg8[%dma_wait3A_4197] : memref<16x!tpu.dma_semaphore, #tpu.memory_space<semaphore_mem>> -> memref<1x!tpu.dma_semaphore, #tpu.memory_space<semaphore_mem>>
    %dma_wait3A_4206 = tpu.memref_squeeze %dma_wait3A_4205 : memref<1x!tpu.dma_semaphore, #tpu.memory_space<semaphore_mem>> -> memref<!tpu.dma_semaphore, #tpu.memory_space<semaphore_mem>>
    tpu.wait_indirect_dma semaphore(%dma_wait3A_4206 : memref<!tpu.dma_semaphore, #tpu.memory_space<semaphore_mem>>) src(%dma_wait3A_4204 : memref<1600000xf32, #tpu.memory_space<hbm>>) dst(%dma_wait3A_4200 : memref<512xf32, #tpu.memory_space<vmem>>)
    %dma_start3A_4207 = arith.constant 12 : i32
    %dma_start3A_4208 = arith.constant 12 : i32
    %dma_start3A_4209 = arith.constant 0 : i32
    %dma_start3A_4210 = tpu.memref_slice %arg7[%dma_start3A_4207, %dma_start3A_4209] : memref<16x512xf32, #tpu.memory_space<vmem>> -> memref<1x512xf32, #tpu.memory_space<vmem>>
    %dma_start3A_4211 = tpu.memref_squeeze %dma_start3A_4210 : memref<1x512xf32, #tpu.memory_space<vmem>> -> memref<512xf32, #tpu.memory_space<vmem>>
    %dma_start3A_4212 = tpu.memref_slice %arg4[%dma_start3A_4208, %mul3A_2] : memref<16x16384xf32, #tpu.memory_space<hbm>> -> memref<1x512xf32, #tpu.memory_space<hbm>>
    %dma_start3A_4213 = tpu.memref_squeeze %dma_start3A_4212 : memref<1x512xf32, #tpu.memory_space<hbm>> -> memref<512xf32, #tpu.memory_space<hbm>>
    %dma_start3A_4214 = tpu.memref_slice %arg4[%dma_start3A_4208, %mul3A_2] : memref<16x16384xf32, #tpu.memory_space<hbm>> -> memref<1x512xf32, #tpu.memory_space<hbm>>
    %dma_start3A_4215 = tpu.memref_squeeze %dma_start3A_4214 : memref<1x512xf32, #tpu.memory_space<hbm>> -> memref<512xf32, #tpu.memory_space<hbm>>
    %dma_start3A_4216 = arith.constant 0 : i32
    %dma_start3A_4217 = tpu.memref_slice %arg7[%dma_start3A_4207, %dma_start3A_4216] : memref<16x512xf32, #tpu.memory_space<vmem>> -> memref<1x512xf32, #tpu.memory_space<vmem>>
    %dma_start3A_4218 = tpu.memref_squeeze %dma_start3A_4217 : memref<1x512xf32, #tpu.memory_space<vmem>> -> memref<512xf32, #tpu.memory_space<vmem>>
    tpu.enqueue_dma source(%dma_start3A_4218 : memref<512xf32, #tpu.memory_space<vmem>>) target(%dma_start3A_4215 : memref<512xf32, #tpu.memory_space<hbm>>) target_semaphore(%arg9 : memref<!tpu.dma_semaphore, #tpu.memory_space<semaphore_mem>>)
    %dma_wait3A_4219 = arith.constant 13 : i32
    %dma_wait3A_4220 = arith.constant 13 : i32
    %dma_wait3A_4221 = arith.constant 0 : i32
    %dma_wait3A_4222 = tpu.memref_slice %arg7[%dma_wait3A_4219, %dma_wait3A_4221] : memref<16x512xf32, #tpu.memory_space<vmem>> -> memref<1x512xf32, #tpu.memory_space<vmem>>
    %dma_wait3A_4223 = tpu.memref_squeeze %dma_wait3A_4222 : memref<1x512xf32, #tpu.memory_space<vmem>> -> memref<512xf32, #tpu.memory_space<vmem>>
    %dma_wait3A_4224 = arith.constant 6656 : i32
    %dma_wait3A_4225 = tpu.memref_slice %arg6[%dma_wait3A_4224] : memref<8192xi32, #tpu.memory_space<vmem>> -> memref<512xi32, #tpu.memory_space<vmem>>
    %dma_wait3A_4226 = arith.constant 0 : i32
    %dma_wait3A_4227 = tpu.memref_slice %arg3[%dma_wait3A_4226] : memref<1600000xf32, #tpu.memory_space<hbm>> -> memref<1600000xf32, #tpu.memory_space<hbm>>
    %dma_wait3A_4228 = tpu.memref_slice %arg8[%dma_wait3A_4220] : memref<16x!tpu.dma_semaphore, #tpu.memory_space<semaphore_mem>> -> memref<1x!tpu.dma_semaphore, #tpu.memory_space<semaphore_mem>>
    %dma_wait3A_4229 = tpu.memref_squeeze %dma_wait3A_4228 : memref<1x!tpu.dma_semaphore, #tpu.memory_space<semaphore_mem>> -> memref<!tpu.dma_semaphore, #tpu.memory_space<semaphore_mem>>
    tpu.wait_indirect_dma semaphore(%dma_wait3A_4229 : memref<!tpu.dma_semaphore, #tpu.memory_space<semaphore_mem>>) src(%dma_wait3A_4227 : memref<1600000xf32, #tpu.memory_space<hbm>>) dst(%dma_wait3A_4223 : memref<512xf32, #tpu.memory_space<vmem>>)
    %dma_start3A_4230 = arith.constant 13 : i32
    %dma_start3A_4231 = arith.constant 13 : i32
    %dma_start3A_4232 = arith.constant 0 : i32
    %dma_start3A_4233 = tpu.memref_slice %arg7[%dma_start3A_4230, %dma_start3A_4232] : memref<16x512xf32, #tpu.memory_space<vmem>> -> memref<1x512xf32, #tpu.memory_space<vmem>>
    %dma_start3A_4234 = tpu.memref_squeeze %dma_start3A_4233 : memref<1x512xf32, #tpu.memory_space<vmem>> -> memref<512xf32, #tpu.memory_space<vmem>>
    %dma_start3A_4235 = tpu.memref_slice %arg4[%dma_start3A_4231, %mul3A_2] : memref<16x16384xf32, #tpu.memory_space<hbm>> -> memref<1x512xf32, #tpu.memory_space<hbm>>
    %dma_start3A_4236 = tpu.memref_squeeze %dma_start3A_4235 : memref<1x512xf32, #tpu.memory_space<hbm>> -> memref<512xf32, #tpu.memory_space<hbm>>
    %dma_start3A_4237 = tpu.memref_slice %arg4[%dma_start3A_4231, %mul3A_2] : memref<16x16384xf32, #tpu.memory_space<hbm>> -> memref<1x512xf32, #tpu.memory_space<hbm>>
    %dma_start3A_4238 = tpu.memref_squeeze %dma_start3A_4237 : memref<1x512xf32, #tpu.memory_space<hbm>> -> memref<512xf32, #tpu.memory_space<hbm>>
    %dma_start3A_4239 = arith.constant 0 : i32
    %dma_start3A_4240 = tpu.memref_slice %arg7[%dma_start3A_4230, %dma_start3A_4239] : memref<16x512xf32, #tpu.memory_space<vmem>> -> memref<1x512xf32, #tpu.memory_space<vmem>>
    %dma_start3A_4241 = tpu.memref_squeeze %dma_start3A_4240 : memref<1x512xf32, #tpu.memory_space<vmem>> -> memref<512xf32, #tpu.memory_space<vmem>>
    tpu.enqueue_dma source(%dma_start3A_4241 : memref<512xf32, #tpu.memory_space<vmem>>) target(%dma_start3A_4238 : memref<512xf32, #tpu.memory_space<hbm>>) target_semaphore(%arg9 : memref<!tpu.dma_semaphore, #tpu.memory_space<semaphore_mem>>)
    %dma_wait3A_4242 = arith.constant 14 : i32
    %dma_wait3A_4243 = arith.constant 14 : i32
    %dma_wait3A_4244 = arith.constant 0 : i32
    %dma_wait3A_4245 = tpu.memref_slice %arg7[%dma_wait3A_4242, %dma_wait3A_4244] : memref<16x512xf32, #tpu.memory_space<vmem>> -> memref<1x512xf32, #tpu.memory_space<vmem>>
    %dma_wait3A_4246 = tpu.memref_squeeze %dma_wait3A_4245 : memref<1x512xf32, #tpu.memory_space<vmem>> -> memref<512xf32, #tpu.memory_space<vmem>>
    %dma_wait3A_4247 = arith.constant 7168 : i32
    %dma_wait3A_4248 = tpu.memref_slice %arg6[%dma_wait3A_4247] : memref<8192xi32, #tpu.memory_space<vmem>> -> memref<512xi32, #tpu.memory_space<vmem>>
    %dma_wait3A_4249 = arith.constant 0 : i32
    %dma_wait3A_4250 = tpu.memref_slice %arg3[%dma_wait3A_4249] : memref<1600000xf32, #tpu.memory_space<hbm>> -> memref<1600000xf32, #tpu.memory_space<hbm>>
    %dma_wait3A_4251 = tpu.memref_slice %arg8[%dma_wait3A_4243] : memref<16x!tpu.dma_semaphore, #tpu.memory_space<semaphore_mem>> -> memref<1x!tpu.dma_semaphore, #tpu.memory_space<semaphore_mem>>
    %dma_wait3A_4252 = tpu.memref_squeeze %dma_wait3A_4251 : memref<1x!tpu.dma_semaphore, #tpu.memory_space<semaphore_mem>> -> memref<!tpu.dma_semaphore, #tpu.memory_space<semaphore_mem>>
    tpu.wait_indirect_dma semaphore(%dma_wait3A_4252 : memref<!tpu.dma_semaphore, #tpu.memory_space<semaphore_mem>>) src(%dma_wait3A_4250 : memref<1600000xf32, #tpu.memory_space<hbm>>) dst(%dma_wait3A_4246 : memref<512xf32, #tpu.memory_space<vmem>>)
    %dma_start3A_4253 = arith.constant 14 : i32
    %dma_start3A_4254 = arith.constant 14 : i32
    %dma_start3A_4255 = arith.constant 0 : i32
    %dma_start3A_4256 = tpu.memref_slice %arg7[%dma_start3A_4253, %dma_start3A_4255] : memref<16x512xf32, #tpu.memory_space<vmem>> -> memref<1x512xf32, #tpu.memory_space<vmem>>
    %dma_start3A_4257 = tpu.memref_squeeze %dma_start3A_4256 : memref<1x512xf32, #tpu.memory_space<vmem>> -> memref<512xf32, #tpu.memory_space<vmem>>
    %dma_start3A_4258 = tpu.memref_slice %arg4[%dma_start3A_4254, %mul3A_2] : memref<16x16384xf32, #tpu.memory_space<hbm>> -> memref<1x512xf32, #tpu.memory_space<hbm>>
    %dma_start3A_4259 = tpu.memref_squeeze %dma_start3A_4258 : memref<1x512xf32, #tpu.memory_space<hbm>> -> memref<512xf32, #tpu.memory_space<hbm>>
    %dma_start3A_4260 = tpu.memref_slice %arg4[%dma_start3A_4254, %mul3A_2] : memref<16x16384xf32, #tpu.memory_space<hbm>> -> memref<1x512xf32, #tpu.memory_space<hbm>>
    %dma_start3A_4261 = tpu.memref_squeeze %dma_start3A_4260 : memref<1x512xf32, #tpu.memory_space<hbm>> -> memref<512xf32, #tpu.memory_space<hbm>>
    %dma_start3A_4262 = arith.constant 0 : i32
    %dma_start3A_4263 = tpu.memref_slice %arg7[%dma_start3A_4253, %dma_start3A_4262] : memref<16x512xf32, #tpu.memory_space<vmem>> -> memref<1x512xf32, #tpu.memory_space<vmem>>
    %dma_start3A_4264 = tpu.memref_squeeze %dma_start3A_4263 : memref<1x512xf32, #tpu.memory_space<vmem>> -> memref<512xf32, #tpu.memory_space<vmem>>
    tpu.enqueue_dma source(%dma_start3A_4264 : memref<512xf32, #tpu.memory_space<vmem>>) target(%dma_start3A_4261 : memref<512xf32, #tpu.memory_space<hbm>>) target_semaphore(%arg9 : memref<!tpu.dma_semaphore, #tpu.memory_space<semaphore_mem>>)
    %dma_wait3A_4265 = arith.constant 15 : i32
    %dma_wait3A_4266 = arith.constant 15 : i32
    %dma_wait3A_4267 = arith.constant 0 : i32
    %dma_wait3A_4268 = tpu.memref_slice %arg7[%dma_wait3A_4265, %dma_wait3A_4267] : memref<16x512xf32, #tpu.memory_space<vmem>> -> memref<1x512xf32, #tpu.memory_space<vmem>>
    %dma_wait3A_4269 = tpu.memref_squeeze %dma_wait3A_4268 : memref<1x512xf32, #tpu.memory_space<vmem>> -> memref<512xf32, #tpu.memory_space<vmem>>
    %dma_wait3A_4270 = arith.constant 7680 : i32
    %dma_wait3A_4271 = tpu.memref_slice %arg6[%dma_wait3A_4270] : memref<8192xi32, #tpu.memory_space<vmem>> -> memref<512xi32, #tpu.memory_space<vmem>>
    %dma_wait3A_4272 = arith.constant 0 : i32
    %dma_wait3A_4273 = tpu.memref_slice %arg3[%dma_wait3A_4272] : memref<1600000xf32, #tpu.memory_space<hbm>> -> memref<1600000xf32, #tpu.memory_space<hbm>>
    %dma_wait3A_4274 = tpu.memref_slice %arg8[%dma_wait3A_4266] : memref<16x!tpu.dma_semaphore, #tpu.memory_space<semaphore_mem>> -> memref<1x!tpu.dma_semaphore, #tpu.memory_space<semaphore_mem>>
    %dma_wait3A_4275 = tpu.memref_squeeze %dma_wait3A_4274 : memref<1x!tpu.dma_semaphore, #tpu.memory_space<semaphore_mem>> -> memref<!tpu.dma_semaphore, #tpu.memory_space<semaphore_mem>>
    tpu.wait_indirect_dma semaphore(%dma_wait3A_4275 : memref<!tpu.dma_semaphore, #tpu.memory_space<semaphore_mem>>) src(%dma_wait3A_4273 : memref<1600000xf32, #tpu.memory_space<hbm>>) dst(%dma_wait3A_4269 : memref<512xf32, #tpu.memory_space<vmem>>)
    %dma_start3A_4276 = arith.constant 15 : i32
    %dma_start3A_4277 = arith.constant 15 : i32
    %dma_start3A_4278 = arith.constant 0 : i32
    %dma_start3A_4279 = tpu.memref_slice %arg7[%dma_start3A_4276, %dma_start3A_4278] : memref<16x512xf32, #tpu.memory_space<vmem>> -> memref<1x512xf32, #tpu.memory_space<vmem>>
    %dma_start3A_4280 = tpu.memref_squeeze %dma_start3A_4279 : memref<1x512xf32, #tpu.memory_space<vmem>> -> memref<512xf32, #tpu.memory_space<vmem>>
    %dma_start3A_4281 = tpu.memref_slice %arg4[%dma_start3A_4277, %mul3A_2] : memref<16x16384xf32, #tpu.memory_space<hbm>> -> memref<1x512xf32, #tpu.memory_space<hbm>>
    %dma_start3A_4282 = tpu.memref_squeeze %dma_start3A_4281 : memref<1x512xf32, #tpu.memory_space<hbm>> -> memref<512xf32, #tpu.memory_space<hbm>>
    %dma_start3A_4283 = tpu.memref_slice %arg4[%dma_start3A_4277, %mul3A_2] : memref<16x16384xf32, #tpu.memory_space<hbm>> -> memref<1x512xf32, #tpu.memory_space<hbm>>
    %dma_start3A_4284 = tpu.memref_squeeze %dma_start3A_4283 : memref<1x512xf32, #tpu.memory_space<hbm>> -> memref<512xf32, #tpu.memory_space<hbm>>
    %dma_start3A_4285 = arith.constant 0 : i32
    %dma_start3A_4286 = tpu.memref_slice %arg7[%dma_start3A_4276, %dma_start3A_4285] : memref<16x512xf32, #tpu.memory_space<vmem>> -> memref<1x512xf32, #tpu.memory_space<vmem>>
    %dma_start3A_4287 = tpu.memref_squeeze %dma_start3A_4286 : memref<1x512xf32, #tpu.memory_space<vmem>> -> memref<512xf32, #tpu.memory_space<vmem>>
    tpu.enqueue_dma source(%dma_start3A_4287 : memref<512xf32, #tpu.memory_space<vmem>>) target(%dma_start3A_4284 : memref<512xf32, #tpu.memory_space<hbm>>) target_semaphore(%arg9 : memref<!tpu.dma_semaphore, #tpu.memory_space<semaphore_mem>>)
    %dma_wait3A_4288 = arith.constant 0 : i32
    %dma_wait3A_4289 = arith.constant 0 : i32
    %dma_wait3A_4290 = arith.constant 0 : i32
    %dma_wait3A_4291 = tpu.memref_slice %arg7[%dma_wait3A_4288, %dma_wait3A_4290] : memref<16x512xf32, #tpu.memory_space<vmem>> -> memref<1x512xf32, #tpu.memory_space<vmem>>
    %dma_wait3A_4292 = tpu.memref_squeeze %dma_wait3A_4291 : memref<1x512xf32, #tpu.memory_space<vmem>> -> memref<512xf32, #tpu.memory_space<vmem>>
    %dma_wait3A_4293 = tpu.memref_slice %arg4[%dma_wait3A_4289, %mul3A_2] : memref<16x16384xf32, #tpu.memory_space<hbm>> -> memref<1x512xf32, #tpu.memory_space<hbm>>
    %dma_wait3A_4294 = tpu.memref_squeeze %dma_wait3A_4293 : memref<1x512xf32, #tpu.memory_space<hbm>> -> memref<512xf32, #tpu.memory_space<hbm>>
    %dma_wait3A_4295 = tpu.memref_slice %arg4[%dma_wait3A_4289, %mul3A_2] : memref<16x16384xf32, #tpu.memory_space<hbm>> -> memref<1x512xf32, #tpu.memory_space<hbm>>
    %dma_wait3A_4296 = tpu.memref_squeeze %dma_wait3A_4295 : memref<1x512xf32, #tpu.memory_space<hbm>> -> memref<512xf32, #tpu.memory_space<hbm>>
    %dma_wait3A_4297 = arith.constant 0 : i32
    %dma_wait3A_4298 = tpu.memref_slice %arg7[%dma_wait3A_4288, %dma_wait3A_4297] : memref<16x512xf32, #tpu.memory_space<vmem>> -> memref<1x512xf32, #tpu.memory_space<vmem>>
    %dma_wait3A_4299 = tpu.memref_squeeze %dma_wait3A_4298 : memref<1x512xf32, #tpu.memory_space<vmem>> -> memref<512xf32, #tpu.memory_space<vmem>>
    tpu.wait_dma2 semaphore(%arg9 : memref<!tpu.dma_semaphore, #tpu.memory_space<semaphore_mem>>) src(%dma_wait3A_4299 : memref<512xf32, #tpu.memory_space<vmem>>) dst(%dma_wait3A_4296 : memref<512xf32, #tpu.memory_space<hbm>>)
    %dma_wait3A_4300 = arith.constant 1 : i32
    %dma_wait3A_4301 = arith.constant 1 : i32
    %dma_wait3A_4302 = arith.constant 0 : i32
    %dma_wait3A_4303 = tpu.memref_slice %arg7[%dma_wait3A_4300, %dma_wait3A_4302] : memref<16x512xf32, #tpu.memory_space<vmem>> -> memref<1x512xf32, #tpu.memory_space<vmem>>
    %dma_wait3A_4304 = tpu.memref_squeeze %dma_wait3A_4303 : memref<1x512xf32, #tpu.memory_space<vmem>> -> memref<512xf32, #tpu.memory_space<vmem>>
    %dma_wait3A_4305 = tpu.memref_slice %arg4[%dma_wait3A_4301, %mul3A_2] : memref<16x16384xf32, #tpu.memory_space<hbm>> -> memref<1x512xf32, #tpu.memory_space<hbm>>
    %dma_wait3A_4306 = tpu.memref_squeeze %dma_wait3A_4305 : memref<1x512xf32, #tpu.memory_space<hbm>> -> memref<512xf32, #tpu.memory_space<hbm>>
    %dma_wait3A_4307 = tpu.memref_slice %arg4[%dma_wait3A_4301, %mul3A_2] : memref<16x16384xf32, #tpu.memory_space<hbm>> -> memref<1x512xf32, #tpu.memory_space<hbm>>
    %dma_wait3A_4308 = tpu.memref_squeeze %dma_wait3A_4307 : memref<1x512xf32, #tpu.memory_space<hbm>> -> memref<512xf32, #tpu.memory_space<hbm>>
    %dma_wait3A_4309 = arith.constant 0 : i32
    %dma_wait3A_4310 = tpu.memref_slice %arg7[%dma_wait3A_4300, %dma_wait3A_4309] : memref<16x512xf32, #tpu.memory_space<vmem>> -> memref<1x512xf32, #tpu.memory_space<vmem>>
    %dma_wait3A_4311 = tpu.memref_squeeze %dma_wait3A_4310 : memref<1x512xf32, #tpu.memory_space<vmem>> -> memref<512xf32, #tpu.memory_space<vmem>>
    tpu.wait_dma2 semaphore(%arg9 : memref<!tpu.dma_semaphore, #tpu.memory_space<semaphore_mem>>) src(%dma_wait3A_4311 : memref<512xf32, #tpu.memory_space<vmem>>) dst(%dma_wait3A_4308 : memref<512xf32, #tpu.memory_space<hbm>>)
    %dma_wait3A_4312 = arith.constant 2 : i32
    %dma_wait3A_4313 = arith.constant 2 : i32
    %dma_wait3A_4314 = arith.constant 0 : i32
    %dma_wait3A_4315 = tpu.memref_slice %arg7[%dma_wait3A_4312, %dma_wait3A_4314] : memref<16x512xf32, #tpu.memory_space<vmem>> -> memref<1x512xf32, #tpu.memory_space<vmem>>
    %dma_wait3A_4316 = tpu.memref_squeeze %dma_wait3A_4315 : memref<1x512xf32, #tpu.memory_space<vmem>> -> memref<512xf32, #tpu.memory_space<vmem>>
    %dma_wait3A_4317 = tpu.memref_slice %arg4[%dma_wait3A_4313, %mul3A_2] : memref<16x16384xf32, #tpu.memory_space<hbm>> -> memref<1x512xf32, #tpu.memory_space<hbm>>
    %dma_wait3A_4318 = tpu.memref_squeeze %dma_wait3A_4317 : memref<1x512xf32, #tpu.memory_space<hbm>> -> memref<512xf32, #tpu.memory_space<hbm>>
    %dma_wait3A_4319 = tpu.memref_slice %arg4[%dma_wait3A_4313, %mul3A_2] : memref<16x16384xf32, #tpu.memory_space<hbm>> -> memref<1x512xf32, #tpu.memory_space<hbm>>
    %dma_wait3A_4320 = tpu.memref_squeeze %dma_wait3A_4319 : memref<1x512xf32, #tpu.memory_space<hbm>> -> memref<512xf32, #tpu.memory_space<hbm>>
    %dma_wait3A_4321 = arith.constant 0 : i32
    %dma_wait3A_4322 = tpu.memref_slice %arg7[%dma_wait3A_4312, %dma_wait3A_4321] : memref<16x512xf32, #tpu.memory_space<vmem>> -> memref<1x512xf32, #tpu.memory_space<vmem>>
    %dma_wait3A_4323 = tpu.memref_squeeze %dma_wait3A_4322 : memref<1x512xf32, #tpu.memory_space<vmem>> -> memref<512xf32, #tpu.memory_space<vmem>>
    tpu.wait_dma2 semaphore(%arg9 : memref<!tpu.dma_semaphore, #tpu.memory_space<semaphore_mem>>) src(%dma_wait3A_4323 : memref<512xf32, #tpu.memory_space<vmem>>) dst(%dma_wait3A_4320 : memref<512xf32, #tpu.memory_space<hbm>>)
    %dma_wait3A_4324 = arith.constant 3 : i32
    %dma_wait3A_4325 = arith.constant 3 : i32
    %dma_wait3A_4326 = arith.constant 0 : i32
    %dma_wait3A_4327 = tpu.memref_slice %arg7[%dma_wait3A_4324, %dma_wait3A_4326] : memref<16x512xf32, #tpu.memory_space<vmem>> -> memref<1x512xf32, #tpu.memory_space<vmem>>
    %dma_wait3A_4328 = tpu.memref_squeeze %dma_wait3A_4327 : memref<1x512xf32, #tpu.memory_space<vmem>> -> memref<512xf32, #tpu.memory_space<vmem>>
    %dma_wait3A_4329 = tpu.memref_slice %arg4[%dma_wait3A_4325, %mul3A_2] : memref<16x16384xf32, #tpu.memory_space<hbm>> -> memref<1x512xf32, #tpu.memory_space<hbm>>
    %dma_wait3A_4330 = tpu.memref_squeeze %dma_wait3A_4329 : memref<1x512xf32, #tpu.memory_space<hbm>> -> memref<512xf32, #tpu.memory_space<hbm>>
    %dma_wait3A_4331 = tpu.memref_slice %arg4[%dma_wait3A_4325, %mul3A_2] : memref<16x16384xf32, #tpu.memory_space<hbm>> -> memref<1x512xf32, #tpu.memory_space<hbm>>
    %dma_wait3A_4332 = tpu.memref_squeeze %dma_wait3A_4331 : memref<1x512xf32, #tpu.memory_space<hbm>> -> memref<512xf32, #tpu.memory_space<hbm>>
    %dma_wait3A_4333 = arith.constant 0 : i32
    %dma_wait3A_4334 = tpu.memref_slice %arg7[%dma_wait3A_4324, %dma_wait3A_4333] : memref<16x512xf32, #tpu.memory_space<vmem>> -> memref<1x512xf32, #tpu.memory_space<vmem>>
    %dma_wait3A_4335 = tpu.memref_squeeze %dma_wait3A_4334 : memref<1x512xf32, #tpu.memory_space<vmem>> -> memref<512xf32, #tpu.memory_space<vmem>>
    tpu.wait_dma2 semaphore(%arg9 : memref<!tpu.dma_semaphore, #tpu.memory_space<semaphore_mem>>) src(%dma_wait3A_4335 : memref<512xf32, #tpu.memory_space<vmem>>) dst(%dma_wait3A_4332 : memref<512xf32, #tpu.memory_space<hbm>>)
    %dma_wait3A_4336 = arith.constant 4 : i32
    %dma_wait3A_4337 = arith.constant 4 : i32
    %dma_wait3A_4338 = arith.constant 0 : i32
    %dma_wait3A_4339 = tpu.memref_slice %arg7[%dma_wait3A_4336, %dma_wait3A_4338] : memref<16x512xf32, #tpu.memory_space<vmem>> -> memref<1x512xf32, #tpu.memory_space<vmem>>
    %dma_wait3A_4340 = tpu.memref_squeeze %dma_wait3A_4339 : memref<1x512xf32, #tpu.memory_space<vmem>> -> memref<512xf32, #tpu.memory_space<vmem>>
    %dma_wait3A_4341 = tpu.memref_slice %arg4[%dma_wait3A_4337, %mul3A_2] : memref<16x16384xf32, #tpu.memory_space<hbm>> -> memref<1x512xf32, #tpu.memory_space<hbm>>
    %dma_wait3A_4342 = tpu.memref_squeeze %dma_wait3A_4341 : memref<1x512xf32, #tpu.memory_space<hbm>> -> memref<512xf32, #tpu.memory_space<hbm>>
    %dma_wait3A_4343 = tpu.memref_slice %arg4[%dma_wait3A_4337, %mul3A_2] : memref<16x16384xf32, #tpu.memory_space<hbm>> -> memref<1x512xf32, #tpu.memory_space<hbm>>
    %dma_wait3A_4344 = tpu.memref_squeeze %dma_wait3A_4343 : memref<1x512xf32, #tpu.memory_space<hbm>> -> memref<512xf32, #tpu.memory_space<hbm>>
    %dma_wait3A_4345 = arith.constant 0 : i32
    %dma_wait3A_4346 = tpu.memref_slice %arg7[%dma_wait3A_4336, %dma_wait3A_4345] : memref<16x512xf32, #tpu.memory_space<vmem>> -> memref<1x512xf32, #tpu.memory_space<vmem>>
    %dma_wait3A_4347 = tpu.memref_squeeze %dma_wait3A_4346 : memref<1x512xf32, #tpu.memory_space<vmem>> -> memref<512xf32, #tpu.memory_space<vmem>>
    tpu.wait_dma2 semaphore(%arg9 : memref<!tpu.dma_semaphore, #tpu.memory_space<semaphore_mem>>) src(%dma_wait3A_4347 : memref<512xf32, #tpu.memory_space<vmem>>) dst(%dma_wait3A_4344 : memref<512xf32, #tpu.memory_space<hbm>>)
    %dma_wait3A_4348 = arith.constant 5 : i32
    %dma_wait3A_4349 = arith.constant 5 : i32
    %dma_wait3A_4350 = arith.constant 0 : i32
    %dma_wait3A_4351 = tpu.memref_slice %arg7[%dma_wait3A_4348, %dma_wait3A_4350] : memref<16x512xf32, #tpu.memory_space<vmem>> -> memref<1x512xf32, #tpu.memory_space<vmem>>
    %dma_wait3A_4352 = tpu.memref_squeeze %dma_wait3A_4351 : memref<1x512xf32, #tpu.memory_space<vmem>> -> memref<512xf32, #tpu.memory_space<vmem>>
    %dma_wait3A_4353 = tpu.memref_slice %arg4[%dma_wait3A_4349, %mul3A_2] : memref<16x16384xf32, #tpu.memory_space<hbm>> -> memref<1x512xf32, #tpu.memory_space<hbm>>
    %dma_wait3A_4354 = tpu.memref_squeeze %dma_wait3A_4353 : memref<1x512xf32, #tpu.memory_space<hbm>> -> memref<512xf32, #tpu.memory_space<hbm>>
    %dma_wait3A_4355 = tpu.memref_slice %arg4[%dma_wait3A_4349, %mul3A_2] : memref<16x16384xf32, #tpu.memory_space<hbm>> -> memref<1x512xf32, #tpu.memory_space<hbm>>
    %dma_wait3A_4356 = tpu.memref_squeeze %dma_wait3A_4355 : memref<1x512xf32, #tpu.memory_space<hbm>> -> memref<512xf32, #tpu.memory_space<hbm>>
    %dma_wait3A_4357 = arith.constant 0 : i32
    %dma_wait3A_4358 = tpu.memref_slice %arg7[%dma_wait3A_4348, %dma_wait3A_4357] : memref<16x512xf32, #tpu.memory_space<vmem>> -> memref<1x512xf32, #tpu.memory_space<vmem>>
    %dma_wait3A_4359 = tpu.memref_squeeze %dma_wait3A_4358 : memref<1x512xf32, #tpu.memory_space<vmem>> -> memref<512xf32, #tpu.memory_space<vmem>>
    tpu.wait_dma2 semaphore(%arg9 : memref<!tpu.dma_semaphore, #tpu.memory_space<semaphore_mem>>) src(%dma_wait3A_4359 : memref<512xf32, #tpu.memory_space<vmem>>) dst(%dma_wait3A_4356 : memref<512xf32, #tpu.memory_space<hbm>>)
    %dma_wait3A_4360 = arith.constant 6 : i32
    %dma_wait3A_4361 = arith.constant 6 : i32
    %dma_wait3A_4362 = arith.constant 0 : i32
    %dma_wait3A_4363 = tpu.memref_slice %arg7[%dma_wait3A_4360, %dma_wait3A_4362] : memref<16x512xf32, #tpu.memory_space<vmem>> -> memref<1x512xf32, #tpu.memory_space<vmem>>
    %dma_wait3A_4364 = tpu.memref_squeeze %dma_wait3A_4363 : memref<1x512xf32, #tpu.memory_space<vmem>> -> memref<512xf32, #tpu.memory_space<vmem>>
    %dma_wait3A_4365 = tpu.memref_slice %arg4[%dma_wait3A_4361, %mul3A_2] : memref<16x16384xf32, #tpu.memory_space<hbm>> -> memref<1x512xf32, #tpu.memory_space<hbm>>
    %dma_wait3A_4366 = tpu.memref_squeeze %dma_wait3A_4365 : memref<1x512xf32, #tpu.memory_space<hbm>> -> memref<512xf32, #tpu.memory_space<hbm>>
    %dma_wait3A_4367 = tpu.memref_slice %arg4[%dma_wait3A_4361, %mul3A_2] : memref<16x16384xf32, #tpu.memory_space<hbm>> -> memref<1x512xf32, #tpu.memory_space<hbm>>
    %dma_wait3A_4368 = tpu.memref_squeeze %dma_wait3A_4367 : memref<1x512xf32, #tpu.memory_space<hbm>> -> memref<512xf32, #tpu.memory_space<hbm>>
    %dma_wait3A_4369 = arith.constant 0 : i32
    %dma_wait3A_4370 = tpu.memref_slice %arg7[%dma_wait3A_4360, %dma_wait3A_4369] : memref<16x512xf32, #tpu.memory_space<vmem>> -> memref<1x512xf32, #tpu.memory_space<vmem>>
    %dma_wait3A_4371 = tpu.memref_squeeze %dma_wait3A_4370 : memref<1x512xf32, #tpu.memory_space<vmem>> -> memref<512xf32, #tpu.memory_space<vmem>>
    tpu.wait_dma2 semaphore(%arg9 : memref<!tpu.dma_semaphore, #tpu.memory_space<semaphore_mem>>) src(%dma_wait3A_4371 : memref<512xf32, #tpu.memory_space<vmem>>) dst(%dma_wait3A_4368 : memref<512xf32, #tpu.memory_space<hbm>>)
    %dma_wait3A_4372 = arith.constant 7 : i32
    %dma_wait3A_4373 = arith.constant 7 : i32
    %dma_wait3A_4374 = arith.constant 0 : i32
    %dma_wait3A_4375 = tpu.memref_slice %arg7[%dma_wait3A_4372, %dma_wait3A_4374] : memref<16x512xf32, #tpu.memory_space<vmem>> -> memref<1x512xf32, #tpu.memory_space<vmem>>
    %dma_wait3A_4376 = tpu.memref_squeeze %dma_wait3A_4375 : memref<1x512xf32, #tpu.memory_space<vmem>> -> memref<512xf32, #tpu.memory_space<vmem>>
    %dma_wait3A_4377 = tpu.memref_slice %arg4[%dma_wait3A_4373, %mul3A_2] : memref<16x16384xf32, #tpu.memory_space<hbm>> -> memref<1x512xf32, #tpu.memory_space<hbm>>
    %dma_wait3A_4378 = tpu.memref_squeeze %dma_wait3A_4377 : memref<1x512xf32, #tpu.memory_space<hbm>> -> memref<512xf32, #tpu.memory_space<hbm>>
    %dma_wait3A_4379 = tpu.memref_slice %arg4[%dma_wait3A_4373, %mul3A_2] : memref<16x16384xf32, #tpu.memory_space<hbm>> -> memref<1x512xf32, #tpu.memory_space<hbm>>
    %dma_wait3A_4380 = tpu.memref_squeeze %dma_wait3A_4379 : memref<1x512xf32, #tpu.memory_space<hbm>> -> memref<512xf32, #tpu.memory_space<hbm>>
    %dma_wait3A_4381 = arith.constant 0 : i32
    %dma_wait3A_4382 = tpu.memref_slice %arg7[%dma_wait3A_4372, %dma_wait3A_4381] : memref<16x512xf32, #tpu.memory_space<vmem>> -> memref<1x512xf32, #tpu.memory_space<vmem>>
    %dma_wait3A_4383 = tpu.memref_squeeze %dma_wait3A_4382 : memref<1x512xf32, #tpu.memory_space<vmem>> -> memref<512xf32, #tpu.memory_space<vmem>>
    tpu.wait_dma2 semaphore(%arg9 : memref<!tpu.dma_semaphore, #tpu.memory_space<semaphore_mem>>) src(%dma_wait3A_4383 : memref<512xf32, #tpu.memory_space<vmem>>) dst(%dma_wait3A_4380 : memref<512xf32, #tpu.memory_space<hbm>>)
    %dma_wait3A_4384 = arith.constant 8 : i32
    %dma_wait3A_4385 = arith.constant 8 : i32
    %dma_wait3A_4386 = arith.constant 0 : i32
    %dma_wait3A_4387 = tpu.memref_slice %arg7[%dma_wait3A_4384, %dma_wait3A_4386] : memref<16x512xf32, #tpu.memory_space<vmem>> -> memref<1x512xf32, #tpu.memory_space<vmem>>
    %dma_wait3A_4388 = tpu.memref_squeeze %dma_wait3A_4387 : memref<1x512xf32, #tpu.memory_space<vmem>> -> memref<512xf32, #tpu.memory_space<vmem>>
    %dma_wait3A_4389 = tpu.memref_slice %arg4[%dma_wait3A_4385, %mul3A_2] : memref<16x16384xf32, #tpu.memory_space<hbm>> -> memref<1x512xf32, #tpu.memory_space<hbm>>
    %dma_wait3A_4390 = tpu.memref_squeeze %dma_wait3A_4389 : memref<1x512xf32, #tpu.memory_space<hbm>> -> memref<512xf32, #tpu.memory_space<hbm>>
    %dma_wait3A_4391 = tpu.memref_slice %arg4[%dma_wait3A_4385, %mul3A_2] : memref<16x16384xf32, #tpu.memory_space<hbm>> -> memref<1x512xf32, #tpu.memory_space<hbm>>
    %dma_wait3A_4392 = tpu.memref_squeeze %dma_wait3A_4391 : memref<1x512xf32, #tpu.memory_space<hbm>> -> memref<512xf32, #tpu.memory_space<hbm>>
    %dma_wait3A_4393 = arith.constant 0 : i32
    %dma_wait3A_4394 = tpu.memref_slice %arg7[%dma_wait3A_4384, %dma_wait3A_4393] : memref<16x512xf32, #tpu.memory_space<vmem>> -> memref<1x512xf32, #tpu.memory_space<vmem>>
    %dma_wait3A_4395 = tpu.memref_squeeze %dma_wait3A_4394 : memref<1x512xf32, #tpu.memory_space<vmem>> -> memref<512xf32, #tpu.memory_space<vmem>>
    tpu.wait_dma2 semaphore(%arg9 : memref<!tpu.dma_semaphore, #tpu.memory_space<semaphore_mem>>) src(%dma_wait3A_4395 : memref<512xf32, #tpu.memory_space<vmem>>) dst(%dma_wait3A_4392 : memref<512xf32, #tpu.memory_space<hbm>>)
    %dma_wait3A_4396 = arith.constant 9 : i32
    %dma_wait3A_4397 = arith.constant 9 : i32
    %dma_wait3A_4398 = arith.constant 0 : i32
    %dma_wait3A_4399 = tpu.memref_slice %arg7[%dma_wait3A_4396, %dma_wait3A_4398] : memref<16x512xf32, #tpu.memory_space<vmem>> -> memref<1x512xf32, #tpu.memory_space<vmem>>
    %dma_wait3A_4400 = tpu.memref_squeeze %dma_wait3A_4399 : memref<1x512xf32, #tpu.memory_space<vmem>> -> memref<512xf32, #tpu.memory_space<vmem>>
    %dma_wait3A_4401 = tpu.memref_slice %arg4[%dma_wait3A_4397, %mul3A_2] : memref<16x16384xf32, #tpu.memory_space<hbm>> -> memref<1x512xf32, #tpu.memory_space<hbm>>
    %dma_wait3A_4402 = tpu.memref_squeeze %dma_wait3A_4401 : memref<1x512xf32, #tpu.memory_space<hbm>> -> memref<512xf32, #tpu.memory_space<hbm>>
    %dma_wait3A_4403 = tpu.memref_slice %arg4[%dma_wait3A_4397, %mul3A_2] : memref<16x16384xf32, #tpu.memory_space<hbm>> -> memref<1x512xf32, #tpu.memory_space<hbm>>
    %dma_wait3A_4404 = tpu.memref_squeeze %dma_wait3A_4403 : memref<1x512xf32, #tpu.memory_space<hbm>> -> memref<512xf32, #tpu.memory_space<hbm>>
    %dma_wait3A_4405 = arith.constant 0 : i32
    %dma_wait3A_4406 = tpu.memref_slice %arg7[%dma_wait3A_4396, %dma_wait3A_4405] : memref<16x512xf32, #tpu.memory_space<vmem>> -> memref<1x512xf32, #tpu.memory_space<vmem>>
    %dma_wait3A_4407 = tpu.memref_squeeze %dma_wait3A_4406 : memref<1x512xf32, #tpu.memory_space<vmem>> -> memref<512xf32, #tpu.memory_space<vmem>>
    tpu.wait_dma2 semaphore(%arg9 : memref<!tpu.dma_semaphore, #tpu.memory_space<semaphore_mem>>) src(%dma_wait3A_4407 : memref<512xf32, #tpu.memory_space<vmem>>) dst(%dma_wait3A_4404 : memref<512xf32, #tpu.memory_space<hbm>>)
    %dma_wait3A_4408 = arith.constant 10 : i32
    %dma_wait3A_4409 = arith.constant 10 : i32
    %dma_wait3A_4410 = arith.constant 0 : i32
    %dma_wait3A_4411 = tpu.memref_slice %arg7[%dma_wait3A_4408, %dma_wait3A_4410] : memref<16x512xf32, #tpu.memory_space<vmem>> -> memref<1x512xf32, #tpu.memory_space<vmem>>
    %dma_wait3A_4412 = tpu.memref_squeeze %dma_wait3A_4411 : memref<1x512xf32, #tpu.memory_space<vmem>> -> memref<512xf32, #tpu.memory_space<vmem>>
    %dma_wait3A_4413 = tpu.memref_slice %arg4[%dma_wait3A_4409, %mul3A_2] : memref<16x16384xf32, #tpu.memory_space<hbm>> -> memref<1x512xf32, #tpu.memory_space<hbm>>
    %dma_wait3A_4414 = tpu.memref_squeeze %dma_wait3A_4413 : memref<1x512xf32, #tpu.memory_space<hbm>> -> memref<512xf32, #tpu.memory_space<hbm>>
    %dma_wait3A_4415 = tpu.memref_slice %arg4[%dma_wait3A_4409, %mul3A_2] : memref<16x16384xf32, #tpu.memory_space<hbm>> -> memref<1x512xf32, #tpu.memory_space<hbm>>
    %dma_wait3A_4416 = tpu.memref_squeeze %dma_wait3A_4415 : memref<1x512xf32, #tpu.memory_space<hbm>> -> memref<512xf32, #tpu.memory_space<hbm>>
    %dma_wait3A_4417 = arith.constant 0 : i32
    %dma_wait3A_4418 = tpu.memref_slice %arg7[%dma_wait3A_4408, %dma_wait3A_4417] : memref<16x512xf32, #tpu.memory_space<vmem>> -> memref<1x512xf32, #tpu.memory_space<vmem>>
    %dma_wait3A_4419 = tpu.memref_squeeze %dma_wait3A_4418 : memref<1x512xf32, #tpu.memory_space<vmem>> -> memref<512xf32, #tpu.memory_space<vmem>>
    tpu.wait_dma2 semaphore(%arg9 : memref<!tpu.dma_semaphore, #tpu.memory_space<semaphore_mem>>) src(%dma_wait3A_4419 : memref<512xf32, #tpu.memory_space<vmem>>) dst(%dma_wait3A_4416 : memref<512xf32, #tpu.memory_space<hbm>>)
    %dma_wait3A_4420 = arith.constant 11 : i32
    %dma_wait3A_4421 = arith.constant 11 : i32
    %dma_wait3A_4422 = arith.constant 0 : i32
    %dma_wait3A_4423 = tpu.memref_slice %arg7[%dma_wait3A_4420, %dma_wait3A_4422] : memref<16x512xf32, #tpu.memory_space<vmem>> -> memref<1x512xf32, #tpu.memory_space<vmem>>
    %dma_wait3A_4424 = tpu.memref_squeeze %dma_wait3A_4423 : memref<1x512xf32, #tpu.memory_space<vmem>> -> memref<512xf32, #tpu.memory_space<vmem>>
    %dma_wait3A_4425 = tpu.memref_slice %arg4[%dma_wait3A_4421, %mul3A_2] : memref<16x16384xf32, #tpu.memory_space<hbm>> -> memref<1x512xf32, #tpu.memory_space<hbm>>
    %dma_wait3A_4426 = tpu.memref_squeeze %dma_wait3A_4425 : memref<1x512xf32, #tpu.memory_space<hbm>> -> memref<512xf32, #tpu.memory_space<hbm>>
    %dma_wait3A_4427 = tpu.memref_slice %arg4[%dma_wait3A_4421, %mul3A_2] : memref<16x16384xf32, #tpu.memory_space<hbm>> -> memref<1x512xf32, #tpu.memory_space<hbm>>
    %dma_wait3A_4428 = tpu.memref_squeeze %dma_wait3A_4427 : memref<1x512xf32, #tpu.memory_space<hbm>> -> memref<512xf32, #tpu.memory_space<hbm>>
    %dma_wait3A_4429 = arith.constant 0 : i32
    %dma_wait3A_4430 = tpu.memref_slice %arg7[%dma_wait3A_4420, %dma_wait3A_4429] : memref<16x512xf32, #tpu.memory_space<vmem>> -> memref<1x512xf32, #tpu.memory_space<vmem>>
    %dma_wait3A_4431 = tpu.memref_squeeze %dma_wait3A_4430 : memref<1x512xf32, #tpu.memory_space<vmem>> -> memref<512xf32, #tpu.memory_space<vmem>>
    tpu.wait_dma2 semaphore(%arg9 : memref<!tpu.dma_semaphore, #tpu.memory_space<semaphore_mem>>) src(%dma_wait3A_4431 : memref<512xf32, #tpu.memory_space<vmem>>) dst(%dma_wait3A_4428 : memref<512xf32, #tpu.memory_space<hbm>>)
    %dma_wait3A_4432 = arith.constant 12 : i32
    %dma_wait3A_4433 = arith.constant 12 : i32
    %dma_wait3A_4434 = arith.constant 0 : i32
    %dma_wait3A_4435 = tpu.memref_slice %arg7[%dma_wait3A_4432, %dma_wait3A_4434] : memref<16x512xf32, #tpu.memory_space<vmem>> -> memref<1x512xf32, #tpu.memory_space<vmem>>
    %dma_wait3A_4436 = tpu.memref_squeeze %dma_wait3A_4435 : memref<1x512xf32, #tpu.memory_space<vmem>> -> memref<512xf32, #tpu.memory_space<vmem>>
    %dma_wait3A_4437 = tpu.memref_slice %arg4[%dma_wait3A_4433, %mul3A_2] : memref<16x16384xf32, #tpu.memory_space<hbm>> -> memref<1x512xf32, #tpu.memory_space<hbm>>
    %dma_wait3A_4438 = tpu.memref_squeeze %dma_wait3A_4437 : memref<1x512xf32, #tpu.memory_space<hbm>> -> memref<512xf32, #tpu.memory_space<hbm>>
    %dma_wait3A_4439 = tpu.memref_slice %arg4[%dma_wait3A_4433, %mul3A_2] : memref<16x16384xf32, #tpu.memory_space<hbm>> -> memref<1x512xf32, #tpu.memory_space<hbm>>
    %dma_wait3A_4440 = tpu.memref_squeeze %dma_wait3A_4439 : memref<1x512xf32, #tpu.memory_space<hbm>> -> memref<512xf32, #tpu.memory_space<hbm>>
    %dma_wait3A_4441 = arith.constant 0 : i32
    %dma_wait3A_4442 = tpu.memref_slice %arg7[%dma_wait3A_4432, %dma_wait3A_4441] : memref<16x512xf32, #tpu.memory_space<vmem>> -> memref<1x512xf32, #tpu.memory_space<vmem>>
    %dma_wait3A_4443 = tpu.memref_squeeze %dma_wait3A_4442 : memref<1x512xf32, #tpu.memory_space<vmem>> -> memref<512xf32, #tpu.memory_space<vmem>>
    tpu.wait_dma2 semaphore(%arg9 : memref<!tpu.dma_semaphore, #tpu.memory_space<semaphore_mem>>) src(%dma_wait3A_4443 : memref<512xf32, #tpu.memory_space<vmem>>) dst(%dma_wait3A_4440 : memref<512xf32, #tpu.memory_space<hbm>>)
    %dma_wait3A_4444 = arith.constant 13 : i32
    %dma_wait3A_4445 = arith.constant 13 : i32
    %dma_wait3A_4446 = arith.constant 0 : i32
    %dma_wait3A_4447 = tpu.memref_slice %arg7[%dma_wait3A_4444, %dma_wait3A_4446] : memref<16x512xf32, #tpu.memory_space<vmem>> -> memref<1x512xf32, #tpu.memory_space<vmem>>
    %dma_wait3A_4448 = tpu.memref_squeeze %dma_wait3A_4447 : memref<1x512xf32, #tpu.memory_space<vmem>> -> memref<512xf32, #tpu.memory_space<vmem>>
    %dma_wait3A_4449 = tpu.memref_slice %arg4[%dma_wait3A_4445, %mul3A_2] : memref<16x16384xf32, #tpu.memory_space<hbm>> -> memref<1x512xf32, #tpu.memory_space<hbm>>
    %dma_wait3A_4450 = tpu.memref_squeeze %dma_wait3A_4449 : memref<1x512xf32, #tpu.memory_space<hbm>> -> memref<512xf32, #tpu.memory_space<hbm>>
    %dma_wait3A_4451 = tpu.memref_slice %arg4[%dma_wait3A_4445, %mul3A_2] : memref<16x16384xf32, #tpu.memory_space<hbm>> -> memref<1x512xf32, #tpu.memory_space<hbm>>
    %dma_wait3A_4452 = tpu.memref_squeeze %dma_wait3A_4451 : memref<1x512xf32, #tpu.memory_space<hbm>> -> memref<512xf32, #tpu.memory_space<hbm>>
    %dma_wait3A_4453 = arith.constant 0 : i32
    %dma_wait3A_4454 = tpu.memref_slice %arg7[%dma_wait3A_4444, %dma_wait3A_4453] : memref<16x512xf32, #tpu.memory_space<vmem>> -> memref<1x512xf32, #tpu.memory_space<vmem>>
    %dma_wait3A_4455 = tpu.memref_squeeze %dma_wait3A_4454 : memref<1x512xf32, #tpu.memory_space<vmem>> -> memref<512xf32, #tpu.memory_space<vmem>>
    tpu.wait_dma2 semaphore(%arg9 : memref<!tpu.dma_semaphore, #tpu.memory_space<semaphore_mem>>) src(%dma_wait3A_4455 : memref<512xf32, #tpu.memory_space<vmem>>) dst(%dma_wait3A_4452 : memref<512xf32, #tpu.memory_space<hbm>>)
    %dma_wait3A_4456 = arith.constant 14 : i32
    %dma_wait3A_4457 = arith.constant 14 : i32
    %dma_wait3A_4458 = arith.constant 0 : i32
    %dma_wait3A_4459 = tpu.memref_slice %arg7[%dma_wait3A_4456, %dma_wait3A_4458] : memref<16x512xf32, #tpu.memory_space<vmem>> -> memref<1x512xf32, #tpu.memory_space<vmem>>
    %dma_wait3A_4460 = tpu.memref_squeeze %dma_wait3A_4459 : memref<1x512xf32, #tpu.memory_space<vmem>> -> memref<512xf32, #tpu.memory_space<vmem>>
    %dma_wait3A_4461 = tpu.memref_slice %arg4[%dma_wait3A_4457, %mul3A_2] : memref<16x16384xf32, #tpu.memory_space<hbm>> -> memref<1x512xf32, #tpu.memory_space<hbm>>
    %dma_wait3A_4462 = tpu.memref_squeeze %dma_wait3A_4461 : memref<1x512xf32, #tpu.memory_space<hbm>> -> memref<512xf32, #tpu.memory_space<hbm>>
    %dma_wait3A_4463 = tpu.memref_slice %arg4[%dma_wait3A_4457, %mul3A_2] : memref<16x16384xf32, #tpu.memory_space<hbm>> -> memref<1x512xf32, #tpu.memory_space<hbm>>
    %dma_wait3A_4464 = tpu.memref_squeeze %dma_wait3A_4463 : memref<1x512xf32, #tpu.memory_space<hbm>> -> memref<512xf32, #tpu.memory_space<hbm>>
    %dma_wait3A_4465 = arith.constant 0 : i32
    %dma_wait3A_4466 = tpu.memref_slice %arg7[%dma_wait3A_4456, %dma_wait3A_4465] : memref<16x512xf32, #tpu.memory_space<vmem>> -> memref<1x512xf32, #tpu.memory_space<vmem>>
    %dma_wait3A_4467 = tpu.memref_squeeze %dma_wait3A_4466 : memref<1x512xf32, #tpu.memory_space<vmem>> -> memref<512xf32, #tpu.memory_space<vmem>>
    tpu.wait_dma2 semaphore(%arg9 : memref<!tpu.dma_semaphore, #tpu.memory_space<semaphore_mem>>) src(%dma_wait3A_4467 : memref<512xf32, #tpu.memory_space<vmem>>) dst(%dma_wait3A_4464 : memref<512xf32, #tpu.memory_space<hbm>>)
    %dma_wait3A_4468 = arith.constant 15 : i32
    %dma_wait3A_4469 = arith.constant 15 : i32
    %dma_wait3A_4470 = arith.constant 0 : i32
    %dma_wait3A_4471 = tpu.memref_slice %arg7[%dma_wait3A_4468, %dma_wait3A_4470] : memref<16x512xf32, #tpu.memory_space<vmem>> -> memref<1x512xf32, #tpu.memory_space<vmem>>
    %dma_wait3A_4472 = tpu.memref_squeeze %dma_wait3A_4471 : memref<1x512xf32, #tpu.memory_space<vmem>> -> memref<512xf32, #tpu.memory_space<vmem>>
    %dma_wait3A_4473 = tpu.memref_slice %arg4[%dma_wait3A_4469, %mul3A_2] : memref<16x16384xf32, #tpu.memory_space<hbm>> -> memref<1x512xf32, #tpu.memory_space<hbm>>
    %dma_wait3A_4474 = tpu.memref_squeeze %dma_wait3A_4473 : memref<1x512xf32, #tpu.memory_space<hbm>> -> memref<512xf32, #tpu.memory_space<hbm>>
    %dma_wait3A_4475 = tpu.memref_slice %arg4[%dma_wait3A_4469, %mul3A_2] : memref<16x16384xf32, #tpu.memory_space<hbm>> -> memref<1x512xf32, #tpu.memory_space<hbm>>
    %dma_wait3A_4476 = tpu.memref_squeeze %dma_wait3A_4475 : memref<1x512xf32, #tpu.memory_space<hbm>> -> memref<512xf32, #tpu.memory_space<hbm>>
    %dma_wait3A_4477 = arith.constant 0 : i32
    %dma_wait3A_4478 = tpu.memref_slice %arg7[%dma_wait3A_4468, %dma_wait3A_4477] : memref<16x512xf32, #tpu.memory_space<vmem>> -> memref<1x512xf32, #tpu.memory_space<vmem>>
    %dma_wait3A_4479 = tpu.memref_squeeze %dma_wait3A_4478 : memref<1x512xf32, #tpu.memory_space<vmem>> -> memref<512xf32, #tpu.memory_space<vmem>>
    tpu.wait_dma2 semaphore(%arg9 : memref<!tpu.dma_semaphore, #tpu.memory_space<semaphore_mem>>) src(%dma_wait3A_4479 : memref<512xf32, #tpu.memory_space<vmem>>) dst(%dma_wait3A_4476 : memref<512xf32, #tpu.memory_space<hbm>>)
    return
  }
}

</mosaic_0001>

<sc_bundles>
// kernel: kernel.3.cloned.1.call-start
scs
__scs_entry_jumppad:
0x0: {  	(pc) =	sbr.rel $0x88, $3  }
0x1: {  	(tag) =	ssettag $0x0;
	lr =	simm.s32 $0x1  }
0x2: {  	[smem:$0x3F9F] =	sst lr;
	_ =	strace $0xD0000000  }
0x3: {  	_ = 	snop  }
0x4: {  	_ = 	snop  }
0x5: {  	_ = 	snop  }
0x6: {  	_ = 	snop  }
0x7: {  	_ = 	snop  }
__scs_overlays_trampoline_lowered:
0x8: {  	[smem:$0x3FAE] =	sst s0  }
0x9: {  	[smem:$0x3FAF] =	sst s1  }
0xa: {  	[smem:$0x3FB0] =	sst s2  }
0xb: {  	[smem:$0x3FB1] =	sst s3  }
0xc: {  	[smem:$0x3FB2] =	sst s4  }
0xd: {  	[smem:$0x3FB3] =	sst s5  }
0xe: {  	[smem:$0x3FB4] =	sst s6  }
0xf: {  	[smem:$0x3FB5] =	sst s7  }
0x10: {  	[smem:$0x3FB6] =	sst s8  }
0x11: {  	[smem:$0x3FB7] =	sst s9;
	s0 =	simm.s32 @!p0 $0x0  }
0x12: {  	s1 =	sld [smem:$0x3F9D];
	s0 =	simm.s32 @p0 $0x1  }
0x13: {  	[smem:$0x3FB8] =	sst s0;
	s0 =	simm.s32 @!p1 $0x0  }
0x14: {  	s2 =	sld [smem:$0x3F9C];
	s0 =	simm.s32 @p1 $0x1  }
0x15: {  	[smem:$0x3FB9] =	sst s0;
	s0 =	simm.s32 @!p2 $0x0  }
0x16: {  	s3 =	sld [smem:$0x3FDB];
	s0 =	simm.s32 @p2 $0x1  }
0x17: {  	s4 =	simm.s32 $0x1BF5;
	[smem:$0x3FBB] =	sst s0  }
0x18: {  	s0 =	sld [smem:$0x3F9E];
	_ =	swait.ge [sflag:s4], $0x0  }
0x19: {  	s7 =	sld [smem:$0x3F9F]  }
0x1a: {  	s8 =	sadd.s32 $0xFFFFE003, lr  }
0x1b: {  	s9 =	sadd.s32 $0xFFFFFEF7, lr;
	s5 =	simm.s32 $0xFFFFFFFF;
	p2 =	slt.u32 s8, $0xFFFFF086  }
0x1c: {  	p1 =	slt.u32 s9, $0xF7A;
	s5 =	simm.s32 @!p2 $0x0  }
0x1d: {  	s5 =	simm.s32 @p1 $0x1;
	p0 =	seq.s32 s7, s2  }
0x1e: {  	s7 =	smul.u32 @!p0 $0xF7A, s2;
	p2 =	seq.s32 @!p0 s5, $0x0  }
0x1f: {  	s9 =	smul.u32 $0xF7A, s1;
	s8 =	simm.s32 @!p0 $0x1BF5;
	p2 =	por !p2, p0  }
0x20: {  	[sflag:s8] =	ssyncset.s32 @!p0 $0xFFFFF086;
	s6 =	sadd.s32 @!p0 s3, s7;
	s7 =	simm.s32 @!p0 $0x108  }
0x21: {  	s3 =	sadd.s32 s3, s9;
	s6 =	sadd.s32 @!p0 $0x88, s6;
	s7 =	simm.s32 @p2 $0x1082  }
0x22: {  	[simem:s7], [sflag:s8] =	dma.local @!p0 [hbm:s6], $0xF7A  }
0x23: {  	s9 =	sor.u32 $0xD0000000, s2;
	s6 =	simm.s32 $0x108;
	_ =	swait.ge @!p0 [sflag:s8], $0x0  }
0x24: {  	s3 =	sadd.s32 $0x88, s3;
	s6 =	simm.s32 @!p1 $0x1082;
	[sflag:s4] =	ssyncset.s32 $0xFFFFF086  }
0x25: {  	[simem:s6], [sflag:s4] =	dma.local [hbm:s3], $0xF7A  }
0x26: {  	[smem:$0x3F9F] =	sst s1;
	(tag) =	ssettag s2;
	_ =	strace s9  }
0x27: {  	s1 =	sld [smem:$0x3FAF]  }
0x28: {  	s2 =	sld [smem:$0x3FB0]  }
0x29: {  	s4 =	sld [smem:$0x3FB2]  }
0x2a: {  	p0 =	seq.s32 s5, $0x0;
	s5 =	sld [smem:$0x3FB3]  }
0x2b: {  	s6 =	sld [smem:$0x3FB4]  }
0x2c: {  	s7 =	sld [smem:$0x3FB5]  }
0x2d: {  	s3 =	simm.s32 $0x108;
	s8 =	sld [smem:$0x3FB6]  }
0x2e: {  	s3 =	simm.s32 @!p0 $0x1082;
	s9 =	sld [smem:$0x3FB7]  }
0x2f: {  	lr =	sadd.s32 s0, s3;
	s0 =	sld [smem:$0x3FAE]  }
0x30: {  	s3 =	sld [smem:$0x3FB1]  }
0x31: {  	[smem:$0x3FBA] =	sst s10  }
0x32: {  	s10 =	sld [smem:$0x3FB8];
	_ =	sdelay $0x3  }
0x33: {  	p0 =	seq.s32 s10, $0x1;
	s10 =	sld [smem:$0x3FBA];
	_ =	sdelay $0x3  }
0x34: {  	[smem:$0x3FBA] =	sst s10  }
0x35: {  	s10 =	sld [smem:$0x3FB9];
	_ =	sdelay $0x3  }
0x36: {  	p1 =	seq.s32 s10, $0x1;
	s10 =	sld [smem:$0x3FBA];
	_ =	sdelay $0x3  }
0x37: {  	[smem:$0x3FBA] =	sst s10  }
0x38: {  	s10 =	sld [smem:$0x3FBB]  }
0x39: {  	_ = 	snop;
	(pc) =	sbr.ind lr, $3  }
0x3a: {  	_ = 	snop  }
0x3b: {  	_ = 	snop  }
0x3c: {  	p2 =	seq.s32 s10, $0x1;
	s10 =	sld [smem:$0x3FBA]  }
0x3d: {  	_ =	shalt  }
0x3e: {  	_ =	shalt  }
0x3f: {  	_ =	shalt  }
0x40: {  	_ =	shalt  }
0x41: {  	_ =	shalt  }
0x42: {  	_ =	shalt  }
0x43: {  	_ =	shalt  }
0x44: {  	_ =	shalt  }
0x45: {  	_ =	shalt  }
0x46: {  	_ =	shalt  }
0x47: {  	_ =	shalt  }
0x48: {  	_ =	shalt  }
0x49: {  	_ =	shalt  }
0x4a: {  	_ =	shalt  }
0x4b: {  	_ =	shalt  }
0x4c: {  	_ =	shalt  }
0x4d: {  	_ =	shalt  }
0x4e: {  	_ =	shalt  }
0x4f: {  	_ =	shalt  }
0x50: {  	_ =	shalt  }
0x51: {  	_ =	shalt  }
0x52: {  	_ =	shalt  }
0x53: {  	_ =	shalt  }
0x54: {  	_ =	shalt  }
0x55: {  	_ =	shalt  }
0x56: {  	_ =	shalt  }
0x57: {  	_ =	shalt  }
0x58: {  	_ =	shalt  }
0x59: {  	_ =	shalt  }
0x5a: {  	_ =	shalt  }
0x5b: {  	_ =	shalt  }
0x5c: {  	_ =	shalt  }
0x5d: {  	_ =	shalt  }
0x5e: {  	_ =	shalt  }
0x5f: {  	_ =	shalt  }
0x60: {  	_ =	shalt  }
0x61: {  	_ =	shalt  }
0x62: {  	_ =	shalt  }
0x63: {  	_ =	shalt  }
0x64: {  	_ =	shalt  }
0x65: {  	_ =	shalt  }
0x66: {  	_ =	shalt  }
0x67: {  	_ =	shalt  }
0x68: {  	_ =	shalt  }
0x69: {  	_ =	shalt  }
0x6a: {  	_ =	shalt  }
0x6b: {  	_ =	shalt  }
0x6c: {  	_ =	shalt  }
0x6d: {  	_ =	shalt  }
0x6e: {  	_ =	shalt  }
0x6f: {  	_ =	shalt  }
0x70: {  	_ =	shalt  }
0x71: {  	_ =	shalt  }
0x72: {  	_ =	shalt  }
0x73: {  	_ =	shalt  }
0x74: {  	_ =	shalt  }
0x75: {  	_ =	shalt  }
0x76: {  	_ =	shalt  }
0x77: {  	_ =	shalt  }
0x78: {  	_ =	shalt  }
0x79: {  	_ =	shalt  }
0x7a: {  	_ =	shalt  }
0x7b: {  	_ =	shalt  }
0x7c: {  	_ =	shalt  }
0x7d: {  	_ =	shalt  }
0x7e: {  	_ =	shalt  }
0x7f: {  	_ =	shalt  }
0x80: {  	_ =	shalt  }
0x81: {  	_ =	shalt  }
0x82: {  	_ =	shalt  }
0x83: {  	_ =	shalt  }
0x84: {  	_ =	shalt  }
0x85: {  	_ =	shalt  }
0x86: {  	_ =	shalt  }
0x87: {  	_ =	shalt  }
.Lfunc_end0:
.L_simem_size_0:
called_computation_lowered:
.L_overlay_start_0:
0x88: {  	s2 =	sld [smem:$0x3FD9]  }
0x89: {  	s3 =	sld [smem:$0x3FFE];
	_ =	sdelay $0x1  }
0x8a: {  	s1 =	srdreg.scid  }
0x8b: {  	s0 =	sand.u32 $0x1, s1  }
0x8c: {  	s17 =	sshll.u32 s0, $0xA;
	s2 =	sadd.s32 s3, s2  }
0x8d: {  	s2 =	sadd.s32 s2, s17  }
0x8e: {  	[smem:$0x3FC6] =	sst s2  }
0x8f: {  	_ = 	snop  }
0x90: {  	s2 =	sld [smem:$0x3FC9];
	(tm) =	ssettm $0x1  }
0x91: {  	s18 =	sld [smem:$0x3FFB];
	_ =	sdelay $0x3  }
0x92: {  	_ =	strace s18  }
0x93: {  	s3 =	sld [smem:$0x3FFC];
	_ =	sdelay $0x3  }
0x94: {  	_ =	strace s3  }
0x95: {  	s3 =	sld [smem:$0x3FFD];
	_ =	sdelay $0x3  }
0x96: {  	_ =	strace s3  }
0x97: {  	_ =	strace $0x8FFFFFFF  }
0x98: {  	s19 =	sld [smem:$0x3FDB];
	_ =	sdelay $0x1  }
0x99: {  	s4 =	simm.s32 $_scs_section_size  }
0x9a: {  	s5 =	simm.s32 $_size__tile_overlayer_lowered;
	s6 =	simm.s32 $_tile_overlayer_lowered  }
0x9b: {  	s22 =	simm.s32 $0x1BFF;
	s21 =	sshll.u32 s6, $0x1;
	s3 =	sadd.s32 s4, s19  }
0x9c: {  	s7 =	simm.s32 $0x0;
	s20 =	sshll.u32 s5, $0x1;
	s5 =	sadd.s32 s21, s3  }
0x9d: {  	[timem:s7], [sflag:s22] =	dma.local [hbm:s5], s20  }
0x9e: {  	_ =	swait.ge [sflag:s22], s20  }
0x9f: {  	s4 =	ssub.s32 $0x0, s20;
	[sflag:s22] =	ssyncset.done $0x0  }
0xa0: {  	[sflag:s22] =	ssyncadd.s32 s4;
	_ =	sdelay $0x1  }
0xa1: {  	s23 =	simm.s32 $0x1B8B  }
0xa2: {  	_ =	swait.ge [sflag:s23], $0x1  }
0xa3: {  	[sflag:s23] =	ssyncset.done $0x0  }
0xa4: {  	s25 =	simm.s32 $0x1B8E;
	s24 =	sld [smem:$0x3FFE];
	[sflag:s23] =	ssyncadd.s32 $0xFFFFFFFF  }
0xa5: {  	s26 =	simm.s32 $execute0_lowered;
	[smem:$0x3FD2] =	sst s25  }
0xa6: {  	s5 =	sshll.u32 s26, $0x1;
	_ =	strace $0x80000046;
	[dreg:$0x1] =	wrdreg $0xFFFFFFFF  }
0xa7: {  	s28 =	simm.s32 $_size_execute0_lowered;
	s3 =	sadd.s32 s3, s5;
	[dreg:$0x0] =	wrdreg $0x0  }
0xa8: {  	s5 =	sshll.u32 s28, $0x1;
	[dreg:$0x2] =	wrdreg s3  }
0xa9: {  	[dreg:$0x3] =	wrdreg s5  }
0xaa: {  	[dreg:$0x4] =	wrdreg $0xC0  }
0xab: {  	_ =	task [dreg:s7], $0x5FFFF  }
0xac: {  	[dreg:$0x1] =	wrdreg $0xFFFFFFFF  }
0xad: {  	[dreg:$0x0] =	wrdreg $0x60  }
0xae: {  	[dreg:$0x2] =	wrdreg s2  }
0xaf: {  	[dreg:$0x3] =	wrdreg s24  }
0xb0: {  	[dreg:$0x4] =	wrdreg $0x9  }
0xb1: {  	_ =	task.clear_ibuf [dreg:s7], $0x5FFFF;
	_ =	strace $0x90000046  }
0xb2: {  	s29 =	simm.s32 $0x9;
	_ =	strace $0x80000048  }
0xb3: {  	_ =	swait.ge [sflag:s29], $0x1  }
0xb4: {  	[sflag:s29] =	ssyncadd.s32 $0xFFFFFFFF  }
0xb5: {  	_ =	strace $0x90000048  }
0xb6: {  	_ =	sfence  }
0xb7: {  	s30 =	sld [smem:$0x0];
	_ =	sdelay $0x2  }
0xb8: {  	s31 =	sshll.u32 s1, $0xD;
	s1 =	sshrl.u32 s1, $0x2  }
0xb9: {  	s3 =	sand.u32 $0x4000, s31;
	s1 =	sadd.s32 s1, s30  }
0xba: {  	s0 =	sor.u32 s3, s0;
	s1 =	sshll.u32 s1, $0x11  }
0xbb: {  	s0 =	sor.u32 s1, s0  }
0xbc: {  	s0 =	sadd.s32 $0x8F2B, s0  }
0xbd: {  	[sflag:s0] =	ssyncadd.remote.s32 $0x1  }
0xbe: {  	_ =	sfence.sel $0xFFFF  }
0xbf: {  	[dreg:$0x0] =	wrdreg $0xFFFFFFFF;
	(pc) =	sbr.abs _section_cstart, $3  }
0xc0: {  	[dreg:$0x1] =	wrdreg $0xFFFFFFFF  }
0xc1: {  	_ =	task.clear_ibuf [dreg:s7], $0x2FFFF;
	_ =	strace $0x9FFFFFFF  }
0xc2: {  	(tm) =	ssettm $0x7FFFFFFF  }
0xc3: {  	_ =	shalt  }
tec
execute0_lowered:
.L_overlay_start_1:
0x0: {  	(tag) =	ssettag $0x1  }
0x1: {  	s0 =	rddreg [dreg:$0x0]  }
0x2: {  	s1 =	rddreg [dreg:$0x1];
	s2 =	srdreg.scid  }
0x3: {  	s4 =	stileid.u32;
	s3 =	sand.u32 $0x1, s2;
	s2 =	simm.s32 $0x0  }
0x4: {  	s12 =	simm.s32 $0x400;
	s13 =	simm.s32 $0x600;
	[smem:$0x7FF] =	sst s2  }
0x5: {  	s14 =	simm.s32 $0x800;
	_ =	strace $0x80000047;
	[dreg:$0x14] =	wrdreg s12  }
0x6: {  	s4 =	sshll.u32 s4, $0x7;
	s5 =	sshll.u32 s3, $0x6;
	[dreg:$0x15] =	wrdreg s13  }
0x7: {  	s15 =	simm.s32 $0xA00;
	s4 =	sor.u32 s5, s4;
	[dreg:$0x16] =	wrdreg s14  }
0x8: {  	[dreg:$0x17] =	wrdreg s15;
	s5 =	sadd.s32 s4, s1;
	s0 =	sadd.s32 s0, s4  }
0x9: {  	[dreg:$0x3] =	wrdreg s0;
	s16 =	sadd.s32 $0x31200, s5  }
0xa: {  	s17 =	sadd.s32 $0x31A00, s5;
	[dreg:$0x4] =	wrdreg s16  }
0xb: {  	s18 =	sadd.s32 $0x32200, s5;
	[dreg:$0x5] =	wrdreg s17  }
0xc: {  	s19 =	sadd.s32 $0x32A00, s5;
	[dreg:$0x6] =	wrdreg s18  }
0xd: {  	s20 =	sadd.s32 $0x33200, s5;
	[dreg:$0x7] =	wrdreg s19  }
0xe: {  	s21 =	sadd.s32 $0x33A00, s5;
	[dreg:$0x8] =	wrdreg s20  }
0xf: {  	s22 =	sadd.s32 $0x34200, s5;
	[dreg:$0x9] =	wrdreg s21  }
0x10: {  	s23 =	sadd.s32 $0x34A00, s5;
	[dreg:$0xa] =	wrdreg s22  }
0x11: {  	s24 =	sadd.s32 $0x35200, s5;
	[dreg:$0xb] =	wrdreg s23  }
0x12: {  	s25 =	sadd.s32 $0x35A00, s5;
	[dreg:$0xc] =	wrdreg s24  }
0x13: {  	s26 =	sadd.s32 $0x36200, s5;
	[dreg:$0xd] =	wrdreg s25  }
0x14: {  	s4 =	sadd.s32 $0x36A00, s5;
	[dreg:$0xe] =	wrdreg s26  }
0x15: {  	s28 =	simm.s32 $0x3A00;
	s6 =	sadd.s32 $0x37200, s5;
	[dreg:$0xf] =	wrdreg s4  }
0x16: {  	s29 =	simm.s32 $0x3C00;
	s7 =	sadd.s32 $0x37A00, s5;
	[dreg:$0x10] =	wrdreg s6  }
0x17: {  	s30 =	simm.s32 $0x3E00;
	s9 =	sadd.s32 $0x38200, s5;
	[dreg:$0x11] =	wrdreg s7  }
0x18: {  	s31 =	simm.s32 $0x1;
	s10 =	sadd.s32 $0x38A00, s5;
	[dreg:$0x12] =	wrdreg s9  }
0x19: {  	s8 =	ssub.s32 $0x2, s3;
	[dreg:$0x13] =	wrdreg s10;
	s16 =	simm.s32 $0xC00  }
0x1a: {  	s3 =	sadd.s32 $0x400, s1;
	s17 =	simm.s32 $0xE00;
	[dreg:$0x18] =	wrdreg s16  }
0x1b: {  	s12 =	simm.s32 $0x10;
	s18 =	simm.s32 $0x1000;
	[dreg:$0x19] =	wrdreg s17  }
0x1c: {  	s13 =	simm.s32 $0x11;
	s19 =	simm.s32 $0x1200;
	[dreg:$0x1a] =	wrdreg s18  }
0x1d: {  	s1 =	simm.s32 $0xA;
	s20 =	simm.s32 $0x1400;
	[dreg:$0x1b] =	wrdreg s19  }
0x1e: {  	s0 =	simm.s32 $0x9;
	s21 =	simm.s32 $0x1600;
	[dreg:$0x1c] =	wrdreg s20  }
0x1f: {  	s6 =	sshrl.u32 s8, $0x1;
	s22 =	simm.s32 $0x1800;
	[dreg:$0x1d] =	wrdreg s21  }
0x20: {  	s23 =	simm.s32 $0x1A00;
	s24 =	simm.s32 $0x1C00;
	[dreg:$0x1e] =	wrdreg s22  }
0x21: {  	s25 =	simm.s32 $0x1E00;
	s26 =	simm.s32 $0x2000;
	[dreg:$0x1f] =	wrdreg s23  }
0x22: {  	s7 =	simm.s32 $0xB;
	s9 =	simm.s32 $0xD;
	[smem:$0x7FB] =	sst s24  }
0x23: {  	s10 =	simm.s32 $0xE;
	s11 =	ssub.s32 s8, s6;
	[smem:$0x7FC] =	sst s25  }
0x24: {  	s6 =	simm.s32 $0x200;
	[smem:$0x7FD] =	sst s26;
	s8 =	simm.s32 $0xC  }
0x25: {  	s17 =	simm.s32 $0x2400;
	s18 =	simm.s32 $0x2600;
	s19 =	simm.s32 $0x2800  }
0x26: {  	s20 =	simm.s32 $0x2A00;
	s21 =	simm.s32 $0x2C00;
	s22 =	simm.s32 $0x2E00  }
0x27: {  	s23 =	simm.s32 $0x3200;
	s24 =	simm.s32 $0x3400;
	s25 =	simm.s32 $0x3600  }
0x28: {  	s26 =	simm.s32 $0x3800;
	s4 =	smax.u32 s11, $0x1;
	s11 =	simm.s32 $0xF  }
.LBB2_1:
0x29: {  	s14 =	rddreg [dreg:$0x3];
	s5 =	simm.s32 $0x12  }
0x2a: {  	[tilespmem:s2], [sflag:$0x12] =	stream.linear.gather [hbm4b:s14+s2], $0x200, $0x38;
	[tilespmem:$0x4200] =	vst v63  }
0x2b: {  	_ =	swait.ge [sflag:s5], $0x200  }
0x2c: {  	[sflag:s5] =	ssyncset.done $0x0  }
0x2d: {  	[sflag:s5] =	ssyncadd.s32 $0xFFFFFE00  }
0x2e: {  	v0 =	vld [tilespmem:$0x0]  }
0x2f: {  	v2 =	vld [tilespmem:$0x10]  }
0x30: {  	v56 =	vld [tilespmem:$0x20]  }
0x31: {  	v12 =	vld [tilespmem:$0x30];
	_ =	sdelay $0x1  }
0x32: {  	vm0 =	vgt.s32 v0, $0x0  }
0x33: {  	vm9 =	vgt.s32 v2, $0x0;
	v0 =	vnsel vm0, $0x0, v0  }
0x34: {  	vm10 =	vgt.s32 v56, $0x0;
	v46 =	vnsel vm9, $0x0, v2;
	v0 =	vmin.u32 v0, $0x1869F  }
0x35: {  	vm11 =	vgt.s32 v12, $0x0;
	v62 =	vnsel vm10, $0x0, v56;
	v47 =	vmin.u32 v46, $0x1869F;
	[tilespmem:$0x200] =	vst v0  }
0x36: {  	v18 =	vnsel vm11, $0x0, v12;
	v63 =	vmin.u32 v62, $0x1869F;
	[tilespmem:$0x210] =	vst v47  }
0x37: {  	v19 =	vmin.u32 v18, $0x1869F;
	[tilespmem:$0x220] =	vst v63  }
0x38: {  	v1 =	vadd.s32 $0x186A0, v0;
	[tilespmem:$0x230] =	vst v19  }
0x39: {  	v33 =	vadd.s32 $0x30D40, v0;
	[tilespmem:$0x400] =	vst v1  }
0x3a: {  	v34 =	vadd.s32 $0x493E0, v0;
	[tilespmem:$0x600] =	vst v33  }
0x3b: {  	v35 =	vadd.s32 $0x61A80, v0;
	[tilespmem:$0x800] =	vst v34  }
0x3c: {  	v36 =	vadd.s32 $0x7A120, v0;
	[tilespmem:$0xA00] =	vst v35  }
0x3d: {  	v37 =	vadd.s32 $0x927C0, v0;
	[tilespmem:$0xC00] =	vst v36  }
0x3e: {  	v38 =	vadd.s32 $0xAAE60, v0;
	[tilespmem:$0xE00] =	vst v37  }
0x3f: {  	v39 =	vadd.s32 $0xC3500, v0;
	[tilespmem:$0x1000] =	vst v38  }
0x40: {  	v40 =	vadd.s32 $0xDBBA0, v0;
	[tilespmem:$0x1200] =	vst v39  }
0x41: {  	v41 =	vadd.s32 $0xF4240, v0;
	[tilespmem:$0x1400] =	vst v40  }
0x42: {  	v42 =	vadd.s32 $0x10C8E0, v0;
	[tilespmem:$0x1600] =	vst v41  }
0x43: {  	v43 =	vadd.s32 $0x124F80, v0;
	[tilespmem:$0x1800] =	vst v42  }
0x44: {  	v44 =	vadd.s32 $0x13D620, v0;
	[tilespmem:$0x1A00] =	vst v43  }
0x45: {  	v45 =	vadd.s32 $0x155CC0, v0;
	[tilespmem:$0x1C00] =	vst v44  }
0x46: {  	v0 =	vadd.s32 $0x16E360, v0;
	[tilespmem:$0x1E00] =	vst v45  }
0x47: {  	v48 =	vadd.s32 $0x30D40, v47;
	[tilespmem:$0x2000] =	vst v0  }
0x48: {  	v49 =	vadd.s32 $0x493E0, v47;
	[tilespmem:$0x610] =	vst v48  }
0x49: {  	v50 =	vadd.s32 $0x61A80, v47;
	[tilespmem:$0x810] =	vst v49  }
0x4a: {  	v51 =	vadd.s32 $0x7A120, v47;
	[tilespmem:$0xA10] =	vst v50  }
0x4b: {  	v52 =	vadd.s32 $0x927C0, v47;
	[tilespmem:$0xC10] =	vst v51  }
0x4c: {  	v53 =	vadd.s32 $0xAAE60, v47;
	[tilespmem:$0xE10] =	vst v52  }
0x4d: {  	v54 =	vadd.s32 $0xC3500, v47;
	[tilespmem:$0x1010] =	vst v53  }
0x4e: {  	v55 =	vadd.s32 $0xDBBA0, v47;
	[tilespmem:$0x1210] =	vst v54  }
0x4f: {  	v57 =	vadd.s32 $0xF4240, v47;
	[tilespmem:$0x1410] =	vst v55  }
0x50: {  	v58 =	vadd.s32 $0x10C8E0, v47;
	[tilespmem:$0x1610] =	vst v57  }
0x51: {  	v59 =	vadd.s32 $0x124F80, v47;
	[tilespmem:$0x1810] =	vst v58  }
0x52: {  	v60 =	vadd.s32 $0x13D620, v47;
	[tilespmem:$0x1A10] =	vst v59  }
0x53: {  	v61 =	vadd.s32 $0x155CC0, v47;
	[tilespmem:$0x1C10] =	vst v60  }
0x54: {  	v4 =	vadd.s32 $0x30D40, v63;
	[tilespmem:$0x1E10] =	vst v61  }
0x55: {  	v5 =	vadd.s32 $0x493E0, v63;
	[tilespmem:$0x620] =	vst v4  }
0x56: {  	v6 =	vadd.s32 $0x61A80, v63;
	[tilespmem:$0x820] =	vst v5  }
0x57: {  	v7 =	vadd.s32 $0x7A120, v63;
	[tilespmem:$0xA20] =	vst v6  }
0x58: {  	v8 =	vadd.s32 $0x927C0, v63;
	[tilespmem:$0xC20] =	vst v7  }
0x59: {  	v9 =	vadd.s32 $0xAAE60, v63;
	[tilespmem:$0xE20] =	vst v8  }
0x5a: {  	v10 =	vadd.s32 $0xC3500, v63;
	[tilespmem:$0x1020] =	vst v9  }
0x5b: {  	v11 =	vadd.s32 $0xDBBA0, v63;
	[tilespmem:$0x1220] =	vst v10  }
0x5c: {  	v13 =	vadd.s32 $0xF4240, v63;
	[tilespmem:$0x1420] =	vst v11  }
0x5d: {  	v14 =	vadd.s32 $0x10C8E0, v63;
	[tilespmem:$0x1620] =	vst v13  }
0x5e: {  	v15 =	vadd.s32 $0x124F80, v63;
	[tilespmem:$0x1820] =	vst v14  }
0x5f: {  	v16 =	vadd.s32 $0x13D620, v63;
	[tilespmem:$0x1A20] =	vst v15  }
0x60: {  	v17 =	vadd.s32 $0x155CC0, v63;
	[tilespmem:$0x1C20] =	vst v16  }
0x61: {  	v20 =	vadd.s32 $0x30D40, v19;
	[tilespmem:$0x1E20] =	vst v17  }
0x62: {  	v21 =	vadd.s32 $0x493E0, v19;
	[tilespmem:$0x630] =	vst v20  }
0x63: {  	v22 =	vadd.s32 $0x61A80, v19;
	[tilespmem:$0x830] =	vst v21  }
0x64: {  	v23 =	vadd.s32 $0x7A120, v19;
	[tilespmem:$0xA30] =	vst v22  }
0x65: {  	v24 =	vadd.s32 $0x927C0, v19;
	[tilespmem:$0xC30] =	vst v23  }
0x66: {  	v25 =	vadd.s32 $0xAAE60, v19;
	[tilespmem:$0xE30] =	vst v24  }
0x67: {  	v26 =	vadd.s32 $0xC3500, v19;
	[tilespmem:$0x1030] =	vst v25  }
0x68: {  	v27 =	vadd.s32 $0xDBBA0, v19;
	[tilespmem:$0x1230] =	vst v26  }
0x69: {  	v29 =	vadd.s32 $0xF4240, v19;
	[tilespmem:$0x1430] =	vst v27  }
0x6a: {  	v30 =	vadd.s32 $0x10C8E0, v19;
	[tilespmem:$0x1630] =	vst v29  }
0x6b: {  	v28 =	vld [tilespmem:$0x40];
	v31 =	vadd.s32 $0x124F80, v19;
	[tilespmem:$0x1830] =	vst v30  }
0x6c: {  	v32 =	vadd.s32 $0x13D620, v19;
	[tilespmem:$0x1A30] =	vst v31  }
0x6d: {  	v1 =	vadd.s32 $0x186A0, v47;
	[tilespmem:$0x1C30] =	vst v32  }
0x6e: {  	v0 =	vadd.s32 $0x16E360, v47;
	[tilespmem:$0x410] =	vst v1  }
0x6f: {  	v33 =	vadd.s32 $0x155CC0, v19;
	[tilespmem:$0x2010] =	vst v0  }
0x70: {  	vm12 =	vgt.s32 v28, $0x0;
	v1 =	vadd.s32 $0x186A0, v63;
	[tilespmem:$0x1E30] =	vst v33  }
0x71: {  	v34 =	vnsel vm12, $0x0, v28;
	v0 =	vadd.s32 $0x16E360, v63;
	[tilespmem:$0x420] =	vst v1  }
0x72: {  	v35 =	vmin.u32 v34, $0x1869F;
	[tilespmem:$0x2020] =	vst v0  }
0x73: {  	v1 =	vadd.s32 $0x186A0, v19;
	[tilespmem:$0x240] =	vst v35  }
0x74: {  	v0 =	vadd.s32 $0x16E360, v19;
	[tilespmem:$0x430] =	vst v1  }
0x75: {  	v36 =	vadd.s32 $0x30D40, v35;
	[tilespmem:$0x2030] =	vst v0  }
0x76: {  	v37 =	vadd.s32 $0x493E0, v35;
	[tilespmem:$0x640] =	vst v36  }
0x77: {  	v38 =	vadd.s32 $0x61A80, v35;
	[tilespmem:$0x840] =	vst v37  }
0x78: {  	v39 =	vadd.s32 $0x7A120, v35;
	[tilespmem:$0xA40] =	vst v38  }
0x79: {  	v40 =	vadd.s32 $0x927C0, v35;
	[tilespmem:$0xC40] =	vst v39  }
0x7a: {  	v41 =	vadd.s32 $0xAAE60, v35;
	[tilespmem:$0xE40] =	vst v40  }
0x7b: {  	v42 =	vadd.s32 $0xC3500, v35;
	[tilespmem:$0x1040] =	vst v41  }
0x7c: {  	v43 =	vadd.s32 $0xDBBA0, v35;
	[tilespmem:$0x1240] =	vst v42  }
0x7d: {  	v44 =	vld [tilespmem:$0x50];
	v45 =	vadd.s32 $0xF4240, v35;
	[tilespmem:$0x1440] =	vst v43  }
0x7e: {  	v60 =	vld [tilespmem:$0x60];
	v46 =	vadd.s32 $0x10C8E0, v35;
	[tilespmem:$0x1640] =	vst v45  }
0x7f: {  	v16 =	vld [tilespmem:$0x70];
	v47 =	vadd.s32 $0x124F80, v35;
	[tilespmem:$0x1840] =	vst v46  }
0x80: {  	v32 =	vld [tilespmem:$0x80];
	v48 =	vadd.s32 $0x13D620, v35;
	[tilespmem:$0x1A40] =	vst v47  }
0x81: {  	v49 =	vadd.s32 $0x155CC0, v35;
	[tilespmem:$0x1C40] =	vst v48  }
0x82: {  	v1 =	vadd.s32 $0x186A0, v35;
	[tilespmem:$0x1E40] =	vst v49;
	vm13 =	vgt.s32 v44, $0x0  }
0x83: {  	v0 =	vadd.s32 $0x16E360, v35;
	[tilespmem:$0x440] =	vst v1;
	vm14 =	vgt.s32 v60, $0x0;
	v50 =	vnsel vm13, $0x0, v44  }
0x84: {  	[tilespmem:$0x2040] =	vst v0;
	vm15 =	vgt.s32 v16, $0x0;
	v6 =	vnsel vm14, $0x0, v60;
	v51 =	vmin.u32 v50, $0x1869F  }
0x85: {  	vm4 =	vgt.s32 v32, $0x0;
	v22 =	vnsel vm15, $0x0, v16;
	v7 =	vmin.u32 v6, $0x1869F;
	[tilespmem:$0x250] =	vst v51  }
0x86: {  	v38 =	vnsel vm4, $0x0, v32;
	v23 =	vmin.u32 v22, $0x1869F;
	[tilespmem:$0x260] =	vst v7  }
0x87: {  	v39 =	vmin.u32 v38, $0x1869F;
	[tilespmem:$0x270] =	vst v23  }
0x88: {  	v1 =	vadd.s32 $0x186A0, v51;
	[tilespmem:$0x280] =	vst v39  }
0x89: {  	v52 =	vadd.s32 $0x30D40, v51;
	[tilespmem:$0x450] =	vst v1  }
0x8a: {  	v53 =	vadd.s32 $0x493E0, v51;
	[tilespmem:$0x650] =	vst v52  }
0x8b: {  	v54 =	vadd.s32 $0x61A80, v51;
	[tilespmem:$0x850] =	vst v53  }
0x8c: {  	v55 =	vadd.s32 $0x7A120, v51;
	[tilespmem:$0xA50] =	vst v54  }
0x8d: {  	v56 =	vadd.s32 $0x927C0, v51;
	[tilespmem:$0xC50] =	vst v55  }
0x8e: {  	v57 =	vadd.s32 $0xAAE60, v51;
	[tilespmem:$0xE50] =	vst v56  }
0x8f: {  	v58 =	vadd.s32 $0xC3500, v51;
	[tilespmem:$0x1050] =	vst v57  }
0x90: {  	v59 =	vadd.s32 $0xDBBA0, v51;
	[tilespmem:$0x1250] =	vst v58  }
0x91: {  	v61 =	vadd.s32 $0xF4240, v51;
	[tilespmem:$0x1450] =	vst v59  }
0x92: {  	v62 =	vadd.s32 $0x10C8E0, v51;
	[tilespmem:$0x1650] =	vst v61  }
0x93: {  	v63 =	vadd.s32 $0x124F80, v51;
	[tilespmem:$0x1850] =	vst v62  }
0x94: {  	v4 =	vadd.s32 $0x13D620, v51;
	[tilespmem:$0x1A50] =	vst v63  }
0x95: {  	v5 =	vadd.s32 $0x155CC0, v51;
	[tilespmem:$0x1C50] =	vst v4  }
0x96: {  	v0 =	vadd.s32 $0x16E360, v51;
	[tilespmem:$0x1E50] =	vst v5  }
0x97: {  	v8 =	vadd.s32 $0x30D40, v7;
	[tilespmem:$0x2050] =	vst v0  }
0x98: {  	v9 =	vadd.s32 $0x493E0, v7;
	[tilespmem:$0x660] =	vst v8  }
0x99: {  	v10 =	vadd.s32 $0x61A80, v7;
	[tilespmem:$0x860] =	vst v9  }
0x9a: {  	v11 =	vadd.s32 $0x7A120, v7;
	[tilespmem:$0xA60] =	vst v10  }
0x9b: {  	v12 =	vadd.s32 $0x927C0, v7;
	[tilespmem:$0xC60] =	vst v11  }
0x9c: {  	v13 =	vadd.s32 $0xAAE60, v7;
	[tilespmem:$0xE60] =	vst v12  }
0x9d: {  	v14 =	vadd.s32 $0xC3500, v7;
	[tilespmem:$0x1060] =	vst v13  }
0x9e: {  	v15 =	vadd.s32 $0xDBBA0, v7;
	[tilespmem:$0x1260] =	vst v14  }
0x9f: {  	v17 =	vadd.s32 $0xF4240, v7;
	[tilespmem:$0x1460] =	vst v15  }
0xa0: {  	v18 =	vadd.s32 $0x10C8E0, v7;
	[tilespmem:$0x1660] =	vst v17  }
0xa1: {  	v19 =	vadd.s32 $0x124F80, v7;
	[tilespmem:$0x1860] =	vst v18  }
0xa2: {  	v20 =	vadd.s32 $0x13D620, v7;
	[tilespmem:$0x1A60] =	vst v19  }
0xa3: {  	v21 =	vadd.s32 $0x155CC0, v7;
	[tilespmem:$0x1C60] =	vst v20  }
0xa4: {  	v24 =	vadd.s32 $0x30D40, v23;
	[tilespmem:$0x1E60] =	vst v21  }
0xa5: {  	v25 =	vadd.s32 $0x493E0, v23;
	[tilespmem:$0x670] =	vst v24  }
0xa6: {  	v26 =	vadd.s32 $0x61A80, v23;
	[tilespmem:$0x870] =	vst v25  }
0xa7: {  	v27 =	vadd.s32 $0x7A120, v23;
	[tilespmem:$0xA70] =	vst v26  }
0xa8: {  	v28 =	vadd.s32 $0x927C0, v23;
	[tilespmem:$0xC70] =	vst v27  }
0xa9: {  	v29 =	vadd.s32 $0xAAE60, v23;
	[tilespmem:$0xE70] =	vst v28  }
0xaa: {  	v30 =	vadd.s32 $0xC3500, v23;
	[tilespmem:$0x1070] =	vst v29  }
0xab: {  	v31 =	vadd.s32 $0xDBBA0, v23;
	[tilespmem:$0x1270] =	vst v30  }
0xac: {  	v33 =	vadd.s32 $0xF4240, v23;
	[tilespmem:$0x1470] =	vst v31  }
0xad: {  	v34 =	vadd.s32 $0x10C8E0, v23;
	[tilespmem:$0x1670] =	vst v33  }
0xae: {  	v35 =	vadd.s32 $0x124F80, v23;
	[tilespmem:$0x1870] =	vst v34  }
0xaf: {  	v36 =	vadd.s32 $0x13D620, v23;
	[tilespmem:$0x1A70] =	vst v35  }
0xb0: {  	v37 =	vadd.s32 $0x155CC0, v23;
	[tilespmem:$0x1C70] =	vst v36  }
0xb1: {  	v40 =	vadd.s32 $0x30D40, v39;
	[tilespmem:$0x1E70] =	vst v37  }
0xb2: {  	v41 =	vadd.s32 $0x493E0, v39;
	[tilespmem:$0x680] =	vst v40  }
0xb3: {  	v42 =	vadd.s32 $0x61A80, v39;
	[tilespmem:$0x880] =	vst v41  }
0xb4: {  	v43 =	vadd.s32 $0x7A120, v39;
	[tilespmem:$0xA80] =	vst v42  }
0xb5: {  	v44 =	vadd.s32 $0x927C0, v39;
	[tilespmem:$0xC80] =	vst v43  }
0xb6: {  	v45 =	vadd.s32 $0xAAE60, v39;
	[tilespmem:$0xE80] =	vst v44  }
0xb7: {  	v46 =	vadd.s32 $0xC3500, v39;
	[tilespmem:$0x1080] =	vst v45  }
0xb8: {  	v47 =	vadd.s32 $0xDBBA0, v39;
	[tilespmem:$0x1280] =	vst v46  }
0xb9: {  	v49 =	vadd.s32 $0xF4240, v39;
	[tilespmem:$0x1480] =	vst v47  }
0xba: {  	v50 =	vadd.s32 $0x10C8E0, v39;
	[tilespmem:$0x1680] =	vst v49  }
0xbb: {  	v48 =	vld [tilespmem:$0x90];
	v51 =	vadd.s32 $0x124F80, v39;
	[tilespmem:$0x1880] =	vst v50  }
0xbc: {  	v1 =	vadd.s32 $0x186A0, v7;
	[tilespmem:$0x1A80] =	vst v51  }
0xbd: {  	v0 =	vadd.s32 $0x16E360, v7;
	[tilespmem:$0x460] =	vst v1  }
0xbe: {  	v52 =	vadd.s32 $0x13D620, v39;
	[tilespmem:$0x2060] =	vst v0  }
0xbf: {  	v53 =	vadd.s32 $0x155CC0, v39;
	[tilespmem:$0x1C80] =	vst v52  }
0xc0: {  	vm5 =	vgt.s32 v48, $0x0;
	v1 =	vadd.s32 $0x186A0, v23;
	[tilespmem:$0x1E80] =	vst v53  }
0xc1: {  	v54 =	vnsel vm5, $0x0, v48;
	v0 =	vadd.s32 $0x16E360, v23;
	[tilespmem:$0x470] =	vst v1  }
0xc2: {  	v55 =	vmin.u32 v54, $0x1869F;
	[tilespmem:$0x2070] =	vst v0  }
0xc3: {  	v1 =	vadd.s32 $0x186A0, v39;
	[tilespmem:$0x290] =	vst v55  }
0xc4: {  	v0 =	vadd.s32 $0x16E360, v39;
	[tilespmem:$0x480] =	vst v1  }
0xc5: {  	v56 =	vadd.s32 $0x30D40, v55;
	[tilespmem:$0x2080] =	vst v0  }
0xc6: {  	v57 =	vadd.s32 $0x493E0, v55;
	[tilespmem:$0x690] =	vst v56  }
0xc7: {  	v58 =	vadd.s32 $0x61A80, v55;
	[tilespmem:$0x890] =	vst v57  }
0xc8: {  	v59 =	vadd.s32 $0x7A120, v55;
	[tilespmem:$0xA90] =	vst v58  }
0xc9: {  	v60 =	vadd.s32 $0x927C0, v55;
	[tilespmem:$0xC90] =	vst v59  }
0xca: {  	v61 =	vadd.s32 $0xAAE60, v55;
	[tilespmem:$0xE90] =	vst v60  }
0xcb: {  	v62 =	vadd.s32 $0xC3500, v55;
	[tilespmem:$0x1090] =	vst v61  }
0xcc: {  	v63 =	vadd.s32 $0xDBBA0, v55;
	[tilespmem:$0x1290] =	vst v62  }
0xcd: {  	v4 =	vld [tilespmem:$0xA0];
	v5 =	vadd.s32 $0xF4240, v55;
	[tilespmem:$0x1490] =	vst v63  }
0xce: {  	v6 =	vadd.s32 $0x10C8E0, v55;
	[tilespmem:$0x1690] =	vst v5  }
0xcf: {  	v7 =	vadd.s32 $0x124F80, v55;
	[tilespmem:$0x1890] =	vst v6  }
0xd0: {  	v8 =	vadd.s32 $0x13D620, v55;
	[tilespmem:$0x1A90] =	vst v7  }
0xd1: {  	v9 =	vadd.s32 $0x155CC0, v55;
	[tilespmem:$0x1C90] =	vst v8  }
0xd2: {  	v1 =	vadd.s32 $0x186A0, v55;
	[tilespmem:$0x1E90] =	vst v9;
	vm6 =	vgt.s32 v4, $0x0  }
0xd3: {  	v0 =	vadd.s32 $0x16E360, v55;
	[tilespmem:$0x490] =	vst v1;
	v10 =	vnsel vm6, $0x0, v4  }
0xd4: {  	[tilespmem:$0x2090] =	vst v0;
	v11 =	vmin.u32 v10, $0x1869F  }
0xd5: {  	[tilespmem:$0x2A0] =	vst v11;
	v1 =	vadd.s32 $0x186A0, v11  }
0xd6: {  	v12 =	vadd.s32 $0x30D40, v11;
	[tilespmem:$0x4A0] =	vst v1  }
0xd7: {  	v13 =	vadd.s32 $0x493E0, v11;
	[tilespmem:$0x6A0] =	vst v12  }
0xd8: {  	v14 =	vadd.s32 $0x61A80, v11;
	[tilespmem:$0x8A0] =	vst v13  }
0xd9: {  	v15 =	vadd.s32 $0x7A120, v11;
	[tilespmem:$0xAA0] =	vst v14  }
0xda: {  	v16 =	vadd.s32 $0x927C0, v11;
	[tilespmem:$0xCA0] =	vst v15  }
0xdb: {  	v17 =	vadd.s32 $0xAAE60, v11;
	[tilespmem:$0xEA0] =	vst v16  }
0xdc: {  	v18 =	vadd.s32 $0xC3500, v11;
	[tilespmem:$0x10A0] =	vst v17  }
0xdd: {  	v19 =	vadd.s32 $0xDBBA0, v11;
	[tilespmem:$0x12A0] =	vst v18;
	v20 =	vld [tilespmem:$0xB0]  }
0xde: {  	v21 =	vadd.s32 $0xF4240, v11;
	[tilespmem:$0x14A0] =	vst v19;
	v36 =	vld [tilespmem:$0xC0]  }
0xdf: {  	v22 =	vadd.s32 $0x10C8E0, v11;
	[tilespmem:$0x16A0] =	vst v21;
	v52 =	vld [tilespmem:$0xD0]  }
0xe0: {  	v23 =	vadd.s32 $0x124F80, v11;
	[tilespmem:$0x18A0] =	vst v22;
	v8 =	vld [tilespmem:$0xE0]  }
0xe1: {  	v24 =	vadd.s32 $0x13D620, v11;
	[tilespmem:$0x1AA0] =	vst v23  }
0xe2: {  	v25 =	vadd.s32 $0x155CC0, v11;
	[tilespmem:$0x1CA0] =	vst v24;
	vm7 =	vgt.s32 v20, $0x0  }
0xe3: {  	v0 =	vadd.s32 $0x16E360, v11;
	[tilespmem:$0x1EA0] =	vst v25;
	vm8 =	vgt.s32 v36, $0x0;
	v26 =	vnsel vm7, $0x0, v20  }
0xe4: {  	[tilespmem:$0x20A0] =	vst v0;
	vm9 =	vgt.s32 v52, $0x0;
	v42 =	vnsel vm8, $0x0, v36;
	v27 =	vmin.u32 v26, $0x1869F  }
0xe5: {  	vm10 =	vgt.s32 v8, $0x0;
	v58 =	vnsel vm9, $0x0, v52;
	v43 =	vmin.u32 v42, $0x1869F;
	[tilespmem:$0x2B0] =	vst v27  }
0xe6: {  	v14 =	vnsel vm10, $0x0, v8;
	v59 =	vmin.u32 v58, $0x1869F;
	[tilespmem:$0x2C0] =	vst v43  }
0xe7: {  	v15 =	vmin.u32 v14, $0x1869F;
	[tilespmem:$0x2D0] =	vst v59  }
0xe8: {  	v1 =	vadd.s32 $0x186A0, v27;
	[tilespmem:$0x2E0] =	vst v15  }
0xe9: {  	v28 =	vadd.s32 $0x30D40, v27;
	[tilespmem:$0x4B0] =	vst v1  }
0xea: {  	v29 =	vadd.s32 $0x493E0, v27;
	[tilespmem:$0x6B0] =	vst v28  }
0xeb: {  	v30 =	vadd.s32 $0x61A80, v27;
	[tilespmem:$0x8B0] =	vst v29  }
0xec: {  	v31 =	vadd.s32 $0x7A120, v27;
	[tilespmem:$0xAB0] =	vst v30  }
0xed: {  	v32 =	vadd.s32 $0x927C0, v27;
	[tilespmem:$0xCB0] =	vst v31  }
0xee: {  	v33 =	vadd.s32 $0xAAE60, v27;
	[tilespmem:$0xEB0] =	vst v32  }
0xef: {  	v34 =	vadd.s32 $0xC3500, v27;
	[tilespmem:$0x10B0] =	vst v33  }
0xf0: {  	v35 =	vadd.s32 $0xDBBA0, v27;
	[tilespmem:$0x12B0] =	vst v34  }
0xf1: {  	v37 =	vadd.s32 $0xF4240, v27;
	[tilespmem:$0x14B0] =	vst v35  }
0xf2: {  	v38 =	vadd.s32 $0x10C8E0, v27;
	[tilespmem:$0x16B0] =	vst v37  }
0xf3: {  	v39 =	vadd.s32 $0x124F80, v27;
	[tilespmem:$0x18B0] =	vst v38  }
0xf4: {  	v40 =	vadd.s32 $0x13D620, v27;
	[tilespmem:$0x1AB0] =	vst v39  }
0xf5: {  	v41 =	vadd.s32 $0x155CC0, v27;
	[tilespmem:$0x1CB0] =	vst v40  }
0xf6: {  	v0 =	vadd.s32 $0x16E360, v27;
	[tilespmem:$0x1EB0] =	vst v41  }
0xf7: {  	v44 =	vadd.s32 $0x30D40, v43;
	[tilespmem:$0x20B0] =	vst v0  }
0xf8: {  	v45 =	vadd.s32 $0x493E0, v43;
	[tilespmem:$0x6C0] =	vst v44  }
0xf9: {  	v46 =	vadd.s32 $0x61A80, v43;
	[tilespmem:$0x8C0] =	vst v45  }
0xfa: {  	v47 =	vadd.s32 $0x7A120, v43;
	[tilespmem:$0xAC0] =	vst v46  }
0xfb: {  	v48 =	vadd.s32 $0x927C0, v43;
	[tilespmem:$0xCC0] =	vst v47  }
0xfc: {  	v49 =	vadd.s32 $0xAAE60, v43;
	[tilespmem:$0xEC0] =	vst v48  }
0xfd: {  	v50 =	vadd.s32 $0xC3500, v43;
	[tilespmem:$0x10C0] =	vst v49  }
0xfe: {  	v51 =	vadd.s32 $0xDBBA0, v43;
	[tilespmem:$0x12C0] =	vst v50  }
0xff: {  	v53 =	vadd.s32 $0xF4240, v43;
	[tilespmem:$0x14C0] =	vst v51  }
0x100: {  	v54 =	vadd.s32 $0x10C8E0, v43;
	[tilespmem:$0x16C0] =	vst v53  }
0x101: {  	v55 =	vadd.s32 $0x124F80, v43;
	[tilespmem:$0x18C0] =	vst v54  }
0x102: {  	v56 =	vadd.s32 $0x13D620, v43;
	[tilespmem:$0x1AC0] =	vst v55  }
0x103: {  	v57 =	vadd.s32 $0x155CC0, v43;
	[tilespmem:$0x1CC0] =	vst v56  }
0x104: {  	v60 =	vadd.s32 $0x30D40, v59;
	[tilespmem:$0x1EC0] =	vst v57  }
0x105: {  	v61 =	vadd.s32 $0x493E0, v59;
	[tilespmem:$0x6D0] =	vst v60  }
0x106: {  	v62 =	vadd.s32 $0x61A80, v59;
	[tilespmem:$0x8D0] =	vst v61  }
0x107: {  	v63 =	vadd.s32 $0x7A120, v59;
	[tilespmem:$0xAD0] =	vst v62  }
0x108: {  	v4 =	vadd.s32 $0x927C0, v59;
	[tilespmem:$0xCD0] =	vst v63  }
0x109: {  	v5 =	vadd.s32 $0xAAE60, v59;
	[tilespmem:$0xED0] =	vst v4  }
0x10a: {  	v6 =	vadd.s32 $0xC3500, v59;
	[tilespmem:$0x10D0] =	vst v5  }
0x10b: {  	v7 =	vadd.s32 $0xDBBA0, v59;
	[tilespmem:$0x12D0] =	vst v6  }
0x10c: {  	v9 =	vadd.s32 $0xF4240, v59;
	[tilespmem:$0x14D0] =	vst v7  }
0x10d: {  	v10 =	vadd.s32 $0x10C8E0, v59;
	[tilespmem:$0x16D0] =	vst v9  }
0x10e: {  	v11 =	vadd.s32 $0x124F80, v59;
	[tilespmem:$0x18D0] =	vst v10  }
0x10f: {  	v12 =	vadd.s32 $0x13D620, v59;
	[tilespmem:$0x1AD0] =	vst v11  }
0x110: {  	v13 =	vadd.s32 $0x155CC0, v59;
	[tilespmem:$0x1CD0] =	vst v12  }
0x111: {  	v16 =	vadd.s32 $0x30D40, v15;
	[tilespmem:$0x1ED0] =	vst v13  }
0x112: {  	v17 =	vadd.s32 $0x493E0, v15;
	[tilespmem:$0x6E0] =	vst v16  }
0x113: {  	v18 =	vadd.s32 $0x61A80, v15;
	[tilespmem:$0x8E0] =	vst v17  }
0x114: {  	v19 =	vadd.s32 $0x7A120, v15;
	[tilespmem:$0xAE0] =	vst v18  }
0x115: {  	v20 =	vadd.s32 $0x927C0, v15;
	[tilespmem:$0xCE0] =	vst v19  }
0x116: {  	v21 =	vadd.s32 $0xAAE60, v15;
	[tilespmem:$0xEE0] =	vst v20  }
0x117: {  	v22 =	vadd.s32 $0xC3500, v15;
	[tilespmem:$0x10E0] =	vst v21  }
0x118: {  	v23 =	vadd.s32 $0xDBBA0, v15;
	[tilespmem:$0x12E0] =	vst v22  }
0x119: {  	v25 =	vadd.s32 $0xF4240, v15;
	[tilespmem:$0x14E0] =	vst v23  }
0x11a: {  	v26 =	vadd.s32 $0x10C8E0, v15;
	[tilespmem:$0x16E0] =	vst v25  }
0x11b: {  	v24 =	vld [tilespmem:$0xF0];
	v27 =	vadd.s32 $0x124F80, v15;
	[tilespmem:$0x18E0] =	vst v26  }
0x11c: {  	v1 =	vadd.s32 $0x186A0, v43;
	[tilespmem:$0x1AE0] =	vst v27  }
0x11d: {  	v0 =	vadd.s32 $0x16E360, v43;
	[tilespmem:$0x4C0] =	vst v1  }
0x11e: {  	v28 =	vadd.s32 $0x13D620, v15;
	[tilespmem:$0x20C0] =	vst v0  }
0x11f: {  	v29 =	vadd.s32 $0x155CC0, v15;
	[tilespmem:$0x1CE0] =	vst v28  }
0x120: {  	vm11 =	vgt.s32 v24, $0x0;
	v1 =	vadd.s32 $0x186A0, v59;
	[tilespmem:$0x1EE0] =	vst v29  }
0x121: {  	v30 =	vnsel vm11, $0x0, v24;
	v0 =	vadd.s32 $0x16E360, v59;
	[tilespmem:$0x4D0] =	vst v1  }
0x122: {  	v31 =	vmin.u32 v30, $0x1869F;
	[tilespmem:$0x20D0] =	vst v0  }
0x123: {  	v1 =	vadd.s32 $0x186A0, v15;
	[tilespmem:$0x2F0] =	vst v31  }
0x124: {  	v0 =	vadd.s32 $0x16E360, v15;
	[tilespmem:$0x4E0] =	vst v1  }
0x125: {  	v32 =	vadd.s32 $0x30D40, v31;
	[tilespmem:$0x20E0] =	vst v0  }
0x126: {  	v33 =	vadd.s32 $0x493E0, v31;
	[tilespmem:$0x6F0] =	vst v32  }
0x127: {  	v34 =	vadd.s32 $0x61A80, v31;
	[tilespmem:$0x8F0] =	vst v33  }
0x128: {  	v35 =	vadd.s32 $0x7A120, v31;
	[tilespmem:$0xAF0] =	vst v34  }
0x129: {  	v36 =	vadd.s32 $0x927C0, v31;
	[tilespmem:$0xCF0] =	vst v35  }
0x12a: {  	v37 =	vadd.s32 $0xAAE60, v31;
	[tilespmem:$0xEF0] =	vst v36  }
0x12b: {  	v38 =	vadd.s32 $0xC3500, v31;
	[tilespmem:$0x10F0] =	vst v37  }
0x12c: {  	v39 =	vadd.s32 $0xDBBA0, v31;
	[tilespmem:$0x12F0] =	vst v38  }
0x12d: {  	v40 =	vld [tilespmem:$0x100];
	v41 =	vadd.s32 $0xF4240, v31;
	[tilespmem:$0x14F0] =	vst v39  }
0x12e: {  	v56 =	vld [tilespmem:$0x110];
	v42 =	vadd.s32 $0x10C8E0, v31;
	[tilespmem:$0x16F0] =	vst v41  }
0x12f: {  	v12 =	vld [tilespmem:$0x120];
	v43 =	vadd.s32 $0x124F80, v31;
	[tilespmem:$0x18F0] =	vst v42  }
0x130: {  	v44 =	vadd.s32 $0x13D620, v31;
	[tilespmem:$0x1AF0] =	vst v43  }
0x131: {  	v45 =	vadd.s32 $0x155CC0, v31;
	[tilespmem:$0x1CF0] =	vst v44  }
0x132: {  	v1 =	vadd.s32 $0x186A0, v31;
	[tilespmem:$0x1EF0] =	vst v45;
	vm12 =	vgt.s32 v40, $0x0  }
0x133: {  	v0 =	vadd.s32 $0x16E360, v31;
	[tilespmem:$0x4F0] =	vst v1;
	vm13 =	vgt.s32 v56, $0x0;
	v46 =	vnsel vm12, $0x0, v40  }
0x134: {  	[tilespmem:$0x20F0] =	vst v0;
	vm14 =	vgt.s32 v12, $0x0;
	v62 =	vnsel vm13, $0x0, v56;
	v47 =	vmin.u32 v46, $0x1869F  }
0x135: {  	v18 =	vnsel vm14, $0x0, v12;
	v63 =	vmin.u32 v62, $0x1869F;
	[tilespmem:$0x300] =	vst v47  }
0x136: {  	v19 =	vmin.u32 v18, $0x1869F;
	[tilespmem:$0x310] =	vst v63  }
0x137: {  	v1 =	vadd.s32 $0x186A0, v47;
	[tilespmem:$0x320] =	vst v19  }
0x138: {  	v48 =	vadd.s32 $0x30D40, v47;
	[tilespmem:$0x500] =	vst v1  }
0x139: {  	v49 =	vadd.s32 $0x493E0, v47;
	[tilespmem:$0x700] =	vst v48  }
0x13a: {  	v50 =	vadd.s32 $0x61A80, v47;
	[tilespmem:$0x900] =	vst v49  }
0x13b: {  	v51 =	vadd.s32 $0x7A120, v47;
	[tilespmem:$0xB00] =	vst v50  }
0x13c: {  	v52 =	vadd.s32 $0x927C0, v47;
	[tilespmem:$0xD00] =	vst v51  }
0x13d: {  	v53 =	vadd.s32 $0xAAE60, v47;
	[tilespmem:$0xF00] =	vst v52  }
0x13e: {  	v54 =	vadd.s32 $0xC3500, v47;
	[tilespmem:$0x1100] =	vst v53  }
0x13f: {  	v55 =	vadd.s32 $0xDBBA0, v47;
	[tilespmem:$0x1300] =	vst v54  }
0x140: {  	v57 =	vadd.s32 $0xF4240, v47;
	[tilespmem:$0x1500] =	vst v55  }
0x141: {  	v58 =	vadd.s32 $0x10C8E0, v47;
	[tilespmem:$0x1700] =	vst v57  }
0x142: {  	v59 =	vadd.s32 $0x124F80, v47;
	[tilespmem:$0x1900] =	vst v58  }
0x143: {  	v60 =	vadd.s32 $0x13D620, v47;
	[tilespmem:$0x1B00] =	vst v59  }
0x144: {  	v61 =	vadd.s32 $0x155CC0, v47;
	[tilespmem:$0x1D00] =	vst v60  }
0x145: {  	v0 =	vadd.s32 $0x16E360, v47;
	[tilespmem:$0x1F00] =	vst v61  }
0x146: {  	v4 =	vadd.s32 $0x30D40, v63;
	[tilespmem:$0x2100] =	vst v0  }
0x147: {  	v5 =	vadd.s32 $0x493E0, v63;
	[tilespmem:$0x710] =	vst v4  }
0x148: {  	v6 =	vadd.s32 $0x61A80, v63;
	[tilespmem:$0x910] =	vst v5  }
0x149: {  	v7 =	vadd.s32 $0x7A120, v63;
	[tilespmem:$0xB10] =	vst v6  }
0x14a: {  	v8 =	vadd.s32 $0x927C0, v63;
	[tilespmem:$0xD10] =	vst v7  }
0x14b: {  	v9 =	vadd.s32 $0xAAE60, v63;
	[tilespmem:$0xF10] =	vst v8  }
0x14c: {  	v10 =	vadd.s32 $0xC3500, v63;
	[tilespmem:$0x1110] =	vst v9  }
0x14d: {  	v11 =	vadd.s32 $0xDBBA0, v63;
	[tilespmem:$0x1310] =	vst v10  }
0x14e: {  	v13 =	vadd.s32 $0xF4240, v63;
	[tilespmem:$0x1510] =	vst v11  }
0x14f: {  	v14 =	vadd.s32 $0x10C8E0, v63;
	[tilespmem:$0x1710] =	vst v13  }
0x150: {  	v15 =	vadd.s32 $0x124F80, v63;
	[tilespmem:$0x1910] =	vst v14  }
0x151: {  	v16 =	vadd.s32 $0x13D620, v63;
	[tilespmem:$0x1B10] =	vst v15  }
0x152: {  	v17 =	vadd.s32 $0x155CC0, v63;
	[tilespmem:$0x1D10] =	vst v16  }
0x153: {  	v20 =	vadd.s32 $0x30D40, v19;
	[tilespmem:$0x1F10] =	vst v17  }
0x154: {  	v21 =	vadd.s32 $0x493E0, v19;
	[tilespmem:$0x720] =	vst v20  }
0x155: {  	v22 =	vadd.s32 $0x61A80, v19;
	[tilespmem:$0x920] =	vst v21  }
0x156: {  	v23 =	vadd.s32 $0x7A120, v19;
	[tilespmem:$0xB20] =	vst v22  }
0x157: {  	v24 =	vadd.s32 $0x927C0, v19;
	[tilespmem:$0xD20] =	vst v23  }
0x158: {  	v25 =	vadd.s32 $0xAAE60, v19;
	[tilespmem:$0xF20] =	vst v24  }
0x159: {  	v28 =	vld [tilespmem:$0x130];
	v26 =	vadd.s32 $0xC3500, v19;
	[tilespmem:$0x1120] =	vst v25  }
0x15a: {  	v27 =	vadd.s32 $0xDBBA0, v19;
	[tilespmem:$0x1320] =	vst v26  }
0x15b: {  	v29 =	vadd.s32 $0xF4240, v19;
	[tilespmem:$0x1520] =	vst v27  }
0x15c: {  	v30 =	vadd.s32 $0x10C8E0, v19;
	[tilespmem:$0x1720] =	vst v29  }
0x15d: {  	v31 =	vadd.s32 $0x124F80, v19;
	[tilespmem:$0x1920] =	vst v30  }
0x15e: {  	vm15 =	vgt.s32 v28, $0x0;
	v32 =	vadd.s32 $0x13D620, v19;
	[tilespmem:$0x1B20] =	vst v31  }
0x15f: {  	v34 =	vnsel vm15, $0x0, v28;
	v33 =	vadd.s32 $0x155CC0, v19;
	[tilespmem:$0x1D20] =	vst v32  }
0x160: {  	v35 =	vmin.u32 v34, $0x1869F;
	[tilespmem:$0x1F20] =	vst v33  }
0x161: {  	v1 =	vadd.s32 $0x186A0, v63;
	[tilespmem:$0x330] =	vst v35  }
0x162: {  	v0 =	vadd.s32 $0x16E360, v63;
	[tilespmem:$0x510] =	vst v1  }
0x163: {  	v36 =	vadd.s32 $0x30D40, v35;
	[tilespmem:$0x2110] =	vst v0  }
0x164: {  	v37 =	vadd.s32 $0x493E0, v35;
	[tilespmem:$0x730] =	vst v36  }
0x165: {  	v38 =	vadd.s32 $0x61A80, v35;
	[tilespmem:$0x930] =	vst v37  }
0x166: {  	v39 =	vadd.s32 $0x7A120, v35;
	[tilespmem:$0xB30] =	vst v38  }
0x167: {  	v40 =	vadd.s32 $0x927C0, v35;
	[tilespmem:$0xD30] =	vst v39  }
0x168: {  	v41 =	vadd.s32 $0xAAE60, v35;
	[tilespmem:$0xF30] =	vst v40  }
0x169: {  	v42 =	vadd.s32 $0xC3500, v35;
	[tilespmem:$0x1130] =	vst v41  }
0x16a: {  	v43 =	vadd.s32 $0xDBBA0, v35;
	[tilespmem:$0x1330] =	vst v42  }
0x16b: {  	v44 =	vld [tilespmem:$0x140];
	v45 =	vadd.s32 $0xF4240, v35;
	[tilespmem:$0x1530] =	vst v43  }
0x16c: {  	v46 =	vadd.s32 $0x10C8E0, v35;
	[tilespmem:$0x1730] =	vst v45  }
0x16d: {  	v47 =	vadd.s32 $0x124F80, v35;
	[tilespmem:$0x1930] =	vst v46  }
0x16e: {  	v48 =	vadd.s32 $0x13D620, v35;
	[tilespmem:$0x1B30] =	vst v47  }
0x16f: {  	v49 =	vadd.s32 $0x155CC0, v35;
	[tilespmem:$0x1D30] =	vst v48  }
0x170: {  	vm4 =	vgt.s32 v44, $0x0;
	v1 =	vadd.s32 $0x186A0, v19;
	[tilespmem:$0x1F30] =	vst v49  }
0x171: {  	v50 =	vnsel vm4, $0x0, v44;
	v0 =	vadd.s32 $0x16E360, v19;
	[tilespmem:$0x520] =	vst v1  }
0x172: {  	v51 =	vmin.u32 v50, $0x1869F;
	[tilespmem:$0x2120] =	vst v0  }
0x173: {  	v1 =	vadd.s32 $0x186A0, v35;
	[tilespmem:$0x340] =	vst v51  }
0x174: {  	v0 =	vadd.s32 $0x16E360, v35;
	[tilespmem:$0x530] =	vst v1  }
0x175: {  	v52 =	vadd.s32 $0x30D40, v51;
	[tilespmem:$0x2130] =	vst v0  }
0x176: {  	v53 =	vadd.s32 $0x493E0, v51;
	[tilespmem:$0x740] =	vst v52  }
0x177: {  	v54 =	vadd.s32 $0x61A80, v51;
	[tilespmem:$0x940] =	vst v53  }
0x178: {  	v55 =	vadd.s32 $0x7A120, v51;
	[tilespmem:$0xB40] =	vst v54  }
0x179: {  	v56 =	vadd.s32 $0x927C0, v51;
	[tilespmem:$0xD40] =	vst v55  }
0x17a: {  	v57 =	vadd.s32 $0xAAE60, v51;
	[tilespmem:$0xF40] =	vst v56  }
0x17b: {  	v58 =	vadd.s32 $0xC3500, v51;
	[tilespmem:$0x1140] =	vst v57  }
0x17c: {  	v59 =	vadd.s32 $0xDBBA0, v51;
	[tilespmem:$0x1340] =	vst v58  }
0x17d: {  	v60 =	vld [tilespmem:$0x150];
	v61 =	vadd.s32 $0xF4240, v51;
	[tilespmem:$0x1540] =	vst v59  }
0x17e: {  	v16 =	vld [tilespmem:$0x160];
	v62 =	vadd.s32 $0x10C8E0, v51;
	[tilespmem:$0x1740] =	vst v61  }
0x17f: {  	v32 =	vld [tilespmem:$0x170];
	v63 =	vadd.s32 $0x124F80, v51;
	[tilespmem:$0x1940] =	vst v62  }
0x180: {  	v4 =	vadd.s32 $0x13D620, v51;
	[tilespmem:$0x1B40] =	vst v63  }
0x181: {  	v5 =	vadd.s32 $0x155CC0, v51;
	[tilespmem:$0x1D40] =	vst v4  }
0x182: {  	v1 =	vadd.s32 $0x186A0, v51;
	[tilespmem:$0x1F40] =	vst v5;
	vm5 =	vgt.s32 v60, $0x0  }
0x183: {  	v0 =	vadd.s32 $0x16E360, v51;
	[tilespmem:$0x540] =	vst v1;
	vm6 =	vgt.s32 v16, $0x0;
	v6 =	vnsel vm5, $0x0, v60  }
0x184: {  	[tilespmem:$0x2140] =	vst v0;
	vm7 =	vgt.s32 v32, $0x0;
	v22 =	vnsel vm6, $0x0, v16;
	v7 =	vmin.u32 v6, $0x1869F  }
0x185: {  	v38 =	vnsel vm7, $0x0, v32;
	v23 =	vmin.u32 v22, $0x1869F;
	[tilespmem:$0x350] =	vst v7  }
0x186: {  	v39 =	vmin.u32 v38, $0x1869F;
	[tilespmem:$0x360] =	vst v23  }
0x187: {  	v1 =	vadd.s32 $0x186A0, v7;
	[tilespmem:$0x370] =	vst v39  }
0x188: {  	v8 =	vadd.s32 $0x30D40, v7;
	[tilespmem:$0x550] =	vst v1  }
0x189: {  	v9 =	vadd.s32 $0x493E0, v7;
	[tilespmem:$0x750] =	vst v8  }
0x18a: {  	v10 =	vadd.s32 $0x61A80, v7;
	[tilespmem:$0x950] =	vst v9  }
0x18b: {  	v11 =	vadd.s32 $0x7A120, v7;
	[tilespmem:$0xB50] =	vst v10  }
0x18c: {  	v12 =	vadd.s32 $0x927C0, v7;
	[tilespmem:$0xD50] =	vst v11  }
0x18d: {  	v13 =	vadd.s32 $0xAAE60, v7;
	[tilespmem:$0xF50] =	vst v12  }
0x18e: {  	v14 =	vadd.s32 $0xC3500, v7;
	[tilespmem:$0x1150] =	vst v13  }
0x18f: {  	v15 =	vadd.s32 $0xDBBA0, v7;
	[tilespmem:$0x1350] =	vst v14  }
0x190: {  	v17 =	vadd.s32 $0xF4240, v7;
	[tilespmem:$0x1550] =	vst v15  }
0x191: {  	v18 =	vadd.s32 $0x10C8E0, v7;
	[tilespmem:$0x1750] =	vst v17  }
0x192: {  	v19 =	vadd.s32 $0x124F80, v7;
	[tilespmem:$0x1950] =	vst v18  }
0x193: {  	v20 =	vadd.s32 $0x13D620, v7;
	[tilespmem:$0x1B50] =	vst v19  }
0x194: {  	v21 =	vadd.s32 $0x155CC0, v7;
	[tilespmem:$0x1D50] =	vst v20  }
0x195: {  	v0 =	vadd.s32 $0x16E360, v7;
	[tilespmem:$0x1F50] =	vst v21  }
0x196: {  	v24 =	vadd.s32 $0x30D40, v23;
	[tilespmem:$0x2150] =	vst v0  }
0x197: {  	v25 =	vadd.s32 $0x493E0, v23;
	[tilespmem:$0x760] =	vst v24  }
0x198: {  	v26 =	vadd.s32 $0x61A80, v23;
	[tilespmem:$0x960] =	vst v25  }
0x199: {  	v27 =	vadd.s32 $0x7A120, v23;
	[tilespmem:$0xB60] =	vst v26  }
0x19a: {  	v28 =	vadd.s32 $0x927C0, v23;
	[tilespmem:$0xD60] =	vst v27  }
0x19b: {  	v29 =	vadd.s32 $0xAAE60, v23;
	[tilespmem:$0xF60] =	vst v28  }
0x19c: {  	v30 =	vadd.s32 $0xC3500, v23;
	[tilespmem:$0x1160] =	vst v29  }
0x19d: {  	v31 =	vadd.s32 $0xDBBA0, v23;
	[tilespmem:$0x1360] =	vst v30  }
0x19e: {  	v33 =	vadd.s32 $0xF4240, v23;
	[tilespmem:$0x1560] =	vst v31  }
0x19f: {  	v34 =	vadd.s32 $0x10C8E0, v23;
	[tilespmem:$0x1760] =	vst v33  }
0x1a0: {  	v35 =	vadd.s32 $0x124F80, v23;
	[tilespmem:$0x1960] =	vst v34  }
0x1a1: {  	v36 =	vadd.s32 $0x13D620, v23;
	[tilespmem:$0x1B60] =	vst v35  }
0x1a2: {  	v37 =	vadd.s32 $0x155CC0, v23;
	[tilespmem:$0x1D60] =	vst v36  }
0x1a3: {  	v40 =	vadd.s32 $0x30D40, v39;
	[tilespmem:$0x1F60] =	vst v37  }
0x1a4: {  	v41 =	vadd.s32 $0x493E0, v39;
	[tilespmem:$0x770] =	vst v40  }
0x1a5: {  	v42 =	vadd.s32 $0x61A80, v39;
	[tilespmem:$0x970] =	vst v41  }
0x1a6: {  	v43 =	vadd.s32 $0x7A120, v39;
	[tilespmem:$0xB70] =	vst v42  }
0x1a7: {  	v44 =	vadd.s32 $0x927C0, v39;
	[tilespmem:$0xD70] =	vst v43  }
0x1a8: {  	v45 =	vadd.s32 $0xAAE60, v39;
	[tilespmem:$0xF70] =	vst v44  }
0x1a9: {  	v48 =	vld [tilespmem:$0x180];
	v46 =	vadd.s32 $0xC3500, v39;
	[tilespmem:$0x1170] =	vst v45  }
0x1aa: {  	v47 =	vadd.s32 $0xDBBA0, v39;
	[tilespmem:$0x1370] =	vst v46  }
0x1ab: {  	v49 =	vadd.s32 $0xF4240, v39;
	[tilespmem:$0x1570] =	vst v47  }
0x1ac: {  	v50 =	vadd.s32 $0x10C8E0, v39;
	[tilespmem:$0x1770] =	vst v49  }
0x1ad: {  	v51 =	vadd.s32 $0x124F80, v39;
	[tilespmem:$0x1970] =	vst v50  }
0x1ae: {  	vm8 =	vgt.s32 v48, $0x0;
	v52 =	vadd.s32 $0x13D620, v39;
	[tilespmem:$0x1B70] =	vst v51  }
0x1af: {  	v54 =	vnsel vm8, $0x0, v48;
	v53 =	vadd.s32 $0x155CC0, v39;
	[tilespmem:$0x1D70] =	vst v52  }
0x1b0: {  	v55 =	vmin.u32 v54, $0x1869F;
	[tilespmem:$0x1F70] =	vst v53  }
0x1b1: {  	v1 =	vadd.s32 $0x186A0, v23;
	[tilespmem:$0x380] =	vst v55  }
0x1b2: {  	v0 =	vadd.s32 $0x16E360, v23;
	[tilespmem:$0x560] =	vst v1  }
0x1b3: {  	v56 =	vadd.s32 $0x30D40, v55;
	[tilespmem:$0x2160] =	vst v0  }
0x1b4: {  	v57 =	vadd.s32 $0x493E0, v55;
	[tilespmem:$0x780] =	vst v56  }
0x1b5: {  	v58 =	vadd.s32 $0x61A80, v55;
	[tilespmem:$0x980] =	vst v57  }
0x1b6: {  	v59 =	vadd.s32 $0x7A120, v55;
	[tilespmem:$0xB80] =	vst v58  }
0x1b7: {  	v60 =	vadd.s32 $0x927C0, v55;
	[tilespmem:$0xD80] =	vst v59  }
0x1b8: {  	v61 =	vadd.s32 $0xAAE60, v55;
	[tilespmem:$0xF80] =	vst v60  }
0x1b9: {  	v62 =	vadd.s32 $0xC3500, v55;
	[tilespmem:$0x1180] =	vst v61  }
0x1ba: {  	v4 =	vadd.s32 $0xDBBA0, v55;
	[tilespmem:$0x1380] =	vst v62  }
0x1bb: {  	v63 =	vld [tilespmem:$0x190];
	v5 =	vadd.s32 $0xF4240, v55;
	[tilespmem:$0x1580] =	vst v4  }
0x1bc: {  	v3 =	vld [tilespmem:$0x1D0];
	v6 =	vadd.s32 $0x10C8E0, v55;
	[tilespmem:$0x1780] =	vst v5  }
0x1bd: {  	v7 =	vadd.s32 $0x124F80, v55;
	[tilespmem:$0x1980] =	vst v6  }
0x1be: {  	v8 =	vadd.s32 $0x13D620, v55;
	[tilespmem:$0x1B80] =	vst v7  }
0x1bf: {  	v9 =	vadd.s32 $0x155CC0, v55;
	[tilespmem:$0x1D80] =	vst v8  }
0x1c0: {  	vm9 =	vgt.s32 v63, $0x0;
	v1 =	vadd.s32 $0x186A0, v39;
	[tilespmem:$0x1F80] =	vst v9  }
0x1c1: {  	vm11 =	vgt.s32 v3, $0x0;
	v2 =	vnsel vm9, $0x0, v63;
	v0 =	vadd.s32 $0x16E360, v39;
	[tilespmem:$0x570] =	vst v1  }
0x1c2: {  	v26 =	vnsel vm11, $0x0, v3;
	v10 =	vmin.u32 v2, $0x1869F;
	[tilespmem:$0x2170] =	vst v0  }
0x1c3: {  	v27 =	vmin.u32 v26, $0x1869F;
	[tilespmem:$0x390] =	vst v10  }
0x1c4: {  	v1 =	vadd.s32 $0x186A0, v55;
	[tilespmem:$0x3D0] =	vst v27  }
0x1c5: {  	v0 =	vadd.s32 $0x16E360, v55;
	[tilespmem:$0x580] =	vst v1  }
0x1c6: {  	v11 =	vadd.s32 $0x186A0, v10;
	[tilespmem:$0x2180] =	vst v0  }
0x1c7: {  	v12 =	vadd.s32 $0x30D40, v10;
	[tilespmem:$0x590] =	vst v11  }
0x1c8: {  	v13 =	vadd.s32 $0x493E0, v10;
	[tilespmem:$0x790] =	vst v12  }
0x1c9: {  	v14 =	vadd.s32 $0x61A80, v10;
	[tilespmem:$0x990] =	vst v13  }
0x1ca: {  	v15 =	vadd.s32 $0x7A120, v10;
	[tilespmem:$0xB90] =	vst v14  }
0x1cb: {  	v16 =	vadd.s32 $0x927C0, v10;
	[tilespmem:$0xD90] =	vst v15  }
0x1cc: {  	v17 =	vadd.s32 $0xAAE60, v10;
	[tilespmem:$0xF90] =	vst v16  }
0x1cd: {  	v18 =	vadd.s32 $0xC3500, v10;
	[tilespmem:$0x1190] =	vst v17  }
0x1ce: {  	v19 =	vadd.s32 $0xDBBA0, v10;
	[tilespmem:$0x1390] =	vst v18  }
0x1cf: {  	v21 =	vadd.s32 $0xF4240, v10;
	[tilespmem:$0x1590] =	vst v19  }
0x1d0: {  	v22 =	vadd.s32 $0x10C8E0, v10;
	[tilespmem:$0x1790] =	vst v21  }
0x1d1: {  	v23 =	vadd.s32 $0x124F80, v10;
	[tilespmem:$0x1990] =	vst v22  }
0x1d2: {  	v24 =	vadd.s32 $0x13D620, v10;
	[tilespmem:$0x1B90] =	vst v23  }
0x1d3: {  	v25 =	vadd.s32 $0x155CC0, v10;
	[tilespmem:$0x1D90] =	vst v24  }
0x1d4: {  	v30 =	vadd.s32 $0xF4240, v27;
	[tilespmem:$0x1F90] =	vst v25  }
0x1d5: {  	v57 =	vadd.s32 $0x16E360, v27;
	[tilespmem:$0x17D0] =	vst v30  }
0x1d6: {  	v58 =	vadd.s32 $0x155CC0, v27;
	[tilespmem:$0x21D0] =	vst v57  }
0x1d7: {  	v59 =	vadd.s32 $0x13D620, v27;
	[tilespmem:$0x1FD0] =	vst v58  }
0x1d8: {  	v60 =	vadd.s32 $0x124F80, v27;
	[tilespmem:$0x1DD0] =	vst v59  }
0x1d9: {  	v61 =	vadd.s32 $0x10C8E0, v27;
	[tilespmem:$0x1BD0] =	vst v60  }
0x1da: {  	v62 =	vadd.s32 $0xDBBA0, v27;
	[tilespmem:$0x19D0] =	vst v61  }
0x1db: {  	v63 =	vadd.s32 $0xC3500, v27;
	[tilespmem:$0x15D0] =	vst v62  }
0x1dc: {  	v9 =	vadd.s32 $0xAAE60, v27;
	[tilespmem:$0x13D0] =	vst v63  }
0x1dd: {  	v20 =	vld [tilespmem:$0x1E0];
	v5 =	vadd.s32 $0x61A80, v27;
	[tilespmem:$0x11D0] =	vst v9  }
0x1de: {  	v1 =	vadd.s32 $0x16E360, v10;
	[tilespmem:$0xBD0] =	vst v5  }
0x1df: {  	v4 =	vld [tilespmem:$0x1F0];
	v10 =	vadd.s32 $0x927C0, v27;
	[tilespmem:$0x2190] =	vst v1  }
0x1e0: {  	v11 =	vadd.s32 $0x7A120, v27;
	[tilespmem:$0xFD0] =	vst v10  }
0x1e1: {  	v13 =	vadd.s32 $0x493E0, v27;
	[tilespmem:$0xDD0] =	vst v11  }
0x1e2: {  	v15 =	vadd.s32 $0x30D40, v27;
	[tilespmem:$0x9D0] =	vst v13;
	vm10 =	vgt.s32 v20, $0x0  }
0x1e3: {  	v17 =	vadd.s32 $0x186A0, v27;
	[tilespmem:$0x7D0] =	vst v15;
	v2 =	vnsel vm10, $0x0, v20  }
0x1e4: {  	[tilespmem:$0x5D0] =	vst v17;
	vm12 =	vgt.s32 v4, $0x0;
	v2 =	vmin.u32 v2, $0x1869F  }
0x1e5: {  	v29 =	vnsel vm12, $0x0, v4;
	v28 =	vadd.s32 $0x30D40, v2;
	[tilespmem:$0x3E0] =	vst v2  }
0x1e6: {  	v0 =	vmin.u32 v29, $0x1869F;
	[tilespmem:$0x7E0] =	vst v28  }
0x1e7: {  	v43 =	vadd.s32 $0x16E360, v2;
	[tilespmem:$0x3F0] =	vst v0  }
0x1e8: {  	v44 =	vadd.s32 $0x155CC0, v2;
	[tilespmem:$0x21E0] =	vst v43  }
0x1e9: {  	v45 =	vadd.s32 $0x13D620, v2;
	[tilespmem:$0x1FE0] =	vst v44  }
0x1ea: {  	v46 =	vadd.s32 $0x124F80, v2;
	[tilespmem:$0x1DE0] =	vst v45  }
0x1eb: {  	v47 =	vadd.s32 $0x10C8E0, v2;
	[tilespmem:$0x1BE0] =	vst v46  }
0x1ec: {  	v48 =	vadd.s32 $0xF4240, v2;
	[tilespmem:$0x19E0] =	vst v47  }
0x1ed: {  	v49 =	vadd.s32 $0xDBBA0, v2;
	[tilespmem:$0x17E0] =	vst v48  }
0x1ee: {  	v8 =	vld [tilespmem:$0x1B0];
	v50 =	vadd.s32 $0xC3500, v2;
	[tilespmem:$0x15E0] =	vst v49  }
0x1ef: {  	v51 =	vadd.s32 $0xAAE60, v2;
	[tilespmem:$0x13E0] =	vst v50  }
0x1f0: {  	v52 =	vadd.s32 $0x927C0, v2;
	[tilespmem:$0x11E0] =	vst v51  }
0x1f1: {  	v53 =	vadd.s32 $0x7A120, v2;
	[tilespmem:$0xFE0] =	vst v52  }
0x1f2: {  	v54 =	vadd.s32 $0x61A80, v2;
	[tilespmem:$0xDE0] =	vst v53  }
0x1f3: {  	vm13 =	vgt.s32 v8, $0x0;
	v55 =	vadd.s32 $0x493E0, v2;
	[tilespmem:$0xBE0] =	vst v54  }
0x1f4: {  	v4 =	vnsel vm13, $0x0, v8;
	v56 =	vadd.s32 $0x186A0, v2;
	[tilespmem:$0x9E0] =	vst v55  }
0x1f5: {  	v4 =	vmin.u32 v4, $0x1869F;
	[tilespmem:$0x5E0] =	vst v56  }
0x1f6: {  	v3 =	vadd.s32 $0x13D620, v0;
	[tilespmem:$0x3B0] =	vst v4  }
0x1f7: {  	v31 =	vadd.s32 $0x124F80, v0;
	[tilespmem:$0x1DF0] =	vst v3  }
0x1f8: {  	v32 =	vadd.s32 $0x10C8E0, v0;
	[tilespmem:$0x1BF0] =	vst v31  }
0x1f9: {  	v33 =	vadd.s32 $0xF4240, v0;
	[tilespmem:$0x19F0] =	vst v32  }
0x1fa: {  	v34 =	vadd.s32 $0xDBBA0, v0;
	[tilespmem:$0x17F0] =	vst v33  }
0x1fb: {  	v35 =	vadd.s32 $0xC3500, v0;
	[tilespmem:$0x15F0] =	vst v34  }
0x1fc: {  	v36 =	vadd.s32 $0xAAE60, v0;
	[tilespmem:$0x13F0] =	vst v35  }
0x1fd: {  	v37 =	vadd.s32 $0x927C0, v0;
	[tilespmem:$0x11F0] =	vst v36  }
0x1fe: {  	v38 =	vadd.s32 $0x7A120, v0;
	[tilespmem:$0xFF0] =	vst v37  }
0x1ff: {  	v39 =	vadd.s32 $0x61A80, v0;
	[tilespmem:$0xDF0] =	vst v38  }
0x200: {  	v40 =	vadd.s32 $0x493E0, v0;
	[tilespmem:$0xBF0] =	vst v39  }
0x201: {  	v41 =	vadd.s32 $0x30D40, v0;
	[tilespmem:$0x9F0] =	vst v40  }
0x202: {  	v42 =	vadd.s32 $0x186A0, v0;
	[tilespmem:$0x7F0] =	vst v41  }
0x203: {  	v14 =	vadd.s32 $0x155CC0, v0;
	[tilespmem:$0x5F0] =	vst v42  }
0x204: {  	v16 =	vadd.s32 $0xAAE60, v4;
	[tilespmem:$0x1FF0] =	vst v14  }
0x205: {  	v43 =	vadd.s32 $0x7A120, v4;
	[tilespmem:$0x11B0] =	vst v16  }
0x206: {  	v44 =	vadd.s32 $0x61A80, v4;
	[tilespmem:$0xDB0] =	vst v43  }
0x207: {  	v45 =	vadd.s32 $0x493E0, v4;
	[tilespmem:$0xBB0] =	vst v44  }
0x208: {  	v46 =	vadd.s32 $0x30D40, v4;
	[tilespmem:$0x9B0] =	vst v45  }
0x209: {  	v0 =	vadd.s32 $0x16E360, v0;
	[tilespmem:$0x7B0] =	vst v46  }
0x20a: {  	v47 =	vadd.s32 $0x186A0, v4;
	[tilespmem:$0x21F0] =	vst v0  }
0x20b: {  	v33 =	vadd.s32 $0x16E360, v4;
	[tilespmem:$0x5B0] =	vst v47  }
0x20c: {  	v34 =	vadd.s32 $0x155CC0, v4;
	[tilespmem:$0x21B0] =	vst v33  }
0x20d: {  	v12 =	vld [tilespmem:$0x1C0];
	v35 =	vadd.s32 $0x13D620, v4;
	[tilespmem:$0x1FB0] =	vst v34  }
0x20e: {  	v36 =	vadd.s32 $0x124F80, v4;
	[tilespmem:$0x1DB0] =	vst v35  }
0x20f: {  	v37 =	vadd.s32 $0x10C8E0, v4;
	[tilespmem:$0x1BB0] =	vst v36  }
0x210: {  	v38 =	vadd.s32 $0xF4240, v4;
	[tilespmem:$0x19B0] =	vst v37  }
0x211: {  	v39 =	vadd.s32 $0xDBBA0, v4;
	[tilespmem:$0x17B0] =	vst v38  }
0x212: {  	vm14 =	vgt.s32 v12, $0x0;
	v40 =	vadd.s32 $0xC3500, v4;
	[tilespmem:$0x15B0] =	vst v39  }
0x213: {  	v3 =	vnsel vm14, $0x0, v12;
	v41 =	vadd.s32 $0x927C0, v4;
	[tilespmem:$0x13B0] =	vst v40  }
0x214: {  	v3 =	vmin.u32 v3, $0x1869F;
	[tilespmem:$0xFB0] =	vst v41  }
0x215: {  	v18 =	vadd.s32 $0x16E360, v3;
	[tilespmem:$0x3C0] =	vst v3  }
0x216: {  	v19 =	vadd.s32 $0x155CC0, v3;
	[tilespmem:$0x21C0] =	vst v18  }
0x217: {  	v20 =	vadd.s32 $0x13D620, v3;
	[tilespmem:$0x1FC0] =	vst v19  }
0x218: {  	v21 =	vadd.s32 $0x124F80, v3;
	[tilespmem:$0x1DC0] =	vst v20  }
0x219: {  	v22 =	vadd.s32 $0x10C8E0, v3;
	[tilespmem:$0x1BC0] =	vst v21  }
0x21a: {  	v23 =	vadd.s32 $0xF4240, v3;
	[tilespmem:$0x19C0] =	vst v22  }
0x21b: {  	v24 =	vadd.s32 $0xDBBA0, v3;
	[tilespmem:$0x17C0] =	vst v23  }
0x21c: {  	v25 =	vadd.s32 $0xC3500, v3;
	[tilespmem:$0x15C0] =	vst v24  }
0x21d: {  	v42 =	vld [tilespmem:$0x1A0];
	v26 =	vadd.s32 $0xAAE60, v3;
	[tilespmem:$0x13C0] =	vst v25  }
0x21e: {  	v27 =	vadd.s32 $0x927C0, v3;
	[tilespmem:$0x11C0] =	vst v26  }
0x21f: {  	v28 =	vadd.s32 $0x7A120, v3;
	[tilespmem:$0xFC0] =	vst v27  }
0x220: {  	v29 =	vadd.s32 $0x61A80, v3;
	[tilespmem:$0xDC0] =	vst v28  }
0x221: {  	v30 =	vadd.s32 $0x493E0, v3;
	[tilespmem:$0xBC0] =	vst v29  }
0x222: {  	v31 =	vadd.s32 $0x30D40, v3;
	[tilespmem:$0x9C0] =	vst v30;
	vm15 =	vgt.s32 v42, $0x0  }
0x223: {  	v32 =	vadd.s32 $0x186A0, v3;
	[tilespmem:$0x7C0] =	vst v31;
	v48 =	vnsel vm15, $0x0, v42  }
0x224: {  	[tilespmem:$0x5C0] =	vst v32;
	v1 =	vmin.u32 v48, $0x1869F  }
0x225: {  	v49 =	vadd.s32 $0x16E360, v1;
	[tilespmem:$0x3A0] =	vst v1  }
0x226: {  	v50 =	vadd.s32 $0x155CC0, v1;
	[tilespmem:$0x21A0] =	vst v49  }
0x227: {  	v51 =	vadd.s32 $0x13D620, v1;
	[tilespmem:$0x1FA0] =	vst v50  }
0x228: {  	v52 =	vadd.s32 $0x124F80, v1;
	[tilespmem:$0x1DA0] =	vst v51  }
0x229: {  	v53 =	vadd.s32 $0x10C8E0, v1;
	[tilespmem:$0x1BA0] =	vst v52  }
0x22a: {  	v54 =	vadd.s32 $0xF4240, v1;
	[tilespmem:$0x19A0] =	vst v53  }
0x22b: {  	v55 =	vadd.s32 $0xDBBA0, v1;
	[tilespmem:$0x17A0] =	vst v54  }
0x22c: {  	v56 =	vadd.s32 $0xC3500, v1;
	[tilespmem:$0x15A0] =	vst v55  }
0x22d: {  	v57 =	vadd.s32 $0xAAE60, v1;
	[tilespmem:$0x13A0] =	vst v56  }
0x22e: {  	v58 =	vadd.s32 $0x927C0, v1;
	[tilespmem:$0x11A0] =	vst v57  }
0x22f: {  	v59 =	vadd.s32 $0x7A120, v1;
	[tilespmem:$0xFA0] =	vst v58  }
0x230: {  	v60 =	vadd.s32 $0x61A80, v1;
	[tilespmem:$0xDA0] =	vst v59  }
0x231: {  	v61 =	vadd.s32 $0x493E0, v1;
	[tilespmem:$0xBA0] =	vst v60  }
0x232: {  	v62 =	vadd.s32 $0x30D40, v1;
	[tilespmem:$0x9A0] =	vst v61  }
0x233: {  	v63 =	vadd.s32 $0x186A0, v1;
	[tilespmem:$0x7A0] =	vst v62  }
0x234: {  	s16 =	simm.s32 $0x2200;
	s5 =	rddreg [dreg:$0x14];
	[tilespmem:$0x5A0] =	vst v63  }
0x235: {  	[tilespmem:s16], [sflag:$0x1] =	stream.indirect.gather [hbm4b:s3+s6], $0x1, s6, s6, $0xb8;
	[tilespmem:$0x4200] =	vst v63  }
0x236: {  	s15 =	rddreg [dreg:$0x15]  }
0x237: {  	[tilespmem:s17], [sflag:$0x2] =	stream.indirect.gather [hbm4b:s3+s6], $0x1, s5, s6, $0xb8;
	[tilespmem:$0x4200] =	vst v63  }
0x238: {  	s14 =	rddreg [dreg:$0x16]  }
0x239: {  	[tilespmem:s18], [sflag:$0x3] =	stream.indirect.gather [hbm4b:s3+s6], $0x1, s15, s6, $0xb8;
	[tilespmem:$0x4200] =	vst v63  }
0x23a: {  	s5 =	rddreg [dreg:$0x17]  }
0x23b: {  	[tilespmem:s19], [sflag:$0x4] =	stream.indirect.gather [hbm4b:s3+s6], $0x1, s14, s6, $0xb8;
	[tilespmem:$0x4200] =	vst v63  }
0x23c: {  	s15 =	rddreg [dreg:$0x1b]  }
0x23d: {  	[tilespmem:s20], [sflag:$0x5] =	stream.indirect.gather [hbm4b:s3+s6], $0x1, s5, s6, $0xb8;
	[tilespmem:$0x4200] =	vst v63  }
0x23e: {  	s14 =	rddreg [dreg:$0x18]  }
0x23f: {  	[tilespmem:s21], [sflag:$0x6] =	stream.indirect.gather [hbm4b:s3+s6], $0x1, s14, s6, $0xb8;
	[tilespmem:$0x4200] =	vst v63  }
0x240: {  	s5 =	rddreg [dreg:$0x19]  }
0x241: {  	[tilespmem:s22], [sflag:$0x7] =	stream.indirect.gather [hbm4b:s3+s6], $0x1, s5, s6, $0xb8;
	[tilespmem:$0x4200] =	vst v63  }
0x242: {  	s14 =	rddreg [dreg:$0x1a];
	s5 =	simm.s32 $0x3000  }
0x243: {  	[tilespmem:s5], [sflag:$0x8] =	stream.indirect.gather [hbm4b:s3+s6], $0x1, s14, s6, $0xb8;
	[tilespmem:$0x4200] =	vst v63  }
0x244: {  	s14 =	rddreg [dreg:$0x1c]  }
0x245: {  	[tilespmem:s23], [sflag:$0x9] =	stream.indirect.gather [hbm4b:s3+s6], $0x1, s15, s6, $0xb8;
	[tilespmem:$0x4200] =	vst v63  }
0x246: {  	s15 =	rddreg [dreg:$0x1d]  }
0x247: {  	[tilespmem:s24], [sflag:$0xA] =	stream.indirect.gather [hbm4b:s3+s6], $0x1, s14, s6, $0xb8;
	[tilespmem:$0x4200] =	vst v63  }
0x248: {  	s14 =	rddreg [dreg:$0x1e]  }
0x249: {  	[tilespmem:s25], [sflag:$0xB] =	stream.indirect.gather [hbm4b:s3+s6], $0x1, s15, s6, $0xb8;
	[tilespmem:$0x4200] =	vst v63  }
0x24a: {  	s15 =	rddreg [dreg:$0x1f]  }
0x24b: {  	[tilespmem:s26], [sflag:$0xC] =	stream.indirect.gather [hbm4b:s3+s6], $0x1, s14, s6, $0xb8;
	[tilespmem:$0x4200] =	vst v63  }
0x24c: {  	s14 =	sld [smem:$0x7FB]  }
0x24d: {  	[tilespmem:s28], [sflag:$0xD] =	stream.indirect.gather [hbm4b:s3+s6], $0x1, s15, s6, $0xb8;
	[tilespmem:$0x4200] =	vst v63  }
0x24e: {  	s15 =	sld [smem:$0x7FC]  }
0x24f: {  	[tilespmem:s29], [sflag:$0xE] =	stream.indirect.gather [hbm4b:s3+s6], $0x1, s14, s6, $0xb8;
	[tilespmem:$0x4200] =	vst v63  }
0x250: {  	s14 =	sld [smem:$0x7FD]  }
0x251: {  	[tilespmem:s30], [sflag:$0xF] =	stream.indirect.gather [hbm4b:s3+s6], $0x1, s15, s6, $0xb8;
	[tilespmem:$0x4200] =	vst v63  }
0x252: {  	s15 =	simm.s32 $0x4000  }
0x253: {  	[tilespmem:s15], [sflag:$0x10] =	stream.indirect.gather [hbm4b:s3+s6], $0x1, s14, s6, $0xb8;
	[tilespmem:$0x4200] =	vst v63  }
0x254: {  	_ =	swait.ge [sflag:s31], $0x200  }
0x255: {  	[sflag:s31] =	ssyncset.done $0x0  }
0x256: {  	s14 =	rddreg [dreg:$0x4];
	[sflag:s31] =	ssyncadd.s32 $0xFFFFFE00  }
0x257: {  	[hbm4b:s14+s2] =	stream.linear.scatter [tilespmem:s16], [sflag:$0x11], $0x200, $0x38;
	[tilespmem:$0x4200] =	vst v63  }
0x258: {  	s16 =	simm.s32 $0x2  }
0x259: {  	_ =	swait.ge [sflag:s16], $0x200  }
0x25a: {  	[sflag:s16] =	ssyncset.done $0x0  }
0x25b: {  	s14 =	rddreg [dreg:$0x5];
	[sflag:s16] =	ssyncadd.s32 $0xFFFFFE00;
	s16 =	simm.s32 $0x3  }
0x25c: {  	[hbm4b:s14+s2] =	stream.linear.scatter [tilespmem:s17], [sflag:$0x11], $0x200, $0x38;
	[tilespmem:$0x4200] =	vst v63  }
0x25d: {  	_ =	swait.ge [sflag:s16], $0x200  }
0x25e: {  	[sflag:s16] =	ssyncset.done $0x0  }
0x25f: {  	s14 =	rddreg [dreg:$0x6];
	[sflag:s16] =	ssyncadd.s32 $0xFFFFFE00;
	s16 =	simm.s32 $0x4  }
0x260: {  	[hbm4b:s14+s2] =	stream.linear.scatter [tilespmem:s18], [sflag:$0x11], $0x200, $0x38;
	[tilespmem:$0x4200] =	vst v63  }
0x261: {  	_ =	swait.ge [sflag:s16], $0x200  }
0x262: {  	[sflag:s16] =	ssyncset.done $0x0  }
0x263: {  	s14 =	rddreg [dreg:$0x7];
	[sflag:s16] =	ssyncadd.s32 $0xFFFFFE00;
	s16 =	simm.s32 $0x5  }
0x264: {  	[hbm4b:s14+s2] =	stream.linear.scatter [tilespmem:s19], [sflag:$0x11], $0x200, $0x38;
	[tilespmem:$0x4200] =	vst v63  }
0x265: {  	_ =	swait.ge [sflag:s16], $0x200  }
0x266: {  	[sflag:s16] =	ssyncset.done $0x0  }
0x267: {  	s14 =	rddreg [dreg:$0x8];
	[sflag:s16] =	ssyncadd.s32 $0xFFFFFE00;
	s16 =	simm.s32 $0x6  }
0x268: {  	[hbm4b:s14+s2] =	stream.linear.scatter [tilespmem:s20], [sflag:$0x11], $0x200, $0x38;
	[tilespmem:$0x4200] =	vst v63  }
0x269: {  	_ =	swait.ge [sflag:s16], $0x200  }
0x26a: {  	[sflag:s16] =	ssyncset.done $0x0  }
0x26b: {  	s14 =	rddreg [dreg:$0x9];
	[sflag:s16] =	ssyncadd.s32 $0xFFFFFE00;
	s16 =	simm.s32 $0x7  }
0x26c: {  	[hbm4b:s14+s2] =	stream.linear.scatter [tilespmem:s21], [sflag:$0x11], $0x200, $0x38;
	[tilespmem:$0x4200] =	vst v63  }
0x26d: {  	_ =	swait.ge [sflag:s16], $0x200  }
0x26e: {  	[sflag:s16] =	ssyncset.done $0x0  }
0x26f: {  	s14 =	rddreg [dreg:$0xa];
	[sflag:s16] =	ssyncadd.s32 $0xFFFFFE00;
	s16 =	simm.s32 $0x8  }
0x270: {  	[hbm4b:s14+s2] =	stream.linear.scatter [tilespmem:s22], [sflag:$0x11], $0x200, $0x38;
	[tilespmem:$0x4200] =	vst v63  }
0x271: {  	_ =	swait.ge [sflag:s16], $0x200  }
0x272: {  	[sflag:s16] =	ssyncset.done $0x0  }
0x273: {  	s14 =	rddreg [dreg:$0xb];
	[sflag:s16] =	ssyncadd.s32 $0xFFFFFE00  }
0x274: {  	[hbm4b:s14+s2] =	stream.linear.scatter [tilespmem:s5], [sflag:$0x11], $0x200, $0x38;
	[tilespmem:$0x4200] =	vst v63  }
0x275: {  	_ =	swait.ge [sflag:s0], $0x200  }
0x276: {  	[sflag:s0] =	ssyncset.done $0x0  }
0x277: {  	s5 =	rddreg [dreg:$0xc];
	[sflag:s0] =	ssyncadd.s32 $0xFFFFFE00  }
0x278: {  	[hbm4b:s5+s2] =	stream.linear.scatter [tilespmem:s23], [sflag:$0x11], $0x200, $0x38;
	[tilespmem:$0x4200] =	vst v63  }
0x279: {  	_ =	swait.ge [sflag:s1], $0x200  }
0x27a: {  	[sflag:s1] =	ssyncset.done $0x0  }
0x27b: {  	s16 =	rddreg [dreg:$0xd];
	[sflag:s1] =	ssyncadd.s32 $0xFFFFFE00  }
0x27c: {  	[hbm4b:s16+s2] =	stream.linear.scatter [tilespmem:s24], [sflag:$0x11], $0x200, $0x38;
	[tilespmem:$0x4200] =	vst v63  }
0x27d: {  	_ =	swait.ge [sflag:s7], $0x200  }
0x27e: {  	[sflag:s7] =	ssyncset.done $0x0  }
0x27f: {  	s5 =	rddreg [dreg:$0xe];
	[sflag:s7] =	ssyncadd.s32 $0xFFFFFE00  }
0x280: {  	[hbm4b:s5+s2] =	stream.linear.scatter [tilespmem:s25], [sflag:$0x11], $0x200, $0x38;
	[tilespmem:$0x4200] =	vst v63  }
0x281: {  	_ =	swait.ge [sflag:s8], $0x200  }
0x282: {  	[sflag:s8] =	ssyncset.done $0x0  }
0x283: {  	s16 =	rddreg [dreg:$0xf];
	[sflag:s8] =	ssyncadd.s32 $0xFFFFFE00  }
0x284: {  	[hbm4b:s16+s2] =	stream.linear.scatter [tilespmem:s26], [sflag:$0x11], $0x200, $0x38;
	[tilespmem:$0x4200] =	vst v63  }
0x285: {  	_ =	swait.ge [sflag:s9], $0x200  }
0x286: {  	[sflag:s9] =	ssyncset.done $0x0  }
0x287: {  	s5 =	rddreg [dreg:$0x10];
	[sflag:s9] =	ssyncadd.s32 $0xFFFFFE00  }
0x288: {  	[hbm4b:s5+s2] =	stream.linear.scatter [tilespmem:s28], [sflag:$0x11], $0x200, $0x38;
	[tilespmem:$0x4200] =	vst v63  }
0x289: {  	_ =	swait.ge [sflag:s10], $0x200  }
0x28a: {  	[sflag:s10] =	ssyncset.done $0x0  }
0x28b: {  	s16 =	rddreg [dreg:$0x11];
	[sflag:s10] =	ssyncadd.s32 $0xFFFFFE00  }
0x28c: {  	[hbm4b:s16+s2] =	stream.linear.scatter [tilespmem:s29], [sflag:$0x11], $0x200, $0x38;
	[tilespmem:$0x4200] =	vst v63  }
0x28d: {  	_ =	swait.ge [sflag:s11], $0x200  }
0x28e: {  	[sflag:s11] =	ssyncset.done $0x0  }
0x28f: {  	s5 =	rddreg [dreg:$0x12];
	[sflag:s11] =	ssyncadd.s32 $0xFFFFFE00  }
0x290: {  	[hbm4b:s5+s2] =	stream.linear.scatter [tilespmem:s30], [sflag:$0x11], $0x200, $0x38;
	[tilespmem:$0x4200] =	vst v63  }
0x291: {  	_ =	swait.ge [sflag:s12], $0x200  }
0x292: {  	[sflag:s12] =	ssyncset.done $0x0  }
0x293: {  	s16 =	rddreg [dreg:$0x13];
	[sflag:s12] =	ssyncadd.s32 $0xFFFFFE00  }
0x294: {  	[hbm4b:s16+s2] =	stream.linear.scatter [tilespmem:s15], [sflag:$0x11], $0x200, $0x38;
	[tilespmem:$0x4200] =	vst v63  }
0x295: {  	_ =	swait.ge [sflag:s13], $0x200  }
0x296: {  	[sflag:s13] =	ssyncset.done $0x0  }
0x297: {  	[sflag:s13] =	ssyncadd.s32 $0xFFFFFE00  }
0x298: {  	_ =	swait.ge [sflag:s13], $0x200  }
0x299: {  	[sflag:s13] =	ssyncset.done $0x0  }
0x29a: {  	[sflag:s13] =	ssyncadd.s32 $0xFFFFFE00  }
0x29b: {  	_ =	swait.ge [sflag:s13], $0x200  }
0x29c: {  	[sflag:s13] =	ssyncset.done $0x0  }
0x29d: {  	[sflag:s13] =	ssyncadd.s32 $0xFFFFFE00  }
0x29e: {  	_ =	swait.ge [sflag:s13], $0x200  }
0x29f: {  	[sflag:s13] =	ssyncset.done $0x0  }
0x2a0: {  	[sflag:s13] =	ssyncadd.s32 $0xFFFFFE00  }
0x2a1: {  	_ =	swait.ge [sflag:s13], $0x200  }
0x2a2: {  	[sflag:s13] =	ssyncset.done $0x0  }
0x2a3: {  	[sflag:s13] =	ssyncadd.s32 $0xFFFFFE00  }
0x2a4: {  	_ =	swait.ge [sflag:s13], $0x200  }
0x2a5: {  	[sflag:s13] =	ssyncset.done $0x0  }
0x2a6: {  	[sflag:s13] =	ssyncadd.s32 $0xFFFFFE00  }
0x2a7: {  	_ =	swait.ge [sflag:s13], $0x200  }
0x2a8: {  	[sflag:s13] =	ssyncset.done $0x0  }
0x2a9: {  	[sflag:s13] =	ssyncadd.s32 $0xFFFFFE00  }
0x2aa: {  	_ =	swait.ge [sflag:s13], $0x200  }
0x2ab: {  	[sflag:s13] =	ssyncset.done $0x0  }
0x2ac: {  	[sflag:s13] =	ssyncadd.s32 $0xFFFFFE00  }
0x2ad: {  	_ =	swait.ge [sflag:s13], $0x200  }
0x2ae: {  	[sflag:s13] =	ssyncset.done $0x0  }
0x2af: {  	[sflag:s13] =	ssyncadd.s32 $0xFFFFFE00  }
0x2b0: {  	_ =	swait.ge [sflag:s13], $0x200  }
0x2b1: {  	[sflag:s13] =	ssyncset.done $0x0  }
0x2b2: {  	[sflag:s13] =	ssyncadd.s32 $0xFFFFFE00  }
0x2b3: {  	_ =	swait.ge [sflag:s13], $0x200  }
0x2b4: {  	[sflag:s13] =	ssyncset.done $0x0  }
0x2b5: {  	[sflag:s13] =	ssyncadd.s32 $0xFFFFFE00  }
0x2b6: {  	_ =	swait.ge [sflag:s13], $0x200  }
0x2b7: {  	[sflag:s13] =	ssyncset.done $0x0  }
0x2b8: {  	[sflag:s13] =	ssyncadd.s32 $0xFFFFFE00  }
0x2b9: {  	_ =	swait.ge [sflag:s13], $0x200  }
0x2ba: {  	[sflag:s13] =	ssyncset.done $0x0  }
0x2bb: {  	[sflag:s13] =	ssyncadd.s32 $0xFFFFFE00  }
0x2bc: {  	_ =	swait.ge [sflag:s13], $0x200  }
0x2bd: {  	[sflag:s13] =	ssyncset.done $0x0  }
0x2be: {  	[sflag:s13] =	ssyncadd.s32 $0xFFFFFE00  }
0x2bf: {  	p0 =	sne.s32 s4, $0x1;
	_ =	swait.ge [sflag:s13], $0x200  }
.Ltmp0:
0x2c0: {  	[sflag:s13] =	ssyncset.done $0x0;
	(pc) =	sbr.rel @p0 .LBB2_1-.Ltmp0, $4  }
0x2c1: {  	[sflag:s13] =	ssyncadd.s32 $0xFFFFFE00  }
0x2c2: {  	_ =	swait.ge [sflag:s13], $0x200  }
0x2c3: {  	[sflag:s13] =	ssyncset.done $0x0  }
0x2c4: {  	s4 =	sadd.s32 $0xFFFFFFFF, s4;
	[sflag:s13] =	ssyncadd.s32 $0xFFFFFE00  }
0x2c5: {  	_ =	sfence.sel $0x180000  }
0x2c6: {  	[bflag:$0x0] =	sbarrier.arrive $0xFFFF  }
0x2c7: {  	_ =	strace $0x90000047  }
0x2c8: {  	s0 =	stileid.u32;
	[bflag:$0x2] =	sbarrier.arrive $0xFFFF  }
0x2c9: {  	p0 =	sne.s32 s0, $0x0;
	s0 =	rddreg [dreg:$0x2]  }
0x2ca: {  	s0 =	sadd.s32 @!p0 $0x100000, s0  }
0x2cb: {  	[sflag:s0] =	ssyncadd.tile.s32 @!p0 $0x1;
	_ =	shalt  }
.Lfunc_end2:
_tile_overlayer_lowered:
.L_overlay_start_2:
0x2cc: {  	(tag) =	ssettag $0x2  }
0x2cd: {  	s0 =	rddreg [dreg:$0x0];
	s2 =	stileid.u32  }
0x2ce: {  	s1 =	rddreg [dreg:$0x1];
	p0 =	sne.s32 s2, $0x0  }
0x2cf: {  	s3 =	rddreg [dreg:$0x2];
	[bflag:$0x3] =	sbarrier.arrive $0xFFFF;
	s2 =	simm.s32 @!p0 $0x1C12  }
0x2d0: {  	[timem:s3], [sflag:s2] =	dma.local @!p0 [hbm:s0], s1  }
0x2d1: {  	s0 =	simm.s32 @!p0 $0x12  }
0x2d2: {  	_ =	swait.ge @!p0 [sflag:s0], s1  }
0x2d3: {  	s1 =	ssub.s32 @!p0 $0x0, s1;
	[sflag:s0] =	ssyncset.done @!p0 $0x0  }
0x2d4: {  	[sflag:s0] =	ssyncadd.s32 @!p0 s1  }
0x2d5: {  	[bflag:$0x3] =	sbarrier.arrive $0xFFFF  }
0x2d6: {  	_ =	shalt  }

</sc_bundles>
